<compile_context>
chip_gen: v7x
topology: tpu7x:2x2x1
jax: 0.10.2.dev20260603
libtpu: 0.0.44.dev20260713+nightly
codegen_flags: <defaults>
</compile_context>

<pallas_src>
import functools

import jax
import jax.numpy as jnp
from jax import lax
from jax.experimental import pallas as pl
from jax.experimental.pallas import tpu as pltpu
from jax.experimental.pallas import tpu_sc as plsc

N_TOK = 8192
D = 2048
E = 16
BLK = 512
N_BLKS = N_TOK // BLK

N_WORKERS = 32
CHUNK = 2 * N_TOK // N_WORKERS
N_CHUNKS = 2 * N_TOK // CHUNK


def _gate_body(x_ref, w_ref, tri_ref, kz_ref, ee_ref, ww_ref, rr_ref,
               offs_ref, cnt_ref, la_ref, hist_ref, gs_ref):
    x = x_ref[...]
    w = w_ref[...]
    logits = lax.dot_general(w, x, (((1,), (1,)), ((), ())),
                             preferred_element_type=jnp.float32)
    m = jnp.max(logits, axis=0, keepdims=True)
    eg = jnp.exp(logits - m)
    s = jnp.sum(eg, axis=0, keepdims=True)
    gates = eg / s
    idx = lax.broadcasted_iota(jnp.int32, (E, BLK), 0)
    big = jnp.int32(1 << 30)
    e1 = jnp.min(jnp.where(logits == m, idx, big), axis=0)
    is1 = idx == e1[None, :]
    masked = jnp.where(is1, -jnp.inf, logits)
    m2 = jnp.max(masked, axis=0, keepdims=True)
    e2 = jnp.min(jnp.where(masked == m2, idx, big), axis=0)
    is2 = idx == e2[None, :]
    w1 = jnp.max(gates, axis=0)
    w2 = jnp.sum(jnp.where(is2, gates, 0.0), axis=0)
    norm = w1 + w2
    ee_ref[0, :] = e1
    ee_ref[1, :] = e2
    ww_ref[0, :] = w1 / norm
    ww_ref[1, :] = w2 / norm

    oh1 = jnp.where(is1, 1.0, 0.0)
    oh2 = jnp.where(is2, 1.0, 0.0)
    tri = tri_ref[...]
    cb1 = lax.dot_general(oh1, tri, (((1,), (0,)), ((), ())),
                          preferred_element_type=jnp.float32)
    cb2 = lax.dot_general(oh2, tri, (((1,), (0,)), ((), ())),
                          preferred_element_type=jnp.float32)
    rr_ref[0, :] = jnp.sum(jnp.where(is1, cb1, 0.0), axis=0).astype(jnp.int32)
    rr_ref[1, :] = jnp.sum(jnp.where(is2, cb2, 0.0), axis=0).astype(jnp.int32)

    bh1 = jnp.sum(oh1, axis=1)
    bh2 = jnp.sum(oh2, axis=1)
    bg = jnp.sum(gates, axis=1)
    i = pl.program_id(0)
    crow = lax.broadcasted_iota(jnp.int32, (N_CHUNKS, E), 0)
    contrib = (jnp.where(crow == i, bh1[None, :], 0.0)
               + jnp.where(crow == i + N_BLKS, bh2[None, :], 0.0))

    @pl.when(i == 0)
    def _():
        hist_ref[...] = contrib
        gs_ref[...] = bg

    @pl.when(i > 0)
    def _():
        hist_ref[...] += contrib
        gs_ref[...] += bg

    @pl.when(i == pl.num_programs(0) - 1)
    def _():
        h = hist_ref[...]
        crow2 = lax.broadcasted_iota(jnp.int32, (N_CHUNKS, N_CHUNKS), 0)
        ccol2 = lax.broadcasted_iota(jnp.int32, (N_CHUNKS, N_CHUNKS), 1)
        tri32 = jnp.where(crow2 > ccol2, 1.0, 0.0)
        bases = lax.dot_general(tri32, h, (((1,), (0,)), ((), ())),
                                preferred_element_type=jnp.float32,
                                precision=lax.Precision.HIGHEST)
        total = jnp.sum(h, axis=0)
        c1tot = jnp.sum(h[0:N_BLKS, :], axis=0)
        erow = lax.broadcasted_iota(jnp.int32, (E, E), 0)
        ecol = lax.broadcasted_iota(jnp.int32, (E, E), 1)
        upper = jnp.where(erow < ecol, 1.0, 0.0)
        hu = lax.dot_general(h, upper, (((1,), (0,)), ((), ())),
                             preferred_element_type=jnp.float32,
                             precision=lax.Precision.HIGHEST)
        ones32 = jnp.full((N_CHUNKS, N_CHUNKS), 1.0, jnp.float32)
        es = lax.dot_general(ones32, hu, (((1,), (0,)), ((), ())),
                             preferred_element_type=jnp.float32,
                             precision=lax.Precision.HIGHEST)
        offs_ref[...] = (bases + es).astype(jnp.int32) + kz_ref[0, 0]
        cnt_ref[...] = total.astype(jnp.int32)
        la_ref[...] = (jnp.sum(gs_ref[...] * c1tot) * (
            float(E) / (float(N_TOK) * float(N_TOK)))).reshape(1, 1)


_gate_call = pl.pallas_call(
    _gate_body,
    grid=(N_BLKS,),
    in_specs=[
        pl.BlockSpec((BLK, D), lambda i: (i, 0)),
        pl.BlockSpec((E, D), lambda i: (0, 0)),
        pl.BlockSpec((BLK, BLK), lambda i: (0, 0)),
        pl.BlockSpec((1, 1), lambda i: (0, 0)),
    ],
    out_specs=[
        pl.BlockSpec((2, BLK), lambda i: (0, i)),
        pl.BlockSpec((2, BLK), lambda i: (0, i)),
        pl.BlockSpec((2, BLK), lambda i: (0, i)),
        pl.BlockSpec((N_CHUNKS, E), lambda i: (0, 0)),
        pl.BlockSpec((E,), lambda i: (0,)),
        pl.BlockSpec((1, 1), lambda i: (0, 0)),
    ],
    out_shape=[
        jax.ShapeDtypeStruct((2, N_TOK), jnp.int32),
        jax.ShapeDtypeStruct((2, N_TOK), jnp.float32),
        jax.ShapeDtypeStruct((2, N_TOK), jnp.int32),
        jax.ShapeDtypeStruct((N_CHUNKS, E), jnp.int32),
        jax.ShapeDtypeStruct((E,), jnp.int32),
        jax.ShapeDtypeStruct((1, 1), jnp.float32),
    ],
    scratch_shapes=[
        pltpu.VMEM((N_CHUNKS, E), jnp.float32),
        pltpu.VMEM((E,), jnp.float32),
    ],
)


def _route_body(eall, rankall, offs, pos_after, pos_before,
                ids_v, r_v, off_v, pos_v, idx_v, vals_v, shared,
                sem, sem2):
    sid = lax.axis_index("s")
    base2 = pl.multiple_of(sid * 2 * CHUNK, 2 * CHUNK)
    in1 = pltpu.async_copy(eall.at[pl.ds(base2, 2 * CHUNK)], ids_v, sem)
    in2 = pltpu.async_copy(rankall.at[pl.ds(base2, 2 * CHUNK)], r_v, sem)
    in3 = pltpu.async_copy(offs.at[pl.ds(sid * 2, 2)], off_v, sem)
    zslice = 2 * N_TOK // 16
    for z in range(zslice // 16):
        pos_v[pl.ds(z * 16, 16)] = jnp.zeros((16,), jnp.int32)
    zbase = pl.multiple_of(sid * zslice, zslice)
    pltpu.sync_copy(pos_v, shared.at[pl.ds(zbase, zslice)])
    in1.wait()
    in2.wait()
    in3.wait()

    for h in range(2):
        off_vec = off_v[h, :]
        hb = h * CHUNK
        for v in range(CHUNK // 16):
            x = ids_v[pl.ds(hb + v * 16, 16)]
            r = r_v[pl.ds(hb + v * 16, 16)]
            pos = r + lax.gather(
                off_vec, x[:, None],
                lax.GatherDimensionNumbers(offset_dims=(),
                                           collapsed_slice_dims=(0,),
                                           start_index_map=(0,)),
                slice_sizes=(1,),
                mode=lax.GatherScatterMode.PROMISE_IN_BOUNDS)
            pos_v[pl.ds(hb + v * 16, 16)] = pos
            idx_v[(hb + v * 16) // 128, pl.ds((v % 8) * 16, 16)] = pos
            vals_v[(hb + v * 16) // 128, pl.ds((v % 8) * 16, 16)] = (
                base2 + hb + v * 16 + lax.iota(jnp.int32, 16))

    out0 = pltpu.async_copy(pos_v, pos_after.at[pl.ds(base2, 2 * CHUNK)],
                            sem2)
    plsc.subcore_barrier()
    for j in range(2 * CHUNK // 128):
        pltpu.sync_copy(vals_v.at[j], shared.at[idx_v.at[j]])
    plsc.subcore_barrier()
    pltpu.sync_copy(shared.at[pl.ds(zbase, zslice)],
                    pos_before.at[pl.ds(zbase, zslice)])
    out0.wait()


@functools.lru_cache(maxsize=1)
def _make_route_call():
    return functools.partial(
        pl.kernel,
        out_type=[
            jax.ShapeDtypeStruct((2 * N_TOK,), jnp.int32),
            jax.ShapeDtypeStruct((2 * N_TOK,), jnp.int32),
        ],
        mesh=plsc.VectorSubcoreMesh(core_axis_name="c", subcore_axis_name="s",
                                    num_cores=1, num_subcores=16),
        scratch_types=[
            pltpu.VMEM((2 * CHUNK,), jnp.int32),
            pltpu.VMEM((2 * CHUNK,), jnp.int32),
            pltpu.VMEM((2, E), jnp.int32),
            pltpu.VMEM((2 * CHUNK,), jnp.int32),
            pltpu.VMEM((2 * CHUNK // 128, 128), jnp.int32),
            pltpu.VMEM((2 * CHUNK // 128, 128), jnp.int32),
            pltpu.VMEM_SHARED((2 * N_TOK,), jnp.int32),
            pltpu.SemaphoreType.DMA,
            pltpu.SemaphoreType.DMA,
        ],
    )(_route_body)


def kernel(input, k, W):
    x = input.astype(jnp.float32)
    row = lax.broadcasted_iota(jnp.int32, (BLK, BLK), 0)
    col = lax.broadcasted_iota(jnp.int32, (BLK, BLK), 1)
    tri = jnp.where(row < col, 1.0, 0.0).astype(jnp.float32)
    kz = (jnp.asarray(k) - 2).astype(jnp.int32).reshape(1, 1)
    (ee, ww, rr, offs, counts, la) = _gate_call(x, W, tri, kz)
    pos_after, pos_before = _make_route_call()(
        ee.reshape(-1), rr.reshape(-1), offs)
    weight = ww.reshape(-1)
    l_aux = la.reshape(())
    return (l_aux, pos_after, pos_before, counts, weight)

# --- scband reference (transcript-rebuilt; emitter-appended) ---
"""Pipeline reference for scband-top-kgate-57466662420617 (READ-ONLY COPY).

The authoritative reference and input builder live on the scoring server;
editing this copy changes nothing except your own understanding.
"""

import jax, jax.numpy as jnp
import numpy as np

N_TOKENS = 8192
D_MODEL = 2048
N_EXPERTS = 16
TOP_K = 2

def setup_inputs(seed: int = 0) -> dict:
    key = jax.random.key(seed)
    k1, k2 = jax.random.split(key)
    x = jax.random.normal(k1, (N_TOKENS, D_MODEL), dtype=jnp.float32)
    # torch.nn.Linear(model_dim, num_experts, bias=False) weight: [num_experts, model_dim]
    W = jax.random.normal(k2, (N_EXPERTS, D_MODEL), dtype=jnp.float32) * 0.02
    return {"input": x, "k": TOP_K, "W": W}

def reference(input, k, W):
    k_static = TOP_K
    k_zero = (jnp.asarray(k) - k_static).astype(jnp.int32)
    input_fp32 = input.astype(jnp.float32)
    logits = input_fp32 @ W.T  # [N, E]
    z_loss_ep = jnp.sum(jnp.exp(logits), axis=1)
    z_loss = jnp.sum(jnp.log(z_loss_ep) ** 2) / logits.shape[0]  # stored on module, not returned
    gates = jax.nn.softmax(logits, axis=1)
    token_num = gates.shape[0] * k_static
    num_experts = gates.shape[1]
    _, topk_indices = jax.lax.top_k(gates, k_static)  # [N, k]
    indices = [topk_indices[:, i] for i in range(k_static)]  # k tensors of [N]
    masks = [jax.nn.one_hot(idx, num_experts, dtype=jnp.int32) for idx in indices]
    weights = [jnp.sum(gates * m.astype(gates.dtype), axis=1) for m in masks]
    weight_norm = weights[0] + weights[1]
    weights[0] = weights[0] / weight_norm
    weights[1] = weights[1] / weight_norm
    mask = jnp.concatenate(masks, axis=0)  # [k*N, E]
    weight = jnp.concatenate(weights, axis=0)  # [k*N]
    token_to_which_expert = jnp.concatenate(indices, axis=0)  # [k*N]
    expert_token_count = jnp.sum(mask, axis=0)  # [E]
    # cumsum_sub_one(mask) * mask summed over experts -> position of each token within its expert
    token_pos_in_each_expert = jnp.sum((jnp.cumsum(mask, axis=0) - 1) * mask, axis=1)
    me = jnp.mean(gates, axis=0)
    ce = jnp.mean(masks[0].astype(jnp.float32), axis=0)
    l_aux = jnp.sum(me * ce) * num_experts
    expert_cum_token_count = jnp.cumsum(expert_token_count) - expert_token_count
    token_pos_after_transfer = token_pos_in_each_expert + expert_cum_token_count[token_to_which_expert] + k_zero
    token_pos_before_transfer = jnp.zeros((token_num,), dtype=jnp.int32).at[token_pos_after_transfer].set(jnp.arange(token_num, dtype=jnp.int32))
    return (l_aux, token_pos_after_transfer, token_pos_before_transfer, expert_token_count, weight)

if __name__ == "__main__":
    import jax
    _d = setup_inputs()
    print(jax.jit(kernel)(*tuple(_d.values())))

</pallas_src>

<mosaic_0001>
#map = affine_map<(d0, d1) -> (0)>
#map1 = affine_map<(d0, d1) -> (0, 0)>
module attributes {stable_mosaic.version = 14 : i64} {
  func.func @_route_body(%arg0: i32, %arg1: i32, %arg2: memref<16384xi32, #tpu.memory_space<hbm>>, %arg3: memref<16384xi32, #tpu.memory_space<hbm>>, %arg4: memref<32x16xi32, #tpu.memory_space<hbm>>, %arg5: memref<16384xi32, #tpu.memory_space<hbm>>, %arg6: memref<16384xi32, #tpu.memory_space<hbm>>, %arg7: memref<1024xi32, #tpu.memory_space<vmem>>, %arg8: memref<1024xi32, #tpu.memory_space<vmem>>, %arg9: memref<2x16xi32, #tpu.memory_space<vmem>>, %arg10: memref<1024xi32, #tpu.memory_space<vmem>>, %arg11: memref<8x128xi32, #tpu.memory_space<vmem>>, %arg12: memref<8x128xi32, #tpu.memory_space<vmem>>, %arg13: memref<16384xi32, #tpu.memory_space<vmem_shared>>, %arg14: memref<!tpu.dma_semaphore, #tpu.memory_space<semaphore_mem>>, %arg15: memref<!tpu.dma_semaphore, #tpu.memory_space<semaphore_mem>>) attributes {dimension_semantics = [#tpu.dimension_semantics<core_parallel>, #tpu.dimension_semantics<subcore_parallel>], iteration_bounds = array<i64: 1, 16>, scalar_prefetch = 0 : i64, scratch_operands = 9 : i64, tpu.core_type = #tpu.core_type<sc_vector_subcore>, window_params = [{transform_indices = #map}, {transform_indices = #map}, {transform_indices = #map1}, {transform_indices = #map}, {transform_indices = #map}]} {
    %mul3A = arith.constant 2 : i32
    %mul3A_0 = arith.muli %arg1, %mul3A : i32
    %mul3A_1 = arith.constant 512 : i32
    %mul3A_2 = arith.muli %mul3A_0, %mul3A_1 : i32
    %multiple_of3A = tpu.assume_multiple %mul3A_2, 1024 : i32
    %dma_start3A = tpu.memref_slice %arg2[%multiple_of3A] : memref<16384xi32, #tpu.memory_space<hbm>> -> memref<1024xi32, #tpu.memory_space<hbm>>
    %dma_start3A_3 = tpu.memref_slice %arg2[%multiple_of3A] : memref<16384xi32, #tpu.memory_space<hbm>> -> memref<1024xi32, #tpu.memory_space<hbm>>
    tpu.enqueue_dma source(%dma_start3A_3 : memref<1024xi32, #tpu.memory_space<hbm>>) target(%arg7 : memref<1024xi32, #tpu.memory_space<vmem>>) target_semaphore(%arg14 : memref<!tpu.dma_semaphore, #tpu.memory_space<semaphore_mem>>)
    %dma_start3A_4 = tpu.memref_slice %arg3[%multiple_of3A] : memref<16384xi32, #tpu.memory_space<hbm>> -> memref<1024xi32, #tpu.memory_space<hbm>>
    %dma_start3A_5 = tpu.memref_slice %arg3[%multiple_of3A] : memref<16384xi32, #tpu.memory_space<hbm>> -> memref<1024xi32, #tpu.memory_space<hbm>>
    tpu.enqueue_dma source(%dma_start3A_5 : memref<1024xi32, #tpu.memory_space<hbm>>) target(%arg8 : memref<1024xi32, #tpu.memory_space<vmem>>) target_semaphore(%arg14 : memref<!tpu.dma_semaphore, #tpu.memory_space<semaphore_mem>>)
    %mul3A_6 = arith.constant 2 : i32
    %mul3A_7 = arith.muli %arg1, %mul3A_6 : i32
    %dma_start3A_8 = arith.constant 0 : i32
    %dma_start3A_9 = tpu.memref_slice %arg4[%mul3A_7, %dma_start3A_8] : memref<32x16xi32, #tpu.memory_space<hbm>> -> memref<2x16xi32, #tpu.memory_space<hbm>>
    %dma_start3A_10 = arith.constant 0 : i32
    %dma_start3A_11 = tpu.memref_slice %arg4[%mul3A_7, %dma_start3A_10] : memref<32x16xi32, #tpu.memory_space<hbm>> -> memref<2x16xi32, #tpu.memory_space<hbm>>
    tpu.enqueue_dma source(%dma_start3A_11 : memref<2x16xi32, #tpu.memory_space<hbm>>) target(%arg9 : memref<2x16xi32, #tpu.memory_space<vmem>>) target_semaphore(%arg14 : memref<!tpu.dma_semaphore, #tpu.memory_space<semaphore_mem>>)
    %broadcast_in_dim3A = arith.constant 0 : i32
    %broadcast_in_dim3A_12 = vector.broadcast %broadcast_in_dim3A : i32 to vector<16xi32>
    %swap3A = arith.constant 0 : index
    %swap3A_13 = tpu.vector_load %arg10[%swap3A] {strides = array<i32>} : memref<1024xi32, #tpu.memory_space<vmem>>, vector<16xi32>,
    %swap3A_14 = vector.shape_cast %swap3A_13 : vector<16xi32> to vector<16xi32>
    %swap3A_15 = vector.shape_cast %broadcast_in_dim3A_12 : vector<16xi32> to vector<16xi32>
    tpu.vector_store %arg10[%swap3A], %swap3A_15 {strides = array<i32>} : memref<1024xi32, #tpu.memory_space<vmem>>, vector<16xi32>,
    %broadcast_in_dim3A_16 = arith.constant 0 : i32
    %broadcast_in_dim3A_17 = vector.broadcast %broadcast_in_dim3A_16 : i32 to vector<16xi32>
    %swap3A_18 = arith.constant 16 : index
    %swap3A_19 = tpu.vector_load %arg10[%swap3A_18] {strides = array<i32>} : memref<1024xi32, #tpu.memory_space<vmem>>, vector<16xi32>,
    %swap3A_20 = vector.shape_cast %swap3A_19 : vector<16xi32> to vector<16xi32>
    %swap3A_21 = vector.shape_cast %broadcast_in_dim3A_17 : vector<16xi32> to vector<16xi32>
    tpu.vector_store %arg10[%swap3A_18], %swap3A_21 {strides = array<i32>} : memref<1024xi32, #tpu.memory_space<vmem>>, vector<16xi32>,
    %broadcast_in_dim3A_22 = arith.constant 0 : i32
    %broadcast_in_dim3A_23 = vector.broadcast %broadcast_in_dim3A_22 : i32 to vector<16xi32>
    %swap3A_24 = arith.constant 32 : index
    %swap3A_25 = tpu.vector_load %arg10[%swap3A_24] {strides = array<i32>} : memref<1024xi32, #tpu.memory_space<vmem>>, vector<16xi32>,
    %swap3A_26 = vector.shape_cast %swap3A_25 : vector<16xi32> to vector<16xi32>
    %swap3A_27 = vector.shape_cast %broadcast_in_dim3A_23 : vector<16xi32> to vector<16xi32>
    tpu.vector_store %arg10[%swap3A_24], %swap3A_27 {strides = array<i32>} : memref<1024xi32, #tpu.memory_space<vmem>>, vector<16xi32>,
    %broadcast_in_dim3A_28 = arith.constant 0 : i32
    %broadcast_in_dim3A_29 = vector.broadcast %broadcast_in_dim3A_28 : i32 to vector<16xi32>
    %swap3A_30 = arith.constant 48 : index
    %swap3A_31 = tpu.vector_load %arg10[%swap3A_30] {strides = array<i32>} : memref<1024xi32, #tpu.memory_space<vmem>>, vector<16xi32>,
    %swap3A_32 = vector.shape_cast %swap3A_31 : vector<16xi32> to vector<16xi32>
    %swap3A_33 = vector.shape_cast %broadcast_in_dim3A_29 : vector<16xi32> to vector<16xi32>
    tpu.vector_store %arg10[%swap3A_30], %swap3A_33 {strides = array<i32>} : memref<1024xi32, #tpu.memory_space<vmem>>, vector<16xi32>,
    %broadcast_in_dim3A_34 = arith.constant 0 : i32
    %broadcast_in_dim3A_35 = vector.broadcast %broadcast_in_dim3A_34 : i32 to vector<16xi32>
    %swap3A_36 = arith.constant 64 : index
    %swap3A_37 = tpu.vector_load %arg10[%swap3A_36] {strides = array<i32>} : memref<1024xi32, #tpu.memory_space<vmem>>, vector<16xi32>,
    %swap3A_38 = vector.shape_cast %swap3A_37 : vector<16xi32> to vector<16xi32>
    %swap3A_39 = vector.shape_cast %broadcast_in_dim3A_35 : vector<16xi32> to vector<16xi32>
    tpu.vector_store %arg10[%swap3A_36], %swap3A_39 {strides = array<i32>} : memref<1024xi32, #tpu.memory_space<vmem>>, vector<16xi32>,
    %broadcast_in_dim3A_40 = arith.constant 0 : i32
    %broadcast_in_dim3A_41 = vector.broadcast %broadcast_in_dim3A_40 : i32 to vector<16xi32>
    %swap3A_42 = arith.constant 80 : index
    %swap3A_43 = tpu.vector_load %arg10[%swap3A_42] {strides = array<i32>} : memref<1024xi32, #tpu.memory_space<vmem>>, vector<16xi32>,
    %swap3A_44 = vector.shape_cast %swap3A_43 : vector<16xi32> to vector<16xi32>
    %swap3A_45 = vector.shape_cast %broadcast_in_dim3A_41 : vector<16xi32> to vector<16xi32>
    tpu.vector_store %arg10[%swap3A_42], %swap3A_45 {strides = array<i32>} : memref<1024xi32, #tpu.memory_space<vmem>>, vector<16xi32>,
    %broadcast_in_dim3A_46 = arith.constant 0 : i32
    %broadcast_in_dim3A_47 = vector.broadcast %broadcast_in_dim3A_46 : i32 to vector<16xi32>
    %swap3A_48 = arith.constant 96 : index
    %swap3A_49 = tpu.vector_load %arg10[%swap3A_48] {strides = array<i32>} : memref<1024xi32, #tpu.memory_space<vmem>>, vector<16xi32>,
    %swap3A_50 = vector.shape_cast %swap3A_49 : vector<16xi32> to vector<16xi32>
    %swap3A_51 = vector.shape_cast %broadcast_in_dim3A_47 : vector<16xi32> to vector<16xi32>
    tpu.vector_store %arg10[%swap3A_48], %swap3A_51 {strides = array<i32>} : memref<1024xi32, #tpu.memory_space<vmem>>, vector<16xi32>,
    %broadcast_in_dim3A_52 = arith.constant 0 : i32
    %broadcast_in_dim3A_53 = vector.broadcast %broadcast_in_dim3A_52 : i32 to vector<16xi32>
    %swap3A_54 = arith.constant 112 : index
    %swap3A_55 = tpu.vector_load %arg10[%swap3A_54] {strides = array<i32>} : memref<1024xi32, #tpu.memory_space<vmem>>, vector<16xi32>,
    %swap3A_56 = vector.shape_cast %swap3A_55 : vector<16xi32> to vector<16xi32>
    %swap3A_57 = vector.shape_cast %broadcast_in_dim3A_53 : vector<16xi32> to vector<16xi32>
    tpu.vector_store %arg10[%swap3A_54], %swap3A_57 {strides = array<i32>} : memref<1024xi32, #tpu.memory_space<vmem>>, vector<16xi32>,
    %broadcast_in_dim3A_58 = arith.constant 0 : i32
    %broadcast_in_dim3A_59 = vector.broadcast %broadcast_in_dim3A_58 : i32 to vector<16xi32>
    %swap3A_60 = arith.constant 128 : index
    %swap3A_61 = tpu.vector_load %arg10[%swap3A_60] {strides = array<i32>} : memref<1024xi32, #tpu.memory_space<vmem>>, vector<16xi32>,
    %swap3A_62 = vector.shape_cast %swap3A_61 : vector<16xi32> to vector<16xi32>
    %swap3A_63 = vector.shape_cast %broadcast_in_dim3A_59 : vector<16xi32> to vector<16xi32>
    tpu.vector_store %arg10[%swap3A_60], %swap3A_63 {strides = array<i32>} : memref<1024xi32, #tpu.memory_space<vmem>>, vector<16xi32>,
    %broadcast_in_dim3A_64 = arith.constant 0 : i32
    %broadcast_in_dim3A_65 = vector.broadcast %broadcast_in_dim3A_64 : i32 to vector<16xi32>
    %swap3A_66 = arith.constant 144 : index
    %swap3A_67 = tpu.vector_load %arg10[%swap3A_66] {strides = array<i32>} : memref<1024xi32, #tpu.memory_space<vmem>>, vector<16xi32>,
    %swap3A_68 = vector.shape_cast %swap3A_67 : vector<16xi32> to vector<16xi32>
    %swap3A_69 = vector.shape_cast %broadcast_in_dim3A_65 : vector<16xi32> to vector<16xi32>
    tpu.vector_store %arg10[%swap3A_66], %swap3A_69 {strides = array<i32>} : memref<1024xi32, #tpu.memory_space<vmem>>, vector<16xi32>,
    %broadcast_in_dim3A_70 = arith.constant 0 : i32
    %broadcast_in_dim3A_71 = vector.broadcast %broadcast_in_dim3A_70 : i32 to vector<16xi32>
    %swap3A_72 = arith.constant 160 : index
    %swap3A_73 = tpu.vector_load %arg10[%swap3A_72] {strides = array<i32>} : memref<1024xi32, #tpu.memory_space<vmem>>, vector<16xi32>,
    %swap3A_74 = vector.shape_cast %swap3A_73 : vector<16xi32> to vector<16xi32>
    %swap3A_75 = vector.shape_cast %broadcast_in_dim3A_71 : vector<16xi32> to vector<16xi32>
    tpu.vector_store %arg10[%swap3A_72], %swap3A_75 {strides = array<i32>} : memref<1024xi32, #tpu.memory_space<vmem>>, vector<16xi32>,
    %broadcast_in_dim3A_76 = arith.constant 0 : i32
    %broadcast_in_dim3A_77 = vector.broadcast %broadcast_in_dim3A_76 : i32 to vector<16xi32>
    %swap3A_78 = arith.constant 176 : index
    %swap3A_79 = tpu.vector_load %arg10[%swap3A_78] {strides = array<i32>} : memref<1024xi32, #tpu.memory_space<vmem>>, vector<16xi32>,
    %swap3A_80 = vector.shape_cast %swap3A_79 : vector<16xi32> to vector<16xi32>
    %swap3A_81 = vector.shape_cast %broadcast_in_dim3A_77 : vector<16xi32> to vector<16xi32>
    tpu.vector_store %arg10[%swap3A_78], %swap3A_81 {strides = array<i32>} : memref<1024xi32, #tpu.memory_space<vmem>>, vector<16xi32>,
    %broadcast_in_dim3A_82 = arith.constant 0 : i32
    %broadcast_in_dim3A_83 = vector.broadcast %broadcast_in_dim3A_82 : i32 to vector<16xi32>
    %swap3A_84 = arith.constant 192 : index
    %swap3A_85 = tpu.vector_load %arg10[%swap3A_84] {strides = array<i32>} : memref<1024xi32, #tpu.memory_space<vmem>>, vector<16xi32>,
    %swap3A_86 = vector.shape_cast %swap3A_85 : vector<16xi32> to vector<16xi32>
    %swap3A_87 = vector.shape_cast %broadcast_in_dim3A_83 : vector<16xi32> to vector<16xi32>
    tpu.vector_store %arg10[%swap3A_84], %swap3A_87 {strides = array<i32>} : memref<1024xi32, #tpu.memory_space<vmem>>, vector<16xi32>,
    %broadcast_in_dim3A_88 = arith.constant 0 : i32
    %broadcast_in_dim3A_89 = vector.broadcast %broadcast_in_dim3A_88 : i32 to vector<16xi32>
    %swap3A_90 = arith.constant 208 : index
    %swap3A_91 = tpu.vector_load %arg10[%swap3A_90] {strides = array<i32>} : memref<1024xi32, #tpu.memory_space<vmem>>, vector<16xi32>,
    %swap3A_92 = vector.shape_cast %swap3A_91 : vector<16xi32> to vector<16xi32>
    %swap3A_93 = vector.shape_cast %broadcast_in_dim3A_89 : vector<16xi32> to vector<16xi32>
    tpu.vector_store %arg10[%swap3A_90], %swap3A_93 {strides = array<i32>} : memref<1024xi32, #tpu.memory_space<vmem>>, vector<16xi32>,
    %broadcast_in_dim3A_94 = arith.constant 0 : i32
    %broadcast_in_dim3A_95 = vector.broadcast %broadcast_in_dim3A_94 : i32 to vector<16xi32>
    %swap3A_96 = arith.constant 224 : index
    %swap3A_97 = tpu.vector_load %arg10[%swap3A_96] {strides = array<i32>} : memref<1024xi32, #tpu.memory_space<vmem>>, vector<16xi32>,
    %swap3A_98 = vector.shape_cast %swap3A_97 : vector<16xi32> to vector<16xi32>
    %swap3A_99 = vector.shape_cast %broadcast_in_dim3A_95 : vector<16xi32> to vector<16xi32>
    tpu.vector_store %arg10[%swap3A_96], %swap3A_99 {strides = array<i32>} : memref<1024xi32, #tpu.memory_space<vmem>>, vector<16xi32>,
    %broadcast_in_dim3A_100 = arith.constant 0 : i32
    %broadcast_in_dim3A_101 = vector.broadcast %broadcast_in_dim3A_100 : i32 to vector<16xi32>
    %swap3A_102 = arith.constant 240 : index
    %swap3A_103 = tpu.vector_load %arg10[%swap3A_102] {strides = array<i32>} : memref<1024xi32, #tpu.memory_space<vmem>>, vector<16xi32>,
    %swap3A_104 = vector.shape_cast %swap3A_103 : vector<16xi32> to vector<16xi32>
    %swap3A_105 = vector.shape_cast %broadcast_in_dim3A_101 : vector<16xi32> to vector<16xi32>
    tpu.vector_store %arg10[%swap3A_102], %swap3A_105 {strides = array<i32>} : memref<1024xi32, #tpu.memory_space<vmem>>, vector<16xi32>,
    %broadcast_in_dim3A_106 = arith.constant 0 : i32
    %broadcast_in_dim3A_107 = vector.broadcast %broadcast_in_dim3A_106 : i32 to vector<16xi32>
    %swap3A_108 = arith.constant 256 : index
    %swap3A_109 = tpu.vector_load %arg10[%swap3A_108] {strides = array<i32>} : memref<1024xi32, #tpu.memory_space<vmem>>, vector<16xi32>,
    %swap3A_110 = vector.shape_cast %swap3A_109 : vector<16xi32> to vector<16xi32>
    %swap3A_111 = vector.shape_cast %broadcast_in_dim3A_107 : vector<16xi32> to vector<16xi32>
    tpu.vector_store %arg10[%swap3A_108], %swap3A_111 {strides = array<i32>} : memref<1024xi32, #tpu.memory_space<vmem>>, vector<16xi32>,
    %broadcast_in_dim3A_112 = arith.constant 0 : i32
    %broadcast_in_dim3A_113 = vector.broadcast %broadcast_in_dim3A_112 : i32 to vector<16xi32>
    %swap3A_114 = arith.constant 272 : index
    %swap3A_115 = tpu.vector_load %arg10[%swap3A_114] {strides = array<i32>} : memref<1024xi32, #tpu.memory_space<vmem>>, vector<16xi32>,
    %swap3A_116 = vector.shape_cast %swap3A_115 : vector<16xi32> to vector<16xi32>
    %swap3A_117 = vector.shape_cast %broadcast_in_dim3A_113 : vector<16xi32> to vector<16xi32>
    tpu.vector_store %arg10[%swap3A_114], %swap3A_117 {strides = array<i32>} : memref<1024xi32, #tpu.memory_space<vmem>>, vector<16xi32>,
    %broadcast_in_dim3A_118 = arith.constant 0 : i32
    %broadcast_in_dim3A_119 = vector.broadcast %broadcast_in_dim3A_118 : i32 to vector<16xi32>
    %swap3A_120 = arith.constant 288 : index
    %swap3A_121 = tpu.vector_load %arg10[%swap3A_120] {strides = array<i32>} : memref<1024xi32, #tpu.memory_space<vmem>>, vector<16xi32>,
    %swap3A_122 = vector.shape_cast %swap3A_121 : vector<16xi32> to vector<16xi32>
    %swap3A_123 = vector.shape_cast %broadcast_in_dim3A_119 : vector<16xi32> to vector<16xi32>
    tpu.vector_store %arg10[%swap3A_120], %swap3A_123 {strides = array<i32>} : memref<1024xi32, #tpu.memory_space<vmem>>, vector<16xi32>,
    %broadcast_in_dim3A_124 = arith.constant 0 : i32
    %broadcast_in_dim3A_125 = vector.broadcast %broadcast_in_dim3A_124 : i32 to vector<16xi32>
    %swap3A_126 = arith.constant 304 : index
    %swap3A_127 = tpu.vector_load %arg10[%swap3A_126] {strides = array<i32>} : memref<1024xi32, #tpu.memory_space<vmem>>, vector<16xi32>,
    %swap3A_128 = vector.shape_cast %swap3A_127 : vector<16xi32> to vector<16xi32>
    %swap3A_129 = vector.shape_cast %broadcast_in_dim3A_125 : vector<16xi32> to vector<16xi32>
    tpu.vector_store %arg10[%swap3A_126], %swap3A_129 {strides = array<i32>} : memref<1024xi32, #tpu.memory_space<vmem>>, vector<16xi32>,
    %broadcast_in_dim3A_130 = arith.constant 0 : i32
    %broadcast_in_dim3A_131 = vector.broadcast %broadcast_in_dim3A_130 : i32 to vector<16xi32>
    %swap3A_132 = arith.constant 320 : index
    %swap3A_133 = tpu.vector_load %arg10[%swap3A_132] {strides = array<i32>} : memref<1024xi32, #tpu.memory_space<vmem>>, vector<16xi32>,
    %swap3A_134 = vector.shape_cast %swap3A_133 : vector<16xi32> to vector<16xi32>
    %swap3A_135 = vector.shape_cast %broadcast_in_dim3A_131 : vector<16xi32> to vector<16xi32>
    tpu.vector_store %arg10[%swap3A_132], %swap3A_135 {strides = array<i32>} : memref<1024xi32, #tpu.memory_space<vmem>>, vector<16xi32>,
    %broadcast_in_dim3A_136 = arith.constant 0 : i32
    %broadcast_in_dim3A_137 = vector.broadcast %broadcast_in_dim3A_136 : i32 to vector<16xi32>
    %swap3A_138 = arith.constant 336 : index
    %swap3A_139 = tpu.vector_load %arg10[%swap3A_138] {strides = array<i32>} : memref<1024xi32, #tpu.memory_space<vmem>>, vector<16xi32>,
    %swap3A_140 = vector.shape_cast %swap3A_139 : vector<16xi32> to vector<16xi32>
    %swap3A_141 = vector.shape_cast %broadcast_in_dim3A_137 : vector<16xi32> to vector<16xi32>
    tpu.vector_store %arg10[%swap3A_138], %swap3A_141 {strides = array<i32>} : memref<1024xi32, #tpu.memory_space<vmem>>, vector<16xi32>,
    %broadcast_in_dim3A_142 = arith.constant 0 : i32
    %broadcast_in_dim3A_143 = vector.broadcast %broadcast_in_dim3A_142 : i32 to vector<16xi32>
    %swap3A_144 = arith.constant 352 : index
    %swap3A_145 = tpu.vector_load %arg10[%swap3A_144] {strides = array<i32>} : memref<1024xi32, #tpu.memory_space<vmem>>, vector<16xi32>,
    %swap3A_146 = vector.shape_cast %swap3A_145 : vector<16xi32> to vector<16xi32>
    %swap3A_147 = vector.shape_cast %broadcast_in_dim3A_143 : vector<16xi32> to vector<16xi32>
    tpu.vector_store %arg10[%swap3A_144], %swap3A_147 {strides = array<i32>} : memref<1024xi32, #tpu.memory_space<vmem>>, vector<16xi32>,
    %broadcast_in_dim3A_148 = arith.constant 0 : i32
    %broadcast_in_dim3A_149 = vector.broadcast %broadcast_in_dim3A_148 : i32 to vector<16xi32>
    %swap3A_150 = arith.constant 368 : index
    %swap3A_151 = tpu.vector_load %arg10[%swap3A_150] {strides = array<i32>} : memref<1024xi32, #tpu.memory_space<vmem>>, vector<16xi32>,
    %swap3A_152 = vector.shape_cast %swap3A_151 : vector<16xi32> to vector<16xi32>
    %swap3A_153 = vector.shape_cast %broadcast_in_dim3A_149 : vector<16xi32> to vector<16xi32>
    tpu.vector_store %arg10[%swap3A_150], %swap3A_153 {strides = array<i32>} : memref<1024xi32, #tpu.memory_space<vmem>>, vector<16xi32>,
    %broadcast_in_dim3A_154 = arith.constant 0 : i32
    %broadcast_in_dim3A_155 = vector.broadcast %broadcast_in_dim3A_154 : i32 to vector<16xi32>
    %swap3A_156 = arith.constant 384 : index
    %swap3A_157 = tpu.vector_load %arg10[%swap3A_156] {strides = array<i32>} : memref<1024xi32, #tpu.memory_space<vmem>>, vector<16xi32>,
    %swap3A_158 = vector.shape_cast %swap3A_157 : vector<16xi32> to vector<16xi32>
    %swap3A_159 = vector.shape_cast %broadcast_in_dim3A_155 : vector<16xi32> to vector<16xi32>
    tpu.vector_store %arg10[%swap3A_156], %swap3A_159 {strides = array<i32>} : memref<1024xi32, #tpu.memory_space<vmem>>, vector<16xi32>,
    %broadcast_in_dim3A_160 = arith.constant 0 : i32
    %broadcast_in_dim3A_161 = vector.broadcast %broadcast_in_dim3A_160 : i32 to vector<16xi32>
    %swap3A_162 = arith.constant 400 : index
    %swap3A_163 = tpu.vector_load %arg10[%swap3A_162] {strides = array<i32>} : memref<1024xi32, #tpu.memory_space<vmem>>, vector<16xi32>,
    %swap3A_164 = vector.shape_cast %swap3A_163 : vector<16xi32> to vector<16xi32>
    %swap3A_165 = vector.shape_cast %broadcast_in_dim3A_161 : vector<16xi32> to vector<16xi32>
    tpu.vector_store %arg10[%swap3A_162], %swap3A_165 {strides = array<i32>} : memref<1024xi32, #tpu.memory_space<vmem>>, vector<16xi32>,
    %broadcast_in_dim3A_166 = arith.constant 0 : i32
    %broadcast_in_dim3A_167 = vector.broadcast %broadcast_in_dim3A_166 : i32 to vector<16xi32>
    %swap3A_168 = arith.constant 416 : index
    %swap3A_169 = tpu.vector_load %arg10[%swap3A_168] {strides = array<i32>} : memref<1024xi32, #tpu.memory_space<vmem>>, vector<16xi32>,
    %swap3A_170 = vector.shape_cast %swap3A_169 : vector<16xi32> to vector<16xi32>
    %swap3A_171 = vector.shape_cast %broadcast_in_dim3A_167 : vector<16xi32> to vector<16xi32>
    tpu.vector_store %arg10[%swap3A_168], %swap3A_171 {strides = array<i32>} : memref<1024xi32, #tpu.memory_space<vmem>>, vector<16xi32>,
    %broadcast_in_dim3A_172 = arith.constant 0 : i32
    %broadcast_in_dim3A_173 = vector.broadcast %broadcast_in_dim3A_172 : i32 to vector<16xi32>
    %swap3A_174 = arith.constant 432 : index
    %swap3A_175 = tpu.vector_load %arg10[%swap3A_174] {strides = array<i32>} : memref<1024xi32, #tpu.memory_space<vmem>>, vector<16xi32>,
    %swap3A_176 = vector.shape_cast %swap3A_175 : vector<16xi32> to vector<16xi32>
    %swap3A_177 = vector.shape_cast %broadcast_in_dim3A_173 : vector<16xi32> to vector<16xi32>
    tpu.vector_store %arg10[%swap3A_174], %swap3A_177 {strides = array<i32>} : memref<1024xi32, #tpu.memory_space<vmem>>, vector<16xi32>,
    %broadcast_in_dim3A_178 = arith.constant 0 : i32
    %broadcast_in_dim3A_179 = vector.broadcast %broadcast_in_dim3A_178 : i32 to vector<16xi32>
    %swap3A_180 = arith.constant 448 : index
    %swap3A_181 = tpu.vector_load %arg10[%swap3A_180] {strides = array<i32>} : memref<1024xi32, #tpu.memory_space<vmem>>, vector<16xi32>,
    %swap3A_182 = vector.shape_cast %swap3A_181 : vector<16xi32> to vector<16xi32>
    %swap3A_183 = vector.shape_cast %broadcast_in_dim3A_179 : vector<16xi32> to vector<16xi32>
    tpu.vector_store %arg10[%swap3A_180], %swap3A_183 {strides = array<i32>} : memref<1024xi32, #tpu.memory_space<vmem>>, vector<16xi32>,
    %broadcast_in_dim3A_184 = arith.constant 0 : i32
    %broadcast_in_dim3A_185 = vector.broadcast %broadcast_in_dim3A_184 : i32 to vector<16xi32>
    %swap3A_186 = arith.constant 464 : index
    %swap3A_187 = tpu.vector_load %arg10[%swap3A_186] {strides = array<i32>} : memref<1024xi32, #tpu.memory_space<vmem>>, vector<16xi32>,
    %swap3A_188 = vector.shape_cast %swap3A_187 : vector<16xi32> to vector<16xi32>
    %swap3A_189 = vector.shape_cast %broadcast_in_dim3A_185 : vector<16xi32> to vector<16xi32>
    tpu.vector_store %arg10[%swap3A_186], %swap3A_189 {strides = array<i32>} : memref<1024xi32, #tpu.memory_space<vmem>>, vector<16xi32>,
    %broadcast_in_dim3A_190 = arith.constant 0 : i32
    %broadcast_in_dim3A_191 = vector.broadcast %broadcast_in_dim3A_190 : i32 to vector<16xi32>
    %swap3A_192 = arith.constant 480 : index
    %swap3A_193 = tpu.vector_load %arg10[%swap3A_192] {strides = array<i32>} : memref<1024xi32, #tpu.memory_space<vmem>>, vector<16xi32>,
    %swap3A_194 = vector.shape_cast %swap3A_193 : vector<16xi32> to vector<16xi32>
    %swap3A_195 = vector.shape_cast %broadcast_in_dim3A_191 : vector<16xi32> to vector<16xi32>
    tpu.vector_store %arg10[%swap3A_192], %swap3A_195 {strides = array<i32>} : memref<1024xi32, #tpu.memory_space<vmem>>, vector<16xi32>,
    %broadcast_in_dim3A_196 = arith.constant 0 : i32
    %broadcast_in_dim3A_197 = vector.broadcast %broadcast_in_dim3A_196 : i32 to vector<16xi32>
    %swap3A_198 = arith.constant 496 : index
    %swap3A_199 = tpu.vector_load %arg10[%swap3A_198] {strides = array<i32>} : memref<1024xi32, #tpu.memory_space<vmem>>, vector<16xi32>,
    %swap3A_200 = vector.shape_cast %swap3A_199 : vector<16xi32> to vector<16xi32>
    %swap3A_201 = vector.shape_cast %broadcast_in_dim3A_197 : vector<16xi32> to vector<16xi32>
    tpu.vector_store %arg10[%swap3A_198], %swap3A_201 {strides = array<i32>} : memref<1024xi32, #tpu.memory_space<vmem>>, vector<16xi32>,
    %broadcast_in_dim3A_202 = arith.constant 0 : i32
    %broadcast_in_dim3A_203 = vector.broadcast %broadcast_in_dim3A_202 : i32 to vector<16xi32>
    %swap3A_204 = arith.constant 512 : index
    %swap3A_205 = tpu.vector_load %arg10[%swap3A_204] {strides = array<i32>} : memref<1024xi32, #tpu.memory_space<vmem>>, vector<16xi32>,
    %swap3A_206 = vector.shape_cast %swap3A_205 : vector<16xi32> to vector<16xi32>
    %swap3A_207 = vector.shape_cast %broadcast_in_dim3A_203 : vector<16xi32> to vector<16xi32>
    tpu.vector_store %arg10[%swap3A_204], %swap3A_207 {strides = array<i32>} : memref<1024xi32, #tpu.memory_space<vmem>>, vector<16xi32>,
    %broadcast_in_dim3A_208 = arith.constant 0 : i32
    %broadcast_in_dim3A_209 = vector.broadcast %broadcast_in_dim3A_208 : i32 to vector<16xi32>
    %swap3A_210 = arith.constant 528 : index
    %swap3A_211 = tpu.vector_load %arg10[%swap3A_210] {strides = array<i32>} : memref<1024xi32, #tpu.memory_space<vmem>>, vector<16xi32>,
    %swap3A_212 = vector.shape_cast %swap3A_211 : vector<16xi32> to vector<16xi32>
    %swap3A_213 = vector.shape_cast %broadcast_in_dim3A_209 : vector<16xi32> to vector<16xi32>
    tpu.vector_store %arg10[%swap3A_210], %swap3A_213 {strides = array<i32>} : memref<1024xi32, #tpu.memory_space<vmem>>, vector<16xi32>,
    %broadcast_in_dim3A_214 = arith.constant 0 : i32
    %broadcast_in_dim3A_215 = vector.broadcast %broadcast_in_dim3A_214 : i32 to vector<16xi32>
    %swap3A_216 = arith.constant 544 : index
    %swap3A_217 = tpu.vector_load %arg10[%swap3A_216] {strides = array<i32>} : memref<1024xi32, #tpu.memory_space<vmem>>, vector<16xi32>,
    %swap3A_218 = vector.shape_cast %swap3A_217 : vector<16xi32> to vector<16xi32>
    %swap3A_219 = vector.shape_cast %broadcast_in_dim3A_215 : vector<16xi32> to vector<16xi32>
    tpu.vector_store %arg10[%swap3A_216], %swap3A_219 {strides = array<i32>} : memref<1024xi32, #tpu.memory_space<vmem>>, vector<16xi32>,
    %broadcast_in_dim3A_220 = arith.constant 0 : i32
    %broadcast_in_dim3A_221 = vector.broadcast %broadcast_in_dim3A_220 : i32 to vector<16xi32>
    %swap3A_222 = arith.constant 560 : index
    %swap3A_223 = tpu.vector_load %arg10[%swap3A_222] {strides = array<i32>} : memref<1024xi32, #tpu.memory_space<vmem>>, vector<16xi32>,
    %swap3A_224 = vector.shape_cast %swap3A_223 : vector<16xi32> to vector<16xi32>
    %swap3A_225 = vector.shape_cast %broadcast_in_dim3A_221 : vector<16xi32> to vector<16xi32>
    tpu.vector_store %arg10[%swap3A_222], %swap3A_225 {strides = array<i32>} : memref<1024xi32, #tpu.memory_space<vmem>>, vector<16xi32>,
    %broadcast_in_dim3A_226 = arith.constant 0 : i32
    %broadcast_in_dim3A_227 = vector.broadcast %broadcast_in_dim3A_226 : i32 to vector<16xi32>
    %swap3A_228 = arith.constant 576 : index
    %swap3A_229 = tpu.vector_load %arg10[%swap3A_228] {strides = array<i32>} : memref<1024xi32, #tpu.memory_space<vmem>>, vector<16xi32>,
    %swap3A_230 = vector.shape_cast %swap3A_229 : vector<16xi32> to vector<16xi32>
    %swap3A_231 = vector.shape_cast %broadcast_in_dim3A_227 : vector<16xi32> to vector<16xi32>
    tpu.vector_store %arg10[%swap3A_228], %swap3A_231 {strides = array<i32>} : memref<1024xi32, #tpu.memory_space<vmem>>, vector<16xi32>,
    %broadcast_in_dim3A_232 = arith.constant 0 : i32
    %broadcast_in_dim3A_233 = vector.broadcast %broadcast_in_dim3A_232 : i32 to vector<16xi32>
    %swap3A_234 = arith.constant 592 : index
    %swap3A_235 = tpu.vector_load %arg10[%swap3A_234] {strides = array<i32>} : memref<1024xi32, #tpu.memory_space<vmem>>, vector<16xi32>,
    %swap3A_236 = vector.shape_cast %swap3A_235 : vector<16xi32> to vector<16xi32>
    %swap3A_237 = vector.shape_cast %broadcast_in_dim3A_233 : vector<16xi32> to vector<16xi32>
    tpu.vector_store %arg10[%swap3A_234], %swap3A_237 {strides = array<i32>} : memref<1024xi32, #tpu.memory_space<vmem>>, vector<16xi32>,
    %broadcast_in_dim3A_238 = arith.constant 0 : i32
    %broadcast_in_dim3A_239 = vector.broadcast %broadcast_in_dim3A_238 : i32 to vector<16xi32>
    %swap3A_240 = arith.constant 608 : index
    %swap3A_241 = tpu.vector_load %arg10[%swap3A_240] {strides = array<i32>} : memref<1024xi32, #tpu.memory_space<vmem>>, vector<16xi32>,
    %swap3A_242 = vector.shape_cast %swap3A_241 : vector<16xi32> to vector<16xi32>
    %swap3A_243 = vector.shape_cast %broadcast_in_dim3A_239 : vector<16xi32> to vector<16xi32>
    tpu.vector_store %arg10[%swap3A_240], %swap3A_243 {strides = array<i32>} : memref<1024xi32, #tpu.memory_space<vmem>>, vector<16xi32>,
    %broadcast_in_dim3A_244 = arith.constant 0 : i32
    %broadcast_in_dim3A_245 = vector.broadcast %broadcast_in_dim3A_244 : i32 to vector<16xi32>
    %swap3A_246 = arith.constant 624 : index
    %swap3A_247 = tpu.vector_load %arg10[%swap3A_246] {strides = array<i32>} : memref<1024xi32, #tpu.memory_space<vmem>>, vector<16xi32>,
    %swap3A_248 = vector.shape_cast %swap3A_247 : vector<16xi32> to vector<16xi32>
    %swap3A_249 = vector.shape_cast %broadcast_in_dim3A_245 : vector<16xi32> to vector<16xi32>
    tpu.vector_store %arg10[%swap3A_246], %swap3A_249 {strides = array<i32>} : memref<1024xi32, #tpu.memory_space<vmem>>, vector<16xi32>,
    %broadcast_in_dim3A_250 = arith.constant 0 : i32
    %broadcast_in_dim3A_251 = vector.broadcast %broadcast_in_dim3A_250 : i32 to vector<16xi32>
    %swap3A_252 = arith.constant 640 : index
    %swap3A_253 = tpu.vector_load %arg10[%swap3A_252] {strides = array<i32>} : memref<1024xi32, #tpu.memory_space<vmem>>, vector<16xi32>,
    %swap3A_254 = vector.shape_cast %swap3A_253 : vector<16xi32> to vector<16xi32>
    %swap3A_255 = vector.shape_cast %broadcast_in_dim3A_251 : vector<16xi32> to vector<16xi32>
    tpu.vector_store %arg10[%swap3A_252], %swap3A_255 {strides = array<i32>} : memref<1024xi32, #tpu.memory_space<vmem>>, vector<16xi32>,
    %broadcast_in_dim3A_256 = arith.constant 0 : i32
    %broadcast_in_dim3A_257 = vector.broadcast %broadcast_in_dim3A_256 : i32 to vector<16xi32>
    %swap3A_258 = arith.constant 656 : index
    %swap3A_259 = tpu.vector_load %arg10[%swap3A_258] {strides = array<i32>} : memref<1024xi32, #tpu.memory_space<vmem>>, vector<16xi32>,
    %swap3A_260 = vector.shape_cast %swap3A_259 : vector<16xi32> to vector<16xi32>
    %swap3A_261 = vector.shape_cast %broadcast_in_dim3A_257 : vector<16xi32> to vector<16xi32>
    tpu.vector_store %arg10[%swap3A_258], %swap3A_261 {strides = array<i32>} : memref<1024xi32, #tpu.memory_space<vmem>>, vector<16xi32>,
    %broadcast_in_dim3A_262 = arith.constant 0 : i32
    %broadcast_in_dim3A_263 = vector.broadcast %broadcast_in_dim3A_262 : i32 to vector<16xi32>
    %swap3A_264 = arith.constant 672 : index
    %swap3A_265 = tpu.vector_load %arg10[%swap3A_264] {strides = array<i32>} : memref<1024xi32, #tpu.memory_space<vmem>>, vector<16xi32>,
    %swap3A_266 = vector.shape_cast %swap3A_265 : vector<16xi32> to vector<16xi32>
    %swap3A_267 = vector.shape_cast %broadcast_in_dim3A_263 : vector<16xi32> to vector<16xi32>
    tpu.vector_store %arg10[%swap3A_264], %swap3A_267 {strides = array<i32>} : memref<1024xi32, #tpu.memory_space<vmem>>, vector<16xi32>,
    %broadcast_in_dim3A_268 = arith.constant 0 : i32
    %broadcast_in_dim3A_269 = vector.broadcast %broadcast_in_dim3A_268 : i32 to vector<16xi32>
    %swap3A_270 = arith.constant 688 : index
    %swap3A_271 = tpu.vector_load %arg10[%swap3A_270] {strides = array<i32>} : memref<1024xi32, #tpu.memory_space<vmem>>, vector<16xi32>,
    %swap3A_272 = vector.shape_cast %swap3A_271 : vector<16xi32> to vector<16xi32>
    %swap3A_273 = vector.shape_cast %broadcast_in_dim3A_269 : vector<16xi32> to vector<16xi32>
    tpu.vector_store %arg10[%swap3A_270], %swap3A_273 {strides = array<i32>} : memref<1024xi32, #tpu.memory_space<vmem>>, vector<16xi32>,
    %broadcast_in_dim3A_274 = arith.constant 0 : i32
    %broadcast_in_dim3A_275 = vector.broadcast %broadcast_in_dim3A_274 : i32 to vector<16xi32>
    %swap3A_276 = arith.constant 704 : index
    %swap3A_277 = tpu.vector_load %arg10[%swap3A_276] {strides = array<i32>} : memref<1024xi32, #tpu.memory_space<vmem>>, vector<16xi32>,
    %swap3A_278 = vector.shape_cast %swap3A_277 : vector<16xi32> to vector<16xi32>
    %swap3A_279 = vector.shape_cast %broadcast_in_dim3A_275 : vector<16xi32> to vector<16xi32>
    tpu.vector_store %arg10[%swap3A_276], %swap3A_279 {strides = array<i32>} : memref<1024xi32, #tpu.memory_space<vmem>>, vector<16xi32>,
    %broadcast_in_dim3A_280 = arith.constant 0 : i32
    %broadcast_in_dim3A_281 = vector.broadcast %broadcast_in_dim3A_280 : i32 to vector<16xi32>
    %swap3A_282 = arith.constant 720 : index
    %swap3A_283 = tpu.vector_load %arg10[%swap3A_282] {strides = array<i32>} : memref<1024xi32, #tpu.memory_space<vmem>>, vector<16xi32>,
    %swap3A_284 = vector.shape_cast %swap3A_283 : vector<16xi32> to vector<16xi32>
    %swap3A_285 = vector.shape_cast %broadcast_in_dim3A_281 : vector<16xi32> to vector<16xi32>
    tpu.vector_store %arg10[%swap3A_282], %swap3A_285 {strides = array<i32>} : memref<1024xi32, #tpu.memory_space<vmem>>, vector<16xi32>,
    %broadcast_in_dim3A_286 = arith.constant 0 : i32
    %broadcast_in_dim3A_287 = vector.broadcast %broadcast_in_dim3A_286 : i32 to vector<16xi32>
    %swap3A_288 = arith.constant 736 : index
    %swap3A_289 = tpu.vector_load %arg10[%swap3A_288] {strides = array<i32>} : memref<1024xi32, #tpu.memory_space<vmem>>, vector<16xi32>,
    %swap3A_290 = vector.shape_cast %swap3A_289 : vector<16xi32> to vector<16xi32>
    %swap3A_291 = vector.shape_cast %broadcast_in_dim3A_287 : vector<16xi32> to vector<16xi32>
    tpu.vector_store %arg10[%swap3A_288], %swap3A_291 {strides = array<i32>} : memref<1024xi32, #tpu.memory_space<vmem>>, vector<16xi32>,
    %broadcast_in_dim3A_292 = arith.constant 0 : i32
    %broadcast_in_dim3A_293 = vector.broadcast %broadcast_in_dim3A_292 : i32 to vector<16xi32>
    %swap3A_294 = arith.constant 752 : index
    %swap3A_295 = tpu.vector_load %arg10[%swap3A_294] {strides = array<i32>} : memref<1024xi32, #tpu.memory_space<vmem>>, vector<16xi32>,
    %swap3A_296 = vector.shape_cast %swap3A_295 : vector<16xi32> to vector<16xi32>
    %swap3A_297 = vector.shape_cast %broadcast_in_dim3A_293 : vector<16xi32> to vector<16xi32>
    tpu.vector_store %arg10[%swap3A_294], %swap3A_297 {strides = array<i32>} : memref<1024xi32, #tpu.memory_space<vmem>>, vector<16xi32>,
    %broadcast_in_dim3A_298 = arith.constant 0 : i32
    %broadcast_in_dim3A_299 = vector.broadcast %broadcast_in_dim3A_298 : i32 to vector<16xi32>
    %swap3A_300 = arith.constant 768 : index
    %swap3A_301 = tpu.vector_load %arg10[%swap3A_300] {strides = array<i32>} : memref<1024xi32, #tpu.memory_space<vmem>>, vector<16xi32>,
    %swap3A_302 = vector.shape_cast %swap3A_301 : vector<16xi32> to vector<16xi32>
    %swap3A_303 = vector.shape_cast %broadcast_in_dim3A_299 : vector<16xi32> to vector<16xi32>
    tpu.vector_store %arg10[%swap3A_300], %swap3A_303 {strides = array<i32>} : memref<1024xi32, #tpu.memory_space<vmem>>, vector<16xi32>,
    %broadcast_in_dim3A_304 = arith.constant 0 : i32
    %broadcast_in_dim3A_305 = vector.broadcast %broadcast_in_dim3A_304 : i32 to vector<16xi32>
    %swap3A_306 = arith.constant 784 : index
    %swap3A_307 = tpu.vector_load %arg10[%swap3A_306] {strides = array<i32>} : memref<1024xi32, #tpu.memory_space<vmem>>, vector<16xi32>,
    %swap3A_308 = vector.shape_cast %swap3A_307 : vector<16xi32> to vector<16xi32>
    %swap3A_309 = vector.shape_cast %broadcast_in_dim3A_305 : vector<16xi32> to vector<16xi32>
    tpu.vector_store %arg10[%swap3A_306], %swap3A_309 {strides = array<i32>} : memref<1024xi32, #tpu.memory_space<vmem>>, vector<16xi32>,
    %broadcast_in_dim3A_310 = arith.constant 0 : i32
    %broadcast_in_dim3A_311 = vector.broadcast %broadcast_in_dim3A_310 : i32 to vector<16xi32>
    %swap3A_312 = arith.constant 800 : index
    %swap3A_313 = tpu.vector_load %arg10[%swap3A_312] {strides = array<i32>} : memref<1024xi32, #tpu.memory_space<vmem>>, vector<16xi32>,
    %swap3A_314 = vector.shape_cast %swap3A_313 : vector<16xi32> to vector<16xi32>
    %swap3A_315 = vector.shape_cast %broadcast_in_dim3A_311 : vector<16xi32> to vector<16xi32>
    tpu.vector_store %arg10[%swap3A_312], %swap3A_315 {strides = array<i32>} : memref<1024xi32, #tpu.memory_space<vmem>>, vector<16xi32>,
    %broadcast_in_dim3A_316 = arith.constant 0 : i32
    %broadcast_in_dim3A_317 = vector.broadcast %broadcast_in_dim3A_316 : i32 to vector<16xi32>
    %swap3A_318 = arith.constant 816 : index
    %swap3A_319 = tpu.vector_load %arg10[%swap3A_318] {strides = array<i32>} : memref<1024xi32, #tpu.memory_space<vmem>>, vector<16xi32>,
    %swap3A_320 = vector.shape_cast %swap3A_319 : vector<16xi32> to vector<16xi32>
    %swap3A_321 = vector.shape_cast %broadcast_in_dim3A_317 : vector<16xi32> to vector<16xi32>
    tpu.vector_store %arg10[%swap3A_318], %swap3A_321 {strides = array<i32>} : memref<1024xi32, #tpu.memory_space<vmem>>, vector<16xi32>,
    %broadcast_in_dim3A_322 = arith.constant 0 : i32
    %broadcast_in_dim3A_323 = vector.broadcast %broadcast_in_dim3A_322 : i32 to vector<16xi32>
    %swap3A_324 = arith.constant 832 : index
    %swap3A_325 = tpu.vector_load %arg10[%swap3A_324] {strides = array<i32>} : memref<1024xi32, #tpu.memory_space<vmem>>, vector<16xi32>,
    %swap3A_326 = vector.shape_cast %swap3A_325 : vector<16xi32> to vector<16xi32>
    %swap3A_327 = vector.shape_cast %broadcast_in_dim3A_323 : vector<16xi32> to vector<16xi32>
    tpu.vector_store %arg10[%swap3A_324], %swap3A_327 {strides = array<i32>} : memref<1024xi32, #tpu.memory_space<vmem>>, vector<16xi32>,
    %broadcast_in_dim3A_328 = arith.constant 0 : i32
    %broadcast_in_dim3A_329 = vector.broadcast %broadcast_in_dim3A_328 : i32 to vector<16xi32>
    %swap3A_330 = arith.constant 848 : index
    %swap3A_331 = tpu.vector_load %arg10[%swap3A_330] {strides = array<i32>} : memref<1024xi32, #tpu.memory_space<vmem>>, vector<16xi32>,
    %swap3A_332 = vector.shape_cast %swap3A_331 : vector<16xi32> to vector<16xi32>
    %swap3A_333 = vector.shape_cast %broadcast_in_dim3A_329 : vector<16xi32> to vector<16xi32>
    tpu.vector_store %arg10[%swap3A_330], %swap3A_333 {strides = array<i32>} : memref<1024xi32, #tpu.memory_space<vmem>>, vector<16xi32>,
    %broadcast_in_dim3A_334 = arith.constant 0 : i32
    %broadcast_in_dim3A_335 = vector.broadcast %broadcast_in_dim3A_334 : i32 to vector<16xi32>
    %swap3A_336 = arith.constant 864 : index
    %swap3A_337 = tpu.vector_load %arg10[%swap3A_336] {strides = array<i32>} : memref<1024xi32, #tpu.memory_space<vmem>>, vector<16xi32>,
    %swap3A_338 = vector.shape_cast %swap3A_337 : vector<16xi32> to vector<16xi32>
    %swap3A_339 = vector.shape_cast %broadcast_in_dim3A_335 : vector<16xi32> to vector<16xi32>
    tpu.vector_store %arg10[%swap3A_336], %swap3A_339 {strides = array<i32>} : memref<1024xi32, #tpu.memory_space<vmem>>, vector<16xi32>,
    %broadcast_in_dim3A_340 = arith.constant 0 : i32
    %broadcast_in_dim3A_341 = vector.broadcast %broadcast_in_dim3A_340 : i32 to vector<16xi32>
    %swap3A_342 = arith.constant 880 : index
    %swap3A_343 = tpu.vector_load %arg10[%swap3A_342] {strides = array<i32>} : memref<1024xi32, #tpu.memory_space<vmem>>, vector<16xi32>,
    %swap3A_344 = vector.shape_cast %swap3A_343 : vector<16xi32> to vector<16xi32>
    %swap3A_345 = vector.shape_cast %broadcast_in_dim3A_341 : vector<16xi32> to vector<16xi32>
    tpu.vector_store %arg10[%swap3A_342], %swap3A_345 {strides = array<i32>} : memref<1024xi32, #tpu.memory_space<vmem>>, vector<16xi32>,
    %broadcast_in_dim3A_346 = arith.constant 0 : i32
    %broadcast_in_dim3A_347 = vector.broadcast %broadcast_in_dim3A_346 : i32 to vector<16xi32>
    %swap3A_348 = arith.constant 896 : index
    %swap3A_349 = tpu.vector_load %arg10[%swap3A_348] {strides = array<i32>} : memref<1024xi32, #tpu.memory_space<vmem>>, vector<16xi32>,
    %swap3A_350 = vector.shape_cast %swap3A_349 : vector<16xi32> to vector<16xi32>
    %swap3A_351 = vector.shape_cast %broadcast_in_dim3A_347 : vector<16xi32> to vector<16xi32>
    tpu.vector_store %arg10[%swap3A_348], %swap3A_351 {strides = array<i32>} : memref<1024xi32, #tpu.memory_space<vmem>>, vector<16xi32>,
    %broadcast_in_dim3A_352 = arith.constant 0 : i32
    %broadcast_in_dim3A_353 = vector.broadcast %broadcast_in_dim3A_352 : i32 to vector<16xi32>
    %swap3A_354 = arith.constant 912 : index
    %swap3A_355 = tpu.vector_load %arg10[%swap3A_354] {strides = array<i32>} : memref<1024xi32, #tpu.memory_space<vmem>>, vector<16xi32>,
    %swap3A_356 = vector.shape_cast %swap3A_355 : vector<16xi32> to vector<16xi32>
    %swap3A_357 = vector.shape_cast %broadcast_in_dim3A_353 : vector<16xi32> to vector<16xi32>
    tpu.vector_store %arg10[%swap3A_354], %swap3A_357 {strides = array<i32>} : memref<1024xi32, #tpu.memory_space<vmem>>, vector<16xi32>,
    %broadcast_in_dim3A_358 = arith.constant 0 : i32
    %broadcast_in_dim3A_359 = vector.broadcast %broadcast_in_dim3A_358 : i32 to vector<16xi32>
    %swap3A_360 = arith.constant 928 : index
    %swap3A_361 = tpu.vector_load %arg10[%swap3A_360] {strides = array<i32>} : memref<1024xi32, #tpu.memory_space<vmem>>, vector<16xi32>,
    %swap3A_362 = vector.shape_cast %swap3A_361 : vector<16xi32> to vector<16xi32>
    %swap3A_363 = vector.shape_cast %broadcast_in_dim3A_359 : vector<16xi32> to vector<16xi32>
    tpu.vector_store %arg10[%swap3A_360], %swap3A_363 {strides = array<i32>} : memref<1024xi32, #tpu.memory_space<vmem>>, vector<16xi32>,
    %broadcast_in_dim3A_364 = arith.constant 0 : i32
    %broadcast_in_dim3A_365 = vector.broadcast %broadcast_in_dim3A_364 : i32 to vector<16xi32>
    %swap3A_366 = arith.constant 944 : index
    %swap3A_367 = tpu.vector_load %arg10[%swap3A_366] {strides = array<i32>} : memref<1024xi32, #tpu.memory_space<vmem>>, vector<16xi32>,
    %swap3A_368 = vector.shape_cast %swap3A_367 : vector<16xi32> to vector<16xi32>
    %swap3A_369 = vector.shape_cast %broadcast_in_dim3A_365 : vector<16xi32> to vector<16xi32>
    tpu.vector_store %arg10[%swap3A_366], %swap3A_369 {strides = array<i32>} : memref<1024xi32, #tpu.memory_space<vmem>>, vector<16xi32>,
    %broadcast_in_dim3A_370 = arith.constant 0 : i32
    %broadcast_in_dim3A_371 = vector.broadcast %broadcast_in_dim3A_370 : i32 to vector<16xi32>
    %swap3A_372 = arith.constant 960 : index
    %swap3A_373 = tpu.vector_load %arg10[%swap3A_372] {strides = array<i32>} : memref<1024xi32, #tpu.memory_space<vmem>>, vector<16xi32>,
    %swap3A_374 = vector.shape_cast %swap3A_373 : vector<16xi32> to vector<16xi32>
    %swap3A_375 = vector.shape_cast %broadcast_in_dim3A_371 : vector<16xi32> to vector<16xi32>
    tpu.vector_store %arg10[%swap3A_372], %swap3A_375 {strides = array<i32>} : memref<1024xi32, #tpu.memory_space<vmem>>, vector<16xi32>,
    %broadcast_in_dim3A_376 = arith.constant 0 : i32
    %broadcast_in_dim3A_377 = vector.broadcast %broadcast_in_dim3A_376 : i32 to vector<16xi32>
    %swap3A_378 = arith.constant 976 : index
    %swap3A_379 = tpu.vector_load %arg10[%swap3A_378] {strides = array<i32>} : memref<1024xi32, #tpu.memory_space<vmem>>, vector<16xi32>,
    %swap3A_380 = vector.shape_cast %swap3A_379 : vector<16xi32> to vector<16xi32>
    %swap3A_381 = vector.shape_cast %broadcast_in_dim3A_377 : vector<16xi32> to vector<16xi32>
    tpu.vector_store %arg10[%swap3A_378], %swap3A_381 {strides = array<i32>} : memref<1024xi32, #tpu.memory_space<vmem>>, vector<16xi32>,
    %broadcast_in_dim3A_382 = arith.constant 0 : i32
    %broadcast_in_dim3A_383 = vector.broadcast %broadcast_in_dim3A_382 : i32 to vector<16xi32>
    %swap3A_384 = arith.constant 992 : index
    %swap3A_385 = tpu.vector_load %arg10[%swap3A_384] {strides = array<i32>} : memref<1024xi32, #tpu.memory_space<vmem>>, vector<16xi32>,
    %swap3A_386 = vector.shape_cast %swap3A_385 : vector<16xi32> to vector<16xi32>
    %swap3A_387 = vector.shape_cast %broadcast_in_dim3A_383 : vector<16xi32> to vector<16xi32>
    tpu.vector_store %arg10[%swap3A_384], %swap3A_387 {strides = array<i32>} : memref<1024xi32, #tpu.memory_space<vmem>>, vector<16xi32>,
    %broadcast_in_dim3A_388 = arith.constant 0 : i32
    %broadcast_in_dim3A_389 = vector.broadcast %broadcast_in_dim3A_388 : i32 to vector<16xi32>
    %swap3A_390 = arith.constant 1008 : index
    %swap3A_391 = tpu.vector_load %arg10[%swap3A_390] {strides = array<i32>} : memref<1024xi32, #tpu.memory_space<vmem>>, vector<16xi32>,
    %swap3A_392 = vector.shape_cast %swap3A_391 : vector<16xi32> to vector<16xi32>
    %swap3A_393 = vector.shape_cast %broadcast_in_dim3A_389 : vector<16xi32> to vector<16xi32>
    tpu.vector_store %arg10[%swap3A_390], %swap3A_393 {strides = array<i32>} : memref<1024xi32, #tpu.memory_space<vmem>>, vector<16xi32>,
    %mul3A_394 = arith.constant 1024 : i32
    %mul3A_395 = arith.muli %arg1, %mul3A_394 : i32
    %multiple_of3A_396 = tpu.assume_multiple %mul3A_395, 1024 : i32
    "tpu.region"() ({
      %run_scoped3A_2542 = tpu.sem_alloc : memref<!tpu.dma_semaphore, #tpu.memory_space<semaphore_mem>>
      %dma_start3A_2543 = tpu.memref_slice %arg13[%multiple_of3A_396] : memref<16384xi32, #tpu.memory_space<vmem_shared>> -> memref<1024xi32, #tpu.memory_space<vmem_shared>>
      %dma_start3A_2544 = tpu.memref_slice %arg13[%multiple_of3A_396] : memref<16384xi32, #tpu.memory_space<vmem_shared>> -> memref<1024xi32, #tpu.memory_space<vmem_shared>>
      tpu.enqueue_dma source(%arg10 : memref<1024xi32, #tpu.memory_space<vmem>>) target(%dma_start3A_2544 : memref<1024xi32, #tpu.memory_space<vmem_shared>>) target_semaphore(%run_scoped3A_2542 : memref<!tpu.dma_semaphore, #tpu.memory_space<semaphore_mem>>)
      %dma_wait3A_2545 = tpu.memref_slice %arg13[%multiple_of3A_396] : memref<16384xi32, #tpu.memory_space<vmem_shared>> -> memref<1024xi32, #tpu.memory_space<vmem_shared>>
      %dma_wait3A_2546 = tpu.memref_slice %arg13[%multiple_of3A_396] : memref<16384xi32, #tpu.memory_space<vmem_shared>> -> memref<1024xi32, #tpu.memory_space<vmem_shared>>
      tpu.wait_dma2 semaphore(%run_scoped3A_2542 : memref<!tpu.dma_semaphore, #tpu.memory_space<semaphore_mem>>) src(%arg10 : memref<1024xi32, #tpu.memory_space<vmem>>) dst(%dma_wait3A_2546 : memref<1024xi32, #tpu.memory_space<vmem_shared>>)
      tpu.yield
    }) : () -> ()
    %dma_wait3A = tpu.memref_slice %arg2[%multiple_of3A] : memref<16384xi32, #tpu.memory_space<hbm>> -> memref<1024xi32, #tpu.memory_space<hbm>>
    %dma_wait3A_397 = tpu.memref_slice %arg2[%multiple_of3A] : memref<16384xi32, #tpu.memory_space<hbm>> -> memref<1024xi32, #tpu.memory_space<hbm>>
    tpu.wait_dma2 semaphore(%arg14 : memref<!tpu.dma_semaphore, #tpu.memory_space<semaphore_mem>>) src(%dma_wait3A_397 : memref<1024xi32, #tpu.memory_space<hbm>>) dst(%arg7 : memref<1024xi32, #tpu.memory_space<vmem>>)
    %dma_wait3A_398 = tpu.memref_slice %arg3[%multiple_of3A] : memref<16384xi32, #tpu.memory_space<hbm>> -> memref<1024xi32, #tpu.memory_space<hbm>>
    %dma_wait3A_399 = tpu.memref_slice %arg3[%multiple_of3A] : memref<16384xi32, #tpu.memory_space<hbm>> -> memref<1024xi32, #tpu.memory_space<hbm>>
    tpu.wait_dma2 semaphore(%arg14 : memref<!tpu.dma_semaphore, #tpu.memory_space<semaphore_mem>>) src(%dma_wait3A_399 : memref<1024xi32, #tpu.memory_space<hbm>>) dst(%arg8 : memref<1024xi32, #tpu.memory_space<vmem>>)
    %dma_wait3A_400 = arith.constant 0 : i32
    %dma_wait3A_401 = tpu.memref_slice %arg4[%mul3A_7, %dma_wait3A_400] : memref<32x16xi32, #tpu.memory_space<hbm>> -> memref<2x16xi32, #tpu.memory_space<hbm>>
    %dma_wait3A_402 = arith.constant 0 : i32
    %dma_wait3A_403 = tpu.memref_slice %arg4[%mul3A_7, %dma_wait3A_402] : memref<32x16xi32, #tpu.memory_space<hbm>> -> memref<2x16xi32, #tpu.memory_space<hbm>>
    tpu.wait_dma2 semaphore(%arg14 : memref<!tpu.dma_semaphore, #tpu.memory_space<semaphore_mem>>) src(%dma_wait3A_403 : memref<2x16xi32, #tpu.memory_space<hbm>>) dst(%arg9 : memref<2x16xi32, #tpu.memory_space<vmem>>)
    %get3A = arith.constant 0 : i32
    %get3A_404 = arith.index_cast %get3A : i32 to index
    %get3A_405 = arith.constant 0 : index
    %get3A_406 = tpu.vector_load %arg9[%get3A_404, %get3A_405] {strides = array<i32>} : memref<2x16xi32, #tpu.memory_space<vmem>>, vector<1x16xi32>,
    %get3A_407 = vector.shape_cast %get3A_406 : vector<1x16xi32> to vector<16xi32>
    %get3A_408 = arith.constant 0 : index
    %get3A_409 = tpu.vector_load %arg7[%get3A_408] {strides = array<i32>} : memref<1024xi32, #tpu.memory_space<vmem>>, vector<16xi32>,
    %get3A_410 = vector.shape_cast %get3A_409 : vector<16xi32> to vector<16xi32>
    %get3A_411 = arith.constant 0 : index
    %get3A_412 = tpu.vector_load %arg8[%get3A_411] {strides = array<i32>} : memref<1024xi32, #tpu.memory_space<vmem>>, vector<16xi32>,
    %get3A_413 = vector.shape_cast %get3A_412 : vector<16xi32> to vector<16xi32>
    %broadcast_in_dim3A_414 = vector.shape_cast %get3A_410 : vector<16xi32> to vector<16x1xi32>
    %gather3A = vector.shape_cast %broadcast_in_dim3A_414 : vector<16x1xi32> to vector<16xi32>
    %gather3A_415 = tpu.dynamic_gather %get3A_407[%gather3A] in [0] : vector<16xi32>, vector<16xi32> -> vector<16xi32>
    %add3A = arith.addi %get3A_413, %gather3A_415 : vector<16xi32>
    %swap3A_416 = arith.constant 0 : index
    %swap3A_417 = tpu.vector_load %arg10[%swap3A_416] {strides = array<i32>} : memref<1024xi32, #tpu.memory_space<vmem>>, vector<16xi32>,
    %swap3A_418 = vector.shape_cast %swap3A_417 : vector<16xi32> to vector<16xi32>
    %swap3A_419 = vector.shape_cast %add3A : vector<16xi32> to vector<16xi32>
    tpu.vector_store %arg10[%swap3A_416], %swap3A_419 {strides = array<i32>} : memref<1024xi32, #tpu.memory_space<vmem>>, vector<16xi32>,
    %swap3A_420 = arith.constant 0 : i32
    %swap3A_421 = arith.index_cast %swap3A_420 : i32 to index
    %swap3A_422 = arith.constant 0 : index
    %swap3A_423 = tpu.vector_load %arg11[%swap3A_421, %swap3A_422] {strides = array<i32>} : memref<8x128xi32, #tpu.memory_space<vmem>>, vector<1x16xi32>,
    %swap3A_424 = vector.shape_cast %swap3A_423 : vector<1x16xi32> to vector<16xi32>
    %swap3A_425 = vector.shape_cast %add3A : vector<16xi32> to vector<1x16xi32>
    tpu.vector_store %arg11[%swap3A_421, %swap3A_422], %swap3A_425 {strides = array<i32>} : memref<8x128xi32, #tpu.memory_space<vmem>>, vector<1x16xi32>,
    %add3A_426 = arith.constant 0 : i32
    %add3A_427 = arith.addi %multiple_of3A, %add3A_426 : i32
    %add3A_428 = arith.constant 0 : i32
    %add3A_429 = arith.addi %add3A_427, %add3A_428 : i32
    %iota3A = tpu.iota {dimensions = array<i32: 0>} : vector<16xi32>
    %add3A_430 = vector.broadcast %add3A_429 : i32 to vector<16xi32>
    %add3A_431 = arith.addi %add3A_430, %iota3A : vector<16xi32>
    %swap3A_432 = arith.constant 0 : i32
    %swap3A_433 = arith.index_cast %swap3A_432 : i32 to index
    %swap3A_434 = arith.constant 0 : index
    %swap3A_435 = tpu.vector_load %arg12[%swap3A_433, %swap3A_434] {strides = array<i32>} : memref<8x128xi32, #tpu.memory_space<vmem>>, vector<1x16xi32>,
    %swap3A_436 = vector.shape_cast %swap3A_435 : vector<1x16xi32> to vector<16xi32>
    %swap3A_437 = vector.shape_cast %add3A_431 : vector<16xi32> to vector<1x16xi32>
    tpu.vector_store %arg12[%swap3A_433, %swap3A_434], %swap3A_437 {strides = array<i32>} : memref<8x128xi32, #tpu.memory_space<vmem>>, vector<1x16xi32>,
    %get3A_438 = arith.constant 16 : index
    %get3A_439 = tpu.vector_load %arg7[%get3A_438] {strides = array<i32>} : memref<1024xi32, #tpu.memory_space<vmem>>, vector<16xi32>,
    %get3A_440 = vector.shape_cast %get3A_439 : vector<16xi32> to vector<16xi32>
    %get3A_441 = arith.constant 16 : index
    %get3A_442 = tpu.vector_load %arg8[%get3A_441] {strides = array<i32>} : memref<1024xi32, #tpu.memory_space<vmem>>, vector<16xi32>,
    %get3A_443 = vector.shape_cast %get3A_442 : vector<16xi32> to vector<16xi32>
    %broadcast_in_dim3A_444 = vector.shape_cast %get3A_440 : vector<16xi32> to vector<16x1xi32>
    %gather3A_445 = vector.shape_cast %broadcast_in_dim3A_444 : vector<16x1xi32> to vector<16xi32>
    %gather3A_446 = tpu.dynamic_gather %get3A_407[%gather3A_445] in [0] : vector<16xi32>, vector<16xi32> -> vector<16xi32>
    %add3A_447 = arith.addi %get3A_443, %gather3A_446 : vector<16xi32>
    %swap3A_448 = arith.constant 16 : index
    %swap3A_449 = tpu.vector_load %arg10[%swap3A_448] {strides = array<i32>} : memref<1024xi32, #tpu.memory_space<vmem>>, vector<16xi32>,
    %swap3A_450 = vector.shape_cast %swap3A_449 : vector<16xi32> to vector<16xi32>
    %swap3A_451 = vector.shape_cast %add3A_447 : vector<16xi32> to vector<16xi32>
    tpu.vector_store %arg10[%swap3A_448], %swap3A_451 {strides = array<i32>} : memref<1024xi32, #tpu.memory_space<vmem>>, vector<16xi32>,
    %swap3A_452 = arith.constant 0 : i32
    %swap3A_453 = arith.index_cast %swap3A_452 : i32 to index
    %swap3A_454 = arith.constant 16 : index
    %swap3A_455 = tpu.vector_load %arg11[%swap3A_453, %swap3A_454] {strides = array<i32>} : memref<8x128xi32, #tpu.memory_space<vmem>>, vector<1x16xi32>,
    %swap3A_456 = vector.shape_cast %swap3A_455 : vector<1x16xi32> to vector<16xi32>
    %swap3A_457 = vector.shape_cast %add3A_447 : vector<16xi32> to vector<1x16xi32>
    tpu.vector_store %arg11[%swap3A_453, %swap3A_454], %swap3A_457 {strides = array<i32>} : memref<8x128xi32, #tpu.memory_space<vmem>>, vector<1x16xi32>,
    %add3A_458 = arith.constant 0 : i32
    %add3A_459 = arith.addi %multiple_of3A, %add3A_458 : i32
    %add3A_460 = arith.constant 16 : i32
    %add3A_461 = arith.addi %add3A_459, %add3A_460 : i32
    %iota3A_462 = tpu.iota {dimensions = array<i32: 0>} : vector<16xi32>
    %add3A_463 = vector.broadcast %add3A_461 : i32 to vector<16xi32>
    %add3A_464 = arith.addi %add3A_463, %iota3A_462 : vector<16xi32>
    %swap3A_465 = arith.constant 0 : i32
    %swap3A_466 = arith.index_cast %swap3A_465 : i32 to index
    %swap3A_467 = arith.constant 16 : index
    %swap3A_468 = tpu.vector_load %arg12[%swap3A_466, %swap3A_467] {strides = array<i32>} : memref<8x128xi32, #tpu.memory_space<vmem>>, vector<1x16xi32>,
    %swap3A_469 = vector.shape_cast %swap3A_468 : vector<1x16xi32> to vector<16xi32>
    %swap3A_470 = vector.shape_cast %add3A_464 : vector<16xi32> to vector<1x16xi32>
    tpu.vector_store %arg12[%swap3A_466, %swap3A_467], %swap3A_470 {strides = array<i32>} : memref<8x128xi32, #tpu.memory_space<vmem>>, vector<1x16xi32>,
    %get3A_471 = arith.constant 32 : index
    %get3A_472 = tpu.vector_load %arg7[%get3A_471] {strides = array<i32>} : memref<1024xi32, #tpu.memory_space<vmem>>, vector<16xi32>,
    %get3A_473 = vector.shape_cast %get3A_472 : vector<16xi32> to vector<16xi32>
    %get3A_474 = arith.constant 32 : index
    %get3A_475 = tpu.vector_load %arg8[%get3A_474] {strides = array<i32>} : memref<1024xi32, #tpu.memory_space<vmem>>, vector<16xi32>,
    %get3A_476 = vector.shape_cast %get3A_475 : vector<16xi32> to vector<16xi32>
    %broadcast_in_dim3A_477 = vector.shape_cast %get3A_473 : vector<16xi32> to vector<16x1xi32>
    %gather3A_478 = vector.shape_cast %broadcast_in_dim3A_477 : vector<16x1xi32> to vector<16xi32>
    %gather3A_479 = tpu.dynamic_gather %get3A_407[%gather3A_478] in [0] : vector<16xi32>, vector<16xi32> -> vector<16xi32>
    %add3A_480 = arith.addi %get3A_476, %gather3A_479 : vector<16xi32>
    %swap3A_481 = arith.constant 32 : index
    %swap3A_482 = tpu.vector_load %arg10[%swap3A_481] {strides = array<i32>} : memref<1024xi32, #tpu.memory_space<vmem>>, vector<16xi32>,
    %swap3A_483 = vector.shape_cast %swap3A_482 : vector<16xi32> to vector<16xi32>
    %swap3A_484 = vector.shape_cast %add3A_480 : vector<16xi32> to vector<16xi32>
    tpu.vector_store %arg10[%swap3A_481], %swap3A_484 {strides = array<i32>} : memref<1024xi32, #tpu.memory_space<vmem>>, vector<16xi32>,
    %swap3A_485 = arith.constant 0 : i32
    %swap3A_486 = arith.index_cast %swap3A_485 : i32 to index
    %swap3A_487 = arith.constant 32 : index
    %swap3A_488 = tpu.vector_load %arg11[%swap3A_486, %swap3A_487] {strides = array<i32>} : memref<8x128xi32, #tpu.memory_space<vmem>>, vector<1x16xi32>,
    %swap3A_489 = vector.shape_cast %swap3A_488 : vector<1x16xi32> to vector<16xi32>
    %swap3A_490 = vector.shape_cast %add3A_480 : vector<16xi32> to vector<1x16xi32>
    tpu.vector_store %arg11[%swap3A_486, %swap3A_487], %swap3A_490 {strides = array<i32>} : memref<8x128xi32, #tpu.memory_space<vmem>>, vector<1x16xi32>,
    %add3A_491 = arith.constant 0 : i32
    %add3A_492 = arith.addi %multiple_of3A, %add3A_491 : i32
    %add3A_493 = arith.constant 32 : i32
    %add3A_494 = arith.addi %add3A_492, %add3A_493 : i32
    %iota3A_495 = tpu.iota {dimensions = array<i32: 0>} : vector<16xi32>
    %add3A_496 = vector.broadcast %add3A_494 : i32 to vector<16xi32>
    %add3A_497 = arith.addi %add3A_496, %iota3A_495 : vector<16xi32>
    %swap3A_498 = arith.constant 0 : i32
    %swap3A_499 = arith.index_cast %swap3A_498 : i32 to index
    %swap3A_500 = arith.constant 32 : index
    %swap3A_501 = tpu.vector_load %arg12[%swap3A_499, %swap3A_500] {strides = array<i32>} : memref<8x128xi32, #tpu.memory_space<vmem>>, vector<1x16xi32>,
    %swap3A_502 = vector.shape_cast %swap3A_501 : vector<1x16xi32> to vector<16xi32>
    %swap3A_503 = vector.shape_cast %add3A_497 : vector<16xi32> to vector<1x16xi32>
    tpu.vector_store %arg12[%swap3A_499, %swap3A_500], %swap3A_503 {strides = array<i32>} : memref<8x128xi32, #tpu.memory_space<vmem>>, vector<1x16xi32>,
    %get3A_504 = arith.constant 48 : index
    %get3A_505 = tpu.vector_load %arg7[%get3A_504] {strides = array<i32>} : memref<1024xi32, #tpu.memory_space<vmem>>, vector<16xi32>,
    %get3A_506 = vector.shape_cast %get3A_505 : vector<16xi32> to vector<16xi32>
    %get3A_507 = arith.constant 48 : index
    %get3A_508 = tpu.vector_load %arg8[%get3A_507] {strides = array<i32>} : memref<1024xi32, #tpu.memory_space<vmem>>, vector<16xi32>,
    %get3A_509 = vector.shape_cast %get3A_508 : vector<16xi32> to vector<16xi32>
    %broadcast_in_dim3A_510 = vector.shape_cast %get3A_506 : vector<16xi32> to vector<16x1xi32>
    %gather3A_511 = vector.shape_cast %broadcast_in_dim3A_510 : vector<16x1xi32> to vector<16xi32>
    %gather3A_512 = tpu.dynamic_gather %get3A_407[%gather3A_511] in [0] : vector<16xi32>, vector<16xi32> -> vector<16xi32>
    %add3A_513 = arith.addi %get3A_509, %gather3A_512 : vector<16xi32>
    %swap3A_514 = arith.constant 48 : index
    %swap3A_515 = tpu.vector_load %arg10[%swap3A_514] {strides = array<i32>} : memref<1024xi32, #tpu.memory_space<vmem>>, vector<16xi32>,
    %swap3A_516 = vector.shape_cast %swap3A_515 : vector<16xi32> to vector<16xi32>
    %swap3A_517 = vector.shape_cast %add3A_513 : vector<16xi32> to vector<16xi32>
    tpu.vector_store %arg10[%swap3A_514], %swap3A_517 {strides = array<i32>} : memref<1024xi32, #tpu.memory_space<vmem>>, vector<16xi32>,
    %swap3A_518 = arith.constant 0 : i32
    %swap3A_519 = arith.index_cast %swap3A_518 : i32 to index
    %swap3A_520 = arith.constant 48 : index
    %swap3A_521 = tpu.vector_load %arg11[%swap3A_519, %swap3A_520] {strides = array<i32>} : memref<8x128xi32, #tpu.memory_space<vmem>>, vector<1x16xi32>,
    %swap3A_522 = vector.shape_cast %swap3A_521 : vector<1x16xi32> to vector<16xi32>
    %swap3A_523 = vector.shape_cast %add3A_513 : vector<16xi32> to vector<1x16xi32>
    tpu.vector_store %arg11[%swap3A_519, %swap3A_520], %swap3A_523 {strides = array<i32>} : memref<8x128xi32, #tpu.memory_space<vmem>>, vector<1x16xi32>,
    %add3A_524 = arith.constant 0 : i32
    %add3A_525 = arith.addi %multiple_of3A, %add3A_524 : i32
    %add3A_526 = arith.constant 48 : i32
    %add3A_527 = arith.addi %add3A_525, %add3A_526 : i32
    %iota3A_528 = tpu.iota {dimensions = array<i32: 0>} : vector<16xi32>
    %add3A_529 = vector.broadcast %add3A_527 : i32 to vector<16xi32>
    %add3A_530 = arith.addi %add3A_529, %iota3A_528 : vector<16xi32>
    %swap3A_531 = arith.constant 0 : i32
    %swap3A_532 = arith.index_cast %swap3A_531 : i32 to index
    %swap3A_533 = arith.constant 48 : index
    %swap3A_534 = tpu.vector_load %arg12[%swap3A_532, %swap3A_533] {strides = array<i32>} : memref<8x128xi32, #tpu.memory_space<vmem>>, vector<1x16xi32>,
    %swap3A_535 = vector.shape_cast %swap3A_534 : vector<1x16xi32> to vector<16xi32>
    %swap3A_536 = vector.shape_cast %add3A_530 : vector<16xi32> to vector<1x16xi32>
    tpu.vector_store %arg12[%swap3A_532, %swap3A_533], %swap3A_536 {strides = array<i32>} : memref<8x128xi32, #tpu.memory_space<vmem>>, vector<1x16xi32>,
    %get3A_537 = arith.constant 64 : index
    %get3A_538 = tpu.vector_load %arg7[%get3A_537] {strides = array<i32>} : memref<1024xi32, #tpu.memory_space<vmem>>, vector<16xi32>,
    %get3A_539 = vector.shape_cast %get3A_538 : vector<16xi32> to vector<16xi32>
    %get3A_540 = arith.constant 64 : index
    %get3A_541 = tpu.vector_load %arg8[%get3A_540] {strides = array<i32>} : memref<1024xi32, #tpu.memory_space<vmem>>, vector<16xi32>,
    %get3A_542 = vector.shape_cast %get3A_541 : vector<16xi32> to vector<16xi32>
    %broadcast_in_dim3A_543 = vector.shape_cast %get3A_539 : vector<16xi32> to vector<16x1xi32>
    %gather3A_544 = vector.shape_cast %broadcast_in_dim3A_543 : vector<16x1xi32> to vector<16xi32>
    %gather3A_545 = tpu.dynamic_gather %get3A_407[%gather3A_544] in [0] : vector<16xi32>, vector<16xi32> -> vector<16xi32>
    %add3A_546 = arith.addi %get3A_542, %gather3A_545 : vector<16xi32>
    %swap3A_547 = arith.constant 64 : index
    %swap3A_548 = tpu.vector_load %arg10[%swap3A_547] {strides = array<i32>} : memref<1024xi32, #tpu.memory_space<vmem>>, vector<16xi32>,
    %swap3A_549 = vector.shape_cast %swap3A_548 : vector<16xi32> to vector<16xi32>
    %swap3A_550 = vector.shape_cast %add3A_546 : vector<16xi32> to vector<16xi32>
    tpu.vector_store %arg10[%swap3A_547], %swap3A_550 {strides = array<i32>} : memref<1024xi32, #tpu.memory_space<vmem>>, vector<16xi32>,
    %swap3A_551 = arith.constant 0 : i32
    %swap3A_552 = arith.index_cast %swap3A_551 : i32 to index
    %swap3A_553 = arith.constant 64 : index
    %swap3A_554 = tpu.vector_load %arg11[%swap3A_552, %swap3A_553] {strides = array<i32>} : memref<8x128xi32, #tpu.memory_space<vmem>>, vector<1x16xi32>,
    %swap3A_555 = vector.shape_cast %swap3A_554 : vector<1x16xi32> to vector<16xi32>
    %swap3A_556 = vector.shape_cast %add3A_546 : vector<16xi32> to vector<1x16xi32>
    tpu.vector_store %arg11[%swap3A_552, %swap3A_553], %swap3A_556 {strides = array<i32>} : memref<8x128xi32, #tpu.memory_space<vmem>>, vector<1x16xi32>,
    %add3A_557 = arith.constant 0 : i32
    %add3A_558 = arith.addi %multiple_of3A, %add3A_557 : i32
    %add3A_559 = arith.constant 64 : i32
    %add3A_560 = arith.addi %add3A_558, %add3A_559 : i32
    %iota3A_561 = tpu.iota {dimensions = array<i32: 0>} : vector<16xi32>
    %add3A_562 = vector.broadcast %add3A_560 : i32 to vector<16xi32>
    %add3A_563 = arith.addi %add3A_562, %iota3A_561 : vector<16xi32>
    %swap3A_564 = arith.constant 0 : i32
    %swap3A_565 = arith.index_cast %swap3A_564 : i32 to index
    %swap3A_566 = arith.constant 64 : index
    %swap3A_567 = tpu.vector_load %arg12[%swap3A_565, %swap3A_566] {strides = array<i32>} : memref<8x128xi32, #tpu.memory_space<vmem>>, vector<1x16xi32>,
    %swap3A_568 = vector.shape_cast %swap3A_567 : vector<1x16xi32> to vector<16xi32>
    %swap3A_569 = vector.shape_cast %add3A_563 : vector<16xi32> to vector<1x16xi32>
    tpu.vector_store %arg12[%swap3A_565, %swap3A_566], %swap3A_569 {strides = array<i32>} : memref<8x128xi32, #tpu.memory_space<vmem>>, vector<1x16xi32>,
    %get3A_570 = arith.constant 80 : index
    %get3A_571 = tpu.vector_load %arg7[%get3A_570] {strides = array<i32>} : memref<1024xi32, #tpu.memory_space<vmem>>, vector<16xi32>,
    %get3A_572 = vector.shape_cast %get3A_571 : vector<16xi32> to vector<16xi32>
    %get3A_573 = arith.constant 80 : index
    %get3A_574 = tpu.vector_load %arg8[%get3A_573] {strides = array<i32>} : memref<1024xi32, #tpu.memory_space<vmem>>, vector<16xi32>,
    %get3A_575 = vector.shape_cast %get3A_574 : vector<16xi32> to vector<16xi32>
    %broadcast_in_dim3A_576 = vector.shape_cast %get3A_572 : vector<16xi32> to vector<16x1xi32>
    %gather3A_577 = vector.shape_cast %broadcast_in_dim3A_576 : vector<16x1xi32> to vector<16xi32>
    %gather3A_578 = tpu.dynamic_gather %get3A_407[%gather3A_577] in [0] : vector<16xi32>, vector<16xi32> -> vector<16xi32>
    %add3A_579 = arith.addi %get3A_575, %gather3A_578 : vector<16xi32>
    %swap3A_580 = arith.constant 80 : index
    %swap3A_581 = tpu.vector_load %arg10[%swap3A_580] {strides = array<i32>} : memref<1024xi32, #tpu.memory_space<vmem>>, vector<16xi32>,
    %swap3A_582 = vector.shape_cast %swap3A_581 : vector<16xi32> to vector<16xi32>
    %swap3A_583 = vector.shape_cast %add3A_579 : vector<16xi32> to vector<16xi32>
    tpu.vector_store %arg10[%swap3A_580], %swap3A_583 {strides = array<i32>} : memref<1024xi32, #tpu.memory_space<vmem>>, vector<16xi32>,
    %swap3A_584 = arith.constant 0 : i32
    %swap3A_585 = arith.index_cast %swap3A_584 : i32 to index
    %swap3A_586 = arith.constant 80 : index
    %swap3A_587 = tpu.vector_load %arg11[%swap3A_585, %swap3A_586] {strides = array<i32>} : memref<8x128xi32, #tpu.memory_space<vmem>>, vector<1x16xi32>,
    %swap3A_588 = vector.shape_cast %swap3A_587 : vector<1x16xi32> to vector<16xi32>
    %swap3A_589 = vector.shape_cast %add3A_579 : vector<16xi32> to vector<1x16xi32>
    tpu.vector_store %arg11[%swap3A_585, %swap3A_586], %swap3A_589 {strides = array<i32>} : memref<8x128xi32, #tpu.memory_space<vmem>>, vector<1x16xi32>,
    %add3A_590 = arith.constant 0 : i32
    %add3A_591 = arith.addi %multiple_of3A, %add3A_590 : i32
    %add3A_592 = arith.constant 80 : i32
    %add3A_593 = arith.addi %add3A_591, %add3A_592 : i32
    %iota3A_594 = tpu.iota {dimensions = array<i32: 0>} : vector<16xi32>
    %add3A_595 = vector.broadcast %add3A_593 : i32 to vector<16xi32>
    %add3A_596 = arith.addi %add3A_595, %iota3A_594 : vector<16xi32>
    %swap3A_597 = arith.constant 0 : i32
    %swap3A_598 = arith.index_cast %swap3A_597 : i32 to index
    %swap3A_599 = arith.constant 80 : index
    %swap3A_600 = tpu.vector_load %arg12[%swap3A_598, %swap3A_599] {strides = array<i32>} : memref<8x128xi32, #tpu.memory_space<vmem>>, vector<1x16xi32>,
    %swap3A_601 = vector.shape_cast %swap3A_600 : vector<1x16xi32> to vector<16xi32>
    %swap3A_602 = vector.shape_cast %add3A_596 : vector<16xi32> to vector<1x16xi32>
    tpu.vector_store %arg12[%swap3A_598, %swap3A_599], %swap3A_602 {strides = array<i32>} : memref<8x128xi32, #tpu.memory_space<vmem>>, vector<1x16xi32>,
    %get3A_603 = arith.constant 96 : index
    %get3A_604 = tpu.vector_load %arg7[%get3A_603] {strides = array<i32>} : memref<1024xi32, #tpu.memory_space<vmem>>, vector<16xi32>,
    %get3A_605 = vector.shape_cast %get3A_604 : vector<16xi32> to vector<16xi32>
    %get3A_606 = arith.constant 96 : index
    %get3A_607 = tpu.vector_load %arg8[%get3A_606] {strides = array<i32>} : memref<1024xi32, #tpu.memory_space<vmem>>, vector<16xi32>,
    %get3A_608 = vector.shape_cast %get3A_607 : vector<16xi32> to vector<16xi32>
    %broadcast_in_dim3A_609 = vector.shape_cast %get3A_605 : vector<16xi32> to vector<16x1xi32>
    %gather3A_610 = vector.shape_cast %broadcast_in_dim3A_609 : vector<16x1xi32> to vector<16xi32>
    %gather3A_611 = tpu.dynamic_gather %get3A_407[%gather3A_610] in [0] : vector<16xi32>, vector<16xi32> -> vector<16xi32>
    %add3A_612 = arith.addi %get3A_608, %gather3A_611 : vector<16xi32>
    %swap3A_613 = arith.constant 96 : index
    %swap3A_614 = tpu.vector_load %arg10[%swap3A_613] {strides = array<i32>} : memref<1024xi32, #tpu.memory_space<vmem>>, vector<16xi32>,
    %swap3A_615 = vector.shape_cast %swap3A_614 : vector<16xi32> to vector<16xi32>
    %swap3A_616 = vector.shape_cast %add3A_612 : vector<16xi32> to vector<16xi32>
    tpu.vector_store %arg10[%swap3A_613], %swap3A_616 {strides = array<i32>} : memref<1024xi32, #tpu.memory_space<vmem>>, vector<16xi32>,
    %swap3A_617 = arith.constant 0 : i32
    %swap3A_618 = arith.index_cast %swap3A_617 : i32 to index
    %swap3A_619 = arith.constant 96 : index
    %swap3A_620 = tpu.vector_load %arg11[%swap3A_618, %swap3A_619] {strides = array<i32>} : memref<8x128xi32, #tpu.memory_space<vmem>>, vector<1x16xi32>,
    %swap3A_621 = vector.shape_cast %swap3A_620 : vector<1x16xi32> to vector<16xi32>
    %swap3A_622 = vector.shape_cast %add3A_612 : vector<16xi32> to vector<1x16xi32>
    tpu.vector_store %arg11[%swap3A_618, %swap3A_619], %swap3A_622 {strides = array<i32>} : memref<8x128xi32, #tpu.memory_space<vmem>>, vector<1x16xi32>,
    %add3A_623 = arith.constant 0 : i32
    %add3A_624 = arith.addi %multiple_of3A, %add3A_623 : i32
    %add3A_625 = arith.constant 96 : i32
    %add3A_626 = arith.addi %add3A_624, %add3A_625 : i32
    %iota3A_627 = tpu.iota {dimensions = array<i32: 0>} : vector<16xi32>
    %add3A_628 = vector.broadcast %add3A_626 : i32 to vector<16xi32>
    %add3A_629 = arith.addi %add3A_628, %iota3A_627 : vector<16xi32>
    %swap3A_630 = arith.constant 0 : i32
    %swap3A_631 = arith.index_cast %swap3A_630 : i32 to index
    %swap3A_632 = arith.constant 96 : index
    %swap3A_633 = tpu.vector_load %arg12[%swap3A_631, %swap3A_632] {strides = array<i32>} : memref<8x128xi32, #tpu.memory_space<vmem>>, vector<1x16xi32>,
    %swap3A_634 = vector.shape_cast %swap3A_633 : vector<1x16xi32> to vector<16xi32>
    %swap3A_635 = vector.shape_cast %add3A_629 : vector<16xi32> to vector<1x16xi32>
    tpu.vector_store %arg12[%swap3A_631, %swap3A_632], %swap3A_635 {strides = array<i32>} : memref<8x128xi32, #tpu.memory_space<vmem>>, vector<1x16xi32>,
    %get3A_636 = arith.constant 112 : index
    %get3A_637 = tpu.vector_load %arg7[%get3A_636] {strides = array<i32>} : memref<1024xi32, #tpu.memory_space<vmem>>, vector<16xi32>,
    %get3A_638 = vector.shape_cast %get3A_637 : vector<16xi32> to vector<16xi32>
    %get3A_639 = arith.constant 112 : index
    %get3A_640 = tpu.vector_load %arg8[%get3A_639] {strides = array<i32>} : memref<1024xi32, #tpu.memory_space<vmem>>, vector<16xi32>,
    %get3A_641 = vector.shape_cast %get3A_640 : vector<16xi32> to vector<16xi32>
    %broadcast_in_dim3A_642 = vector.shape_cast %get3A_638 : vector<16xi32> to vector<16x1xi32>
    %gather3A_643 = vector.shape_cast %broadcast_in_dim3A_642 : vector<16x1xi32> to vector<16xi32>
    %gather3A_644 = tpu.dynamic_gather %get3A_407[%gather3A_643] in [0] : vector<16xi32>, vector<16xi32> -> vector<16xi32>
    %add3A_645 = arith.addi %get3A_641, %gather3A_644 : vector<16xi32>
    %swap3A_646 = arith.constant 112 : index
    %swap3A_647 = tpu.vector_load %arg10[%swap3A_646] {strides = array<i32>} : memref<1024xi32, #tpu.memory_space<vmem>>, vector<16xi32>,
    %swap3A_648 = vector.shape_cast %swap3A_647 : vector<16xi32> to vector<16xi32>
    %swap3A_649 = vector.shape_cast %add3A_645 : vector<16xi32> to vector<16xi32>
    tpu.vector_store %arg10[%swap3A_646], %swap3A_649 {strides = array<i32>} : memref<1024xi32, #tpu.memory_space<vmem>>, vector<16xi32>,
    %swap3A_650 = arith.constant 0 : i32
    %swap3A_651 = arith.index_cast %swap3A_650 : i32 to index
    %swap3A_652 = arith.constant 112 : index
    %swap3A_653 = tpu.vector_load %arg11[%swap3A_651, %swap3A_652] {strides = array<i32>} : memref<8x128xi32, #tpu.memory_space<vmem>>, vector<1x16xi32>,
    %swap3A_654 = vector.shape_cast %swap3A_653 : vector<1x16xi32> to vector<16xi32>
    %swap3A_655 = vector.shape_cast %add3A_645 : vector<16xi32> to vector<1x16xi32>
    tpu.vector_store %arg11[%swap3A_651, %swap3A_652], %swap3A_655 {strides = array<i32>} : memref<8x128xi32, #tpu.memory_space<vmem>>, vector<1x16xi32>,
    %add3A_656 = arith.constant 0 : i32
    %add3A_657 = arith.addi %multiple_of3A, %add3A_656 : i32
    %add3A_658 = arith.constant 112 : i32
    %add3A_659 = arith.addi %add3A_657, %add3A_658 : i32
    %iota3A_660 = tpu.iota {dimensions = array<i32: 0>} : vector<16xi32>
    %add3A_661 = vector.broadcast %add3A_659 : i32 to vector<16xi32>
    %add3A_662 = arith.addi %add3A_661, %iota3A_660 : vector<16xi32>
    %swap3A_663 = arith.constant 0 : i32
    %swap3A_664 = arith.index_cast %swap3A_663 : i32 to index
    %swap3A_665 = arith.constant 112 : index
    %swap3A_666 = tpu.vector_load %arg12[%swap3A_664, %swap3A_665] {strides = array<i32>} : memref<8x128xi32, #tpu.memory_space<vmem>>, vector<1x16xi32>,
    %swap3A_667 = vector.shape_cast %swap3A_666 : vector<1x16xi32> to vector<16xi32>
    %swap3A_668 = vector.shape_cast %add3A_662 : vector<16xi32> to vector<1x16xi32>
    tpu.vector_store %arg12[%swap3A_664, %swap3A_665], %swap3A_668 {strides = array<i32>} : memref<8x128xi32, #tpu.memory_space<vmem>>, vector<1x16xi32>,
    %get3A_669 = arith.constant 128 : index
    %get3A_670 = tpu.vector_load %arg7[%get3A_669] {strides = array<i32>} : memref<1024xi32, #tpu.memory_space<vmem>>, vector<16xi32>,
    %get3A_671 = vector.shape_cast %get3A_670 : vector<16xi32> to vector<16xi32>
    %get3A_672 = arith.constant 128 : index
    %get3A_673 = tpu.vector_load %arg8[%get3A_672] {strides = array<i32>} : memref<1024xi32, #tpu.memory_space<vmem>>, vector<16xi32>,
    %get3A_674 = vector.shape_cast %get3A_673 : vector<16xi32> to vector<16xi32>
    %broadcast_in_dim3A_675 = vector.shape_cast %get3A_671 : vector<16xi32> to vector<16x1xi32>
    %gather3A_676 = vector.shape_cast %broadcast_in_dim3A_675 : vector<16x1xi32> to vector<16xi32>
    %gather3A_677 = tpu.dynamic_gather %get3A_407[%gather3A_676] in [0] : vector<16xi32>, vector<16xi32> -> vector<16xi32>
    %add3A_678 = arith.addi %get3A_674, %gather3A_677 : vector<16xi32>
    %swap3A_679 = arith.constant 128 : index
    %swap3A_680 = tpu.vector_load %arg10[%swap3A_679] {strides = array<i32>} : memref<1024xi32, #tpu.memory_space<vmem>>, vector<16xi32>,
    %swap3A_681 = vector.shape_cast %swap3A_680 : vector<16xi32> to vector<16xi32>
    %swap3A_682 = vector.shape_cast %add3A_678 : vector<16xi32> to vector<16xi32>
    tpu.vector_store %arg10[%swap3A_679], %swap3A_682 {strides = array<i32>} : memref<1024xi32, #tpu.memory_space<vmem>>, vector<16xi32>,
    %swap3A_683 = arith.constant 1 : i32
    %swap3A_684 = arith.index_cast %swap3A_683 : i32 to index
    %swap3A_685 = arith.constant 0 : index
    %swap3A_686 = tpu.vector_load %arg11[%swap3A_684, %swap3A_685] {strides = array<i32>} : memref<8x128xi32, #tpu.memory_space<vmem>>, vector<1x16xi32>,
    %swap3A_687 = vector.shape_cast %swap3A_686 : vector<1x16xi32> to vector<16xi32>
    %swap3A_688 = vector.shape_cast %add3A_678 : vector<16xi32> to vector<1x16xi32>
    tpu.vector_store %arg11[%swap3A_684, %swap3A_685], %swap3A_688 {strides = array<i32>} : memref<8x128xi32, #tpu.memory_space<vmem>>, vector<1x16xi32>,
    %add3A_689 = arith.constant 0 : i32
    %add3A_690 = arith.addi %multiple_of3A, %add3A_689 : i32
    %add3A_691 = arith.constant 128 : i32
    %add3A_692 = arith.addi %add3A_690, %add3A_691 : i32
    %iota3A_693 = tpu.iota {dimensions = array<i32: 0>} : vector<16xi32>
    %add3A_694 = vector.broadcast %add3A_692 : i32 to vector<16xi32>
    %add3A_695 = arith.addi %add3A_694, %iota3A_693 : vector<16xi32>
    %swap3A_696 = arith.constant 1 : i32
    %swap3A_697 = arith.index_cast %swap3A_696 : i32 to index
    %swap3A_698 = arith.constant 0 : index
    %swap3A_699 = tpu.vector_load %arg12[%swap3A_697, %swap3A_698] {strides = array<i32>} : memref<8x128xi32, #tpu.memory_space<vmem>>, vector<1x16xi32>,
    %swap3A_700 = vector.shape_cast %swap3A_699 : vector<1x16xi32> to vector<16xi32>
    %swap3A_701 = vector.shape_cast %add3A_695 : vector<16xi32> to vector<1x16xi32>
    tpu.vector_store %arg12[%swap3A_697, %swap3A_698], %swap3A_701 {strides = array<i32>} : memref<8x128xi32, #tpu.memory_space<vmem>>, vector<1x16xi32>,
    %get3A_702 = arith.constant 144 : index
    %get3A_703 = tpu.vector_load %arg7[%get3A_702] {strides = array<i32>} : memref<1024xi32, #tpu.memory_space<vmem>>, vector<16xi32>,
    %get3A_704 = vector.shape_cast %get3A_703 : vector<16xi32> to vector<16xi32>
    %get3A_705 = arith.constant 144 : index
    %get3A_706 = tpu.vector_load %arg8[%get3A_705] {strides = array<i32>} : memref<1024xi32, #tpu.memory_space<vmem>>, vector<16xi32>,
    %get3A_707 = vector.shape_cast %get3A_706 : vector<16xi32> to vector<16xi32>
    %broadcast_in_dim3A_708 = vector.shape_cast %get3A_704 : vector<16xi32> to vector<16x1xi32>
    %gather3A_709 = vector.shape_cast %broadcast_in_dim3A_708 : vector<16x1xi32> to vector<16xi32>
    %gather3A_710 = tpu.dynamic_gather %get3A_407[%gather3A_709] in [0] : vector<16xi32>, vector<16xi32> -> vector<16xi32>
    %add3A_711 = arith.addi %get3A_707, %gather3A_710 : vector<16xi32>
    %swap3A_712 = arith.constant 144 : index
    %swap3A_713 = tpu.vector_load %arg10[%swap3A_712] {strides = array<i32>} : memref<1024xi32, #tpu.memory_space<vmem>>, vector<16xi32>,
    %swap3A_714 = vector.shape_cast %swap3A_713 : vector<16xi32> to vector<16xi32>
    %swap3A_715 = vector.shape_cast %add3A_711 : vector<16xi32> to vector<16xi32>
    tpu.vector_store %arg10[%swap3A_712], %swap3A_715 {strides = array<i32>} : memref<1024xi32, #tpu.memory_space<vmem>>, vector<16xi32>,
    %swap3A_716 = arith.constant 1 : i32
    %swap3A_717 = arith.index_cast %swap3A_716 : i32 to index
    %swap3A_718 = arith.constant 16 : index
    %swap3A_719 = tpu.vector_load %arg11[%swap3A_717, %swap3A_718] {strides = array<i32>} : memref<8x128xi32, #tpu.memory_space<vmem>>, vector<1x16xi32>,
    %swap3A_720 = vector.shape_cast %swap3A_719 : vector<1x16xi32> to vector<16xi32>
    %swap3A_721 = vector.shape_cast %add3A_711 : vector<16xi32> to vector<1x16xi32>
    tpu.vector_store %arg11[%swap3A_717, %swap3A_718], %swap3A_721 {strides = array<i32>} : memref<8x128xi32, #tpu.memory_space<vmem>>, vector<1x16xi32>,
    %add3A_722 = arith.constant 0 : i32
    %add3A_723 = arith.addi %multiple_of3A, %add3A_722 : i32
    %add3A_724 = arith.constant 144 : i32
    %add3A_725 = arith.addi %add3A_723, %add3A_724 : i32
    %iota3A_726 = tpu.iota {dimensions = array<i32: 0>} : vector<16xi32>
    %add3A_727 = vector.broadcast %add3A_725 : i32 to vector<16xi32>
    %add3A_728 = arith.addi %add3A_727, %iota3A_726 : vector<16xi32>
    %swap3A_729 = arith.constant 1 : i32
    %swap3A_730 = arith.index_cast %swap3A_729 : i32 to index
    %swap3A_731 = arith.constant 16 : index
    %swap3A_732 = tpu.vector_load %arg12[%swap3A_730, %swap3A_731] {strides = array<i32>} : memref<8x128xi32, #tpu.memory_space<vmem>>, vector<1x16xi32>,
    %swap3A_733 = vector.shape_cast %swap3A_732 : vector<1x16xi32> to vector<16xi32>
    %swap3A_734 = vector.shape_cast %add3A_728 : vector<16xi32> to vector<1x16xi32>
    tpu.vector_store %arg12[%swap3A_730, %swap3A_731], %swap3A_734 {strides = array<i32>} : memref<8x128xi32, #tpu.memory_space<vmem>>, vector<1x16xi32>,
    %get3A_735 = arith.constant 160 : index
    %get3A_736 = tpu.vector_load %arg7[%get3A_735] {strides = array<i32>} : memref<1024xi32, #tpu.memory_space<vmem>>, vector<16xi32>,
    %get3A_737 = vector.shape_cast %get3A_736 : vector<16xi32> to vector<16xi32>
    %get3A_738 = arith.constant 160 : index
    %get3A_739 = tpu.vector_load %arg8[%get3A_738] {strides = array<i32>} : memref<1024xi32, #tpu.memory_space<vmem>>, vector<16xi32>,
    %get3A_740 = vector.shape_cast %get3A_739 : vector<16xi32> to vector<16xi32>
    %broadcast_in_dim3A_741 = vector.shape_cast %get3A_737 : vector<16xi32> to vector<16x1xi32>
    %gather3A_742 = vector.shape_cast %broadcast_in_dim3A_741 : vector<16x1xi32> to vector<16xi32>
    %gather3A_743 = tpu.dynamic_gather %get3A_407[%gather3A_742] in [0] : vector<16xi32>, vector<16xi32> -> vector<16xi32>
    %add3A_744 = arith.addi %get3A_740, %gather3A_743 : vector<16xi32>
    %swap3A_745 = arith.constant 160 : index
    %swap3A_746 = tpu.vector_load %arg10[%swap3A_745] {strides = array<i32>} : memref<1024xi32, #tpu.memory_space<vmem>>, vector<16xi32>,
    %swap3A_747 = vector.shape_cast %swap3A_746 : vector<16xi32> to vector<16xi32>
    %swap3A_748 = vector.shape_cast %add3A_744 : vector<16xi32> to vector<16xi32>
    tpu.vector_store %arg10[%swap3A_745], %swap3A_748 {strides = array<i32>} : memref<1024xi32, #tpu.memory_space<vmem>>, vector<16xi32>,
    %swap3A_749 = arith.constant 1 : i32
    %swap3A_750 = arith.index_cast %swap3A_749 : i32 to index
    %swap3A_751 = arith.constant 32 : index
    %swap3A_752 = tpu.vector_load %arg11[%swap3A_750, %swap3A_751] {strides = array<i32>} : memref<8x128xi32, #tpu.memory_space<vmem>>, vector<1x16xi32>,
    %swap3A_753 = vector.shape_cast %swap3A_752 : vector<1x16xi32> to vector<16xi32>
    %swap3A_754 = vector.shape_cast %add3A_744 : vector<16xi32> to vector<1x16xi32>
    tpu.vector_store %arg11[%swap3A_750, %swap3A_751], %swap3A_754 {strides = array<i32>} : memref<8x128xi32, #tpu.memory_space<vmem>>, vector<1x16xi32>,
    %add3A_755 = arith.constant 0 : i32
    %add3A_756 = arith.addi %multiple_of3A, %add3A_755 : i32
    %add3A_757 = arith.constant 160 : i32
    %add3A_758 = arith.addi %add3A_756, %add3A_757 : i32
    %iota3A_759 = tpu.iota {dimensions = array<i32: 0>} : vector<16xi32>
    %add3A_760 = vector.broadcast %add3A_758 : i32 to vector<16xi32>
    %add3A_761 = arith.addi %add3A_760, %iota3A_759 : vector<16xi32>
    %swap3A_762 = arith.constant 1 : i32
    %swap3A_763 = arith.index_cast %swap3A_762 : i32 to index
    %swap3A_764 = arith.constant 32 : index
    %swap3A_765 = tpu.vector_load %arg12[%swap3A_763, %swap3A_764] {strides = array<i32>} : memref<8x128xi32, #tpu.memory_space<vmem>>, vector<1x16xi32>,
    %swap3A_766 = vector.shape_cast %swap3A_765 : vector<1x16xi32> to vector<16xi32>
    %swap3A_767 = vector.shape_cast %add3A_761 : vector<16xi32> to vector<1x16xi32>
    tpu.vector_store %arg12[%swap3A_763, %swap3A_764], %swap3A_767 {strides = array<i32>} : memref<8x128xi32, #tpu.memory_space<vmem>>, vector<1x16xi32>,
    %get3A_768 = arith.constant 176 : index
    %get3A_769 = tpu.vector_load %arg7[%get3A_768] {strides = array<i32>} : memref<1024xi32, #tpu.memory_space<vmem>>, vector<16xi32>,
    %get3A_770 = vector.shape_cast %get3A_769 : vector<16xi32> to vector<16xi32>
    %get3A_771 = arith.constant 176 : index
    %get3A_772 = tpu.vector_load %arg8[%get3A_771] {strides = array<i32>} : memref<1024xi32, #tpu.memory_space<vmem>>, vector<16xi32>,
    %get3A_773 = vector.shape_cast %get3A_772 : vector<16xi32> to vector<16xi32>
    %broadcast_in_dim3A_774 = vector.shape_cast %get3A_770 : vector<16xi32> to vector<16x1xi32>
    %gather3A_775 = vector.shape_cast %broadcast_in_dim3A_774 : vector<16x1xi32> to vector<16xi32>
    %gather3A_776 = tpu.dynamic_gather %get3A_407[%gather3A_775] in [0] : vector<16xi32>, vector<16xi32> -> vector<16xi32>
    %add3A_777 = arith.addi %get3A_773, %gather3A_776 : vector<16xi32>
    %swap3A_778 = arith.constant 176 : index
    %swap3A_779 = tpu.vector_load %arg10[%swap3A_778] {strides = array<i32>} : memref<1024xi32, #tpu.memory_space<vmem>>, vector<16xi32>,
    %swap3A_780 = vector.shape_cast %swap3A_779 : vector<16xi32> to vector<16xi32>
    %swap3A_781 = vector.shape_cast %add3A_777 : vector<16xi32> to vector<16xi32>
    tpu.vector_store %arg10[%swap3A_778], %swap3A_781 {strides = array<i32>} : memref<1024xi32, #tpu.memory_space<vmem>>, vector<16xi32>,
    %swap3A_782 = arith.constant 1 : i32
    %swap3A_783 = arith.index_cast %swap3A_782 : i32 to index
    %swap3A_784 = arith.constant 48 : index
    %swap3A_785 = tpu.vector_load %arg11[%swap3A_783, %swap3A_784] {strides = array<i32>} : memref<8x128xi32, #tpu.memory_space<vmem>>, vector<1x16xi32>,
    %swap3A_786 = vector.shape_cast %swap3A_785 : vector<1x16xi32> to vector<16xi32>
    %swap3A_787 = vector.shape_cast %add3A_777 : vector<16xi32> to vector<1x16xi32>
    tpu.vector_store %arg11[%swap3A_783, %swap3A_784], %swap3A_787 {strides = array<i32>} : memref<8x128xi32, #tpu.memory_space<vmem>>, vector<1x16xi32>,
    %add3A_788 = arith.constant 0 : i32
    %add3A_789 = arith.addi %multiple_of3A, %add3A_788 : i32
    %add3A_790 = arith.constant 176 : i32
    %add3A_791 = arith.addi %add3A_789, %add3A_790 : i32
    %iota3A_792 = tpu.iota {dimensions = array<i32: 0>} : vector<16xi32>
    %add3A_793 = vector.broadcast %add3A_791 : i32 to vector<16xi32>
    %add3A_794 = arith.addi %add3A_793, %iota3A_792 : vector<16xi32>
    %swap3A_795 = arith.constant 1 : i32
    %swap3A_796 = arith.index_cast %swap3A_795 : i32 to index
    %swap3A_797 = arith.constant 48 : index
    %swap3A_798 = tpu.vector_load %arg12[%swap3A_796, %swap3A_797] {strides = array<i32>} : memref<8x128xi32, #tpu.memory_space<vmem>>, vector<1x16xi32>,
    %swap3A_799 = vector.shape_cast %swap3A_798 : vector<1x16xi32> to vector<16xi32>
    %swap3A_800 = vector.shape_cast %add3A_794 : vector<16xi32> to vector<1x16xi32>
    tpu.vector_store %arg12[%swap3A_796, %swap3A_797], %swap3A_800 {strides = array<i32>} : memref<8x128xi32, #tpu.memory_space<vmem>>, vector<1x16xi32>,
    %get3A_801 = arith.constant 192 : index
    %get3A_802 = tpu.vector_load %arg7[%get3A_801] {strides = array<i32>} : memref<1024xi32, #tpu.memory_space<vmem>>, vector<16xi32>,
    %get3A_803 = vector.shape_cast %get3A_802 : vector<16xi32> to vector<16xi32>
    %get3A_804 = arith.constant 192 : index
    %get3A_805 = tpu.vector_load %arg8[%get3A_804] {strides = array<i32>} : memref<1024xi32, #tpu.memory_space<vmem>>, vector<16xi32>,
    %get3A_806 = vector.shape_cast %get3A_805 : vector<16xi32> to vector<16xi32>
    %broadcast_in_dim3A_807 = vector.shape_cast %get3A_803 : vector<16xi32> to vector<16x1xi32>
    %gather3A_808 = vector.shape_cast %broadcast_in_dim3A_807 : vector<16x1xi32> to vector<16xi32>
    %gather3A_809 = tpu.dynamic_gather %get3A_407[%gather3A_808] in [0] : vector<16xi32>, vector<16xi32> -> vector<16xi32>
    %add3A_810 = arith.addi %get3A_806, %gather3A_809 : vector<16xi32>
    %swap3A_811 = arith.constant 192 : index
    %swap3A_812 = tpu.vector_load %arg10[%swap3A_811] {strides = array<i32>} : memref<1024xi32, #tpu.memory_space<vmem>>, vector<16xi32>,
    %swap3A_813 = vector.shape_cast %swap3A_812 : vector<16xi32> to vector<16xi32>
    %swap3A_814 = vector.shape_cast %add3A_810 : vector<16xi32> to vector<16xi32>
    tpu.vector_store %arg10[%swap3A_811], %swap3A_814 {strides = array<i32>} : memref<1024xi32, #tpu.memory_space<vmem>>, vector<16xi32>,
    %swap3A_815 = arith.constant 1 : i32
    %swap3A_816 = arith.index_cast %swap3A_815 : i32 to index
    %swap3A_817 = arith.constant 64 : index
    %swap3A_818 = tpu.vector_load %arg11[%swap3A_816, %swap3A_817] {strides = array<i32>} : memref<8x128xi32, #tpu.memory_space<vmem>>, vector<1x16xi32>,
    %swap3A_819 = vector.shape_cast %swap3A_818 : vector<1x16xi32> to vector<16xi32>
    %swap3A_820 = vector.shape_cast %add3A_810 : vector<16xi32> to vector<1x16xi32>
    tpu.vector_store %arg11[%swap3A_816, %swap3A_817], %swap3A_820 {strides = array<i32>} : memref<8x128xi32, #tpu.memory_space<vmem>>, vector<1x16xi32>,
    %add3A_821 = arith.constant 0 : i32
    %add3A_822 = arith.addi %multiple_of3A, %add3A_821 : i32
    %add3A_823 = arith.constant 192 : i32
    %add3A_824 = arith.addi %add3A_822, %add3A_823 : i32
    %iota3A_825 = tpu.iota {dimensions = array<i32: 0>} : vector<16xi32>
    %add3A_826 = vector.broadcast %add3A_824 : i32 to vector<16xi32>
    %add3A_827 = arith.addi %add3A_826, %iota3A_825 : vector<16xi32>
    %swap3A_828 = arith.constant 1 : i32
    %swap3A_829 = arith.index_cast %swap3A_828 : i32 to index
    %swap3A_830 = arith.constant 64 : index
    %swap3A_831 = tpu.vector_load %arg12[%swap3A_829, %swap3A_830] {strides = array<i32>} : memref<8x128xi32, #tpu.memory_space<vmem>>, vector<1x16xi32>,
    %swap3A_832 = vector.shape_cast %swap3A_831 : vector<1x16xi32> to vector<16xi32>
    %swap3A_833 = vector.shape_cast %add3A_827 : vector<16xi32> to vector<1x16xi32>
    tpu.vector_store %arg12[%swap3A_829, %swap3A_830], %swap3A_833 {strides = array<i32>} : memref<8x128xi32, #tpu.memory_space<vmem>>, vector<1x16xi32>,
    %get3A_834 = arith.constant 208 : index
    %get3A_835 = tpu.vector_load %arg7[%get3A_834] {strides = array<i32>} : memref<1024xi32, #tpu.memory_space<vmem>>, vector<16xi32>,
    %get3A_836 = vector.shape_cast %get3A_835 : vector<16xi32> to vector<16xi32>
    %get3A_837 = arith.constant 208 : index
    %get3A_838 = tpu.vector_load %arg8[%get3A_837] {strides = array<i32>} : memref<1024xi32, #tpu.memory_space<vmem>>, vector<16xi32>,
    %get3A_839 = vector.shape_cast %get3A_838 : vector<16xi32> to vector<16xi32>
    %broadcast_in_dim3A_840 = vector.shape_cast %get3A_836 : vector<16xi32> to vector<16x1xi32>
    %gather3A_841 = vector.shape_cast %broadcast_in_dim3A_840 : vector<16x1xi32> to vector<16xi32>
    %gather3A_842 = tpu.dynamic_gather %get3A_407[%gather3A_841] in [0] : vector<16xi32>, vector<16xi32> -> vector<16xi32>
    %add3A_843 = arith.addi %get3A_839, %gather3A_842 : vector<16xi32>
    %swap3A_844 = arith.constant 208 : index
    %swap3A_845 = tpu.vector_load %arg10[%swap3A_844] {strides = array<i32>} : memref<1024xi32, #tpu.memory_space<vmem>>, vector<16xi32>,
    %swap3A_846 = vector.shape_cast %swap3A_845 : vector<16xi32> to vector<16xi32>
    %swap3A_847 = vector.shape_cast %add3A_843 : vector<16xi32> to vector<16xi32>
    tpu.vector_store %arg10[%swap3A_844], %swap3A_847 {strides = array<i32>} : memref<1024xi32, #tpu.memory_space<vmem>>, vector<16xi32>,
    %swap3A_848 = arith.constant 1 : i32
    %swap3A_849 = arith.index_cast %swap3A_848 : i32 to index
    %swap3A_850 = arith.constant 80 : index
    %swap3A_851 = tpu.vector_load %arg11[%swap3A_849, %swap3A_850] {strides = array<i32>} : memref<8x128xi32, #tpu.memory_space<vmem>>, vector<1x16xi32>,
    %swap3A_852 = vector.shape_cast %swap3A_851 : vector<1x16xi32> to vector<16xi32>
    %swap3A_853 = vector.shape_cast %add3A_843 : vector<16xi32> to vector<1x16xi32>
    tpu.vector_store %arg11[%swap3A_849, %swap3A_850], %swap3A_853 {strides = array<i32>} : memref<8x128xi32, #tpu.memory_space<vmem>>, vector<1x16xi32>,
    %add3A_854 = arith.constant 0 : i32
    %add3A_855 = arith.addi %multiple_of3A, %add3A_854 : i32
    %add3A_856 = arith.constant 208 : i32
    %add3A_857 = arith.addi %add3A_855, %add3A_856 : i32
    %iota3A_858 = tpu.iota {dimensions = array<i32: 0>} : vector<16xi32>
    %add3A_859 = vector.broadcast %add3A_857 : i32 to vector<16xi32>
    %add3A_860 = arith.addi %add3A_859, %iota3A_858 : vector<16xi32>
    %swap3A_861 = arith.constant 1 : i32
    %swap3A_862 = arith.index_cast %swap3A_861 : i32 to index
    %swap3A_863 = arith.constant 80 : index
    %swap3A_864 = tpu.vector_load %arg12[%swap3A_862, %swap3A_863] {strides = array<i32>} : memref<8x128xi32, #tpu.memory_space<vmem>>, vector<1x16xi32>,
    %swap3A_865 = vector.shape_cast %swap3A_864 : vector<1x16xi32> to vector<16xi32>
    %swap3A_866 = vector.shape_cast %add3A_860 : vector<16xi32> to vector<1x16xi32>
    tpu.vector_store %arg12[%swap3A_862, %swap3A_863], %swap3A_866 {strides = array<i32>} : memref<8x128xi32, #tpu.memory_space<vmem>>, vector<1x16xi32>,
    %get3A_867 = arith.constant 224 : index
    %get3A_868 = tpu.vector_load %arg7[%get3A_867] {strides = array<i32>} : memref<1024xi32, #tpu.memory_space<vmem>>, vector<16xi32>,
    %get3A_869 = vector.shape_cast %get3A_868 : vector<16xi32> to vector<16xi32>
    %get3A_870 = arith.constant 224 : index
    %get3A_871 = tpu.vector_load %arg8[%get3A_870] {strides = array<i32>} : memref<1024xi32, #tpu.memory_space<vmem>>, vector<16xi32>,
    %get3A_872 = vector.shape_cast %get3A_871 : vector<16xi32> to vector<16xi32>
    %broadcast_in_dim3A_873 = vector.shape_cast %get3A_869 : vector<16xi32> to vector<16x1xi32>
    %gather3A_874 = vector.shape_cast %broadcast_in_dim3A_873 : vector<16x1xi32> to vector<16xi32>
    %gather3A_875 = tpu.dynamic_gather %get3A_407[%gather3A_874] in [0] : vector<16xi32>, vector<16xi32> -> vector<16xi32>
    %add3A_876 = arith.addi %get3A_872, %gather3A_875 : vector<16xi32>
    %swap3A_877 = arith.constant 224 : index
    %swap3A_878 = tpu.vector_load %arg10[%swap3A_877] {strides = array<i32>} : memref<1024xi32, #tpu.memory_space<vmem>>, vector<16xi32>,
    %swap3A_879 = vector.shape_cast %swap3A_878 : vector<16xi32> to vector<16xi32>
    %swap3A_880 = vector.shape_cast %add3A_876 : vector<16xi32> to vector<16xi32>
    tpu.vector_store %arg10[%swap3A_877], %swap3A_880 {strides = array<i32>} : memref<1024xi32, #tpu.memory_space<vmem>>, vector<16xi32>,
    %swap3A_881 = arith.constant 1 : i32
    %swap3A_882 = arith.index_cast %swap3A_881 : i32 to index
    %swap3A_883 = arith.constant 96 : index
    %swap3A_884 = tpu.vector_load %arg11[%swap3A_882, %swap3A_883] {strides = array<i32>} : memref<8x128xi32, #tpu.memory_space<vmem>>, vector<1x16xi32>,
    %swap3A_885 = vector.shape_cast %swap3A_884 : vector<1x16xi32> to vector<16xi32>
    %swap3A_886 = vector.shape_cast %add3A_876 : vector<16xi32> to vector<1x16xi32>
    tpu.vector_store %arg11[%swap3A_882, %swap3A_883], %swap3A_886 {strides = array<i32>} : memref<8x128xi32, #tpu.memory_space<vmem>>, vector<1x16xi32>,
    %add3A_887 = arith.constant 0 : i32
    %add3A_888 = arith.addi %multiple_of3A, %add3A_887 : i32
    %add3A_889 = arith.constant 224 : i32
    %add3A_890 = arith.addi %add3A_888, %add3A_889 : i32
    %iota3A_891 = tpu.iota {dimensions = array<i32: 0>} : vector<16xi32>
    %add3A_892 = vector.broadcast %add3A_890 : i32 to vector<16xi32>
    %add3A_893 = arith.addi %add3A_892, %iota3A_891 : vector<16xi32>
    %swap3A_894 = arith.constant 1 : i32
    %swap3A_895 = arith.index_cast %swap3A_894 : i32 to index
    %swap3A_896 = arith.constant 96 : index
    %swap3A_897 = tpu.vector_load %arg12[%swap3A_895, %swap3A_896] {strides = array<i32>} : memref<8x128xi32, #tpu.memory_space<vmem>>, vector<1x16xi32>,
    %swap3A_898 = vector.shape_cast %swap3A_897 : vector<1x16xi32> to vector<16xi32>
    %swap3A_899 = vector.shape_cast %add3A_893 : vector<16xi32> to vector<1x16xi32>
    tpu.vector_store %arg12[%swap3A_895, %swap3A_896], %swap3A_899 {strides = array<i32>} : memref<8x128xi32, #tpu.memory_space<vmem>>, vector<1x16xi32>,
    %get3A_900 = arith.constant 240 : index
    %get3A_901 = tpu.vector_load %arg7[%get3A_900] {strides = array<i32>} : memref<1024xi32, #tpu.memory_space<vmem>>, vector<16xi32>,
    %get3A_902 = vector.shape_cast %get3A_901 : vector<16xi32> to vector<16xi32>
    %get3A_903 = arith.constant 240 : index
    %get3A_904 = tpu.vector_load %arg8[%get3A_903] {strides = array<i32>} : memref<1024xi32, #tpu.memory_space<vmem>>, vector<16xi32>,
    %get3A_905 = vector.shape_cast %get3A_904 : vector<16xi32> to vector<16xi32>
    %broadcast_in_dim3A_906 = vector.shape_cast %get3A_902 : vector<16xi32> to vector<16x1xi32>
    %gather3A_907 = vector.shape_cast %broadcast_in_dim3A_906 : vector<16x1xi32> to vector<16xi32>
    %gather3A_908 = tpu.dynamic_gather %get3A_407[%gather3A_907] in [0] : vector<16xi32>, vector<16xi32> -> vector<16xi32>
    %add3A_909 = arith.addi %get3A_905, %gather3A_908 : vector<16xi32>
    %swap3A_910 = arith.constant 240 : index
    %swap3A_911 = tpu.vector_load %arg10[%swap3A_910] {strides = array<i32>} : memref<1024xi32, #tpu.memory_space<vmem>>, vector<16xi32>,
    %swap3A_912 = vector.shape_cast %swap3A_911 : vector<16xi32> to vector<16xi32>
    %swap3A_913 = vector.shape_cast %add3A_909 : vector<16xi32> to vector<16xi32>
    tpu.vector_store %arg10[%swap3A_910], %swap3A_913 {strides = array<i32>} : memref<1024xi32, #tpu.memory_space<vmem>>, vector<16xi32>,
    %swap3A_914 = arith.constant 1 : i32
    %swap3A_915 = arith.index_cast %swap3A_914 : i32 to index
    %swap3A_916 = arith.constant 112 : index
    %swap3A_917 = tpu.vector_load %arg11[%swap3A_915, %swap3A_916] {strides = array<i32>} : memref<8x128xi32, #tpu.memory_space<vmem>>, vector<1x16xi32>,
    %swap3A_918 = vector.shape_cast %swap3A_917 : vector<1x16xi32> to vector<16xi32>
    %swap3A_919 = vector.shape_cast %add3A_909 : vector<16xi32> to vector<1x16xi32>
    tpu.vector_store %arg11[%swap3A_915, %swap3A_916], %swap3A_919 {strides = array<i32>} : memref<8x128xi32, #tpu.memory_space<vmem>>, vector<1x16xi32>,
    %add3A_920 = arith.constant 0 : i32
    %add3A_921 = arith.addi %multiple_of3A, %add3A_920 : i32
    %add3A_922 = arith.constant 240 : i32
    %add3A_923 = arith.addi %add3A_921, %add3A_922 : i32
    %iota3A_924 = tpu.iota {dimensions = array<i32: 0>} : vector<16xi32>
    %add3A_925 = vector.broadcast %add3A_923 : i32 to vector<16xi32>
    %add3A_926 = arith.addi %add3A_925, %iota3A_924 : vector<16xi32>
    %swap3A_927 = arith.constant 1 : i32
    %swap3A_928 = arith.index_cast %swap3A_927 : i32 to index
    %swap3A_929 = arith.constant 112 : index
    %swap3A_930 = tpu.vector_load %arg12[%swap3A_928, %swap3A_929] {strides = array<i32>} : memref<8x128xi32, #tpu.memory_space<vmem>>, vector<1x16xi32>,
    %swap3A_931 = vector.shape_cast %swap3A_930 : vector<1x16xi32> to vector<16xi32>
    %swap3A_932 = vector.shape_cast %add3A_926 : vector<16xi32> to vector<1x16xi32>
    tpu.vector_store %arg12[%swap3A_928, %swap3A_929], %swap3A_932 {strides = array<i32>} : memref<8x128xi32, #tpu.memory_space<vmem>>, vector<1x16xi32>,
    %get3A_933 = arith.constant 256 : index
    %get3A_934 = tpu.vector_load %arg7[%get3A_933] {strides = array<i32>} : memref<1024xi32, #tpu.memory_space<vmem>>, vector<16xi32>,
    %get3A_935 = vector.shape_cast %get3A_934 : vector<16xi32> to vector<16xi32>
    %get3A_936 = arith.constant 256 : index
    %get3A_937 = tpu.vector_load %arg8[%get3A_936] {strides = array<i32>} : memref<1024xi32, #tpu.memory_space<vmem>>, vector<16xi32>,
    %get3A_938 = vector.shape_cast %get3A_937 : vector<16xi32> to vector<16xi32>
    %broadcast_in_dim3A_939 = vector.shape_cast %get3A_935 : vector<16xi32> to vector<16x1xi32>
    %gather3A_940 = vector.shape_cast %broadcast_in_dim3A_939 : vector<16x1xi32> to vector<16xi32>
    %gather3A_941 = tpu.dynamic_gather %get3A_407[%gather3A_940] in [0] : vector<16xi32>, vector<16xi32> -> vector<16xi32>
    %add3A_942 = arith.addi %get3A_938, %gather3A_941 : vector<16xi32>
    %swap3A_943 = arith.constant 256 : index
    %swap3A_944 = tpu.vector_load %arg10[%swap3A_943] {strides = array<i32>} : memref<1024xi32, #tpu.memory_space<vmem>>, vector<16xi32>,
    %swap3A_945 = vector.shape_cast %swap3A_944 : vector<16xi32> to vector<16xi32>
    %swap3A_946 = vector.shape_cast %add3A_942 : vector<16xi32> to vector<16xi32>
    tpu.vector_store %arg10[%swap3A_943], %swap3A_946 {strides = array<i32>} : memref<1024xi32, #tpu.memory_space<vmem>>, vector<16xi32>,
    %swap3A_947 = arith.constant 2 : i32
    %swap3A_948 = arith.index_cast %swap3A_947 : i32 to index
    %swap3A_949 = arith.constant 0 : index
    %swap3A_950 = tpu.vector_load %arg11[%swap3A_948, %swap3A_949] {strides = array<i32>} : memref<8x128xi32, #tpu.memory_space<vmem>>, vector<1x16xi32>,
    %swap3A_951 = vector.shape_cast %swap3A_950 : vector<1x16xi32> to vector<16xi32>
    %swap3A_952 = vector.shape_cast %add3A_942 : vector<16xi32> to vector<1x16xi32>
    tpu.vector_store %arg11[%swap3A_948, %swap3A_949], %swap3A_952 {strides = array<i32>} : memref<8x128xi32, #tpu.memory_space<vmem>>, vector<1x16xi32>,
    %add3A_953 = arith.constant 0 : i32
    %add3A_954 = arith.addi %multiple_of3A, %add3A_953 : i32
    %add3A_955 = arith.constant 256 : i32
    %add3A_956 = arith.addi %add3A_954, %add3A_955 : i32
    %iota3A_957 = tpu.iota {dimensions = array<i32: 0>} : vector<16xi32>
    %add3A_958 = vector.broadcast %add3A_956 : i32 to vector<16xi32>
    %add3A_959 = arith.addi %add3A_958, %iota3A_957 : vector<16xi32>
    %swap3A_960 = arith.constant 2 : i32
    %swap3A_961 = arith.index_cast %swap3A_960 : i32 to index
    %swap3A_962 = arith.constant 0 : index
    %swap3A_963 = tpu.vector_load %arg12[%swap3A_961, %swap3A_962] {strides = array<i32>} : memref<8x128xi32, #tpu.memory_space<vmem>>, vector<1x16xi32>,
    %swap3A_964 = vector.shape_cast %swap3A_963 : vector<1x16xi32> to vector<16xi32>
    %swap3A_965 = vector.shape_cast %add3A_959 : vector<16xi32> to vector<1x16xi32>
    tpu.vector_store %arg12[%swap3A_961, %swap3A_962], %swap3A_965 {strides = array<i32>} : memref<8x128xi32, #tpu.memory_space<vmem>>, vector<1x16xi32>,
    %get3A_966 = arith.constant 272 : index
    %get3A_967 = tpu.vector_load %arg7[%get3A_966] {strides = array<i32>} : memref<1024xi32, #tpu.memory_space<vmem>>, vector<16xi32>,
    %get3A_968 = vector.shape_cast %get3A_967 : vector<16xi32> to vector<16xi32>
    %get3A_969 = arith.constant 272 : index
    %get3A_970 = tpu.vector_load %arg8[%get3A_969] {strides = array<i32>} : memref<1024xi32, #tpu.memory_space<vmem>>, vector<16xi32>,
    %get3A_971 = vector.shape_cast %get3A_970 : vector<16xi32> to vector<16xi32>
    %broadcast_in_dim3A_972 = vector.shape_cast %get3A_968 : vector<16xi32> to vector<16x1xi32>
    %gather3A_973 = vector.shape_cast %broadcast_in_dim3A_972 : vector<16x1xi32> to vector<16xi32>
    %gather3A_974 = tpu.dynamic_gather %get3A_407[%gather3A_973] in [0] : vector<16xi32>, vector<16xi32> -> vector<16xi32>
    %add3A_975 = arith.addi %get3A_971, %gather3A_974 : vector<16xi32>
    %swap3A_976 = arith.constant 272 : index
    %swap3A_977 = tpu.vector_load %arg10[%swap3A_976] {strides = array<i32>} : memref<1024xi32, #tpu.memory_space<vmem>>, vector<16xi32>,
    %swap3A_978 = vector.shape_cast %swap3A_977 : vector<16xi32> to vector<16xi32>
    %swap3A_979 = vector.shape_cast %add3A_975 : vector<16xi32> to vector<16xi32>
    tpu.vector_store %arg10[%swap3A_976], %swap3A_979 {strides = array<i32>} : memref<1024xi32, #tpu.memory_space<vmem>>, vector<16xi32>,
    %swap3A_980 = arith.constant 2 : i32
    %swap3A_981 = arith.index_cast %swap3A_980 : i32 to index
    %swap3A_982 = arith.constant 16 : index
    %swap3A_983 = tpu.vector_load %arg11[%swap3A_981, %swap3A_982] {strides = array<i32>} : memref<8x128xi32, #tpu.memory_space<vmem>>, vector<1x16xi32>,
    %swap3A_984 = vector.shape_cast %swap3A_983 : vector<1x16xi32> to vector<16xi32>
    %swap3A_985 = vector.shape_cast %add3A_975 : vector<16xi32> to vector<1x16xi32>
    tpu.vector_store %arg11[%swap3A_981, %swap3A_982], %swap3A_985 {strides = array<i32>} : memref<8x128xi32, #tpu.memory_space<vmem>>, vector<1x16xi32>,
    %add3A_986 = arith.constant 0 : i32
    %add3A_987 = arith.addi %multiple_of3A, %add3A_986 : i32
    %add3A_988 = arith.constant 272 : i32
    %add3A_989 = arith.addi %add3A_987, %add3A_988 : i32
    %iota3A_990 = tpu.iota {dimensions = array<i32: 0>} : vector<16xi32>
    %add3A_991 = vector.broadcast %add3A_989 : i32 to vector<16xi32>
    %add3A_992 = arith.addi %add3A_991, %iota3A_990 : vector<16xi32>
    %swap3A_993 = arith.constant 2 : i32
    %swap3A_994 = arith.index_cast %swap3A_993 : i32 to index
    %swap3A_995 = arith.constant 16 : index
    %swap3A_996 = tpu.vector_load %arg12[%swap3A_994, %swap3A_995] {strides = array<i32>} : memref<8x128xi32, #tpu.memory_space<vmem>>, vector<1x16xi32>,
    %swap3A_997 = vector.shape_cast %swap3A_996 : vector<1x16xi32> to vector<16xi32>
    %swap3A_998 = vector.shape_cast %add3A_992 : vector<16xi32> to vector<1x16xi32>
    tpu.vector_store %arg12[%swap3A_994, %swap3A_995], %swap3A_998 {strides = array<i32>} : memref<8x128xi32, #tpu.memory_space<vmem>>, vector<1x16xi32>,
    %get3A_999 = arith.constant 288 : index
    %get3A_1000 = tpu.vector_load %arg7[%get3A_999] {strides = array<i32>} : memref<1024xi32, #tpu.memory_space<vmem>>, vector<16xi32>,
    %get3A_1001 = vector.shape_cast %get3A_1000 : vector<16xi32> to vector<16xi32>
    %get3A_1002 = arith.constant 288 : index
    %get3A_1003 = tpu.vector_load %arg8[%get3A_1002] {strides = array<i32>} : memref<1024xi32, #tpu.memory_space<vmem>>, vector<16xi32>,
    %get3A_1004 = vector.shape_cast %get3A_1003 : vector<16xi32> to vector<16xi32>
    %broadcast_in_dim3A_1005 = vector.shape_cast %get3A_1001 : vector<16xi32> to vector<16x1xi32>
    %gather3A_1006 = vector.shape_cast %broadcast_in_dim3A_1005 : vector<16x1xi32> to vector<16xi32>
    %gather3A_1007 = tpu.dynamic_gather %get3A_407[%gather3A_1006] in [0] : vector<16xi32>, vector<16xi32> -> vector<16xi32>
    %add3A_1008 = arith.addi %get3A_1004, %gather3A_1007 : vector<16xi32>
    %swap3A_1009 = arith.constant 288 : index
    %swap3A_1010 = tpu.vector_load %arg10[%swap3A_1009] {strides = array<i32>} : memref<1024xi32, #tpu.memory_space<vmem>>, vector<16xi32>,
    %swap3A_1011 = vector.shape_cast %swap3A_1010 : vector<16xi32> to vector<16xi32>
    %swap3A_1012 = vector.shape_cast %add3A_1008 : vector<16xi32> to vector<16xi32>
    tpu.vector_store %arg10[%swap3A_1009], %swap3A_1012 {strides = array<i32>} : memref<1024xi32, #tpu.memory_space<vmem>>, vector<16xi32>,
    %swap3A_1013 = arith.constant 2 : i32
    %swap3A_1014 = arith.index_cast %swap3A_1013 : i32 to index
    %swap3A_1015 = arith.constant 32 : index
    %swap3A_1016 = tpu.vector_load %arg11[%swap3A_1014, %swap3A_1015] {strides = array<i32>} : memref<8x128xi32, #tpu.memory_space<vmem>>, vector<1x16xi32>,
    %swap3A_1017 = vector.shape_cast %swap3A_1016 : vector<1x16xi32> to vector<16xi32>
    %swap3A_1018 = vector.shape_cast %add3A_1008 : vector<16xi32> to vector<1x16xi32>
    tpu.vector_store %arg11[%swap3A_1014, %swap3A_1015], %swap3A_1018 {strides = array<i32>} : memref<8x128xi32, #tpu.memory_space<vmem>>, vector<1x16xi32>,
    %add3A_1019 = arith.constant 0 : i32
    %add3A_1020 = arith.addi %multiple_of3A, %add3A_1019 : i32
    %add3A_1021 = arith.constant 288 : i32
    %add3A_1022 = arith.addi %add3A_1020, %add3A_1021 : i32
    %iota3A_1023 = tpu.iota {dimensions = array<i32: 0>} : vector<16xi32>
    %add3A_1024 = vector.broadcast %add3A_1022 : i32 to vector<16xi32>
    %add3A_1025 = arith.addi %add3A_1024, %iota3A_1023 : vector<16xi32>
    %swap3A_1026 = arith.constant 2 : i32
    %swap3A_1027 = arith.index_cast %swap3A_1026 : i32 to index
    %swap3A_1028 = arith.constant 32 : index
    %swap3A_1029 = tpu.vector_load %arg12[%swap3A_1027, %swap3A_1028] {strides = array<i32>} : memref<8x128xi32, #tpu.memory_space<vmem>>, vector<1x16xi32>,
    %swap3A_1030 = vector.shape_cast %swap3A_1029 : vector<1x16xi32> to vector<16xi32>
    %swap3A_1031 = vector.shape_cast %add3A_1025 : vector<16xi32> to vector<1x16xi32>
    tpu.vector_store %arg12[%swap3A_1027, %swap3A_1028], %swap3A_1031 {strides = array<i32>} : memref<8x128xi32, #tpu.memory_space<vmem>>, vector<1x16xi32>,
    %get3A_1032 = arith.constant 304 : index
    %get3A_1033 = tpu.vector_load %arg7[%get3A_1032] {strides = array<i32>} : memref<1024xi32, #tpu.memory_space<vmem>>, vector<16xi32>,
    %get3A_1034 = vector.shape_cast %get3A_1033 : vector<16xi32> to vector<16xi32>
    %get3A_1035 = arith.constant 304 : index
    %get3A_1036 = tpu.vector_load %arg8[%get3A_1035] {strides = array<i32>} : memref<1024xi32, #tpu.memory_space<vmem>>, vector<16xi32>,
    %get3A_1037 = vector.shape_cast %get3A_1036 : vector<16xi32> to vector<16xi32>
    %broadcast_in_dim3A_1038 = vector.shape_cast %get3A_1034 : vector<16xi32> to vector<16x1xi32>
    %gather3A_1039 = vector.shape_cast %broadcast_in_dim3A_1038 : vector<16x1xi32> to vector<16xi32>
    %gather3A_1040 = tpu.dynamic_gather %get3A_407[%gather3A_1039] in [0] : vector<16xi32>, vector<16xi32> -> vector<16xi32>
    %add3A_1041 = arith.addi %get3A_1037, %gather3A_1040 : vector<16xi32>
    %swap3A_1042 = arith.constant 304 : index
    %swap3A_1043 = tpu.vector_load %arg10[%swap3A_1042] {strides = array<i32>} : memref<1024xi32, #tpu.memory_space<vmem>>, vector<16xi32>,
    %swap3A_1044 = vector.shape_cast %swap3A_1043 : vector<16xi32> to vector<16xi32>
    %swap3A_1045 = vector.shape_cast %add3A_1041 : vector<16xi32> to vector<16xi32>
    tpu.vector_store %arg10[%swap3A_1042], %swap3A_1045 {strides = array<i32>} : memref<1024xi32, #tpu.memory_space<vmem>>, vector<16xi32>,
    %swap3A_1046 = arith.constant 2 : i32
    %swap3A_1047 = arith.index_cast %swap3A_1046 : i32 to index
    %swap3A_1048 = arith.constant 48 : index
    %swap3A_1049 = tpu.vector_load %arg11[%swap3A_1047, %swap3A_1048] {strides = array<i32>} : memref<8x128xi32, #tpu.memory_space<vmem>>, vector<1x16xi32>,
    %swap3A_1050 = vector.shape_cast %swap3A_1049 : vector<1x16xi32> to vector<16xi32>
    %swap3A_1051 = vector.shape_cast %add3A_1041 : vector<16xi32> to vector<1x16xi32>
    tpu.vector_store %arg11[%swap3A_1047, %swap3A_1048], %swap3A_1051 {strides = array<i32>} : memref<8x128xi32, #tpu.memory_space<vmem>>, vector<1x16xi32>,
    %add3A_1052 = arith.constant 0 : i32
    %add3A_1053 = arith.addi %multiple_of3A, %add3A_1052 : i32
    %add3A_1054 = arith.constant 304 : i32
    %add3A_1055 = arith.addi %add3A_1053, %add3A_1054 : i32
    %iota3A_1056 = tpu.iota {dimensions = array<i32: 0>} : vector<16xi32>
    %add3A_1057 = vector.broadcast %add3A_1055 : i32 to vector<16xi32>
    %add3A_1058 = arith.addi %add3A_1057, %iota3A_1056 : vector<16xi32>
    %swap3A_1059 = arith.constant 2 : i32
    %swap3A_1060 = arith.index_cast %swap3A_1059 : i32 to index
    %swap3A_1061 = arith.constant 48 : index
    %swap3A_1062 = tpu.vector_load %arg12[%swap3A_1060, %swap3A_1061] {strides = array<i32>} : memref<8x128xi32, #tpu.memory_space<vmem>>, vector<1x16xi32>,
    %swap3A_1063 = vector.shape_cast %swap3A_1062 : vector<1x16xi32> to vector<16xi32>
    %swap3A_1064 = vector.shape_cast %add3A_1058 : vector<16xi32> to vector<1x16xi32>
    tpu.vector_store %arg12[%swap3A_1060, %swap3A_1061], %swap3A_1064 {strides = array<i32>} : memref<8x128xi32, #tpu.memory_space<vmem>>, vector<1x16xi32>,
    %get3A_1065 = arith.constant 320 : index
    %get3A_1066 = tpu.vector_load %arg7[%get3A_1065] {strides = array<i32>} : memref<1024xi32, #tpu.memory_space<vmem>>, vector<16xi32>,
    %get3A_1067 = vector.shape_cast %get3A_1066 : vector<16xi32> to vector<16xi32>
    %get3A_1068 = arith.constant 320 : index
    %get3A_1069 = tpu.vector_load %arg8[%get3A_1068] {strides = array<i32>} : memref<1024xi32, #tpu.memory_space<vmem>>, vector<16xi32>,
    %get3A_1070 = vector.shape_cast %get3A_1069 : vector<16xi32> to vector<16xi32>
    %broadcast_in_dim3A_1071 = vector.shape_cast %get3A_1067 : vector<16xi32> to vector<16x1xi32>
    %gather3A_1072 = vector.shape_cast %broadcast_in_dim3A_1071 : vector<16x1xi32> to vector<16xi32>
    %gather3A_1073 = tpu.dynamic_gather %get3A_407[%gather3A_1072] in [0] : vector<16xi32>, vector<16xi32> -> vector<16xi32>
    %add3A_1074 = arith.addi %get3A_1070, %gather3A_1073 : vector<16xi32>
    %swap3A_1075 = arith.constant 320 : index
    %swap3A_1076 = tpu.vector_load %arg10[%swap3A_1075] {strides = array<i32>} : memref<1024xi32, #tpu.memory_space<vmem>>, vector<16xi32>,
    %swap3A_1077 = vector.shape_cast %swap3A_1076 : vector<16xi32> to vector<16xi32>
    %swap3A_1078 = vector.shape_cast %add3A_1074 : vector<16xi32> to vector<16xi32>
    tpu.vector_store %arg10[%swap3A_1075], %swap3A_1078 {strides = array<i32>} : memref<1024xi32, #tpu.memory_space<vmem>>, vector<16xi32>,
    %swap3A_1079 = arith.constant 2 : i32
    %swap3A_1080 = arith.index_cast %swap3A_1079 : i32 to index
    %swap3A_1081 = arith.constant 64 : index
    %swap3A_1082 = tpu.vector_load %arg11[%swap3A_1080, %swap3A_1081] {strides = array<i32>} : memref<8x128xi32, #tpu.memory_space<vmem>>, vector<1x16xi32>,
    %swap3A_1083 = vector.shape_cast %swap3A_1082 : vector<1x16xi32> to vector<16xi32>
    %swap3A_1084 = vector.shape_cast %add3A_1074 : vector<16xi32> to vector<1x16xi32>
    tpu.vector_store %arg11[%swap3A_1080, %swap3A_1081], %swap3A_1084 {strides = array<i32>} : memref<8x128xi32, #tpu.memory_space<vmem>>, vector<1x16xi32>,
    %add3A_1085 = arith.constant 0 : i32
    %add3A_1086 = arith.addi %multiple_of3A, %add3A_1085 : i32
    %add3A_1087 = arith.constant 320 : i32
    %add3A_1088 = arith.addi %add3A_1086, %add3A_1087 : i32
    %iota3A_1089 = tpu.iota {dimensions = array<i32: 0>} : vector<16xi32>
    %add3A_1090 = vector.broadcast %add3A_1088 : i32 to vector<16xi32>
    %add3A_1091 = arith.addi %add3A_1090, %iota3A_1089 : vector<16xi32>
    %swap3A_1092 = arith.constant 2 : i32
    %swap3A_1093 = arith.index_cast %swap3A_1092 : i32 to index
    %swap3A_1094 = arith.constant 64 : index
    %swap3A_1095 = tpu.vector_load %arg12[%swap3A_1093, %swap3A_1094] {strides = array<i32>} : memref<8x128xi32, #tpu.memory_space<vmem>>, vector<1x16xi32>,
    %swap3A_1096 = vector.shape_cast %swap3A_1095 : vector<1x16xi32> to vector<16xi32>
    %swap3A_1097 = vector.shape_cast %add3A_1091 : vector<16xi32> to vector<1x16xi32>
    tpu.vector_store %arg12[%swap3A_1093, %swap3A_1094], %swap3A_1097 {strides = array<i32>} : memref<8x128xi32, #tpu.memory_space<vmem>>, vector<1x16xi32>,
    %get3A_1098 = arith.constant 336 : index
    %get3A_1099 = tpu.vector_load %arg7[%get3A_1098] {strides = array<i32>} : memref<1024xi32, #tpu.memory_space<vmem>>, vector<16xi32>,
    %get3A_1100 = vector.shape_cast %get3A_1099 : vector<16xi32> to vector<16xi32>
    %get3A_1101 = arith.constant 336 : index
    %get3A_1102 = tpu.vector_load %arg8[%get3A_1101] {strides = array<i32>} : memref<1024xi32, #tpu.memory_space<vmem>>, vector<16xi32>,
    %get3A_1103 = vector.shape_cast %get3A_1102 : vector<16xi32> to vector<16xi32>
    %broadcast_in_dim3A_1104 = vector.shape_cast %get3A_1100 : vector<16xi32> to vector<16x1xi32>
    %gather3A_1105 = vector.shape_cast %broadcast_in_dim3A_1104 : vector<16x1xi32> to vector<16xi32>
    %gather3A_1106 = tpu.dynamic_gather %get3A_407[%gather3A_1105] in [0] : vector<16xi32>, vector<16xi32> -> vector<16xi32>
    %add3A_1107 = arith.addi %get3A_1103, %gather3A_1106 : vector<16xi32>
    %swap3A_1108 = arith.constant 336 : index
    %swap3A_1109 = tpu.vector_load %arg10[%swap3A_1108] {strides = array<i32>} : memref<1024xi32, #tpu.memory_space<vmem>>, vector<16xi32>,
    %swap3A_1110 = vector.shape_cast %swap3A_1109 : vector<16xi32> to vector<16xi32>
    %swap3A_1111 = vector.shape_cast %add3A_1107 : vector<16xi32> to vector<16xi32>
    tpu.vector_store %arg10[%swap3A_1108], %swap3A_1111 {strides = array<i32>} : memref<1024xi32, #tpu.memory_space<vmem>>, vector<16xi32>,
    %swap3A_1112 = arith.constant 2 : i32
    %swap3A_1113 = arith.index_cast %swap3A_1112 : i32 to index
    %swap3A_1114 = arith.constant 80 : index
    %swap3A_1115 = tpu.vector_load %arg11[%swap3A_1113, %swap3A_1114] {strides = array<i32>} : memref<8x128xi32, #tpu.memory_space<vmem>>, vector<1x16xi32>,
    %swap3A_1116 = vector.shape_cast %swap3A_1115 : vector<1x16xi32> to vector<16xi32>
    %swap3A_1117 = vector.shape_cast %add3A_1107 : vector<16xi32> to vector<1x16xi32>
    tpu.vector_store %arg11[%swap3A_1113, %swap3A_1114], %swap3A_1117 {strides = array<i32>} : memref<8x128xi32, #tpu.memory_space<vmem>>, vector<1x16xi32>,
    %add3A_1118 = arith.constant 0 : i32
    %add3A_1119 = arith.addi %multiple_of3A, %add3A_1118 : i32
    %add3A_1120 = arith.constant 336 : i32
    %add3A_1121 = arith.addi %add3A_1119, %add3A_1120 : i32
    %iota3A_1122 = tpu.iota {dimensions = array<i32: 0>} : vector<16xi32>
    %add3A_1123 = vector.broadcast %add3A_1121 : i32 to vector<16xi32>
    %add3A_1124 = arith.addi %add3A_1123, %iota3A_1122 : vector<16xi32>
    %swap3A_1125 = arith.constant 2 : i32
    %swap3A_1126 = arith.index_cast %swap3A_1125 : i32 to index
    %swap3A_1127 = arith.constant 80 : index
    %swap3A_1128 = tpu.vector_load %arg12[%swap3A_1126, %swap3A_1127] {strides = array<i32>} : memref<8x128xi32, #tpu.memory_space<vmem>>, vector<1x16xi32>,
    %swap3A_1129 = vector.shape_cast %swap3A_1128 : vector<1x16xi32> to vector<16xi32>
    %swap3A_1130 = vector.shape_cast %add3A_1124 : vector<16xi32> to vector<1x16xi32>
    tpu.vector_store %arg12[%swap3A_1126, %swap3A_1127], %swap3A_1130 {strides = array<i32>} : memref<8x128xi32, #tpu.memory_space<vmem>>, vector<1x16xi32>,
    %get3A_1131 = arith.constant 352 : index
    %get3A_1132 = tpu.vector_load %arg7[%get3A_1131] {strides = array<i32>} : memref<1024xi32, #tpu.memory_space<vmem>>, vector<16xi32>,
    %get3A_1133 = vector.shape_cast %get3A_1132 : vector<16xi32> to vector<16xi32>
    %get3A_1134 = arith.constant 352 : index
    %get3A_1135 = tpu.vector_load %arg8[%get3A_1134] {strides = array<i32>} : memref<1024xi32, #tpu.memory_space<vmem>>, vector<16xi32>,
    %get3A_1136 = vector.shape_cast %get3A_1135 : vector<16xi32> to vector<16xi32>
    %broadcast_in_dim3A_1137 = vector.shape_cast %get3A_1133 : vector<16xi32> to vector<16x1xi32>
    %gather3A_1138 = vector.shape_cast %broadcast_in_dim3A_1137 : vector<16x1xi32> to vector<16xi32>
    %gather3A_1139 = tpu.dynamic_gather %get3A_407[%gather3A_1138] in [0] : vector<16xi32>, vector<16xi32> -> vector<16xi32>
    %add3A_1140 = arith.addi %get3A_1136, %gather3A_1139 : vector<16xi32>
    %swap3A_1141 = arith.constant 352 : index
    %swap3A_1142 = tpu.vector_load %arg10[%swap3A_1141] {strides = array<i32>} : memref<1024xi32, #tpu.memory_space<vmem>>, vector<16xi32>,
    %swap3A_1143 = vector.shape_cast %swap3A_1142 : vector<16xi32> to vector<16xi32>
    %swap3A_1144 = vector.shape_cast %add3A_1140 : vector<16xi32> to vector<16xi32>
    tpu.vector_store %arg10[%swap3A_1141], %swap3A_1144 {strides = array<i32>} : memref<1024xi32, #tpu.memory_space<vmem>>, vector<16xi32>,
    %swap3A_1145 = arith.constant 2 : i32
    %swap3A_1146 = arith.index_cast %swap3A_1145 : i32 to index
    %swap3A_1147 = arith.constant 96 : index
    %swap3A_1148 = tpu.vector_load %arg11[%swap3A_1146, %swap3A_1147] {strides = array<i32>} : memref<8x128xi32, #tpu.memory_space<vmem>>, vector<1x16xi32>,
    %swap3A_1149 = vector.shape_cast %swap3A_1148 : vector<1x16xi32> to vector<16xi32>
    %swap3A_1150 = vector.shape_cast %add3A_1140 : vector<16xi32> to vector<1x16xi32>
    tpu.vector_store %arg11[%swap3A_1146, %swap3A_1147], %swap3A_1150 {strides = array<i32>} : memref<8x128xi32, #tpu.memory_space<vmem>>, vector<1x16xi32>,
    %add3A_1151 = arith.constant 0 : i32
    %add3A_1152 = arith.addi %multiple_of3A, %add3A_1151 : i32
    %add3A_1153 = arith.constant 352 : i32
    %add3A_1154 = arith.addi %add3A_1152, %add3A_1153 : i32
    %iota3A_1155 = tpu.iota {dimensions = array<i32: 0>} : vector<16xi32>
    %add3A_1156 = vector.broadcast %add3A_1154 : i32 to vector<16xi32>
    %add3A_1157 = arith.addi %add3A_1156, %iota3A_1155 : vector<16xi32>
    %swap3A_1158 = arith.constant 2 : i32
    %swap3A_1159 = arith.index_cast %swap3A_1158 : i32 to index
    %swap3A_1160 = arith.constant 96 : index
    %swap3A_1161 = tpu.vector_load %arg12[%swap3A_1159, %swap3A_1160] {strides = array<i32>} : memref<8x128xi32, #tpu.memory_space<vmem>>, vector<1x16xi32>,
    %swap3A_1162 = vector.shape_cast %swap3A_1161 : vector<1x16xi32> to vector<16xi32>
    %swap3A_1163 = vector.shape_cast %add3A_1157 : vector<16xi32> to vector<1x16xi32>
    tpu.vector_store %arg12[%swap3A_1159, %swap3A_1160], %swap3A_1163 {strides = array<i32>} : memref<8x128xi32, #tpu.memory_space<vmem>>, vector<1x16xi32>,
    %get3A_1164 = arith.constant 368 : index
    %get3A_1165 = tpu.vector_load %arg7[%get3A_1164] {strides = array<i32>} : memref<1024xi32, #tpu.memory_space<vmem>>, vector<16xi32>,
    %get3A_1166 = vector.shape_cast %get3A_1165 : vector<16xi32> to vector<16xi32>
    %get3A_1167 = arith.constant 368 : index
    %get3A_1168 = tpu.vector_load %arg8[%get3A_1167] {strides = array<i32>} : memref<1024xi32, #tpu.memory_space<vmem>>, vector<16xi32>,
    %get3A_1169 = vector.shape_cast %get3A_1168 : vector<16xi32> to vector<16xi32>
    %broadcast_in_dim3A_1170 = vector.shape_cast %get3A_1166 : vector<16xi32> to vector<16x1xi32>
    %gather3A_1171 = vector.shape_cast %broadcast_in_dim3A_1170 : vector<16x1xi32> to vector<16xi32>
    %gather3A_1172 = tpu.dynamic_gather %get3A_407[%gather3A_1171] in [0] : vector<16xi32>, vector<16xi32> -> vector<16xi32>
    %add3A_1173 = arith.addi %get3A_1169, %gather3A_1172 : vector<16xi32>
    %swap3A_1174 = arith.constant 368 : index
    %swap3A_1175 = tpu.vector_load %arg10[%swap3A_1174] {strides = array<i32>} : memref<1024xi32, #tpu.memory_space<vmem>>, vector<16xi32>,
    %swap3A_1176 = vector.shape_cast %swap3A_1175 : vector<16xi32> to vector<16xi32>
    %swap3A_1177 = vector.shape_cast %add3A_1173 : vector<16xi32> to vector<16xi32>
    tpu.vector_store %arg10[%swap3A_1174], %swap3A_1177 {strides = array<i32>} : memref<1024xi32, #tpu.memory_space<vmem>>, vector<16xi32>,
    %swap3A_1178 = arith.constant 2 : i32
    %swap3A_1179 = arith.index_cast %swap3A_1178 : i32 to index
    %swap3A_1180 = arith.constant 112 : index
    %swap3A_1181 = tpu.vector_load %arg11[%swap3A_1179, %swap3A_1180] {strides = array<i32>} : memref<8x128xi32, #tpu.memory_space<vmem>>, vector<1x16xi32>,
    %swap3A_1182 = vector.shape_cast %swap3A_1181 : vector<1x16xi32> to vector<16xi32>
    %swap3A_1183 = vector.shape_cast %add3A_1173 : vector<16xi32> to vector<1x16xi32>
    tpu.vector_store %arg11[%swap3A_1179, %swap3A_1180], %swap3A_1183 {strides = array<i32>} : memref<8x128xi32, #tpu.memory_space<vmem>>, vector<1x16xi32>,
    %add3A_1184 = arith.constant 0 : i32
    %add3A_1185 = arith.addi %multiple_of3A, %add3A_1184 : i32
    %add3A_1186 = arith.constant 368 : i32
    %add3A_1187 = arith.addi %add3A_1185, %add3A_1186 : i32
    %iota3A_1188 = tpu.iota {dimensions = array<i32: 0>} : vector<16xi32>
    %add3A_1189 = vector.broadcast %add3A_1187 : i32 to vector<16xi32>
    %add3A_1190 = arith.addi %add3A_1189, %iota3A_1188 : vector<16xi32>
    %swap3A_1191 = arith.constant 2 : i32
    %swap3A_1192 = arith.index_cast %swap3A_1191 : i32 to index
    %swap3A_1193 = arith.constant 112 : index
    %swap3A_1194 = tpu.vector_load %arg12[%swap3A_1192, %swap3A_1193] {strides = array<i32>} : memref<8x128xi32, #tpu.memory_space<vmem>>, vector<1x16xi32>,
    %swap3A_1195 = vector.shape_cast %swap3A_1194 : vector<1x16xi32> to vector<16xi32>
    %swap3A_1196 = vector.shape_cast %add3A_1190 : vector<16xi32> to vector<1x16xi32>
    tpu.vector_store %arg12[%swap3A_1192, %swap3A_1193], %swap3A_1196 {strides = array<i32>} : memref<8x128xi32, #tpu.memory_space<vmem>>, vector<1x16xi32>,
    %get3A_1197 = arith.constant 384 : index
    %get3A_1198 = tpu.vector_load %arg7[%get3A_1197] {strides = array<i32>} : memref<1024xi32, #tpu.memory_space<vmem>>, vector<16xi32>,
    %get3A_1199 = vector.shape_cast %get3A_1198 : vector<16xi32> to vector<16xi32>
    %get3A_1200 = arith.constant 384 : index
    %get3A_1201 = tpu.vector_load %arg8[%get3A_1200] {strides = array<i32>} : memref<1024xi32, #tpu.memory_space<vmem>>, vector<16xi32>,
    %get3A_1202 = vector.shape_cast %get3A_1201 : vector<16xi32> to vector<16xi32>
    %broadcast_in_dim3A_1203 = vector.shape_cast %get3A_1199 : vector<16xi32> to vector<16x1xi32>
    %gather3A_1204 = vector.shape_cast %broadcast_in_dim3A_1203 : vector<16x1xi32> to vector<16xi32>
    %gather3A_1205 = tpu.dynamic_gather %get3A_407[%gather3A_1204] in [0] : vector<16xi32>, vector<16xi32> -> vector<16xi32>
    %add3A_1206 = arith.addi %get3A_1202, %gather3A_1205 : vector<16xi32>
    %swap3A_1207 = arith.constant 384 : index
    %swap3A_1208 = tpu.vector_load %arg10[%swap3A_1207] {strides = array<i32>} : memref<1024xi32, #tpu.memory_space<vmem>>, vector<16xi32>,
    %swap3A_1209 = vector.shape_cast %swap3A_1208 : vector<16xi32> to vector<16xi32>
    %swap3A_1210 = vector.shape_cast %add3A_1206 : vector<16xi32> to vector<16xi32>
    tpu.vector_store %arg10[%swap3A_1207], %swap3A_1210 {strides = array<i32>} : memref<1024xi32, #tpu.memory_space<vmem>>, vector<16xi32>,
    %swap3A_1211 = arith.constant 3 : i32
    %swap3A_1212 = arith.index_cast %swap3A_1211 : i32 to index
    %swap3A_1213 = arith.constant 0 : index
    %swap3A_1214 = tpu.vector_load %arg11[%swap3A_1212, %swap3A_1213] {strides = array<i32>} : memref<8x128xi32, #tpu.memory_space<vmem>>, vector<1x16xi32>,
    %swap3A_1215 = vector.shape_cast %swap3A_1214 : vector<1x16xi32> to vector<16xi32>
    %swap3A_1216 = vector.shape_cast %add3A_1206 : vector<16xi32> to vector<1x16xi32>
    tpu.vector_store %arg11[%swap3A_1212, %swap3A_1213], %swap3A_1216 {strides = array<i32>} : memref<8x128xi32, #tpu.memory_space<vmem>>, vector<1x16xi32>,
    %add3A_1217 = arith.constant 0 : i32
    %add3A_1218 = arith.addi %multiple_of3A, %add3A_1217 : i32
    %add3A_1219 = arith.constant 384 : i32
    %add3A_1220 = arith.addi %add3A_1218, %add3A_1219 : i32
    %iota3A_1221 = tpu.iota {dimensions = array<i32: 0>} : vector<16xi32>
    %add3A_1222 = vector.broadcast %add3A_1220 : i32 to vector<16xi32>
    %add3A_1223 = arith.addi %add3A_1222, %iota3A_1221 : vector<16xi32>
    %swap3A_1224 = arith.constant 3 : i32
    %swap3A_1225 = arith.index_cast %swap3A_1224 : i32 to index
    %swap3A_1226 = arith.constant 0 : index
    %swap3A_1227 = tpu.vector_load %arg12[%swap3A_1225, %swap3A_1226] {strides = array<i32>} : memref<8x128xi32, #tpu.memory_space<vmem>>, vector<1x16xi32>,
    %swap3A_1228 = vector.shape_cast %swap3A_1227 : vector<1x16xi32> to vector<16xi32>
    %swap3A_1229 = vector.shape_cast %add3A_1223 : vector<16xi32> to vector<1x16xi32>
    tpu.vector_store %arg12[%swap3A_1225, %swap3A_1226], %swap3A_1229 {strides = array<i32>} : memref<8x128xi32, #tpu.memory_space<vmem>>, vector<1x16xi32>,
    %get3A_1230 = arith.constant 400 : index
    %get3A_1231 = tpu.vector_load %arg7[%get3A_1230] {strides = array<i32>} : memref<1024xi32, #tpu.memory_space<vmem>>, vector<16xi32>,
    %get3A_1232 = vector.shape_cast %get3A_1231 : vector<16xi32> to vector<16xi32>
    %get3A_1233 = arith.constant 400 : index
    %get3A_1234 = tpu.vector_load %arg8[%get3A_1233] {strides = array<i32>} : memref<1024xi32, #tpu.memory_space<vmem>>, vector<16xi32>,
    %get3A_1235 = vector.shape_cast %get3A_1234 : vector<16xi32> to vector<16xi32>
    %broadcast_in_dim3A_1236 = vector.shape_cast %get3A_1232 : vector<16xi32> to vector<16x1xi32>
    %gather3A_1237 = vector.shape_cast %broadcast_in_dim3A_1236 : vector<16x1xi32> to vector<16xi32>
    %gather3A_1238 = tpu.dynamic_gather %get3A_407[%gather3A_1237] in [0] : vector<16xi32>, vector<16xi32> -> vector<16xi32>
    %add3A_1239 = arith.addi %get3A_1235, %gather3A_1238 : vector<16xi32>
    %swap3A_1240 = arith.constant 400 : index
    %swap3A_1241 = tpu.vector_load %arg10[%swap3A_1240] {strides = array<i32>} : memref<1024xi32, #tpu.memory_space<vmem>>, vector<16xi32>,
    %swap3A_1242 = vector.shape_cast %swap3A_1241 : vector<16xi32> to vector<16xi32>
    %swap3A_1243 = vector.shape_cast %add3A_1239 : vector<16xi32> to vector<16xi32>
    tpu.vector_store %arg10[%swap3A_1240], %swap3A_1243 {strides = array<i32>} : memref<1024xi32, #tpu.memory_space<vmem>>, vector<16xi32>,
    %swap3A_1244 = arith.constant 3 : i32
    %swap3A_1245 = arith.index_cast %swap3A_1244 : i32 to index
    %swap3A_1246 = arith.constant 16 : index
    %swap3A_1247 = tpu.vector_load %arg11[%swap3A_1245, %swap3A_1246] {strides = array<i32>} : memref<8x128xi32, #tpu.memory_space<vmem>>, vector<1x16xi32>,
    %swap3A_1248 = vector.shape_cast %swap3A_1247 : vector<1x16xi32> to vector<16xi32>
    %swap3A_1249 = vector.shape_cast %add3A_1239 : vector<16xi32> to vector<1x16xi32>
    tpu.vector_store %arg11[%swap3A_1245, %swap3A_1246], %swap3A_1249 {strides = array<i32>} : memref<8x128xi32, #tpu.memory_space<vmem>>, vector<1x16xi32>,
    %add3A_1250 = arith.constant 0 : i32
    %add3A_1251 = arith.addi %multiple_of3A, %add3A_1250 : i32
    %add3A_1252 = arith.constant 400 : i32
    %add3A_1253 = arith.addi %add3A_1251, %add3A_1252 : i32
    %iota3A_1254 = tpu.iota {dimensions = array<i32: 0>} : vector<16xi32>
    %add3A_1255 = vector.broadcast %add3A_1253 : i32 to vector<16xi32>
    %add3A_1256 = arith.addi %add3A_1255, %iota3A_1254 : vector<16xi32>
    %swap3A_1257 = arith.constant 3 : i32
    %swap3A_1258 = arith.index_cast %swap3A_1257 : i32 to index
    %swap3A_1259 = arith.constant 16 : index
    %swap3A_1260 = tpu.vector_load %arg12[%swap3A_1258, %swap3A_1259] {strides = array<i32>} : memref<8x128xi32, #tpu.memory_space<vmem>>, vector<1x16xi32>,
    %swap3A_1261 = vector.shape_cast %swap3A_1260 : vector<1x16xi32> to vector<16xi32>
    %swap3A_1262 = vector.shape_cast %add3A_1256 : vector<16xi32> to vector<1x16xi32>
    tpu.vector_store %arg12[%swap3A_1258, %swap3A_1259], %swap3A_1262 {strides = array<i32>} : memref<8x128xi32, #tpu.memory_space<vmem>>, vector<1x16xi32>,
    %get3A_1263 = arith.constant 416 : index
    %get3A_1264 = tpu.vector_load %arg7[%get3A_1263] {strides = array<i32>} : memref<1024xi32, #tpu.memory_space<vmem>>, vector<16xi32>,
    %get3A_1265 = vector.shape_cast %get3A_1264 : vector<16xi32> to vector<16xi32>
    %get3A_1266 = arith.constant 416 : index
    %get3A_1267 = tpu.vector_load %arg8[%get3A_1266] {strides = array<i32>} : memref<1024xi32, #tpu.memory_space<vmem>>, vector<16xi32>,
    %get3A_1268 = vector.shape_cast %get3A_1267 : vector<16xi32> to vector<16xi32>
    %broadcast_in_dim3A_1269 = vector.shape_cast %get3A_1265 : vector<16xi32> to vector<16x1xi32>
    %gather3A_1270 = vector.shape_cast %broadcast_in_dim3A_1269 : vector<16x1xi32> to vector<16xi32>
    %gather3A_1271 = tpu.dynamic_gather %get3A_407[%gather3A_1270] in [0] : vector<16xi32>, vector<16xi32> -> vector<16xi32>
    %add3A_1272 = arith.addi %get3A_1268, %gather3A_1271 : vector<16xi32>
    %swap3A_1273 = arith.constant 416 : index
    %swap3A_1274 = tpu.vector_load %arg10[%swap3A_1273] {strides = array<i32>} : memref<1024xi32, #tpu.memory_space<vmem>>, vector<16xi32>,
    %swap3A_1275 = vector.shape_cast %swap3A_1274 : vector<16xi32> to vector<16xi32>
    %swap3A_1276 = vector.shape_cast %add3A_1272 : vector<16xi32> to vector<16xi32>
    tpu.vector_store %arg10[%swap3A_1273], %swap3A_1276 {strides = array<i32>} : memref<1024xi32, #tpu.memory_space<vmem>>, vector<16xi32>,
    %swap3A_1277 = arith.constant 3 : i32
    %swap3A_1278 = arith.index_cast %swap3A_1277 : i32 to index
    %swap3A_1279 = arith.constant 32 : index
    %swap3A_1280 = tpu.vector_load %arg11[%swap3A_1278, %swap3A_1279] {strides = array<i32>} : memref<8x128xi32, #tpu.memory_space<vmem>>, vector<1x16xi32>,
    %swap3A_1281 = vector.shape_cast %swap3A_1280 : vector<1x16xi32> to vector<16xi32>
    %swap3A_1282 = vector.shape_cast %add3A_1272 : vector<16xi32> to vector<1x16xi32>
    tpu.vector_store %arg11[%swap3A_1278, %swap3A_1279], %swap3A_1282 {strides = array<i32>} : memref<8x128xi32, #tpu.memory_space<vmem>>, vector<1x16xi32>,
    %add3A_1283 = arith.constant 0 : i32
    %add3A_1284 = arith.addi %multiple_of3A, %add3A_1283 : i32
    %add3A_1285 = arith.constant 416 : i32
    %add3A_1286 = arith.addi %add3A_1284, %add3A_1285 : i32
    %iota3A_1287 = tpu.iota {dimensions = array<i32: 0>} : vector<16xi32>
    %add3A_1288 = vector.broadcast %add3A_1286 : i32 to vector<16xi32>
    %add3A_1289 = arith.addi %add3A_1288, %iota3A_1287 : vector<16xi32>
    %swap3A_1290 = arith.constant 3 : i32
    %swap3A_1291 = arith.index_cast %swap3A_1290 : i32 to index
    %swap3A_1292 = arith.constant 32 : index
    %swap3A_1293 = tpu.vector_load %arg12[%swap3A_1291, %swap3A_1292] {strides = array<i32>} : memref<8x128xi32, #tpu.memory_space<vmem>>, vector<1x16xi32>,
    %swap3A_1294 = vector.shape_cast %swap3A_1293 : vector<1x16xi32> to vector<16xi32>
    %swap3A_1295 = vector.shape_cast %add3A_1289 : vector<16xi32> to vector<1x16xi32>
    tpu.vector_store %arg12[%swap3A_1291, %swap3A_1292], %swap3A_1295 {strides = array<i32>} : memref<8x128xi32, #tpu.memory_space<vmem>>, vector<1x16xi32>,
    %get3A_1296 = arith.constant 432 : index
    %get3A_1297 = tpu.vector_load %arg7[%get3A_1296] {strides = array<i32>} : memref<1024xi32, #tpu.memory_space<vmem>>, vector<16xi32>,
    %get3A_1298 = vector.shape_cast %get3A_1297 : vector<16xi32> to vector<16xi32>
    %get3A_1299 = arith.constant 432 : index
    %get3A_1300 = tpu.vector_load %arg8[%get3A_1299] {strides = array<i32>} : memref<1024xi32, #tpu.memory_space<vmem>>, vector<16xi32>,
    %get3A_1301 = vector.shape_cast %get3A_1300 : vector<16xi32> to vector<16xi32>
    %broadcast_in_dim3A_1302 = vector.shape_cast %get3A_1298 : vector<16xi32> to vector<16x1xi32>
    %gather3A_1303 = vector.shape_cast %broadcast_in_dim3A_1302 : vector<16x1xi32> to vector<16xi32>
    %gather3A_1304 = tpu.dynamic_gather %get3A_407[%gather3A_1303] in [0] : vector<16xi32>, vector<16xi32> -> vector<16xi32>
    %add3A_1305 = arith.addi %get3A_1301, %gather3A_1304 : vector<16xi32>
    %swap3A_1306 = arith.constant 432 : index
    %swap3A_1307 = tpu.vector_load %arg10[%swap3A_1306] {strides = array<i32>} : memref<1024xi32, #tpu.memory_space<vmem>>, vector<16xi32>,
    %swap3A_1308 = vector.shape_cast %swap3A_1307 : vector<16xi32> to vector<16xi32>
    %swap3A_1309 = vector.shape_cast %add3A_1305 : vector<16xi32> to vector<16xi32>
    tpu.vector_store %arg10[%swap3A_1306], %swap3A_1309 {strides = array<i32>} : memref<1024xi32, #tpu.memory_space<vmem>>, vector<16xi32>,
    %swap3A_1310 = arith.constant 3 : i32
    %swap3A_1311 = arith.index_cast %swap3A_1310 : i32 to index
    %swap3A_1312 = arith.constant 48 : index
    %swap3A_1313 = tpu.vector_load %arg11[%swap3A_1311, %swap3A_1312] {strides = array<i32>} : memref<8x128xi32, #tpu.memory_space<vmem>>, vector<1x16xi32>,
    %swap3A_1314 = vector.shape_cast %swap3A_1313 : vector<1x16xi32> to vector<16xi32>
    %swap3A_1315 = vector.shape_cast %add3A_1305 : vector<16xi32> to vector<1x16xi32>
    tpu.vector_store %arg11[%swap3A_1311, %swap3A_1312], %swap3A_1315 {strides = array<i32>} : memref<8x128xi32, #tpu.memory_space<vmem>>, vector<1x16xi32>,
    %add3A_1316 = arith.constant 0 : i32
    %add3A_1317 = arith.addi %multiple_of3A, %add3A_1316 : i32
    %add3A_1318 = arith.constant 432 : i32
    %add3A_1319 = arith.addi %add3A_1317, %add3A_1318 : i32
    %iota3A_1320 = tpu.iota {dimensions = array<i32: 0>} : vector<16xi32>
    %add3A_1321 = vector.broadcast %add3A_1319 : i32 to vector<16xi32>
    %add3A_1322 = arith.addi %add3A_1321, %iota3A_1320 : vector<16xi32>
    %swap3A_1323 = arith.constant 3 : i32
    %swap3A_1324 = arith.index_cast %swap3A_1323 : i32 to index
    %swap3A_1325 = arith.constant 48 : index
    %swap3A_1326 = tpu.vector_load %arg12[%swap3A_1324, %swap3A_1325] {strides = array<i32>} : memref<8x128xi32, #tpu.memory_space<vmem>>, vector<1x16xi32>,
    %swap3A_1327 = vector.shape_cast %swap3A_1326 : vector<1x16xi32> to vector<16xi32>
    %swap3A_1328 = vector.shape_cast %add3A_1322 : vector<16xi32> to vector<1x16xi32>
    tpu.vector_store %arg12[%swap3A_1324, %swap3A_1325], %swap3A_1328 {strides = array<i32>} : memref<8x128xi32, #tpu.memory_space<vmem>>, vector<1x16xi32>,
    %get3A_1329 = arith.constant 448 : index
    %get3A_1330 = tpu.vector_load %arg7[%get3A_1329] {strides = array<i32>} : memref<1024xi32, #tpu.memory_space<vmem>>, vector<16xi32>,
    %get3A_1331 = vector.shape_cast %get3A_1330 : vector<16xi32> to vector<16xi32>
    %get3A_1332 = arith.constant 448 : index
    %get3A_1333 = tpu.vector_load %arg8[%get3A_1332] {strides = array<i32>} : memref<1024xi32, #tpu.memory_space<vmem>>, vector<16xi32>,
    %get3A_1334 = vector.shape_cast %get3A_1333 : vector<16xi32> to vector<16xi32>
    %broadcast_in_dim3A_1335 = vector.shape_cast %get3A_1331 : vector<16xi32> to vector<16x1xi32>
    %gather3A_1336 = vector.shape_cast %broadcast_in_dim3A_1335 : vector<16x1xi32> to vector<16xi32>
    %gather3A_1337 = tpu.dynamic_gather %get3A_407[%gather3A_1336] in [0] : vector<16xi32>, vector<16xi32> -> vector<16xi32>
    %add3A_1338 = arith.addi %get3A_1334, %gather3A_1337 : vector<16xi32>
    %swap3A_1339 = arith.constant 448 : index
    %swap3A_1340 = tpu.vector_load %arg10[%swap3A_1339] {strides = array<i32>} : memref<1024xi32, #tpu.memory_space<vmem>>, vector<16xi32>,
    %swap3A_1341 = vector.shape_cast %swap3A_1340 : vector<16xi32> to vector<16xi32>
    %swap3A_1342 = vector.shape_cast %add3A_1338 : vector<16xi32> to vector<16xi32>
    tpu.vector_store %arg10[%swap3A_1339], %swap3A_1342 {strides = array<i32>} : memref<1024xi32, #tpu.memory_space<vmem>>, vector<16xi32>,
    %swap3A_1343 = arith.constant 3 : i32
    %swap3A_1344 = arith.index_cast %swap3A_1343 : i32 to index
    %swap3A_1345 = arith.constant 64 : index
    %swap3A_1346 = tpu.vector_load %arg11[%swap3A_1344, %swap3A_1345] {strides = array<i32>} : memref<8x128xi32, #tpu.memory_space<vmem>>, vector<1x16xi32>,
    %swap3A_1347 = vector.shape_cast %swap3A_1346 : vector<1x16xi32> to vector<16xi32>
    %swap3A_1348 = vector.shape_cast %add3A_1338 : vector<16xi32> to vector<1x16xi32>
    tpu.vector_store %arg11[%swap3A_1344, %swap3A_1345], %swap3A_1348 {strides = array<i32>} : memref<8x128xi32, #tpu.memory_space<vmem>>, vector<1x16xi32>,
    %add3A_1349 = arith.constant 0 : i32
    %add3A_1350 = arith.addi %multiple_of3A, %add3A_1349 : i32
    %add3A_1351 = arith.constant 448 : i32
    %add3A_1352 = arith.addi %add3A_1350, %add3A_1351 : i32
    %iota3A_1353 = tpu.iota {dimensions = array<i32: 0>} : vector<16xi32>
    %add3A_1354 = vector.broadcast %add3A_1352 : i32 to vector<16xi32>
    %add3A_1355 = arith.addi %add3A_1354, %iota3A_1353 : vector<16xi32>
    %swap3A_1356 = arith.constant 3 : i32
    %swap3A_1357 = arith.index_cast %swap3A_1356 : i32 to index
    %swap3A_1358 = arith.constant 64 : index
    %swap3A_1359 = tpu.vector_load %arg12[%swap3A_1357, %swap3A_1358] {strides = array<i32>} : memref<8x128xi32, #tpu.memory_space<vmem>>, vector<1x16xi32>,
    %swap3A_1360 = vector.shape_cast %swap3A_1359 : vector<1x16xi32> to vector<16xi32>
    %swap3A_1361 = vector.shape_cast %add3A_1355 : vector<16xi32> to vector<1x16xi32>
    tpu.vector_store %arg12[%swap3A_1357, %swap3A_1358], %swap3A_1361 {strides = array<i32>} : memref<8x128xi32, #tpu.memory_space<vmem>>, vector<1x16xi32>,
    %get3A_1362 = arith.constant 464 : index
    %get3A_1363 = tpu.vector_load %arg7[%get3A_1362] {strides = array<i32>} : memref<1024xi32, #tpu.memory_space<vmem>>, vector<16xi32>,
    %get3A_1364 = vector.shape_cast %get3A_1363 : vector<16xi32> to vector<16xi32>
    %get3A_1365 = arith.constant 464 : index
    %get3A_1366 = tpu.vector_load %arg8[%get3A_1365] {strides = array<i32>} : memref<1024xi32, #tpu.memory_space<vmem>>, vector<16xi32>,
    %get3A_1367 = vector.shape_cast %get3A_1366 : vector<16xi32> to vector<16xi32>
    %broadcast_in_dim3A_1368 = vector.shape_cast %get3A_1364 : vector<16xi32> to vector<16x1xi32>
    %gather3A_1369 = vector.shape_cast %broadcast_in_dim3A_1368 : vector<16x1xi32> to vector<16xi32>
    %gather3A_1370 = tpu.dynamic_gather %get3A_407[%gather3A_1369] in [0] : vector<16xi32>, vector<16xi32> -> vector<16xi32>
    %add3A_1371 = arith.addi %get3A_1367, %gather3A_1370 : vector<16xi32>
    %swap3A_1372 = arith.constant 464 : index
    %swap3A_1373 = tpu.vector_load %arg10[%swap3A_1372] {strides = array<i32>} : memref<1024xi32, #tpu.memory_space<vmem>>, vector<16xi32>,
    %swap3A_1374 = vector.shape_cast %swap3A_1373 : vector<16xi32> to vector<16xi32>
    %swap3A_1375 = vector.shape_cast %add3A_1371 : vector<16xi32> to vector<16xi32>
    tpu.vector_store %arg10[%swap3A_1372], %swap3A_1375 {strides = array<i32>} : memref<1024xi32, #tpu.memory_space<vmem>>, vector<16xi32>,
    %swap3A_1376 = arith.constant 3 : i32
    %swap3A_1377 = arith.index_cast %swap3A_1376 : i32 to index
    %swap3A_1378 = arith.constant 80 : index
    %swap3A_1379 = tpu.vector_load %arg11[%swap3A_1377, %swap3A_1378] {strides = array<i32>} : memref<8x128xi32, #tpu.memory_space<vmem>>, vector<1x16xi32>,
    %swap3A_1380 = vector.shape_cast %swap3A_1379 : vector<1x16xi32> to vector<16xi32>
    %swap3A_1381 = vector.shape_cast %add3A_1371 : vector<16xi32> to vector<1x16xi32>
    tpu.vector_store %arg11[%swap3A_1377, %swap3A_1378], %swap3A_1381 {strides = array<i32>} : memref<8x128xi32, #tpu.memory_space<vmem>>, vector<1x16xi32>,
    %add3A_1382 = arith.constant 0 : i32
    %add3A_1383 = arith.addi %multiple_of3A, %add3A_1382 : i32
    %add3A_1384 = arith.constant 464 : i32
    %add3A_1385 = arith.addi %add3A_1383, %add3A_1384 : i32
    %iota3A_1386 = tpu.iota {dimensions = array<i32: 0>} : vector<16xi32>
    %add3A_1387 = vector.broadcast %add3A_1385 : i32 to vector<16xi32>
    %add3A_1388 = arith.addi %add3A_1387, %iota3A_1386 : vector<16xi32>
    %swap3A_1389 = arith.constant 3 : i32
    %swap3A_1390 = arith.index_cast %swap3A_1389 : i32 to index
    %swap3A_1391 = arith.constant 80 : index
    %swap3A_1392 = tpu.vector_load %arg12[%swap3A_1390, %swap3A_1391] {strides = array<i32>} : memref<8x128xi32, #tpu.memory_space<vmem>>, vector<1x16xi32>,
    %swap3A_1393 = vector.shape_cast %swap3A_1392 : vector<1x16xi32> to vector<16xi32>
    %swap3A_1394 = vector.shape_cast %add3A_1388 : vector<16xi32> to vector<1x16xi32>
    tpu.vector_store %arg12[%swap3A_1390, %swap3A_1391], %swap3A_1394 {strides = array<i32>} : memref<8x128xi32, #tpu.memory_space<vmem>>, vector<1x16xi32>,
    %get3A_1395 = arith.constant 480 : index
    %get3A_1396 = tpu.vector_load %arg7[%get3A_1395] {strides = array<i32>} : memref<1024xi32, #tpu.memory_space<vmem>>, vector<16xi32>,
    %get3A_1397 = vector.shape_cast %get3A_1396 : vector<16xi32> to vector<16xi32>
    %get3A_1398 = arith.constant 480 : index
    %get3A_1399 = tpu.vector_load %arg8[%get3A_1398] {strides = array<i32>} : memref<1024xi32, #tpu.memory_space<vmem>>, vector<16xi32>,
    %get3A_1400 = vector.shape_cast %get3A_1399 : vector<16xi32> to vector<16xi32>
    %broadcast_in_dim3A_1401 = vector.shape_cast %get3A_1397 : vector<16xi32> to vector<16x1xi32>
    %gather3A_1402 = vector.shape_cast %broadcast_in_dim3A_1401 : vector<16x1xi32> to vector<16xi32>
    %gather3A_1403 = tpu.dynamic_gather %get3A_407[%gather3A_1402] in [0] : vector<16xi32>, vector<16xi32> -> vector<16xi32>
    %add3A_1404 = arith.addi %get3A_1400, %gather3A_1403 : vector<16xi32>
    %swap3A_1405 = arith.constant 480 : index
    %swap3A_1406 = tpu.vector_load %arg10[%swap3A_1405] {strides = array<i32>} : memref<1024xi32, #tpu.memory_space<vmem>>, vector<16xi32>,
    %swap3A_1407 = vector.shape_cast %swap3A_1406 : vector<16xi32> to vector<16xi32>
    %swap3A_1408 = vector.shape_cast %add3A_1404 : vector<16xi32> to vector<16xi32>
    tpu.vector_store %arg10[%swap3A_1405], %swap3A_1408 {strides = array<i32>} : memref<1024xi32, #tpu.memory_space<vmem>>, vector<16xi32>,
    %swap3A_1409 = arith.constant 3 : i32
    %swap3A_1410 = arith.index_cast %swap3A_1409 : i32 to index
    %swap3A_1411 = arith.constant 96 : index
    %swap3A_1412 = tpu.vector_load %arg11[%swap3A_1410, %swap3A_1411] {strides = array<i32>} : memref<8x128xi32, #tpu.memory_space<vmem>>, vector<1x16xi32>,
    %swap3A_1413 = vector.shape_cast %swap3A_1412 : vector<1x16xi32> to vector<16xi32>
    %swap3A_1414 = vector.shape_cast %add3A_1404 : vector<16xi32> to vector<1x16xi32>
    tpu.vector_store %arg11[%swap3A_1410, %swap3A_1411], %swap3A_1414 {strides = array<i32>} : memref<8x128xi32, #tpu.memory_space<vmem>>, vector<1x16xi32>,
    %add3A_1415 = arith.constant 0 : i32
    %add3A_1416 = arith.addi %multiple_of3A, %add3A_1415 : i32
    %add3A_1417 = arith.constant 480 : i32
    %add3A_1418 = arith.addi %add3A_1416, %add3A_1417 : i32
    %iota3A_1419 = tpu.iota {dimensions = array<i32: 0>} : vector<16xi32>
    %add3A_1420 = vector.broadcast %add3A_1418 : i32 to vector<16xi32>
    %add3A_1421 = arith.addi %add3A_1420, %iota3A_1419 : vector<16xi32>
    %swap3A_1422 = arith.constant 3 : i32
    %swap3A_1423 = arith.index_cast %swap3A_1422 : i32 to index
    %swap3A_1424 = arith.constant 96 : index
    %swap3A_1425 = tpu.vector_load %arg12[%swap3A_1423, %swap3A_1424] {strides = array<i32>} : memref<8x128xi32, #tpu.memory_space<vmem>>, vector<1x16xi32>,
    %swap3A_1426 = vector.shape_cast %swap3A_1425 : vector<1x16xi32> to vector<16xi32>
    %swap3A_1427 = vector.shape_cast %add3A_1421 : vector<16xi32> to vector<1x16xi32>
    tpu.vector_store %arg12[%swap3A_1423, %swap3A_1424], %swap3A_1427 {strides = array<i32>} : memref<8x128xi32, #tpu.memory_space<vmem>>, vector<1x16xi32>,
    %get3A_1428 = arith.constant 496 : index
    %get3A_1429 = tpu.vector_load %arg7[%get3A_1428] {strides = array<i32>} : memref<1024xi32, #tpu.memory_space<vmem>>, vector<16xi32>,
    %get3A_1430 = vector.shape_cast %get3A_1429 : vector<16xi32> to vector<16xi32>
    %get3A_1431 = arith.constant 496 : index
    %get3A_1432 = tpu.vector_load %arg8[%get3A_1431] {strides = array<i32>} : memref<1024xi32, #tpu.memory_space<vmem>>, vector<16xi32>,
    %get3A_1433 = vector.shape_cast %get3A_1432 : vector<16xi32> to vector<16xi32>
    %broadcast_in_dim3A_1434 = vector.shape_cast %get3A_1430 : vector<16xi32> to vector<16x1xi32>
    %gather3A_1435 = vector.shape_cast %broadcast_in_dim3A_1434 : vector<16x1xi32> to vector<16xi32>
    %gather3A_1436 = tpu.dynamic_gather %get3A_407[%gather3A_1435] in [0] : vector<16xi32>, vector<16xi32> -> vector<16xi32>
    %add3A_1437 = arith.addi %get3A_1433, %gather3A_1436 : vector<16xi32>
    %swap3A_1438 = arith.constant 496 : index
    %swap3A_1439 = tpu.vector_load %arg10[%swap3A_1438] {strides = array<i32>} : memref<1024xi32, #tpu.memory_space<vmem>>, vector<16xi32>,
    %swap3A_1440 = vector.shape_cast %swap3A_1439 : vector<16xi32> to vector<16xi32>
    %swap3A_1441 = vector.shape_cast %add3A_1437 : vector<16xi32> to vector<16xi32>
    tpu.vector_store %arg10[%swap3A_1438], %swap3A_1441 {strides = array<i32>} : memref<1024xi32, #tpu.memory_space<vmem>>, vector<16xi32>,
    %swap3A_1442 = arith.constant 3 : i32
    %swap3A_1443 = arith.index_cast %swap3A_1442 : i32 to index
    %swap3A_1444 = arith.constant 112 : index
    %swap3A_1445 = tpu.vector_load %arg11[%swap3A_1443, %swap3A_1444] {strides = array<i32>} : memref<8x128xi32, #tpu.memory_space<vmem>>, vector<1x16xi32>,
    %swap3A_1446 = vector.shape_cast %swap3A_1445 : vector<1x16xi32> to vector<16xi32>
    %swap3A_1447 = vector.shape_cast %add3A_1437 : vector<16xi32> to vector<1x16xi32>
    tpu.vector_store %arg11[%swap3A_1443, %swap3A_1444], %swap3A_1447 {strides = array<i32>} : memref<8x128xi32, #tpu.memory_space<vmem>>, vector<1x16xi32>,
    %add3A_1448 = arith.constant 0 : i32
    %add3A_1449 = arith.addi %multiple_of3A, %add3A_1448 : i32
    %add3A_1450 = arith.constant 496 : i32
    %add3A_1451 = arith.addi %add3A_1449, %add3A_1450 : i32
    %iota3A_1452 = tpu.iota {dimensions = array<i32: 0>} : vector<16xi32>
    %add3A_1453 = vector.broadcast %add3A_1451 : i32 to vector<16xi32>
    %add3A_1454 = arith.addi %add3A_1453, %iota3A_1452 : vector<16xi32>
    %swap3A_1455 = arith.constant 3 : i32
    %swap3A_1456 = arith.index_cast %swap3A_1455 : i32 to index
    %swap3A_1457 = arith.constant 112 : index
    %swap3A_1458 = tpu.vector_load %arg12[%swap3A_1456, %swap3A_1457] {strides = array<i32>} : memref<8x128xi32, #tpu.memory_space<vmem>>, vector<1x16xi32>,
    %swap3A_1459 = vector.shape_cast %swap3A_1458 : vector<1x16xi32> to vector<16xi32>
    %swap3A_1460 = vector.shape_cast %add3A_1454 : vector<16xi32> to vector<1x16xi32>
    tpu.vector_store %arg12[%swap3A_1456, %swap3A_1457], %swap3A_1460 {strides = array<i32>} : memref<8x128xi32, #tpu.memory_space<vmem>>, vector<1x16xi32>,
    %get3A_1461 = arith.constant 1 : i32
    %get3A_1462 = arith.index_cast %get3A_1461 : i32 to index
    %get3A_1463 = arith.constant 0 : index
    %get3A_1464 = tpu.vector_load %arg9[%get3A_1462, %get3A_1463] {strides = array<i32>} : memref<2x16xi32, #tpu.memory_space<vmem>>, vector<1x16xi32>,
    %get3A_1465 = vector.shape_cast %get3A_1464 : vector<1x16xi32> to vector<16xi32>
    %get3A_1466 = arith.constant 512 : index
    %get3A_1467 = tpu.vector_load %arg7[%get3A_1466] {strides = array<i32>} : memref<1024xi32, #tpu.memory_space<vmem>>, vector<16xi32>,
    %get3A_1468 = vector.shape_cast %get3A_1467 : vector<16xi32> to vector<16xi32>
    %get3A_1469 = arith.constant 512 : index
    %get3A_1470 = tpu.vector_load %arg8[%get3A_1469] {strides = array<i32>} : memref<1024xi32, #tpu.memory_space<vmem>>, vector<16xi32>,
    %get3A_1471 = vector.shape_cast %get3A_1470 : vector<16xi32> to vector<16xi32>
    %broadcast_in_dim3A_1472 = vector.shape_cast %get3A_1468 : vector<16xi32> to vector<16x1xi32>
    %gather3A_1473 = vector.shape_cast %broadcast_in_dim3A_1472 : vector<16x1xi32> to vector<16xi32>
    %gather3A_1474 = tpu.dynamic_gather %get3A_1465[%gather3A_1473] in [0] : vector<16xi32>, vector<16xi32> -> vector<16xi32>
    %add3A_1475 = arith.addi %get3A_1471, %gather3A_1474 : vector<16xi32>
    %swap3A_1476 = arith.constant 512 : index
    %swap3A_1477 = tpu.vector_load %arg10[%swap3A_1476] {strides = array<i32>} : memref<1024xi32, #tpu.memory_space<vmem>>, vector<16xi32>,
    %swap3A_1478 = vector.shape_cast %swap3A_1477 : vector<16xi32> to vector<16xi32>
    %swap3A_1479 = vector.shape_cast %add3A_1475 : vector<16xi32> to vector<16xi32>
    tpu.vector_store %arg10[%swap3A_1476], %swap3A_1479 {strides = array<i32>} : memref<1024xi32, #tpu.memory_space<vmem>>, vector<16xi32>,
    %swap3A_1480 = arith.constant 4 : i32
    %swap3A_1481 = arith.index_cast %swap3A_1480 : i32 to index
    %swap3A_1482 = arith.constant 0 : index
    %swap3A_1483 = tpu.vector_load %arg11[%swap3A_1481, %swap3A_1482] {strides = array<i32>} : memref<8x128xi32, #tpu.memory_space<vmem>>, vector<1x16xi32>,
    %swap3A_1484 = vector.shape_cast %swap3A_1483 : vector<1x16xi32> to vector<16xi32>
    %swap3A_1485 = vector.shape_cast %add3A_1475 : vector<16xi32> to vector<1x16xi32>
    tpu.vector_store %arg11[%swap3A_1481, %swap3A_1482], %swap3A_1485 {strides = array<i32>} : memref<8x128xi32, #tpu.memory_space<vmem>>, vector<1x16xi32>,
    %add3A_1486 = arith.constant 512 : i32
    %add3A_1487 = arith.addi %multiple_of3A, %add3A_1486 : i32
    %add3A_1488 = arith.constant 0 : i32
    %add3A_1489 = arith.addi %add3A_1487, %add3A_1488 : i32
    %iota3A_1490 = tpu.iota {dimensions = array<i32: 0>} : vector<16xi32>
    %add3A_1491 = vector.broadcast %add3A_1489 : i32 to vector<16xi32>
    %add3A_1492 = arith.addi %add3A_1491, %iota3A_1490 : vector<16xi32>
    %swap3A_1493 = arith.constant 4 : i32
    %swap3A_1494 = arith.index_cast %swap3A_1493 : i32 to index
    %swap3A_1495 = arith.constant 0 : index
    %swap3A_1496 = tpu.vector_load %arg12[%swap3A_1494, %swap3A_1495] {strides = array<i32>} : memref<8x128xi32, #tpu.memory_space<vmem>>, vector<1x16xi32>,
    %swap3A_1497 = vector.shape_cast %swap3A_1496 : vector<1x16xi32> to vector<16xi32>
    %swap3A_1498 = vector.shape_cast %add3A_1492 : vector<16xi32> to vector<1x16xi32>
    tpu.vector_store %arg12[%swap3A_1494, %swap3A_1495], %swap3A_1498 {strides = array<i32>} : memref<8x128xi32, #tpu.memory_space<vmem>>, vector<1x16xi32>,
    %get3A_1499 = arith.constant 528 : index
    %get3A_1500 = tpu.vector_load %arg7[%get3A_1499] {strides = array<i32>} : memref<1024xi32, #tpu.memory_space<vmem>>, vector<16xi32>,
    %get3A_1501 = vector.shape_cast %get3A_1500 : vector<16xi32> to vector<16xi32>
    %get3A_1502 = arith.constant 528 : index
    %get3A_1503 = tpu.vector_load %arg8[%get3A_1502] {strides = array<i32>} : memref<1024xi32, #tpu.memory_space<vmem>>, vector<16xi32>,
    %get3A_1504 = vector.shape_cast %get3A_1503 : vector<16xi32> to vector<16xi32>
    %broadcast_in_dim3A_1505 = vector.shape_cast %get3A_1501 : vector<16xi32> to vector<16x1xi32>
    %gather3A_1506 = vector.shape_cast %broadcast_in_dim3A_1505 : vector<16x1xi32> to vector<16xi32>
    %gather3A_1507 = tpu.dynamic_gather %get3A_1465[%gather3A_1506] in [0] : vector<16xi32>, vector<16xi32> -> vector<16xi32>
    %add3A_1508 = arith.addi %get3A_1504, %gather3A_1507 : vector<16xi32>
    %swap3A_1509 = arith.constant 528 : index
    %swap3A_1510 = tpu.vector_load %arg10[%swap3A_1509] {strides = array<i32>} : memref<1024xi32, #tpu.memory_space<vmem>>, vector<16xi32>,
    %swap3A_1511 = vector.shape_cast %swap3A_1510 : vector<16xi32> to vector<16xi32>
    %swap3A_1512 = vector.shape_cast %add3A_1508 : vector<16xi32> to vector<16xi32>
    tpu.vector_store %arg10[%swap3A_1509], %swap3A_1512 {strides = array<i32>} : memref<1024xi32, #tpu.memory_space<vmem>>, vector<16xi32>,
    %swap3A_1513 = arith.constant 4 : i32
    %swap3A_1514 = arith.index_cast %swap3A_1513 : i32 to index
    %swap3A_1515 = arith.constant 16 : index
    %swap3A_1516 = tpu.vector_load %arg11[%swap3A_1514, %swap3A_1515] {strides = array<i32>} : memref<8x128xi32, #tpu.memory_space<vmem>>, vector<1x16xi32>,
    %swap3A_1517 = vector.shape_cast %swap3A_1516 : vector<1x16xi32> to vector<16xi32>
    %swap3A_1518 = vector.shape_cast %add3A_1508 : vector<16xi32> to vector<1x16xi32>
    tpu.vector_store %arg11[%swap3A_1514, %swap3A_1515], %swap3A_1518 {strides = array<i32>} : memref<8x128xi32, #tpu.memory_space<vmem>>, vector<1x16xi32>,
    %add3A_1519 = arith.constant 512 : i32
    %add3A_1520 = arith.addi %multiple_of3A, %add3A_1519 : i32
    %add3A_1521 = arith.constant 16 : i32
    %add3A_1522 = arith.addi %add3A_1520, %add3A_1521 : i32
    %iota3A_1523 = tpu.iota {dimensions = array<i32: 0>} : vector<16xi32>
    %add3A_1524 = vector.broadcast %add3A_1522 : i32 to vector<16xi32>
    %add3A_1525 = arith.addi %add3A_1524, %iota3A_1523 : vector<16xi32>
    %swap3A_1526 = arith.constant 4 : i32
    %swap3A_1527 = arith.index_cast %swap3A_1526 : i32 to index
    %swap3A_1528 = arith.constant 16 : index
    %swap3A_1529 = tpu.vector_load %arg12[%swap3A_1527, %swap3A_1528] {strides = array<i32>} : memref<8x128xi32, #tpu.memory_space<vmem>>, vector<1x16xi32>,
    %swap3A_1530 = vector.shape_cast %swap3A_1529 : vector<1x16xi32> to vector<16xi32>
    %swap3A_1531 = vector.shape_cast %add3A_1525 : vector<16xi32> to vector<1x16xi32>
    tpu.vector_store %arg12[%swap3A_1527, %swap3A_1528], %swap3A_1531 {strides = array<i32>} : memref<8x128xi32, #tpu.memory_space<vmem>>, vector<1x16xi32>,
    %get3A_1532 = arith.constant 544 : index
    %get3A_1533 = tpu.vector_load %arg7[%get3A_1532] {strides = array<i32>} : memref<1024xi32, #tpu.memory_space<vmem>>, vector<16xi32>,
    %get3A_1534 = vector.shape_cast %get3A_1533 : vector<16xi32> to vector<16xi32>
    %get3A_1535 = arith.constant 544 : index
    %get3A_1536 = tpu.vector_load %arg8[%get3A_1535] {strides = array<i32>} : memref<1024xi32, #tpu.memory_space<vmem>>, vector<16xi32>,
    %get3A_1537 = vector.shape_cast %get3A_1536 : vector<16xi32> to vector<16xi32>
    %broadcast_in_dim3A_1538 = vector.shape_cast %get3A_1534 : vector<16xi32> to vector<16x1xi32>
    %gather3A_1539 = vector.shape_cast %broadcast_in_dim3A_1538 : vector<16x1xi32> to vector<16xi32>
    %gather3A_1540 = tpu.dynamic_gather %get3A_1465[%gather3A_1539] in [0] : vector<16xi32>, vector<16xi32> -> vector<16xi32>
    %add3A_1541 = arith.addi %get3A_1537, %gather3A_1540 : vector<16xi32>
    %swap3A_1542 = arith.constant 544 : index
    %swap3A_1543 = tpu.vector_load %arg10[%swap3A_1542] {strides = array<i32>} : memref<1024xi32, #tpu.memory_space<vmem>>, vector<16xi32>,
    %swap3A_1544 = vector.shape_cast %swap3A_1543 : vector<16xi32> to vector<16xi32>
    %swap3A_1545 = vector.shape_cast %add3A_1541 : vector<16xi32> to vector<16xi32>
    tpu.vector_store %arg10[%swap3A_1542], %swap3A_1545 {strides = array<i32>} : memref<1024xi32, #tpu.memory_space<vmem>>, vector<16xi32>,
    %swap3A_1546 = arith.constant 4 : i32
    %swap3A_1547 = arith.index_cast %swap3A_1546 : i32 to index
    %swap3A_1548 = arith.constant 32 : index
    %swap3A_1549 = tpu.vector_load %arg11[%swap3A_1547, %swap3A_1548] {strides = array<i32>} : memref<8x128xi32, #tpu.memory_space<vmem>>, vector<1x16xi32>,
    %swap3A_1550 = vector.shape_cast %swap3A_1549 : vector<1x16xi32> to vector<16xi32>
    %swap3A_1551 = vector.shape_cast %add3A_1541 : vector<16xi32> to vector<1x16xi32>
    tpu.vector_store %arg11[%swap3A_1547, %swap3A_1548], %swap3A_1551 {strides = array<i32>} : memref<8x128xi32, #tpu.memory_space<vmem>>, vector<1x16xi32>,
    %add3A_1552 = arith.constant 512 : i32
    %add3A_1553 = arith.addi %multiple_of3A, %add3A_1552 : i32
    %add3A_1554 = arith.constant 32 : i32
    %add3A_1555 = arith.addi %add3A_1553, %add3A_1554 : i32
    %iota3A_1556 = tpu.iota {dimensions = array<i32: 0>} : vector<16xi32>
    %add3A_1557 = vector.broadcast %add3A_1555 : i32 to vector<16xi32>
    %add3A_1558 = arith.addi %add3A_1557, %iota3A_1556 : vector<16xi32>
    %swap3A_1559 = arith.constant 4 : i32
    %swap3A_1560 = arith.index_cast %swap3A_1559 : i32 to index
    %swap3A_1561 = arith.constant 32 : index
    %swap3A_1562 = tpu.vector_load %arg12[%swap3A_1560, %swap3A_1561] {strides = array<i32>} : memref<8x128xi32, #tpu.memory_space<vmem>>, vector<1x16xi32>,
    %swap3A_1563 = vector.shape_cast %swap3A_1562 : vector<1x16xi32> to vector<16xi32>
    %swap3A_1564 = vector.shape_cast %add3A_1558 : vector<16xi32> to vector<1x16xi32>
    tpu.vector_store %arg12[%swap3A_1560, %swap3A_1561], %swap3A_1564 {strides = array<i32>} : memref<8x128xi32, #tpu.memory_space<vmem>>, vector<1x16xi32>,
    %get3A_1565 = arith.constant 560 : index
    %get3A_1566 = tpu.vector_load %arg7[%get3A_1565] {strides = array<i32>} : memref<1024xi32, #tpu.memory_space<vmem>>, vector<16xi32>,
    %get3A_1567 = vector.shape_cast %get3A_1566 : vector<16xi32> to vector<16xi32>
    %get3A_1568 = arith.constant 560 : index
    %get3A_1569 = tpu.vector_load %arg8[%get3A_1568] {strides = array<i32>} : memref<1024xi32, #tpu.memory_space<vmem>>, vector<16xi32>,
    %get3A_1570 = vector.shape_cast %get3A_1569 : vector<16xi32> to vector<16xi32>
    %broadcast_in_dim3A_1571 = vector.shape_cast %get3A_1567 : vector<16xi32> to vector<16x1xi32>
    %gather3A_1572 = vector.shape_cast %broadcast_in_dim3A_1571 : vector<16x1xi32> to vector<16xi32>
    %gather3A_1573 = tpu.dynamic_gather %get3A_1465[%gather3A_1572] in [0] : vector<16xi32>, vector<16xi32> -> vector<16xi32>
    %add3A_1574 = arith.addi %get3A_1570, %gather3A_1573 : vector<16xi32>
    %swap3A_1575 = arith.constant 560 : index
    %swap3A_1576 = tpu.vector_load %arg10[%swap3A_1575] {strides = array<i32>} : memref<1024xi32, #tpu.memory_space<vmem>>, vector<16xi32>,
    %swap3A_1577 = vector.shape_cast %swap3A_1576 : vector<16xi32> to vector<16xi32>
    %swap3A_1578 = vector.shape_cast %add3A_1574 : vector<16xi32> to vector<16xi32>
    tpu.vector_store %arg10[%swap3A_1575], %swap3A_1578 {strides = array<i32>} : memref<1024xi32, #tpu.memory_space<vmem>>, vector<16xi32>,
    %swap3A_1579 = arith.constant 4 : i32
    %swap3A_1580 = arith.index_cast %swap3A_1579 : i32 to index
    %swap3A_1581 = arith.constant 48 : index
    %swap3A_1582 = tpu.vector_load %arg11[%swap3A_1580, %swap3A_1581] {strides = array<i32>} : memref<8x128xi32, #tpu.memory_space<vmem>>, vector<1x16xi32>,
    %swap3A_1583 = vector.shape_cast %swap3A_1582 : vector<1x16xi32> to vector<16xi32>
    %swap3A_1584 = vector.shape_cast %add3A_1574 : vector<16xi32> to vector<1x16xi32>
    tpu.vector_store %arg11[%swap3A_1580, %swap3A_1581], %swap3A_1584 {strides = array<i32>} : memref<8x128xi32, #tpu.memory_space<vmem>>, vector<1x16xi32>,
    %add3A_1585 = arith.constant 512 : i32
    %add3A_1586 = arith.addi %multiple_of3A, %add3A_1585 : i32
    %add3A_1587 = arith.constant 48 : i32
    %add3A_1588 = arith.addi %add3A_1586, %add3A_1587 : i32
    %iota3A_1589 = tpu.iota {dimensions = array<i32: 0>} : vector<16xi32>
    %add3A_1590 = vector.broadcast %add3A_1588 : i32 to vector<16xi32>
    %add3A_1591 = arith.addi %add3A_1590, %iota3A_1589 : vector<16xi32>
    %swap3A_1592 = arith.constant 4 : i32
    %swap3A_1593 = arith.index_cast %swap3A_1592 : i32 to index
    %swap3A_1594 = arith.constant 48 : index
    %swap3A_1595 = tpu.vector_load %arg12[%swap3A_1593, %swap3A_1594] {strides = array<i32>} : memref<8x128xi32, #tpu.memory_space<vmem>>, vector<1x16xi32>,
    %swap3A_1596 = vector.shape_cast %swap3A_1595 : vector<1x16xi32> to vector<16xi32>
    %swap3A_1597 = vector.shape_cast %add3A_1591 : vector<16xi32> to vector<1x16xi32>
    tpu.vector_store %arg12[%swap3A_1593, %swap3A_1594], %swap3A_1597 {strides = array<i32>} : memref<8x128xi32, #tpu.memory_space<vmem>>, vector<1x16xi32>,
    %get3A_1598 = arith.constant 576 : index
    %get3A_1599 = tpu.vector_load %arg7[%get3A_1598] {strides = array<i32>} : memref<1024xi32, #tpu.memory_space<vmem>>, vector<16xi32>,
    %get3A_1600 = vector.shape_cast %get3A_1599 : vector<16xi32> to vector<16xi32>
    %get3A_1601 = arith.constant 576 : index
    %get3A_1602 = tpu.vector_load %arg8[%get3A_1601] {strides = array<i32>} : memref<1024xi32, #tpu.memory_space<vmem>>, vector<16xi32>,
    %get3A_1603 = vector.shape_cast %get3A_1602 : vector<16xi32> to vector<16xi32>
    %broadcast_in_dim3A_1604 = vector.shape_cast %get3A_1600 : vector<16xi32> to vector<16x1xi32>
    %gather3A_1605 = vector.shape_cast %broadcast_in_dim3A_1604 : vector<16x1xi32> to vector<16xi32>
    %gather3A_1606 = tpu.dynamic_gather %get3A_1465[%gather3A_1605] in [0] : vector<16xi32>, vector<16xi32> -> vector<16xi32>
    %add3A_1607 = arith.addi %get3A_1603, %gather3A_1606 : vector<16xi32>
    %swap3A_1608 = arith.constant 576 : index
    %swap3A_1609 = tpu.vector_load %arg10[%swap3A_1608] {strides = array<i32>} : memref<1024xi32, #tpu.memory_space<vmem>>, vector<16xi32>,
    %swap3A_1610 = vector.shape_cast %swap3A_1609 : vector<16xi32> to vector<16xi32>
    %swap3A_1611 = vector.shape_cast %add3A_1607 : vector<16xi32> to vector<16xi32>
    tpu.vector_store %arg10[%swap3A_1608], %swap3A_1611 {strides = array<i32>} : memref<1024xi32, #tpu.memory_space<vmem>>, vector<16xi32>,
    %swap3A_1612 = arith.constant 4 : i32
    %swap3A_1613 = arith.index_cast %swap3A_1612 : i32 to index
    %swap3A_1614 = arith.constant 64 : index
    %swap3A_1615 = tpu.vector_load %arg11[%swap3A_1613, %swap3A_1614] {strides = array<i32>} : memref<8x128xi32, #tpu.memory_space<vmem>>, vector<1x16xi32>,
    %swap3A_1616 = vector.shape_cast %swap3A_1615 : vector<1x16xi32> to vector<16xi32>
    %swap3A_1617 = vector.shape_cast %add3A_1607 : vector<16xi32> to vector<1x16xi32>
    tpu.vector_store %arg11[%swap3A_1613, %swap3A_1614], %swap3A_1617 {strides = array<i32>} : memref<8x128xi32, #tpu.memory_space<vmem>>, vector<1x16xi32>,
    %add3A_1618 = arith.constant 512 : i32
    %add3A_1619 = arith.addi %multiple_of3A, %add3A_1618 : i32
    %add3A_1620 = arith.constant 64 : i32
    %add3A_1621 = arith.addi %add3A_1619, %add3A_1620 : i32
    %iota3A_1622 = tpu.iota {dimensions = array<i32: 0>} : vector<16xi32>
    %add3A_1623 = vector.broadcast %add3A_1621 : i32 to vector<16xi32>
    %add3A_1624 = arith.addi %add3A_1623, %iota3A_1622 : vector<16xi32>
    %swap3A_1625 = arith.constant 4 : i32
    %swap3A_1626 = arith.index_cast %swap3A_1625 : i32 to index
    %swap3A_1627 = arith.constant 64 : index
    %swap3A_1628 = tpu.vector_load %arg12[%swap3A_1626, %swap3A_1627] {strides = array<i32>} : memref<8x128xi32, #tpu.memory_space<vmem>>, vector<1x16xi32>,
    %swap3A_1629 = vector.shape_cast %swap3A_1628 : vector<1x16xi32> to vector<16xi32>
    %swap3A_1630 = vector.shape_cast %add3A_1624 : vector<16xi32> to vector<1x16xi32>
    tpu.vector_store %arg12[%swap3A_1626, %swap3A_1627], %swap3A_1630 {strides = array<i32>} : memref<8x128xi32, #tpu.memory_space<vmem>>, vector<1x16xi32>,
    %get3A_1631 = arith.constant 592 : index
    %get3A_1632 = tpu.vector_load %arg7[%get3A_1631] {strides = array<i32>} : memref<1024xi32, #tpu.memory_space<vmem>>, vector<16xi32>,
    %get3A_1633 = vector.shape_cast %get3A_1632 : vector<16xi32> to vector<16xi32>
    %get3A_1634 = arith.constant 592 : index
    %get3A_1635 = tpu.vector_load %arg8[%get3A_1634] {strides = array<i32>} : memref<1024xi32, #tpu.memory_space<vmem>>, vector<16xi32>,
    %get3A_1636 = vector.shape_cast %get3A_1635 : vector<16xi32> to vector<16xi32>
    %broadcast_in_dim3A_1637 = vector.shape_cast %get3A_1633 : vector<16xi32> to vector<16x1xi32>
    %gather3A_1638 = vector.shape_cast %broadcast_in_dim3A_1637 : vector<16x1xi32> to vector<16xi32>
    %gather3A_1639 = tpu.dynamic_gather %get3A_1465[%gather3A_1638] in [0] : vector<16xi32>, vector<16xi32> -> vector<16xi32>
    %add3A_1640 = arith.addi %get3A_1636, %gather3A_1639 : vector<16xi32>
    %swap3A_1641 = arith.constant 592 : index
    %swap3A_1642 = tpu.vector_load %arg10[%swap3A_1641] {strides = array<i32>} : memref<1024xi32, #tpu.memory_space<vmem>>, vector<16xi32>,
    %swap3A_1643 = vector.shape_cast %swap3A_1642 : vector<16xi32> to vector<16xi32>
    %swap3A_1644 = vector.shape_cast %add3A_1640 : vector<16xi32> to vector<16xi32>
    tpu.vector_store %arg10[%swap3A_1641], %swap3A_1644 {strides = array<i32>} : memref<1024xi32, #tpu.memory_space<vmem>>, vector<16xi32>,
    %swap3A_1645 = arith.constant 4 : i32
    %swap3A_1646 = arith.index_cast %swap3A_1645 : i32 to index
    %swap3A_1647 = arith.constant 80 : index
    %swap3A_1648 = tpu.vector_load %arg11[%swap3A_1646, %swap3A_1647] {strides = array<i32>} : memref<8x128xi32, #tpu.memory_space<vmem>>, vector<1x16xi32>,
    %swap3A_1649 = vector.shape_cast %swap3A_1648 : vector<1x16xi32> to vector<16xi32>
    %swap3A_1650 = vector.shape_cast %add3A_1640 : vector<16xi32> to vector<1x16xi32>
    tpu.vector_store %arg11[%swap3A_1646, %swap3A_1647], %swap3A_1650 {strides = array<i32>} : memref<8x128xi32, #tpu.memory_space<vmem>>, vector<1x16xi32>,
    %add3A_1651 = arith.constant 512 : i32
    %add3A_1652 = arith.addi %multiple_of3A, %add3A_1651 : i32
    %add3A_1653 = arith.constant 80 : i32
    %add3A_1654 = arith.addi %add3A_1652, %add3A_1653 : i32
    %iota3A_1655 = tpu.iota {dimensions = array<i32: 0>} : vector<16xi32>
    %add3A_1656 = vector.broadcast %add3A_1654 : i32 to vector<16xi32>
    %add3A_1657 = arith.addi %add3A_1656, %iota3A_1655 : vector<16xi32>
    %swap3A_1658 = arith.constant 4 : i32
    %swap3A_1659 = arith.index_cast %swap3A_1658 : i32 to index
    %swap3A_1660 = arith.constant 80 : index
    %swap3A_1661 = tpu.vector_load %arg12[%swap3A_1659, %swap3A_1660] {strides = array<i32>} : memref<8x128xi32, #tpu.memory_space<vmem>>, vector<1x16xi32>,
    %swap3A_1662 = vector.shape_cast %swap3A_1661 : vector<1x16xi32> to vector<16xi32>
    %swap3A_1663 = vector.shape_cast %add3A_1657 : vector<16xi32> to vector<1x16xi32>
    tpu.vector_store %arg12[%swap3A_1659, %swap3A_1660], %swap3A_1663 {strides = array<i32>} : memref<8x128xi32, #tpu.memory_space<vmem>>, vector<1x16xi32>,
    %get3A_1664 = arith.constant 608 : index
    %get3A_1665 = tpu.vector_load %arg7[%get3A_1664] {strides = array<i32>} : memref<1024xi32, #tpu.memory_space<vmem>>, vector<16xi32>,
    %get3A_1666 = vector.shape_cast %get3A_1665 : vector<16xi32> to vector<16xi32>
    %get3A_1667 = arith.constant 608 : index
    %get3A_1668 = tpu.vector_load %arg8[%get3A_1667] {strides = array<i32>} : memref<1024xi32, #tpu.memory_space<vmem>>, vector<16xi32>,
    %get3A_1669 = vector.shape_cast %get3A_1668 : vector<16xi32> to vector<16xi32>
    %broadcast_in_dim3A_1670 = vector.shape_cast %get3A_1666 : vector<16xi32> to vector<16x1xi32>
    %gather3A_1671 = vector.shape_cast %broadcast_in_dim3A_1670 : vector<16x1xi32> to vector<16xi32>
    %gather3A_1672 = tpu.dynamic_gather %get3A_1465[%gather3A_1671] in [0] : vector<16xi32>, vector<16xi32> -> vector<16xi32>
    %add3A_1673 = arith.addi %get3A_1669, %gather3A_1672 : vector<16xi32>
    %swap3A_1674 = arith.constant 608 : index
    %swap3A_1675 = tpu.vector_load %arg10[%swap3A_1674] {strides = array<i32>} : memref<1024xi32, #tpu.memory_space<vmem>>, vector<16xi32>,
    %swap3A_1676 = vector.shape_cast %swap3A_1675 : vector<16xi32> to vector<16xi32>
    %swap3A_1677 = vector.shape_cast %add3A_1673 : vector<16xi32> to vector<16xi32>
    tpu.vector_store %arg10[%swap3A_1674], %swap3A_1677 {strides = array<i32>} : memref<1024xi32, #tpu.memory_space<vmem>>, vector<16xi32>,
    %swap3A_1678 = arith.constant 4 : i32
    %swap3A_1679 = arith.index_cast %swap3A_1678 : i32 to index
    %swap3A_1680 = arith.constant 96 : index
    %swap3A_1681 = tpu.vector_load %arg11[%swap3A_1679, %swap3A_1680] {strides = array<i32>} : memref<8x128xi32, #tpu.memory_space<vmem>>, vector<1x16xi32>,
    %swap3A_1682 = vector.shape_cast %swap3A_1681 : vector<1x16xi32> to vector<16xi32>
    %swap3A_1683 = vector.shape_cast %add3A_1673 : vector<16xi32> to vector<1x16xi32>
    tpu.vector_store %arg11[%swap3A_1679, %swap3A_1680], %swap3A_1683 {strides = array<i32>} : memref<8x128xi32, #tpu.memory_space<vmem>>, vector<1x16xi32>,
    %add3A_1684 = arith.constant 512 : i32
    %add3A_1685 = arith.addi %multiple_of3A, %add3A_1684 : i32
    %add3A_1686 = arith.constant 96 : i32
    %add3A_1687 = arith.addi %add3A_1685, %add3A_1686 : i32
    %iota3A_1688 = tpu.iota {dimensions = array<i32: 0>} : vector<16xi32>
    %add3A_1689 = vector.broadcast %add3A_1687 : i32 to vector<16xi32>
    %add3A_1690 = arith.addi %add3A_1689, %iota3A_1688 : vector<16xi32>
    %swap3A_1691 = arith.constant 4 : i32
    %swap3A_1692 = arith.index_cast %swap3A_1691 : i32 to index
    %swap3A_1693 = arith.constant 96 : index
    %swap3A_1694 = tpu.vector_load %arg12[%swap3A_1692, %swap3A_1693] {strides = array<i32>} : memref<8x128xi32, #tpu.memory_space<vmem>>, vector<1x16xi32>,
    %swap3A_1695 = vector.shape_cast %swap3A_1694 : vector<1x16xi32> to vector<16xi32>
    %swap3A_1696 = vector.shape_cast %add3A_1690 : vector<16xi32> to vector<1x16xi32>
    tpu.vector_store %arg12[%swap3A_1692, %swap3A_1693], %swap3A_1696 {strides = array<i32>} : memref<8x128xi32, #tpu.memory_space<vmem>>, vector<1x16xi32>,
    %get3A_1697 = arith.constant 624 : index
    %get3A_1698 = tpu.vector_load %arg7[%get3A_1697] {strides = array<i32>} : memref<1024xi32, #tpu.memory_space<vmem>>, vector<16xi32>,
    %get3A_1699 = vector.shape_cast %get3A_1698 : vector<16xi32> to vector<16xi32>
    %get3A_1700 = arith.constant 624 : index
    %get3A_1701 = tpu.vector_load %arg8[%get3A_1700] {strides = array<i32>} : memref<1024xi32, #tpu.memory_space<vmem>>, vector<16xi32>,
    %get3A_1702 = vector.shape_cast %get3A_1701 : vector<16xi32> to vector<16xi32>
    %broadcast_in_dim3A_1703 = vector.shape_cast %get3A_1699 : vector<16xi32> to vector<16x1xi32>
    %gather3A_1704 = vector.shape_cast %broadcast_in_dim3A_1703 : vector<16x1xi32> to vector<16xi32>
    %gather3A_1705 = tpu.dynamic_gather %get3A_1465[%gather3A_1704] in [0] : vector<16xi32>, vector<16xi32> -> vector<16xi32>
    %add3A_1706 = arith.addi %get3A_1702, %gather3A_1705 : vector<16xi32>
    %swap3A_1707 = arith.constant 624 : index
    %swap3A_1708 = tpu.vector_load %arg10[%swap3A_1707] {strides = array<i32>} : memref<1024xi32, #tpu.memory_space<vmem>>, vector<16xi32>,
    %swap3A_1709 = vector.shape_cast %swap3A_1708 : vector<16xi32> to vector<16xi32>
    %swap3A_1710 = vector.shape_cast %add3A_1706 : vector<16xi32> to vector<16xi32>
    tpu.vector_store %arg10[%swap3A_1707], %swap3A_1710 {strides = array<i32>} : memref<1024xi32, #tpu.memory_space<vmem>>, vector<16xi32>,
    %swap3A_1711 = arith.constant 4 : i32
    %swap3A_1712 = arith.index_cast %swap3A_1711 : i32 to index
    %swap3A_1713 = arith.constant 112 : index
    %swap3A_1714 = tpu.vector_load %arg11[%swap3A_1712, %swap3A_1713] {strides = array<i32>} : memref<8x128xi32, #tpu.memory_space<vmem>>, vector<1x16xi32>,
    %swap3A_1715 = vector.shape_cast %swap3A_1714 : vector<1x16xi32> to vector<16xi32>
    %swap3A_1716 = vector.shape_cast %add3A_1706 : vector<16xi32> to vector<1x16xi32>
    tpu.vector_store %arg11[%swap3A_1712, %swap3A_1713], %swap3A_1716 {strides = array<i32>} : memref<8x128xi32, #tpu.memory_space<vmem>>, vector<1x16xi32>,
    %add3A_1717 = arith.constant 512 : i32
    %add3A_1718 = arith.addi %multiple_of3A, %add3A_1717 : i32
    %add3A_1719 = arith.constant 112 : i32
    %add3A_1720 = arith.addi %add3A_1718, %add3A_1719 : i32
    %iota3A_1721 = tpu.iota {dimensions = array<i32: 0>} : vector<16xi32>
    %add3A_1722 = vector.broadcast %add3A_1720 : i32 to vector<16xi32>
    %add3A_1723 = arith.addi %add3A_1722, %iota3A_1721 : vector<16xi32>
    %swap3A_1724 = arith.constant 4 : i32
    %swap3A_1725 = arith.index_cast %swap3A_1724 : i32 to index
    %swap3A_1726 = arith.constant 112 : index
    %swap3A_1727 = tpu.vector_load %arg12[%swap3A_1725, %swap3A_1726] {strides = array<i32>} : memref<8x128xi32, #tpu.memory_space<vmem>>, vector<1x16xi32>,
    %swap3A_1728 = vector.shape_cast %swap3A_1727 : vector<1x16xi32> to vector<16xi32>
    %swap3A_1729 = vector.shape_cast %add3A_1723 : vector<16xi32> to vector<1x16xi32>
    tpu.vector_store %arg12[%swap3A_1725, %swap3A_1726], %swap3A_1729 {strides = array<i32>} : memref<8x128xi32, #tpu.memory_space<vmem>>, vector<1x16xi32>,
    %get3A_1730 = arith.constant 640 : index
    %get3A_1731 = tpu.vector_load %arg7[%get3A_1730] {strides = array<i32>} : memref<1024xi32, #tpu.memory_space<vmem>>, vector<16xi32>,
    %get3A_1732 = vector.shape_cast %get3A_1731 : vector<16xi32> to vector<16xi32>
    %get3A_1733 = arith.constant 640 : index
    %get3A_1734 = tpu.vector_load %arg8[%get3A_1733] {strides = array<i32>} : memref<1024xi32, #tpu.memory_space<vmem>>, vector<16xi32>,
    %get3A_1735 = vector.shape_cast %get3A_1734 : vector<16xi32> to vector<16xi32>
    %broadcast_in_dim3A_1736 = vector.shape_cast %get3A_1732 : vector<16xi32> to vector<16x1xi32>
    %gather3A_1737 = vector.shape_cast %broadcast_in_dim3A_1736 : vector<16x1xi32> to vector<16xi32>
    %gather3A_1738 = tpu.dynamic_gather %get3A_1465[%gather3A_1737] in [0] : vector<16xi32>, vector<16xi32> -> vector<16xi32>
    %add3A_1739 = arith.addi %get3A_1735, %gather3A_1738 : vector<16xi32>
    %swap3A_1740 = arith.constant 640 : index
    %swap3A_1741 = tpu.vector_load %arg10[%swap3A_1740] {strides = array<i32>} : memref<1024xi32, #tpu.memory_space<vmem>>, vector<16xi32>,
    %swap3A_1742 = vector.shape_cast %swap3A_1741 : vector<16xi32> to vector<16xi32>
    %swap3A_1743 = vector.shape_cast %add3A_1739 : vector<16xi32> to vector<16xi32>
    tpu.vector_store %arg10[%swap3A_1740], %swap3A_1743 {strides = array<i32>} : memref<1024xi32, #tpu.memory_space<vmem>>, vector<16xi32>,
    %swap3A_1744 = arith.constant 5 : i32
    %swap3A_1745 = arith.index_cast %swap3A_1744 : i32 to index
    %swap3A_1746 = arith.constant 0 : index
    %swap3A_1747 = tpu.vector_load %arg11[%swap3A_1745, %swap3A_1746] {strides = array<i32>} : memref<8x128xi32, #tpu.memory_space<vmem>>, vector<1x16xi32>,
    %swap3A_1748 = vector.shape_cast %swap3A_1747 : vector<1x16xi32> to vector<16xi32>
    %swap3A_1749 = vector.shape_cast %add3A_1739 : vector<16xi32> to vector<1x16xi32>
    tpu.vector_store %arg11[%swap3A_1745, %swap3A_1746], %swap3A_1749 {strides = array<i32>} : memref<8x128xi32, #tpu.memory_space<vmem>>, vector<1x16xi32>,
    %add3A_1750 = arith.constant 512 : i32
    %add3A_1751 = arith.addi %multiple_of3A, %add3A_1750 : i32
    %add3A_1752 = arith.constant 128 : i32
    %add3A_1753 = arith.addi %add3A_1751, %add3A_1752 : i32
    %iota3A_1754 = tpu.iota {dimensions = array<i32: 0>} : vector<16xi32>
    %add3A_1755 = vector.broadcast %add3A_1753 : i32 to vector<16xi32>
    %add3A_1756 = arith.addi %add3A_1755, %iota3A_1754 : vector<16xi32>
    %swap3A_1757 = arith.constant 5 : i32
    %swap3A_1758 = arith.index_cast %swap3A_1757 : i32 to index
    %swap3A_1759 = arith.constant 0 : index
    %swap3A_1760 = tpu.vector_load %arg12[%swap3A_1758, %swap3A_1759] {strides = array<i32>} : memref<8x128xi32, #tpu.memory_space<vmem>>, vector<1x16xi32>,
    %swap3A_1761 = vector.shape_cast %swap3A_1760 : vector<1x16xi32> to vector<16xi32>
    %swap3A_1762 = vector.shape_cast %add3A_1756 : vector<16xi32> to vector<1x16xi32>
    tpu.vector_store %arg12[%swap3A_1758, %swap3A_1759], %swap3A_1762 {strides = array<i32>} : memref<8x128xi32, #tpu.memory_space<vmem>>, vector<1x16xi32>,
    %get3A_1763 = arith.constant 656 : index
    %get3A_1764 = tpu.vector_load %arg7[%get3A_1763] {strides = array<i32>} : memref<1024xi32, #tpu.memory_space<vmem>>, vector<16xi32>,
    %get3A_1765 = vector.shape_cast %get3A_1764 : vector<16xi32> to vector<16xi32>
    %get3A_1766 = arith.constant 656 : index
    %get3A_1767 = tpu.vector_load %arg8[%get3A_1766] {strides = array<i32>} : memref<1024xi32, #tpu.memory_space<vmem>>, vector<16xi32>,
    %get3A_1768 = vector.shape_cast %get3A_1767 : vector<16xi32> to vector<16xi32>
    %broadcast_in_dim3A_1769 = vector.shape_cast %get3A_1765 : vector<16xi32> to vector<16x1xi32>
    %gather3A_1770 = vector.shape_cast %broadcast_in_dim3A_1769 : vector<16x1xi32> to vector<16xi32>
    %gather3A_1771 = tpu.dynamic_gather %get3A_1465[%gather3A_1770] in [0] : vector<16xi32>, vector<16xi32> -> vector<16xi32>
    %add3A_1772 = arith.addi %get3A_1768, %gather3A_1771 : vector<16xi32>
    %swap3A_1773 = arith.constant 656 : index
    %swap3A_1774 = tpu.vector_load %arg10[%swap3A_1773] {strides = array<i32>} : memref<1024xi32, #tpu.memory_space<vmem>>, vector<16xi32>,
    %swap3A_1775 = vector.shape_cast %swap3A_1774 : vector<16xi32> to vector<16xi32>
    %swap3A_1776 = vector.shape_cast %add3A_1772 : vector<16xi32> to vector<16xi32>
    tpu.vector_store %arg10[%swap3A_1773], %swap3A_1776 {strides = array<i32>} : memref<1024xi32, #tpu.memory_space<vmem>>, vector<16xi32>,
    %swap3A_1777 = arith.constant 5 : i32
    %swap3A_1778 = arith.index_cast %swap3A_1777 : i32 to index
    %swap3A_1779 = arith.constant 16 : index
    %swap3A_1780 = tpu.vector_load %arg11[%swap3A_1778, %swap3A_1779] {strides = array<i32>} : memref<8x128xi32, #tpu.memory_space<vmem>>, vector<1x16xi32>,
    %swap3A_1781 = vector.shape_cast %swap3A_1780 : vector<1x16xi32> to vector<16xi32>
    %swap3A_1782 = vector.shape_cast %add3A_1772 : vector<16xi32> to vector<1x16xi32>
    tpu.vector_store %arg11[%swap3A_1778, %swap3A_1779], %swap3A_1782 {strides = array<i32>} : memref<8x128xi32, #tpu.memory_space<vmem>>, vector<1x16xi32>,
    %add3A_1783 = arith.constant 512 : i32
    %add3A_1784 = arith.addi %multiple_of3A, %add3A_1783 : i32
    %add3A_1785 = arith.constant 144 : i32
    %add3A_1786 = arith.addi %add3A_1784, %add3A_1785 : i32
    %iota3A_1787 = tpu.iota {dimensions = array<i32: 0>} : vector<16xi32>
    %add3A_1788 = vector.broadcast %add3A_1786 : i32 to vector<16xi32>
    %add3A_1789 = arith.addi %add3A_1788, %iota3A_1787 : vector<16xi32>
    %swap3A_1790 = arith.constant 5 : i32
    %swap3A_1791 = arith.index_cast %swap3A_1790 : i32 to index
    %swap3A_1792 = arith.constant 16 : index
    %swap3A_1793 = tpu.vector_load %arg12[%swap3A_1791, %swap3A_1792] {strides = array<i32>} : memref<8x128xi32, #tpu.memory_space<vmem>>, vector<1x16xi32>,
    %swap3A_1794 = vector.shape_cast %swap3A_1793 : vector<1x16xi32> to vector<16xi32>
    %swap3A_1795 = vector.shape_cast %add3A_1789 : vector<16xi32> to vector<1x16xi32>
    tpu.vector_store %arg12[%swap3A_1791, %swap3A_1792], %swap3A_1795 {strides = array<i32>} : memref<8x128xi32, #tpu.memory_space<vmem>>, vector<1x16xi32>,
    %get3A_1796 = arith.constant 672 : index
    %get3A_1797 = tpu.vector_load %arg7[%get3A_1796] {strides = array<i32>} : memref<1024xi32, #tpu.memory_space<vmem>>, vector<16xi32>,
    %get3A_1798 = vector.shape_cast %get3A_1797 : vector<16xi32> to vector<16xi32>
    %get3A_1799 = arith.constant 672 : index
    %get3A_1800 = tpu.vector_load %arg8[%get3A_1799] {strides = array<i32>} : memref<1024xi32, #tpu.memory_space<vmem>>, vector<16xi32>,
    %get3A_1801 = vector.shape_cast %get3A_1800 : vector<16xi32> to vector<16xi32>
    %broadcast_in_dim3A_1802 = vector.shape_cast %get3A_1798 : vector<16xi32> to vector<16x1xi32>
    %gather3A_1803 = vector.shape_cast %broadcast_in_dim3A_1802 : vector<16x1xi32> to vector<16xi32>
    %gather3A_1804 = tpu.dynamic_gather %get3A_1465[%gather3A_1803] in [0] : vector<16xi32>, vector<16xi32> -> vector<16xi32>
    %add3A_1805 = arith.addi %get3A_1801, %gather3A_1804 : vector<16xi32>
    %swap3A_1806 = arith.constant 672 : index
    %swap3A_1807 = tpu.vector_load %arg10[%swap3A_1806] {strides = array<i32>} : memref<1024xi32, #tpu.memory_space<vmem>>, vector<16xi32>,
    %swap3A_1808 = vector.shape_cast %swap3A_1807 : vector<16xi32> to vector<16xi32>
    %swap3A_1809 = vector.shape_cast %add3A_1805 : vector<16xi32> to vector<16xi32>
    tpu.vector_store %arg10[%swap3A_1806], %swap3A_1809 {strides = array<i32>} : memref<1024xi32, #tpu.memory_space<vmem>>, vector<16xi32>,
    %swap3A_1810 = arith.constant 5 : i32
    %swap3A_1811 = arith.index_cast %swap3A_1810 : i32 to index
    %swap3A_1812 = arith.constant 32 : index
    %swap3A_1813 = tpu.vector_load %arg11[%swap3A_1811, %swap3A_1812] {strides = array<i32>} : memref<8x128xi32, #tpu.memory_space<vmem>>, vector<1x16xi32>,
    %swap3A_1814 = vector.shape_cast %swap3A_1813 : vector<1x16xi32> to vector<16xi32>
    %swap3A_1815 = vector.shape_cast %add3A_1805 : vector<16xi32> to vector<1x16xi32>
    tpu.vector_store %arg11[%swap3A_1811, %swap3A_1812], %swap3A_1815 {strides = array<i32>} : memref<8x128xi32, #tpu.memory_space<vmem>>, vector<1x16xi32>,
    %add3A_1816 = arith.constant 512 : i32
    %add3A_1817 = arith.addi %multiple_of3A, %add3A_1816 : i32
    %add3A_1818 = arith.constant 160 : i32
    %add3A_1819 = arith.addi %add3A_1817, %add3A_1818 : i32
    %iota3A_1820 = tpu.iota {dimensions = array<i32: 0>} : vector<16xi32>
    %add3A_1821 = vector.broadcast %add3A_1819 : i32 to vector<16xi32>
    %add3A_1822 = arith.addi %add3A_1821, %iota3A_1820 : vector<16xi32>
    %swap3A_1823 = arith.constant 5 : i32
    %swap3A_1824 = arith.index_cast %swap3A_1823 : i32 to index
    %swap3A_1825 = arith.constant 32 : index
    %swap3A_1826 = tpu.vector_load %arg12[%swap3A_1824, %swap3A_1825] {strides = array<i32>} : memref<8x128xi32, #tpu.memory_space<vmem>>, vector<1x16xi32>,
    %swap3A_1827 = vector.shape_cast %swap3A_1826 : vector<1x16xi32> to vector<16xi32>
    %swap3A_1828 = vector.shape_cast %add3A_1822 : vector<16xi32> to vector<1x16xi32>
    tpu.vector_store %arg12[%swap3A_1824, %swap3A_1825], %swap3A_1828 {strides = array<i32>} : memref<8x128xi32, #tpu.memory_space<vmem>>, vector<1x16xi32>,
    %get3A_1829 = arith.constant 688 : index
    %get3A_1830 = tpu.vector_load %arg7[%get3A_1829] {strides = array<i32>} : memref<1024xi32, #tpu.memory_space<vmem>>, vector<16xi32>,
    %get3A_1831 = vector.shape_cast %get3A_1830 : vector<16xi32> to vector<16xi32>
    %get3A_1832 = arith.constant 688 : index
    %get3A_1833 = tpu.vector_load %arg8[%get3A_1832] {strides = array<i32>} : memref<1024xi32, #tpu.memory_space<vmem>>, vector<16xi32>,
    %get3A_1834 = vector.shape_cast %get3A_1833 : vector<16xi32> to vector<16xi32>
    %broadcast_in_dim3A_1835 = vector.shape_cast %get3A_1831 : vector<16xi32> to vector<16x1xi32>
    %gather3A_1836 = vector.shape_cast %broadcast_in_dim3A_1835 : vector<16x1xi32> to vector<16xi32>
    %gather3A_1837 = tpu.dynamic_gather %get3A_1465[%gather3A_1836] in [0] : vector<16xi32>, vector<16xi32> -> vector<16xi32>
    %add3A_1838 = arith.addi %get3A_1834, %gather3A_1837 : vector<16xi32>
    %swap3A_1839 = arith.constant 688 : index
    %swap3A_1840 = tpu.vector_load %arg10[%swap3A_1839] {strides = array<i32>} : memref<1024xi32, #tpu.memory_space<vmem>>, vector<16xi32>,
    %swap3A_1841 = vector.shape_cast %swap3A_1840 : vector<16xi32> to vector<16xi32>
    %swap3A_1842 = vector.shape_cast %add3A_1838 : vector<16xi32> to vector<16xi32>
    tpu.vector_store %arg10[%swap3A_1839], %swap3A_1842 {strides = array<i32>} : memref<1024xi32, #tpu.memory_space<vmem>>, vector<16xi32>,
    %swap3A_1843 = arith.constant 5 : i32
    %swap3A_1844 = arith.index_cast %swap3A_1843 : i32 to index
    %swap3A_1845 = arith.constant 48 : index
    %swap3A_1846 = tpu.vector_load %arg11[%swap3A_1844, %swap3A_1845] {strides = array<i32>} : memref<8x128xi32, #tpu.memory_space<vmem>>, vector<1x16xi32>,
    %swap3A_1847 = vector.shape_cast %swap3A_1846 : vector<1x16xi32> to vector<16xi32>
    %swap3A_1848 = vector.shape_cast %add3A_1838 : vector<16xi32> to vector<1x16xi32>
    tpu.vector_store %arg11[%swap3A_1844, %swap3A_1845], %swap3A_1848 {strides = array<i32>} : memref<8x128xi32, #tpu.memory_space<vmem>>, vector<1x16xi32>,
    %add3A_1849 = arith.constant 512 : i32
    %add3A_1850 = arith.addi %multiple_of3A, %add3A_1849 : i32
    %add3A_1851 = arith.constant 176 : i32
    %add3A_1852 = arith.addi %add3A_1850, %add3A_1851 : i32
    %iota3A_1853 = tpu.iota {dimensions = array<i32: 0>} : vector<16xi32>
    %add3A_1854 = vector.broadcast %add3A_1852 : i32 to vector<16xi32>
    %add3A_1855 = arith.addi %add3A_1854, %iota3A_1853 : vector<16xi32>
    %swap3A_1856 = arith.constant 5 : i32
    %swap3A_1857 = arith.index_cast %swap3A_1856 : i32 to index
    %swap3A_1858 = arith.constant 48 : index
    %swap3A_1859 = tpu.vector_load %arg12[%swap3A_1857, %swap3A_1858] {strides = array<i32>} : memref<8x128xi32, #tpu.memory_space<vmem>>, vector<1x16xi32>,
    %swap3A_1860 = vector.shape_cast %swap3A_1859 : vector<1x16xi32> to vector<16xi32>
    %swap3A_1861 = vector.shape_cast %add3A_1855 : vector<16xi32> to vector<1x16xi32>
    tpu.vector_store %arg12[%swap3A_1857, %swap3A_1858], %swap3A_1861 {strides = array<i32>} : memref<8x128xi32, #tpu.memory_space<vmem>>, vector<1x16xi32>,
    %get3A_1862 = arith.constant 704 : index
    %get3A_1863 = tpu.vector_load %arg7[%get3A_1862] {strides = array<i32>} : memref<1024xi32, #tpu.memory_space<vmem>>, vector<16xi32>,
    %get3A_1864 = vector.shape_cast %get3A_1863 : vector<16xi32> to vector<16xi32>
    %get3A_1865 = arith.constant 704 : index
    %get3A_1866 = tpu.vector_load %arg8[%get3A_1865] {strides = array<i32>} : memref<1024xi32, #tpu.memory_space<vmem>>, vector<16xi32>,
    %get3A_1867 = vector.shape_cast %get3A_1866 : vector<16xi32> to vector<16xi32>
    %broadcast_in_dim3A_1868 = vector.shape_cast %get3A_1864 : vector<16xi32> to vector<16x1xi32>
    %gather3A_1869 = vector.shape_cast %broadcast_in_dim3A_1868 : vector<16x1xi32> to vector<16xi32>
    %gather3A_1870 = tpu.dynamic_gather %get3A_1465[%gather3A_1869] in [0] : vector<16xi32>, vector<16xi32> -> vector<16xi32>
    %add3A_1871 = arith.addi %get3A_1867, %gather3A_1870 : vector<16xi32>
    %swap3A_1872 = arith.constant 704 : index
    %swap3A_1873 = tpu.vector_load %arg10[%swap3A_1872] {strides = array<i32>} : memref<1024xi32, #tpu.memory_space<vmem>>, vector<16xi32>,
    %swap3A_1874 = vector.shape_cast %swap3A_1873 : vector<16xi32> to vector<16xi32>
    %swap3A_1875 = vector.shape_cast %add3A_1871 : vector<16xi32> to vector<16xi32>
    tpu.vector_store %arg10[%swap3A_1872], %swap3A_1875 {strides = array<i32>} : memref<1024xi32, #tpu.memory_space<vmem>>, vector<16xi32>,
    %swap3A_1876 = arith.constant 5 : i32
    %swap3A_1877 = arith.index_cast %swap3A_1876 : i32 to index
    %swap3A_1878 = arith.constant 64 : index
    %swap3A_1879 = tpu.vector_load %arg11[%swap3A_1877, %swap3A_1878] {strides = array<i32>} : memref<8x128xi32, #tpu.memory_space<vmem>>, vector<1x16xi32>,
    %swap3A_1880 = vector.shape_cast %swap3A_1879 : vector<1x16xi32> to vector<16xi32>
    %swap3A_1881 = vector.shape_cast %add3A_1871 : vector<16xi32> to vector<1x16xi32>
    tpu.vector_store %arg11[%swap3A_1877, %swap3A_1878], %swap3A_1881 {strides = array<i32>} : memref<8x128xi32, #tpu.memory_space<vmem>>, vector<1x16xi32>,
    %add3A_1882 = arith.constant 512 : i32
    %add3A_1883 = arith.addi %multiple_of3A, %add3A_1882 : i32
    %add3A_1884 = arith.constant 192 : i32
    %add3A_1885 = arith.addi %add3A_1883, %add3A_1884 : i32
    %iota3A_1886 = tpu.iota {dimensions = array<i32: 0>} : vector<16xi32>
    %add3A_1887 = vector.broadcast %add3A_1885 : i32 to vector<16xi32>
    %add3A_1888 = arith.addi %add3A_1887, %iota3A_1886 : vector<16xi32>
    %swap3A_1889 = arith.constant 5 : i32
    %swap3A_1890 = arith.index_cast %swap3A_1889 : i32 to index
    %swap3A_1891 = arith.constant 64 : index
    %swap3A_1892 = tpu.vector_load %arg12[%swap3A_1890, %swap3A_1891] {strides = array<i32>} : memref<8x128xi32, #tpu.memory_space<vmem>>, vector<1x16xi32>,
    %swap3A_1893 = vector.shape_cast %swap3A_1892 : vector<1x16xi32> to vector<16xi32>
    %swap3A_1894 = vector.shape_cast %add3A_1888 : vector<16xi32> to vector<1x16xi32>
    tpu.vector_store %arg12[%swap3A_1890, %swap3A_1891], %swap3A_1894 {strides = array<i32>} : memref<8x128xi32, #tpu.memory_space<vmem>>, vector<1x16xi32>,
    %get3A_1895 = arith.constant 720 : index
    %get3A_1896 = tpu.vector_load %arg7[%get3A_1895] {strides = array<i32>} : memref<1024xi32, #tpu.memory_space<vmem>>, vector<16xi32>,
    %get3A_1897 = vector.shape_cast %get3A_1896 : vector<16xi32> to vector<16xi32>
    %get3A_1898 = arith.constant 720 : index
    %get3A_1899 = tpu.vector_load %arg8[%get3A_1898] {strides = array<i32>} : memref<1024xi32, #tpu.memory_space<vmem>>, vector<16xi32>,
    %get3A_1900 = vector.shape_cast %get3A_1899 : vector<16xi32> to vector<16xi32>
    %broadcast_in_dim3A_1901 = vector.shape_cast %get3A_1897 : vector<16xi32> to vector<16x1xi32>
    %gather3A_1902 = vector.shape_cast %broadcast_in_dim3A_1901 : vector<16x1xi32> to vector<16xi32>
    %gather3A_1903 = tpu.dynamic_gather %get3A_1465[%gather3A_1902] in [0] : vector<16xi32>, vector<16xi32> -> vector<16xi32>
    %add3A_1904 = arith.addi %get3A_1900, %gather3A_1903 : vector<16xi32>
    %swap3A_1905 = arith.constant 720 : index
    %swap3A_1906 = tpu.vector_load %arg10[%swap3A_1905] {strides = array<i32>} : memref<1024xi32, #tpu.memory_space<vmem>>, vector<16xi32>,
    %swap3A_1907 = vector.shape_cast %swap3A_1906 : vector<16xi32> to vector<16xi32>
    %swap3A_1908 = vector.shape_cast %add3A_1904 : vector<16xi32> to vector<16xi32>
    tpu.vector_store %arg10[%swap3A_1905], %swap3A_1908 {strides = array<i32>} : memref<1024xi32, #tpu.memory_space<vmem>>, vector<16xi32>,
    %swap3A_1909 = arith.constant 5 : i32
    %swap3A_1910 = arith.index_cast %swap3A_1909 : i32 to index
    %swap3A_1911 = arith.constant 80 : index
    %swap3A_1912 = tpu.vector_load %arg11[%swap3A_1910, %swap3A_1911] {strides = array<i32>} : memref<8x128xi32, #tpu.memory_space<vmem>>, vector<1x16xi32>,
    %swap3A_1913 = vector.shape_cast %swap3A_1912 : vector<1x16xi32> to vector<16xi32>
    %swap3A_1914 = vector.shape_cast %add3A_1904 : vector<16xi32> to vector<1x16xi32>
    tpu.vector_store %arg11[%swap3A_1910, %swap3A_1911], %swap3A_1914 {strides = array<i32>} : memref<8x128xi32, #tpu.memory_space<vmem>>, vector<1x16xi32>,
    %add3A_1915 = arith.constant 512 : i32
    %add3A_1916 = arith.addi %multiple_of3A, %add3A_1915 : i32
    %add3A_1917 = arith.constant 208 : i32
    %add3A_1918 = arith.addi %add3A_1916, %add3A_1917 : i32
    %iota3A_1919 = tpu.iota {dimensions = array<i32: 0>} : vector<16xi32>
    %add3A_1920 = vector.broadcast %add3A_1918 : i32 to vector<16xi32>
    %add3A_1921 = arith.addi %add3A_1920, %iota3A_1919 : vector<16xi32>
    %swap3A_1922 = arith.constant 5 : i32
    %swap3A_1923 = arith.index_cast %swap3A_1922 : i32 to index
    %swap3A_1924 = arith.constant 80 : index
    %swap3A_1925 = tpu.vector_load %arg12[%swap3A_1923, %swap3A_1924] {strides = array<i32>} : memref<8x128xi32, #tpu.memory_space<vmem>>, vector<1x16xi32>,
    %swap3A_1926 = vector.shape_cast %swap3A_1925 : vector<1x16xi32> to vector<16xi32>
    %swap3A_1927 = vector.shape_cast %add3A_1921 : vector<16xi32> to vector<1x16xi32>
    tpu.vector_store %arg12[%swap3A_1923, %swap3A_1924], %swap3A_1927 {strides = array<i32>} : memref<8x128xi32, #tpu.memory_space<vmem>>, vector<1x16xi32>,
    %get3A_1928 = arith.constant 736 : index
    %get3A_1929 = tpu.vector_load %arg7[%get3A_1928] {strides = array<i32>} : memref<1024xi32, #tpu.memory_space<vmem>>, vector<16xi32>,
    %get3A_1930 = vector.shape_cast %get3A_1929 : vector<16xi32> to vector<16xi32>
    %get3A_1931 = arith.constant 736 : index
    %get3A_1932 = tpu.vector_load %arg8[%get3A_1931] {strides = array<i32>} : memref<1024xi32, #tpu.memory_space<vmem>>, vector<16xi32>,
    %get3A_1933 = vector.shape_cast %get3A_1932 : vector<16xi32> to vector<16xi32>
    %broadcast_in_dim3A_1934 = vector.shape_cast %get3A_1930 : vector<16xi32> to vector<16x1xi32>
    %gather3A_1935 = vector.shape_cast %broadcast_in_dim3A_1934 : vector<16x1xi32> to vector<16xi32>
    %gather3A_1936 = tpu.dynamic_gather %get3A_1465[%gather3A_1935] in [0] : vector<16xi32>, vector<16xi32> -> vector<16xi32>
    %add3A_1937 = arith.addi %get3A_1933, %gather3A_1936 : vector<16xi32>
    %swap3A_1938 = arith.constant 736 : index
    %swap3A_1939 = tpu.vector_load %arg10[%swap3A_1938] {strides = array<i32>} : memref<1024xi32, #tpu.memory_space<vmem>>, vector<16xi32>,
    %swap3A_1940 = vector.shape_cast %swap3A_1939 : vector<16xi32> to vector<16xi32>
    %swap3A_1941 = vector.shape_cast %add3A_1937 : vector<16xi32> to vector<16xi32>
    tpu.vector_store %arg10[%swap3A_1938], %swap3A_1941 {strides = array<i32>} : memref<1024xi32, #tpu.memory_space<vmem>>, vector<16xi32>,
    %swap3A_1942 = arith.constant 5 : i32
    %swap3A_1943 = arith.index_cast %swap3A_1942 : i32 to index
    %swap3A_1944 = arith.constant 96 : index
    %swap3A_1945 = tpu.vector_load %arg11[%swap3A_1943, %swap3A_1944] {strides = array<i32>} : memref<8x128xi32, #tpu.memory_space<vmem>>, vector<1x16xi32>,
    %swap3A_1946 = vector.shape_cast %swap3A_1945 : vector<1x16xi32> to vector<16xi32>
    %swap3A_1947 = vector.shape_cast %add3A_1937 : vector<16xi32> to vector<1x16xi32>
    tpu.vector_store %arg11[%swap3A_1943, %swap3A_1944], %swap3A_1947 {strides = array<i32>} : memref<8x128xi32, #tpu.memory_space<vmem>>, vector<1x16xi32>,
    %add3A_1948 = arith.constant 512 : i32
    %add3A_1949 = arith.addi %multiple_of3A, %add3A_1948 : i32
    %add3A_1950 = arith.constant 224 : i32
    %add3A_1951 = arith.addi %add3A_1949, %add3A_1950 : i32
    %iota3A_1952 = tpu.iota {dimensions = array<i32: 0>} : vector<16xi32>
    %add3A_1953 = vector.broadcast %add3A_1951 : i32 to vector<16xi32>
    %add3A_1954 = arith.addi %add3A_1953, %iota3A_1952 : vector<16xi32>
    %swap3A_1955 = arith.constant 5 : i32
    %swap3A_1956 = arith.index_cast %swap3A_1955 : i32 to index
    %swap3A_1957 = arith.constant 96 : index
    %swap3A_1958 = tpu.vector_load %arg12[%swap3A_1956, %swap3A_1957] {strides = array<i32>} : memref<8x128xi32, #tpu.memory_space<vmem>>, vector<1x16xi32>,
    %swap3A_1959 = vector.shape_cast %swap3A_1958 : vector<1x16xi32> to vector<16xi32>
    %swap3A_1960 = vector.shape_cast %add3A_1954 : vector<16xi32> to vector<1x16xi32>
    tpu.vector_store %arg12[%swap3A_1956, %swap3A_1957], %swap3A_1960 {strides = array<i32>} : memref<8x128xi32, #tpu.memory_space<vmem>>, vector<1x16xi32>,
    %get3A_1961 = arith.constant 752 : index
    %get3A_1962 = tpu.vector_load %arg7[%get3A_1961] {strides = array<i32>} : memref<1024xi32, #tpu.memory_space<vmem>>, vector<16xi32>,
    %get3A_1963 = vector.shape_cast %get3A_1962 : vector<16xi32> to vector<16xi32>
    %get3A_1964 = arith.constant 752 : index
    %get3A_1965 = tpu.vector_load %arg8[%get3A_1964] {strides = array<i32>} : memref<1024xi32, #tpu.memory_space<vmem>>, vector<16xi32>,
    %get3A_1966 = vector.shape_cast %get3A_1965 : vector<16xi32> to vector<16xi32>
    %broadcast_in_dim3A_1967 = vector.shape_cast %get3A_1963 : vector<16xi32> to vector<16x1xi32>
    %gather3A_1968 = vector.shape_cast %broadcast_in_dim3A_1967 : vector<16x1xi32> to vector<16xi32>
    %gather3A_1969 = tpu.dynamic_gather %get3A_1465[%gather3A_1968] in [0] : vector<16xi32>, vector<16xi32> -> vector<16xi32>
    %add3A_1970 = arith.addi %get3A_1966, %gather3A_1969 : vector<16xi32>
    %swap3A_1971 = arith.constant 752 : index
    %swap3A_1972 = tpu.vector_load %arg10[%swap3A_1971] {strides = array<i32>} : memref<1024xi32, #tpu.memory_space<vmem>>, vector<16xi32>,
    %swap3A_1973 = vector.shape_cast %swap3A_1972 : vector<16xi32> to vector<16xi32>
    %swap3A_1974 = vector.shape_cast %add3A_1970 : vector<16xi32> to vector<16xi32>
    tpu.vector_store %arg10[%swap3A_1971], %swap3A_1974 {strides = array<i32>} : memref<1024xi32, #tpu.memory_space<vmem>>, vector<16xi32>,
    %swap3A_1975 = arith.constant 5 : i32
    %swap3A_1976 = arith.index_cast %swap3A_1975 : i32 to index
    %swap3A_1977 = arith.constant 112 : index
    %swap3A_1978 = tpu.vector_load %arg11[%swap3A_1976, %swap3A_1977] {strides = array<i32>} : memref<8x128xi32, #tpu.memory_space<vmem>>, vector<1x16xi32>,
    %swap3A_1979 = vector.shape_cast %swap3A_1978 : vector<1x16xi32> to vector<16xi32>
    %swap3A_1980 = vector.shape_cast %add3A_1970 : vector<16xi32> to vector<1x16xi32>
    tpu.vector_store %arg11[%swap3A_1976, %swap3A_1977], %swap3A_1980 {strides = array<i32>} : memref<8x128xi32, #tpu.memory_space<vmem>>, vector<1x16xi32>,
    %add3A_1981 = arith.constant 512 : i32
    %add3A_1982 = arith.addi %multiple_of3A, %add3A_1981 : i32
    %add3A_1983 = arith.constant 240 : i32
    %add3A_1984 = arith.addi %add3A_1982, %add3A_1983 : i32
    %iota3A_1985 = tpu.iota {dimensions = array<i32: 0>} : vector<16xi32>
    %add3A_1986 = vector.broadcast %add3A_1984 : i32 to vector<16xi32>
    %add3A_1987 = arith.addi %add3A_1986, %iota3A_1985 : vector<16xi32>
    %swap3A_1988 = arith.constant 5 : i32
    %swap3A_1989 = arith.index_cast %swap3A_1988 : i32 to index
    %swap3A_1990 = arith.constant 112 : index
    %swap3A_1991 = tpu.vector_load %arg12[%swap3A_1989, %swap3A_1990] {strides = array<i32>} : memref<8x128xi32, #tpu.memory_space<vmem>>, vector<1x16xi32>,
    %swap3A_1992 = vector.shape_cast %swap3A_1991 : vector<1x16xi32> to vector<16xi32>
    %swap3A_1993 = vector.shape_cast %add3A_1987 : vector<16xi32> to vector<1x16xi32>
    tpu.vector_store %arg12[%swap3A_1989, %swap3A_1990], %swap3A_1993 {strides = array<i32>} : memref<8x128xi32, #tpu.memory_space<vmem>>, vector<1x16xi32>,
    %get3A_1994 = arith.constant 768 : index
    %get3A_1995 = tpu.vector_load %arg7[%get3A_1994] {strides = array<i32>} : memref<1024xi32, #tpu.memory_space<vmem>>, vector<16xi32>,
    %get3A_1996 = vector.shape_cast %get3A_1995 : vector<16xi32> to vector<16xi32>
    %get3A_1997 = arith.constant 768 : index
    %get3A_1998 = tpu.vector_load %arg8[%get3A_1997] {strides = array<i32>} : memref<1024xi32, #tpu.memory_space<vmem>>, vector<16xi32>,
    %get3A_1999 = vector.shape_cast %get3A_1998 : vector<16xi32> to vector<16xi32>
    %broadcast_in_dim3A_2000 = vector.shape_cast %get3A_1996 : vector<16xi32> to vector<16x1xi32>
    %gather3A_2001 = vector.shape_cast %broadcast_in_dim3A_2000 : vector<16x1xi32> to vector<16xi32>
    %gather3A_2002 = tpu.dynamic_gather %get3A_1465[%gather3A_2001] in [0] : vector<16xi32>, vector<16xi32> -> vector<16xi32>
    %add3A_2003 = arith.addi %get3A_1999, %gather3A_2002 : vector<16xi32>
    %swap3A_2004 = arith.constant 768 : index
    %swap3A_2005 = tpu.vector_load %arg10[%swap3A_2004] {strides = array<i32>} : memref<1024xi32, #tpu.memory_space<vmem>>, vector<16xi32>,
    %swap3A_2006 = vector.shape_cast %swap3A_2005 : vector<16xi32> to vector<16xi32>
    %swap3A_2007 = vector.shape_cast %add3A_2003 : vector<16xi32> to vector<16xi32>
    tpu.vector_store %arg10[%swap3A_2004], %swap3A_2007 {strides = array<i32>} : memref<1024xi32, #tpu.memory_space<vmem>>, vector<16xi32>,
    %swap3A_2008 = arith.constant 6 : i32
    %swap3A_2009 = arith.index_cast %swap3A_2008 : i32 to index
    %swap3A_2010 = arith.constant 0 : index
    %swap3A_2011 = tpu.vector_load %arg11[%swap3A_2009, %swap3A_2010] {strides = array<i32>} : memref<8x128xi32, #tpu.memory_space<vmem>>, vector<1x16xi32>,
    %swap3A_2012 = vector.shape_cast %swap3A_2011 : vector<1x16xi32> to vector<16xi32>
    %swap3A_2013 = vector.shape_cast %add3A_2003 : vector<16xi32> to vector<1x16xi32>
    tpu.vector_store %arg11[%swap3A_2009, %swap3A_2010], %swap3A_2013 {strides = array<i32>} : memref<8x128xi32, #tpu.memory_space<vmem>>, vector<1x16xi32>,
    %add3A_2014 = arith.constant 512 : i32
    %add3A_2015 = arith.addi %multiple_of3A, %add3A_2014 : i32
    %add3A_2016 = arith.constant 256 : i32
    %add3A_2017 = arith.addi %add3A_2015, %add3A_2016 : i32
    %iota3A_2018 = tpu.iota {dimensions = array<i32: 0>} : vector<16xi32>
    %add3A_2019 = vector.broadcast %add3A_2017 : i32 to vector<16xi32>
    %add3A_2020 = arith.addi %add3A_2019, %iota3A_2018 : vector<16xi32>
    %swap3A_2021 = arith.constant 6 : i32
    %swap3A_2022 = arith.index_cast %swap3A_2021 : i32 to index
    %swap3A_2023 = arith.constant 0 : index
    %swap3A_2024 = tpu.vector_load %arg12[%swap3A_2022, %swap3A_2023] {strides = array<i32>} : memref<8x128xi32, #tpu.memory_space<vmem>>, vector<1x16xi32>,
    %swap3A_2025 = vector.shape_cast %swap3A_2024 : vector<1x16xi32> to vector<16xi32>
    %swap3A_2026 = vector.shape_cast %add3A_2020 : vector<16xi32> to vector<1x16xi32>
    tpu.vector_store %arg12[%swap3A_2022, %swap3A_2023], %swap3A_2026 {strides = array<i32>} : memref<8x128xi32, #tpu.memory_space<vmem>>, vector<1x16xi32>,
    %get3A_2027 = arith.constant 784 : index
    %get3A_2028 = tpu.vector_load %arg7[%get3A_2027] {strides = array<i32>} : memref<1024xi32, #tpu.memory_space<vmem>>, vector<16xi32>,
    %get3A_2029 = vector.shape_cast %get3A_2028 : vector<16xi32> to vector<16xi32>
    %get3A_2030 = arith.constant 784 : index
    %get3A_2031 = tpu.vector_load %arg8[%get3A_2030] {strides = array<i32>} : memref<1024xi32, #tpu.memory_space<vmem>>, vector<16xi32>,
    %get3A_2032 = vector.shape_cast %get3A_2031 : vector<16xi32> to vector<16xi32>
    %broadcast_in_dim3A_2033 = vector.shape_cast %get3A_2029 : vector<16xi32> to vector<16x1xi32>
    %gather3A_2034 = vector.shape_cast %broadcast_in_dim3A_2033 : vector<16x1xi32> to vector<16xi32>
    %gather3A_2035 = tpu.dynamic_gather %get3A_1465[%gather3A_2034] in [0] : vector<16xi32>, vector<16xi32> -> vector<16xi32>
    %add3A_2036 = arith.addi %get3A_2032, %gather3A_2035 : vector<16xi32>
    %swap3A_2037 = arith.constant 784 : index
    %swap3A_2038 = tpu.vector_load %arg10[%swap3A_2037] {strides = array<i32>} : memref<1024xi32, #tpu.memory_space<vmem>>, vector<16xi32>,
    %swap3A_2039 = vector.shape_cast %swap3A_2038 : vector<16xi32> to vector<16xi32>
    %swap3A_2040 = vector.shape_cast %add3A_2036 : vector<16xi32> to vector<16xi32>
    tpu.vector_store %arg10[%swap3A_2037], %swap3A_2040 {strides = array<i32>} : memref<1024xi32, #tpu.memory_space<vmem>>, vector<16xi32>,
    %swap3A_2041 = arith.constant 6 : i32
    %swap3A_2042 = arith.index_cast %swap3A_2041 : i32 to index
    %swap3A_2043 = arith.constant 16 : index
    %swap3A_2044 = tpu.vector_load %arg11[%swap3A_2042, %swap3A_2043] {strides = array<i32>} : memref<8x128xi32, #tpu.memory_space<vmem>>, vector<1x16xi32>,
    %swap3A_2045 = vector.shape_cast %swap3A_2044 : vector<1x16xi32> to vector<16xi32>
    %swap3A_2046 = vector.shape_cast %add3A_2036 : vector<16xi32> to vector<1x16xi32>
    tpu.vector_store %arg11[%swap3A_2042, %swap3A_2043], %swap3A_2046 {strides = array<i32>} : memref<8x128xi32, #tpu.memory_space<vmem>>, vector<1x16xi32>,
    %add3A_2047 = arith.constant 512 : i32
    %add3A_2048 = arith.addi %multiple_of3A, %add3A_2047 : i32
    %add3A_2049 = arith.constant 272 : i32
    %add3A_2050 = arith.addi %add3A_2048, %add3A_2049 : i32
    %iota3A_2051 = tpu.iota {dimensions = array<i32: 0>} : vector<16xi32>
    %add3A_2052 = vector.broadcast %add3A_2050 : i32 to vector<16xi32>
    %add3A_2053 = arith.addi %add3A_2052, %iota3A_2051 : vector<16xi32>
    %swap3A_2054 = arith.constant 6 : i32
    %swap3A_2055 = arith.index_cast %swap3A_2054 : i32 to index
    %swap3A_2056 = arith.constant 16 : index
    %swap3A_2057 = tpu.vector_load %arg12[%swap3A_2055, %swap3A_2056] {strides = array<i32>} : memref<8x128xi32, #tpu.memory_space<vmem>>, vector<1x16xi32>,
    %swap3A_2058 = vector.shape_cast %swap3A_2057 : vector<1x16xi32> to vector<16xi32>
    %swap3A_2059 = vector.shape_cast %add3A_2053 : vector<16xi32> to vector<1x16xi32>
    tpu.vector_store %arg12[%swap3A_2055, %swap3A_2056], %swap3A_2059 {strides = array<i32>} : memref<8x128xi32, #tpu.memory_space<vmem>>, vector<1x16xi32>,
    %get3A_2060 = arith.constant 800 : index
    %get3A_2061 = tpu.vector_load %arg7[%get3A_2060] {strides = array<i32>} : memref<1024xi32, #tpu.memory_space<vmem>>, vector<16xi32>,
    %get3A_2062 = vector.shape_cast %get3A_2061 : vector<16xi32> to vector<16xi32>
    %get3A_2063 = arith.constant 800 : index
    %get3A_2064 = tpu.vector_load %arg8[%get3A_2063] {strides = array<i32>} : memref<1024xi32, #tpu.memory_space<vmem>>, vector<16xi32>,
    %get3A_2065 = vector.shape_cast %get3A_2064 : vector<16xi32> to vector<16xi32>
    %broadcast_in_dim3A_2066 = vector.shape_cast %get3A_2062 : vector<16xi32> to vector<16x1xi32>
    %gather3A_2067 = vector.shape_cast %broadcast_in_dim3A_2066 : vector<16x1xi32> to vector<16xi32>
    %gather3A_2068 = tpu.dynamic_gather %get3A_1465[%gather3A_2067] in [0] : vector<16xi32>, vector<16xi32> -> vector<16xi32>
    %add3A_2069 = arith.addi %get3A_2065, %gather3A_2068 : vector<16xi32>
    %swap3A_2070 = arith.constant 800 : index
    %swap3A_2071 = tpu.vector_load %arg10[%swap3A_2070] {strides = array<i32>} : memref<1024xi32, #tpu.memory_space<vmem>>, vector<16xi32>,
    %swap3A_2072 = vector.shape_cast %swap3A_2071 : vector<16xi32> to vector<16xi32>
    %swap3A_2073 = vector.shape_cast %add3A_2069 : vector<16xi32> to vector<16xi32>
    tpu.vector_store %arg10[%swap3A_2070], %swap3A_2073 {strides = array<i32>} : memref<1024xi32, #tpu.memory_space<vmem>>, vector<16xi32>,
    %swap3A_2074 = arith.constant 6 : i32
    %swap3A_2075 = arith.index_cast %swap3A_2074 : i32 to index
    %swap3A_2076 = arith.constant 32 : index
    %swap3A_2077 = tpu.vector_load %arg11[%swap3A_2075, %swap3A_2076] {strides = array<i32>} : memref<8x128xi32, #tpu.memory_space<vmem>>, vector<1x16xi32>,
    %swap3A_2078 = vector.shape_cast %swap3A_2077 : vector<1x16xi32> to vector<16xi32>
    %swap3A_2079 = vector.shape_cast %add3A_2069 : vector<16xi32> to vector<1x16xi32>
    tpu.vector_store %arg11[%swap3A_2075, %swap3A_2076], %swap3A_2079 {strides = array<i32>} : memref<8x128xi32, #tpu.memory_space<vmem>>, vector<1x16xi32>,
    %add3A_2080 = arith.constant 512 : i32
    %add3A_2081 = arith.addi %multiple_of3A, %add3A_2080 : i32
    %add3A_2082 = arith.constant 288 : i32
    %add3A_2083 = arith.addi %add3A_2081, %add3A_2082 : i32
    %iota3A_2084 = tpu.iota {dimensions = array<i32: 0>} : vector<16xi32>
    %add3A_2085 = vector.broadcast %add3A_2083 : i32 to vector<16xi32>
    %add3A_2086 = arith.addi %add3A_2085, %iota3A_2084 : vector<16xi32>
    %swap3A_2087 = arith.constant 6 : i32
    %swap3A_2088 = arith.index_cast %swap3A_2087 : i32 to index
    %swap3A_2089 = arith.constant 32 : index
    %swap3A_2090 = tpu.vector_load %arg12[%swap3A_2088, %swap3A_2089] {strides = array<i32>} : memref<8x128xi32, #tpu.memory_space<vmem>>, vector<1x16xi32>,
    %swap3A_2091 = vector.shape_cast %swap3A_2090 : vector<1x16xi32> to vector<16xi32>
    %swap3A_2092 = vector.shape_cast %add3A_2086 : vector<16xi32> to vector<1x16xi32>
    tpu.vector_store %arg12[%swap3A_2088, %swap3A_2089], %swap3A_2092 {strides = array<i32>} : memref<8x128xi32, #tpu.memory_space<vmem>>, vector<1x16xi32>,
    %get3A_2093 = arith.constant 816 : index
    %get3A_2094 = tpu.vector_load %arg7[%get3A_2093] {strides = array<i32>} : memref<1024xi32, #tpu.memory_space<vmem>>, vector<16xi32>,
    %get3A_2095 = vector.shape_cast %get3A_2094 : vector<16xi32> to vector<16xi32>
    %get3A_2096 = arith.constant 816 : index
    %get3A_2097 = tpu.vector_load %arg8[%get3A_2096] {strides = array<i32>} : memref<1024xi32, #tpu.memory_space<vmem>>, vector<16xi32>,
    %get3A_2098 = vector.shape_cast %get3A_2097 : vector<16xi32> to vector<16xi32>
    %broadcast_in_dim3A_2099 = vector.shape_cast %get3A_2095 : vector<16xi32> to vector<16x1xi32>
    %gather3A_2100 = vector.shape_cast %broadcast_in_dim3A_2099 : vector<16x1xi32> to vector<16xi32>
    %gather3A_2101 = tpu.dynamic_gather %get3A_1465[%gather3A_2100] in [0] : vector<16xi32>, vector<16xi32> -> vector<16xi32>
    %add3A_2102 = arith.addi %get3A_2098, %gather3A_2101 : vector<16xi32>
    %swap3A_2103 = arith.constant 816 : index
    %swap3A_2104 = tpu.vector_load %arg10[%swap3A_2103] {strides = array<i32>} : memref<1024xi32, #tpu.memory_space<vmem>>, vector<16xi32>,
    %swap3A_2105 = vector.shape_cast %swap3A_2104 : vector<16xi32> to vector<16xi32>
    %swap3A_2106 = vector.shape_cast %add3A_2102 : vector<16xi32> to vector<16xi32>
    tpu.vector_store %arg10[%swap3A_2103], %swap3A_2106 {strides = array<i32>} : memref<1024xi32, #tpu.memory_space<vmem>>, vector<16xi32>,
    %swap3A_2107 = arith.constant 6 : i32
    %swap3A_2108 = arith.index_cast %swap3A_2107 : i32 to index
    %swap3A_2109 = arith.constant 48 : index
    %swap3A_2110 = tpu.vector_load %arg11[%swap3A_2108, %swap3A_2109] {strides = array<i32>} : memref<8x128xi32, #tpu.memory_space<vmem>>, vector<1x16xi32>,
    %swap3A_2111 = vector.shape_cast %swap3A_2110 : vector<1x16xi32> to vector<16xi32>
    %swap3A_2112 = vector.shape_cast %add3A_2102 : vector<16xi32> to vector<1x16xi32>
    tpu.vector_store %arg11[%swap3A_2108, %swap3A_2109], %swap3A_2112 {strides = array<i32>} : memref<8x128xi32, #tpu.memory_space<vmem>>, vector<1x16xi32>,
    %add3A_2113 = arith.constant 512 : i32
    %add3A_2114 = arith.addi %multiple_of3A, %add3A_2113 : i32
    %add3A_2115 = arith.constant 304 : i32
    %add3A_2116 = arith.addi %add3A_2114, %add3A_2115 : i32
    %iota3A_2117 = tpu.iota {dimensions = array<i32: 0>} : vector<16xi32>
    %add3A_2118 = vector.broadcast %add3A_2116 : i32 to vector<16xi32>
    %add3A_2119 = arith.addi %add3A_2118, %iota3A_2117 : vector<16xi32>
    %swap3A_2120 = arith.constant 6 : i32
    %swap3A_2121 = arith.index_cast %swap3A_2120 : i32 to index
    %swap3A_2122 = arith.constant 48 : index
    %swap3A_2123 = tpu.vector_load %arg12[%swap3A_2121, %swap3A_2122] {strides = array<i32>} : memref<8x128xi32, #tpu.memory_space<vmem>>, vector<1x16xi32>,
    %swap3A_2124 = vector.shape_cast %swap3A_2123 : vector<1x16xi32> to vector<16xi32>
    %swap3A_2125 = vector.shape_cast %add3A_2119 : vector<16xi32> to vector<1x16xi32>
    tpu.vector_store %arg12[%swap3A_2121, %swap3A_2122], %swap3A_2125 {strides = array<i32>} : memref<8x128xi32, #tpu.memory_space<vmem>>, vector<1x16xi32>,
    %get3A_2126 = arith.constant 832 : index
    %get3A_2127 = tpu.vector_load %arg7[%get3A_2126] {strides = array<i32>} : memref<1024xi32, #tpu.memory_space<vmem>>, vector<16xi32>,
    %get3A_2128 = vector.shape_cast %get3A_2127 : vector<16xi32> to vector<16xi32>
    %get3A_2129 = arith.constant 832 : index
    %get3A_2130 = tpu.vector_load %arg8[%get3A_2129] {strides = array<i32>} : memref<1024xi32, #tpu.memory_space<vmem>>, vector<16xi32>,
    %get3A_2131 = vector.shape_cast %get3A_2130 : vector<16xi32> to vector<16xi32>
    %broadcast_in_dim3A_2132 = vector.shape_cast %get3A_2128 : vector<16xi32> to vector<16x1xi32>
    %gather3A_2133 = vector.shape_cast %broadcast_in_dim3A_2132 : vector<16x1xi32> to vector<16xi32>
    %gather3A_2134 = tpu.dynamic_gather %get3A_1465[%gather3A_2133] in [0] : vector<16xi32>, vector<16xi32> -> vector<16xi32>
    %add3A_2135 = arith.addi %get3A_2131, %gather3A_2134 : vector<16xi32>
    %swap3A_2136 = arith.constant 832 : index
    %swap3A_2137 = tpu.vector_load %arg10[%swap3A_2136] {strides = array<i32>} : memref<1024xi32, #tpu.memory_space<vmem>>, vector<16xi32>,
    %swap3A_2138 = vector.shape_cast %swap3A_2137 : vector<16xi32> to vector<16xi32>
    %swap3A_2139 = vector.shape_cast %add3A_2135 : vector<16xi32> to vector<16xi32>
    tpu.vector_store %arg10[%swap3A_2136], %swap3A_2139 {strides = array<i32>} : memref<1024xi32, #tpu.memory_space<vmem>>, vector<16xi32>,
    %swap3A_2140 = arith.constant 6 : i32
    %swap3A_2141 = arith.index_cast %swap3A_2140 : i32 to index
    %swap3A_2142 = arith.constant 64 : index
    %swap3A_2143 = tpu.vector_load %arg11[%swap3A_2141, %swap3A_2142] {strides = array<i32>} : memref<8x128xi32, #tpu.memory_space<vmem>>, vector<1x16xi32>,
    %swap3A_2144 = vector.shape_cast %swap3A_2143 : vector<1x16xi32> to vector<16xi32>
    %swap3A_2145 = vector.shape_cast %add3A_2135 : vector<16xi32> to vector<1x16xi32>
    tpu.vector_store %arg11[%swap3A_2141, %swap3A_2142], %swap3A_2145 {strides = array<i32>} : memref<8x128xi32, #tpu.memory_space<vmem>>, vector<1x16xi32>,
    %add3A_2146 = arith.constant 512 : i32
    %add3A_2147 = arith.addi %multiple_of3A, %add3A_2146 : i32
    %add3A_2148 = arith.constant 320 : i32
    %add3A_2149 = arith.addi %add3A_2147, %add3A_2148 : i32
    %iota3A_2150 = tpu.iota {dimensions = array<i32: 0>} : vector<16xi32>
    %add3A_2151 = vector.broadcast %add3A_2149 : i32 to vector<16xi32>
    %add3A_2152 = arith.addi %add3A_2151, %iota3A_2150 : vector<16xi32>
    %swap3A_2153 = arith.constant 6 : i32
    %swap3A_2154 = arith.index_cast %swap3A_2153 : i32 to index
    %swap3A_2155 = arith.constant 64 : index
    %swap3A_2156 = tpu.vector_load %arg12[%swap3A_2154, %swap3A_2155] {strides = array<i32>} : memref<8x128xi32, #tpu.memory_space<vmem>>, vector<1x16xi32>,
    %swap3A_2157 = vector.shape_cast %swap3A_2156 : vector<1x16xi32> to vector<16xi32>
    %swap3A_2158 = vector.shape_cast %add3A_2152 : vector<16xi32> to vector<1x16xi32>
    tpu.vector_store %arg12[%swap3A_2154, %swap3A_2155], %swap3A_2158 {strides = array<i32>} : memref<8x128xi32, #tpu.memory_space<vmem>>, vector<1x16xi32>,
    %get3A_2159 = arith.constant 848 : index
    %get3A_2160 = tpu.vector_load %arg7[%get3A_2159] {strides = array<i32>} : memref<1024xi32, #tpu.memory_space<vmem>>, vector<16xi32>,
    %get3A_2161 = vector.shape_cast %get3A_2160 : vector<16xi32> to vector<16xi32>
    %get3A_2162 = arith.constant 848 : index
    %get3A_2163 = tpu.vector_load %arg8[%get3A_2162] {strides = array<i32>} : memref<1024xi32, #tpu.memory_space<vmem>>, vector<16xi32>,
    %get3A_2164 = vector.shape_cast %get3A_2163 : vector<16xi32> to vector<16xi32>
    %broadcast_in_dim3A_2165 = vector.shape_cast %get3A_2161 : vector<16xi32> to vector<16x1xi32>
    %gather3A_2166 = vector.shape_cast %broadcast_in_dim3A_2165 : vector<16x1xi32> to vector<16xi32>
    %gather3A_2167 = tpu.dynamic_gather %get3A_1465[%gather3A_2166] in [0] : vector<16xi32>, vector<16xi32> -> vector<16xi32>
    %add3A_2168 = arith.addi %get3A_2164, %gather3A_2167 : vector<16xi32>
    %swap3A_2169 = arith.constant 848 : index
    %swap3A_2170 = tpu.vector_load %arg10[%swap3A_2169] {strides = array<i32>} : memref<1024xi32, #tpu.memory_space<vmem>>, vector<16xi32>,
    %swap3A_2171 = vector.shape_cast %swap3A_2170 : vector<16xi32> to vector<16xi32>
    %swap3A_2172 = vector.shape_cast %add3A_2168 : vector<16xi32> to vector<16xi32>
    tpu.vector_store %arg10[%swap3A_2169], %swap3A_2172 {strides = array<i32>} : memref<1024xi32, #tpu.memory_space<vmem>>, vector<16xi32>,
    %swap3A_2173 = arith.constant 6 : i32
    %swap3A_2174 = arith.index_cast %swap3A_2173 : i32 to index
    %swap3A_2175 = arith.constant 80 : index
    %swap3A_2176 = tpu.vector_load %arg11[%swap3A_2174, %swap3A_2175] {strides = array<i32>} : memref<8x128xi32, #tpu.memory_space<vmem>>, vector<1x16xi32>,
    %swap3A_2177 = vector.shape_cast %swap3A_2176 : vector<1x16xi32> to vector<16xi32>
    %swap3A_2178 = vector.shape_cast %add3A_2168 : vector<16xi32> to vector<1x16xi32>
    tpu.vector_store %arg11[%swap3A_2174, %swap3A_2175], %swap3A_2178 {strides = array<i32>} : memref<8x128xi32, #tpu.memory_space<vmem>>, vector<1x16xi32>,
    %add3A_2179 = arith.constant 512 : i32
    %add3A_2180 = arith.addi %multiple_of3A, %add3A_2179 : i32
    %add3A_2181 = arith.constant 336 : i32
    %add3A_2182 = arith.addi %add3A_2180, %add3A_2181 : i32
    %iota3A_2183 = tpu.iota {dimensions = array<i32: 0>} : vector<16xi32>
    %add3A_2184 = vector.broadcast %add3A_2182 : i32 to vector<16xi32>
    %add3A_2185 = arith.addi %add3A_2184, %iota3A_2183 : vector<16xi32>
    %swap3A_2186 = arith.constant 6 : i32
    %swap3A_2187 = arith.index_cast %swap3A_2186 : i32 to index
    %swap3A_2188 = arith.constant 80 : index
    %swap3A_2189 = tpu.vector_load %arg12[%swap3A_2187, %swap3A_2188] {strides = array<i32>} : memref<8x128xi32, #tpu.memory_space<vmem>>, vector<1x16xi32>,
    %swap3A_2190 = vector.shape_cast %swap3A_2189 : vector<1x16xi32> to vector<16xi32>
    %swap3A_2191 = vector.shape_cast %add3A_2185 : vector<16xi32> to vector<1x16xi32>
    tpu.vector_store %arg12[%swap3A_2187, %swap3A_2188], %swap3A_2191 {strides = array<i32>} : memref<8x128xi32, #tpu.memory_space<vmem>>, vector<1x16xi32>,
    %get3A_2192 = arith.constant 864 : index
    %get3A_2193 = tpu.vector_load %arg7[%get3A_2192] {strides = array<i32>} : memref<1024xi32, #tpu.memory_space<vmem>>, vector<16xi32>,
    %get3A_2194 = vector.shape_cast %get3A_2193 : vector<16xi32> to vector<16xi32>
    %get3A_2195 = arith.constant 864 : index
    %get3A_2196 = tpu.vector_load %arg8[%get3A_2195] {strides = array<i32>} : memref<1024xi32, #tpu.memory_space<vmem>>, vector<16xi32>,
    %get3A_2197 = vector.shape_cast %get3A_2196 : vector<16xi32> to vector<16xi32>
    %broadcast_in_dim3A_2198 = vector.shape_cast %get3A_2194 : vector<16xi32> to vector<16x1xi32>
    %gather3A_2199 = vector.shape_cast %broadcast_in_dim3A_2198 : vector<16x1xi32> to vector<16xi32>
    %gather3A_2200 = tpu.dynamic_gather %get3A_1465[%gather3A_2199] in [0] : vector<16xi32>, vector<16xi32> -> vector<16xi32>
    %add3A_2201 = arith.addi %get3A_2197, %gather3A_2200 : vector<16xi32>
    %swap3A_2202 = arith.constant 864 : index
    %swap3A_2203 = tpu.vector_load %arg10[%swap3A_2202] {strides = array<i32>} : memref<1024xi32, #tpu.memory_space<vmem>>, vector<16xi32>,
    %swap3A_2204 = vector.shape_cast %swap3A_2203 : vector<16xi32> to vector<16xi32>
    %swap3A_2205 = vector.shape_cast %add3A_2201 : vector<16xi32> to vector<16xi32>
    tpu.vector_store %arg10[%swap3A_2202], %swap3A_2205 {strides = array<i32>} : memref<1024xi32, #tpu.memory_space<vmem>>, vector<16xi32>,
    %swap3A_2206 = arith.constant 6 : i32
    %swap3A_2207 = arith.index_cast %swap3A_2206 : i32 to index
    %swap3A_2208 = arith.constant 96 : index
    %swap3A_2209 = tpu.vector_load %arg11[%swap3A_2207, %swap3A_2208] {strides = array<i32>} : memref<8x128xi32, #tpu.memory_space<vmem>>, vector<1x16xi32>,
    %swap3A_2210 = vector.shape_cast %swap3A_2209 : vector<1x16xi32> to vector<16xi32>
    %swap3A_2211 = vector.shape_cast %add3A_2201 : vector<16xi32> to vector<1x16xi32>
    tpu.vector_store %arg11[%swap3A_2207, %swap3A_2208], %swap3A_2211 {strides = array<i32>} : memref<8x128xi32, #tpu.memory_space<vmem>>, vector<1x16xi32>,
    %add3A_2212 = arith.constant 512 : i32
    %add3A_2213 = arith.addi %multiple_of3A, %add3A_2212 : i32
    %add3A_2214 = arith.constant 352 : i32
    %add3A_2215 = arith.addi %add3A_2213, %add3A_2214 : i32
    %iota3A_2216 = tpu.iota {dimensions = array<i32: 0>} : vector<16xi32>
    %add3A_2217 = vector.broadcast %add3A_2215 : i32 to vector<16xi32>
    %add3A_2218 = arith.addi %add3A_2217, %iota3A_2216 : vector<16xi32>
    %swap3A_2219 = arith.constant 6 : i32
    %swap3A_2220 = arith.index_cast %swap3A_2219 : i32 to index
    %swap3A_2221 = arith.constant 96 : index
    %swap3A_2222 = tpu.vector_load %arg12[%swap3A_2220, %swap3A_2221] {strides = array<i32>} : memref<8x128xi32, #tpu.memory_space<vmem>>, vector<1x16xi32>,
    %swap3A_2223 = vector.shape_cast %swap3A_2222 : vector<1x16xi32> to vector<16xi32>
    %swap3A_2224 = vector.shape_cast %add3A_2218 : vector<16xi32> to vector<1x16xi32>
    tpu.vector_store %arg12[%swap3A_2220, %swap3A_2221], %swap3A_2224 {strides = array<i32>} : memref<8x128xi32, #tpu.memory_space<vmem>>, vector<1x16xi32>,
    %get3A_2225 = arith.constant 880 : index
    %get3A_2226 = tpu.vector_load %arg7[%get3A_2225] {strides = array<i32>} : memref<1024xi32, #tpu.memory_space<vmem>>, vector<16xi32>,
    %get3A_2227 = vector.shape_cast %get3A_2226 : vector<16xi32> to vector<16xi32>
    %get3A_2228 = arith.constant 880 : index
    %get3A_2229 = tpu.vector_load %arg8[%get3A_2228] {strides = array<i32>} : memref<1024xi32, #tpu.memory_space<vmem>>, vector<16xi32>,
    %get3A_2230 = vector.shape_cast %get3A_2229 : vector<16xi32> to vector<16xi32>
    %broadcast_in_dim3A_2231 = vector.shape_cast %get3A_2227 : vector<16xi32> to vector<16x1xi32>
    %gather3A_2232 = vector.shape_cast %broadcast_in_dim3A_2231 : vector<16x1xi32> to vector<16xi32>
    %gather3A_2233 = tpu.dynamic_gather %get3A_1465[%gather3A_2232] in [0] : vector<16xi32>, vector<16xi32> -> vector<16xi32>
    %add3A_2234 = arith.addi %get3A_2230, %gather3A_2233 : vector<16xi32>
    %swap3A_2235 = arith.constant 880 : index
    %swap3A_2236 = tpu.vector_load %arg10[%swap3A_2235] {strides = array<i32>} : memref<1024xi32, #tpu.memory_space<vmem>>, vector<16xi32>,
    %swap3A_2237 = vector.shape_cast %swap3A_2236 : vector<16xi32> to vector<16xi32>
    %swap3A_2238 = vector.shape_cast %add3A_2234 : vector<16xi32> to vector<16xi32>
    tpu.vector_store %arg10[%swap3A_2235], %swap3A_2238 {strides = array<i32>} : memref<1024xi32, #tpu.memory_space<vmem>>, vector<16xi32>,
    %swap3A_2239 = arith.constant 6 : i32
    %swap3A_2240 = arith.index_cast %swap3A_2239 : i32 to index
    %swap3A_2241 = arith.constant 112 : index
    %swap3A_2242 = tpu.vector_load %arg11[%swap3A_2240, %swap3A_2241] {strides = array<i32>} : memref<8x128xi32, #tpu.memory_space<vmem>>, vector<1x16xi32>,
    %swap3A_2243 = vector.shape_cast %swap3A_2242 : vector<1x16xi32> to vector<16xi32>
    %swap3A_2244 = vector.shape_cast %add3A_2234 : vector<16xi32> to vector<1x16xi32>
    tpu.vector_store %arg11[%swap3A_2240, %swap3A_2241], %swap3A_2244 {strides = array<i32>} : memref<8x128xi32, #tpu.memory_space<vmem>>, vector<1x16xi32>,
    %add3A_2245 = arith.constant 512 : i32
    %add3A_2246 = arith.addi %multiple_of3A, %add3A_2245 : i32
    %add3A_2247 = arith.constant 368 : i32
    %add3A_2248 = arith.addi %add3A_2246, %add3A_2247 : i32
    %iota3A_2249 = tpu.iota {dimensions = array<i32: 0>} : vector<16xi32>
    %add3A_2250 = vector.broadcast %add3A_2248 : i32 to vector<16xi32>
    %add3A_2251 = arith.addi %add3A_2250, %iota3A_2249 : vector<16xi32>
    %swap3A_2252 = arith.constant 6 : i32
    %swap3A_2253 = arith.index_cast %swap3A_2252 : i32 to index
    %swap3A_2254 = arith.constant 112 : index
    %swap3A_2255 = tpu.vector_load %arg12[%swap3A_2253, %swap3A_2254] {strides = array<i32>} : memref<8x128xi32, #tpu.memory_space<vmem>>, vector<1x16xi32>,
    %swap3A_2256 = vector.shape_cast %swap3A_2255 : vector<1x16xi32> to vector<16xi32>
    %swap3A_2257 = vector.shape_cast %add3A_2251 : vector<16xi32> to vector<1x16xi32>
    tpu.vector_store %arg12[%swap3A_2253, %swap3A_2254], %swap3A_2257 {strides = array<i32>} : memref<8x128xi32, #tpu.memory_space<vmem>>, vector<1x16xi32>,
    %get3A_2258 = arith.constant 896 : index
    %get3A_2259 = tpu.vector_load %arg7[%get3A_2258] {strides = array<i32>} : memref<1024xi32, #tpu.memory_space<vmem>>, vector<16xi32>,
    %get3A_2260 = vector.shape_cast %get3A_2259 : vector<16xi32> to vector<16xi32>
    %get3A_2261 = arith.constant 896 : index
    %get3A_2262 = tpu.vector_load %arg8[%get3A_2261] {strides = array<i32>} : memref<1024xi32, #tpu.memory_space<vmem>>, vector<16xi32>,
    %get3A_2263 = vector.shape_cast %get3A_2262 : vector<16xi32> to vector<16xi32>
    %broadcast_in_dim3A_2264 = vector.shape_cast %get3A_2260 : vector<16xi32> to vector<16x1xi32>
    %gather3A_2265 = vector.shape_cast %broadcast_in_dim3A_2264 : vector<16x1xi32> to vector<16xi32>
    %gather3A_2266 = tpu.dynamic_gather %get3A_1465[%gather3A_2265] in [0] : vector<16xi32>, vector<16xi32> -> vector<16xi32>
    %add3A_2267 = arith.addi %get3A_2263, %gather3A_2266 : vector<16xi32>
    %swap3A_2268 = arith.constant 896 : index
    %swap3A_2269 = tpu.vector_load %arg10[%swap3A_2268] {strides = array<i32>} : memref<1024xi32, #tpu.memory_space<vmem>>, vector<16xi32>,
    %swap3A_2270 = vector.shape_cast %swap3A_2269 : vector<16xi32> to vector<16xi32>
    %swap3A_2271 = vector.shape_cast %add3A_2267 : vector<16xi32> to vector<16xi32>
    tpu.vector_store %arg10[%swap3A_2268], %swap3A_2271 {strides = array<i32>} : memref<1024xi32, #tpu.memory_space<vmem>>, vector<16xi32>,
    %swap3A_2272 = arith.constant 7 : i32
    %swap3A_2273 = arith.index_cast %swap3A_2272 : i32 to index
    %swap3A_2274 = arith.constant 0 : index
    %swap3A_2275 = tpu.vector_load %arg11[%swap3A_2273, %swap3A_2274] {strides = array<i32>} : memref<8x128xi32, #tpu.memory_space<vmem>>, vector<1x16xi32>,
    %swap3A_2276 = vector.shape_cast %swap3A_2275 : vector<1x16xi32> to vector<16xi32>
    %swap3A_2277 = vector.shape_cast %add3A_2267 : vector<16xi32> to vector<1x16xi32>
    tpu.vector_store %arg11[%swap3A_2273, %swap3A_2274], %swap3A_2277 {strides = array<i32>} : memref<8x128xi32, #tpu.memory_space<vmem>>, vector<1x16xi32>,
    %add3A_2278 = arith.constant 512 : i32
    %add3A_2279 = arith.addi %multiple_of3A, %add3A_2278 : i32
    %add3A_2280 = arith.constant 384 : i32
    %add3A_2281 = arith.addi %add3A_2279, %add3A_2280 : i32
    %iota3A_2282 = tpu.iota {dimensions = array<i32: 0>} : vector<16xi32>
    %add3A_2283 = vector.broadcast %add3A_2281 : i32 to vector<16xi32>
    %add3A_2284 = arith.addi %add3A_2283, %iota3A_2282 : vector<16xi32>
    %swap3A_2285 = arith.constant 7 : i32
    %swap3A_2286 = arith.index_cast %swap3A_2285 : i32 to index
    %swap3A_2287 = arith.constant 0 : index
    %swap3A_2288 = tpu.vector_load %arg12[%swap3A_2286, %swap3A_2287] {strides = array<i32>} : memref<8x128xi32, #tpu.memory_space<vmem>>, vector<1x16xi32>,
    %swap3A_2289 = vector.shape_cast %swap3A_2288 : vector<1x16xi32> to vector<16xi32>
    %swap3A_2290 = vector.shape_cast %add3A_2284 : vector<16xi32> to vector<1x16xi32>
    tpu.vector_store %arg12[%swap3A_2286, %swap3A_2287], %swap3A_2290 {strides = array<i32>} : memref<8x128xi32, #tpu.memory_space<vmem>>, vector<1x16xi32>,
    %get3A_2291 = arith.constant 912 : index
    %get3A_2292 = tpu.vector_load %arg7[%get3A_2291] {strides = array<i32>} : memref<1024xi32, #tpu.memory_space<vmem>>, vector<16xi32>,
    %get3A_2293 = vector.shape_cast %get3A_2292 : vector<16xi32> to vector<16xi32>
    %get3A_2294 = arith.constant 912 : index
    %get3A_2295 = tpu.vector_load %arg8[%get3A_2294] {strides = array<i32>} : memref<1024xi32, #tpu.memory_space<vmem>>, vector<16xi32>,
    %get3A_2296 = vector.shape_cast %get3A_2295 : vector<16xi32> to vector<16xi32>
    %broadcast_in_dim3A_2297 = vector.shape_cast %get3A_2293 : vector<16xi32> to vector<16x1xi32>
    %gather3A_2298 = vector.shape_cast %broadcast_in_dim3A_2297 : vector<16x1xi32> to vector<16xi32>
    %gather3A_2299 = tpu.dynamic_gather %get3A_1465[%gather3A_2298] in [0] : vector<16xi32>, vector<16xi32> -> vector<16xi32>
    %add3A_2300 = arith.addi %get3A_2296, %gather3A_2299 : vector<16xi32>
    %swap3A_2301 = arith.constant 912 : index
    %swap3A_2302 = tpu.vector_load %arg10[%swap3A_2301] {strides = array<i32>} : memref<1024xi32, #tpu.memory_space<vmem>>, vector<16xi32>,
    %swap3A_2303 = vector.shape_cast %swap3A_2302 : vector<16xi32> to vector<16xi32>
    %swap3A_2304 = vector.shape_cast %add3A_2300 : vector<16xi32> to vector<16xi32>
    tpu.vector_store %arg10[%swap3A_2301], %swap3A_2304 {strides = array<i32>} : memref<1024xi32, #tpu.memory_space<vmem>>, vector<16xi32>,
    %swap3A_2305 = arith.constant 7 : i32
    %swap3A_2306 = arith.index_cast %swap3A_2305 : i32 to index
    %swap3A_2307 = arith.constant 16 : index
    %swap3A_2308 = tpu.vector_load %arg11[%swap3A_2306, %swap3A_2307] {strides = array<i32>} : memref<8x128xi32, #tpu.memory_space<vmem>>, vector<1x16xi32>,
    %swap3A_2309 = vector.shape_cast %swap3A_2308 : vector<1x16xi32> to vector<16xi32>
    %swap3A_2310 = vector.shape_cast %add3A_2300 : vector<16xi32> to vector<1x16xi32>
    tpu.vector_store %arg11[%swap3A_2306, %swap3A_2307], %swap3A_2310 {strides = array<i32>} : memref<8x128xi32, #tpu.memory_space<vmem>>, vector<1x16xi32>,
    %add3A_2311 = arith.constant 512 : i32
    %add3A_2312 = arith.addi %multiple_of3A, %add3A_2311 : i32
    %add3A_2313 = arith.constant 400 : i32
    %add3A_2314 = arith.addi %add3A_2312, %add3A_2313 : i32
    %iota3A_2315 = tpu.iota {dimensions = array<i32: 0>} : vector<16xi32>
    %add3A_2316 = vector.broadcast %add3A_2314 : i32 to vector<16xi32>
    %add3A_2317 = arith.addi %add3A_2316, %iota3A_2315 : vector<16xi32>
    %swap3A_2318 = arith.constant 7 : i32
    %swap3A_2319 = arith.index_cast %swap3A_2318 : i32 to index
    %swap3A_2320 = arith.constant 16 : index
    %swap3A_2321 = tpu.vector_load %arg12[%swap3A_2319, %swap3A_2320] {strides = array<i32>} : memref<8x128xi32, #tpu.memory_space<vmem>>, vector<1x16xi32>,
    %swap3A_2322 = vector.shape_cast %swap3A_2321 : vector<1x16xi32> to vector<16xi32>
    %swap3A_2323 = vector.shape_cast %add3A_2317 : vector<16xi32> to vector<1x16xi32>
    tpu.vector_store %arg12[%swap3A_2319, %swap3A_2320], %swap3A_2323 {strides = array<i32>} : memref<8x128xi32, #tpu.memory_space<vmem>>, vector<1x16xi32>,
    %get3A_2324 = arith.constant 928 : index
    %get3A_2325 = tpu.vector_load %arg7[%get3A_2324] {strides = array<i32>} : memref<1024xi32, #tpu.memory_space<vmem>>, vector<16xi32>,
    %get3A_2326 = vector.shape_cast %get3A_2325 : vector<16xi32> to vector<16xi32>
    %get3A_2327 = arith.constant 928 : index
    %get3A_2328 = tpu.vector_load %arg8[%get3A_2327] {strides = array<i32>} : memref<1024xi32, #tpu.memory_space<vmem>>, vector<16xi32>,
    %get3A_2329 = vector.shape_cast %get3A_2328 : vector<16xi32> to vector<16xi32>
    %broadcast_in_dim3A_2330 = vector.shape_cast %get3A_2326 : vector<16xi32> to vector<16x1xi32>
    %gather3A_2331 = vector.shape_cast %broadcast_in_dim3A_2330 : vector<16x1xi32> to vector<16xi32>
    %gather3A_2332 = tpu.dynamic_gather %get3A_1465[%gather3A_2331] in [0] : vector<16xi32>, vector<16xi32> -> vector<16xi32>
    %add3A_2333 = arith.addi %get3A_2329, %gather3A_2332 : vector<16xi32>
    %swap3A_2334 = arith.constant 928 : index
    %swap3A_2335 = tpu.vector_load %arg10[%swap3A_2334] {strides = array<i32>} : memref<1024xi32, #tpu.memory_space<vmem>>, vector<16xi32>,
    %swap3A_2336 = vector.shape_cast %swap3A_2335 : vector<16xi32> to vector<16xi32>
    %swap3A_2337 = vector.shape_cast %add3A_2333 : vector<16xi32> to vector<16xi32>
    tpu.vector_store %arg10[%swap3A_2334], %swap3A_2337 {strides = array<i32>} : memref<1024xi32, #tpu.memory_space<vmem>>, vector<16xi32>,
    %swap3A_2338 = arith.constant 7 : i32
    %swap3A_2339 = arith.index_cast %swap3A_2338 : i32 to index
    %swap3A_2340 = arith.constant 32 : index
    %swap3A_2341 = tpu.vector_load %arg11[%swap3A_2339, %swap3A_2340] {strides = array<i32>} : memref<8x128xi32, #tpu.memory_space<vmem>>, vector<1x16xi32>,
    %swap3A_2342 = vector.shape_cast %swap3A_2341 : vector<1x16xi32> to vector<16xi32>
    %swap3A_2343 = vector.shape_cast %add3A_2333 : vector<16xi32> to vector<1x16xi32>
    tpu.vector_store %arg11[%swap3A_2339, %swap3A_2340], %swap3A_2343 {strides = array<i32>} : memref<8x128xi32, #tpu.memory_space<vmem>>, vector<1x16xi32>,
    %add3A_2344 = arith.constant 512 : i32
    %add3A_2345 = arith.addi %multiple_of3A, %add3A_2344 : i32
    %add3A_2346 = arith.constant 416 : i32
    %add3A_2347 = arith.addi %add3A_2345, %add3A_2346 : i32
    %iota3A_2348 = tpu.iota {dimensions = array<i32: 0>} : vector<16xi32>
    %add3A_2349 = vector.broadcast %add3A_2347 : i32 to vector<16xi32>
    %add3A_2350 = arith.addi %add3A_2349, %iota3A_2348 : vector<16xi32>
    %swap3A_2351 = arith.constant 7 : i32
    %swap3A_2352 = arith.index_cast %swap3A_2351 : i32 to index
    %swap3A_2353 = arith.constant 32 : index
    %swap3A_2354 = tpu.vector_load %arg12[%swap3A_2352, %swap3A_2353] {strides = array<i32>} : memref<8x128xi32, #tpu.memory_space<vmem>>, vector<1x16xi32>,
    %swap3A_2355 = vector.shape_cast %swap3A_2354 : vector<1x16xi32> to vector<16xi32>
    %swap3A_2356 = vector.shape_cast %add3A_2350 : vector<16xi32> to vector<1x16xi32>
    tpu.vector_store %arg12[%swap3A_2352, %swap3A_2353], %swap3A_2356 {strides = array<i32>} : memref<8x128xi32, #tpu.memory_space<vmem>>, vector<1x16xi32>,
    %get3A_2357 = arith.constant 944 : index
    %get3A_2358 = tpu.vector_load %arg7[%get3A_2357] {strides = array<i32>} : memref<1024xi32, #tpu.memory_space<vmem>>, vector<16xi32>,
    %get3A_2359 = vector.shape_cast %get3A_2358 : vector<16xi32> to vector<16xi32>
    %get3A_2360 = arith.constant 944 : index
    %get3A_2361 = tpu.vector_load %arg8[%get3A_2360] {strides = array<i32>} : memref<1024xi32, #tpu.memory_space<vmem>>, vector<16xi32>,
    %get3A_2362 = vector.shape_cast %get3A_2361 : vector<16xi32> to vector<16xi32>
    %broadcast_in_dim3A_2363 = vector.shape_cast %get3A_2359 : vector<16xi32> to vector<16x1xi32>
    %gather3A_2364 = vector.shape_cast %broadcast_in_dim3A_2363 : vector<16x1xi32> to vector<16xi32>
    %gather3A_2365 = tpu.dynamic_gather %get3A_1465[%gather3A_2364] in [0] : vector<16xi32>, vector<16xi32> -> vector<16xi32>
    %add3A_2366 = arith.addi %get3A_2362, %gather3A_2365 : vector<16xi32>
    %swap3A_2367 = arith.constant 944 : index
    %swap3A_2368 = tpu.vector_load %arg10[%swap3A_2367] {strides = array<i32>} : memref<1024xi32, #tpu.memory_space<vmem>>, vector<16xi32>,
    %swap3A_2369 = vector.shape_cast %swap3A_2368 : vector<16xi32> to vector<16xi32>
    %swap3A_2370 = vector.shape_cast %add3A_2366 : vector<16xi32> to vector<16xi32>
    tpu.vector_store %arg10[%swap3A_2367], %swap3A_2370 {strides = array<i32>} : memref<1024xi32, #tpu.memory_space<vmem>>, vector<16xi32>,
    %swap3A_2371 = arith.constant 7 : i32
    %swap3A_2372 = arith.index_cast %swap3A_2371 : i32 to index
    %swap3A_2373 = arith.constant 48 : index
    %swap3A_2374 = tpu.vector_load %arg11[%swap3A_2372, %swap3A_2373] {strides = array<i32>} : memref<8x128xi32, #tpu.memory_space<vmem>>, vector<1x16xi32>,
    %swap3A_2375 = vector.shape_cast %swap3A_2374 : vector<1x16xi32> to vector<16xi32>
    %swap3A_2376 = vector.shape_cast %add3A_2366 : vector<16xi32> to vector<1x16xi32>
    tpu.vector_store %arg11[%swap3A_2372, %swap3A_2373], %swap3A_2376 {strides = array<i32>} : memref<8x128xi32, #tpu.memory_space<vmem>>, vector<1x16xi32>,
    %add3A_2377 = arith.constant 512 : i32
    %add3A_2378 = arith.addi %multiple_of3A, %add3A_2377 : i32
    %add3A_2379 = arith.constant 432 : i32
    %add3A_2380 = arith.addi %add3A_2378, %add3A_2379 : i32
    %iota3A_2381 = tpu.iota {dimensions = array<i32: 0>} : vector<16xi32>
    %add3A_2382 = vector.broadcast %add3A_2380 : i32 to vector<16xi32>
    %add3A_2383 = arith.addi %add3A_2382, %iota3A_2381 : vector<16xi32>
    %swap3A_2384 = arith.constant 7 : i32
    %swap3A_2385 = arith.index_cast %swap3A_2384 : i32 to index
    %swap3A_2386 = arith.constant 48 : index
    %swap3A_2387 = tpu.vector_load %arg12[%swap3A_2385, %swap3A_2386] {strides = array<i32>} : memref<8x128xi32, #tpu.memory_space<vmem>>, vector<1x16xi32>,
    %swap3A_2388 = vector.shape_cast %swap3A_2387 : vector<1x16xi32> to vector<16xi32>
    %swap3A_2389 = vector.shape_cast %add3A_2383 : vector<16xi32> to vector<1x16xi32>
    tpu.vector_store %arg12[%swap3A_2385, %swap3A_2386], %swap3A_2389 {strides = array<i32>} : memref<8x128xi32, #tpu.memory_space<vmem>>, vector<1x16xi32>,
    %get3A_2390 = arith.constant 960 : index
    %get3A_2391 = tpu.vector_load %arg7[%get3A_2390] {strides = array<i32>} : memref<1024xi32, #tpu.memory_space<vmem>>, vector<16xi32>,
    %get3A_2392 = vector.shape_cast %get3A_2391 : vector<16xi32> to vector<16xi32>
    %get3A_2393 = arith.constant 960 : index
    %get3A_2394 = tpu.vector_load %arg8[%get3A_2393] {strides = array<i32>} : memref<1024xi32, #tpu.memory_space<vmem>>, vector<16xi32>,
    %get3A_2395 = vector.shape_cast %get3A_2394 : vector<16xi32> to vector<16xi32>
    %broadcast_in_dim3A_2396 = vector.shape_cast %get3A_2392 : vector<16xi32> to vector<16x1xi32>
    %gather3A_2397 = vector.shape_cast %broadcast_in_dim3A_2396 : vector<16x1xi32> to vector<16xi32>
    %gather3A_2398 = tpu.dynamic_gather %get3A_1465[%gather3A_2397] in [0] : vector<16xi32>, vector<16xi32> -> vector<16xi32>
    %add3A_2399 = arith.addi %get3A_2395, %gather3A_2398 : vector<16xi32>
    %swap3A_2400 = arith.constant 960 : index
    %swap3A_2401 = tpu.vector_load %arg10[%swap3A_2400] {strides = array<i32>} : memref<1024xi32, #tpu.memory_space<vmem>>, vector<16xi32>,
    %swap3A_2402 = vector.shape_cast %swap3A_2401 : vector<16xi32> to vector<16xi32>
    %swap3A_2403 = vector.shape_cast %add3A_2399 : vector<16xi32> to vector<16xi32>
    tpu.vector_store %arg10[%swap3A_2400], %swap3A_2403 {strides = array<i32>} : memref<1024xi32, #tpu.memory_space<vmem>>, vector<16xi32>,
    %swap3A_2404 = arith.constant 7 : i32
    %swap3A_2405 = arith.index_cast %swap3A_2404 : i32 to index
    %swap3A_2406 = arith.constant 64 : index
    %swap3A_2407 = tpu.vector_load %arg11[%swap3A_2405, %swap3A_2406] {strides = array<i32>} : memref<8x128xi32, #tpu.memory_space<vmem>>, vector<1x16xi32>,
    %swap3A_2408 = vector.shape_cast %swap3A_2407 : vector<1x16xi32> to vector<16xi32>
    %swap3A_2409 = vector.shape_cast %add3A_2399 : vector<16xi32> to vector<1x16xi32>
    tpu.vector_store %arg11[%swap3A_2405, %swap3A_2406], %swap3A_2409 {strides = array<i32>} : memref<8x128xi32, #tpu.memory_space<vmem>>, vector<1x16xi32>,
    %add3A_2410 = arith.constant 512 : i32
    %add3A_2411 = arith.addi %multiple_of3A, %add3A_2410 : i32
    %add3A_2412 = arith.constant 448 : i32
    %add3A_2413 = arith.addi %add3A_2411, %add3A_2412 : i32
    %iota3A_2414 = tpu.iota {dimensions = array<i32: 0>} : vector<16xi32>
    %add3A_2415 = vector.broadcast %add3A_2413 : i32 to vector<16xi32>
    %add3A_2416 = arith.addi %add3A_2415, %iota3A_2414 : vector<16xi32>
    %swap3A_2417 = arith.constant 7 : i32
    %swap3A_2418 = arith.index_cast %swap3A_2417 : i32 to index
    %swap3A_2419 = arith.constant 64 : index
    %swap3A_2420 = tpu.vector_load %arg12[%swap3A_2418, %swap3A_2419] {strides = array<i32>} : memref<8x128xi32, #tpu.memory_space<vmem>>, vector<1x16xi32>,
    %swap3A_2421 = vector.shape_cast %swap3A_2420 : vector<1x16xi32> to vector<16xi32>
    %swap3A_2422 = vector.shape_cast %add3A_2416 : vector<16xi32> to vector<1x16xi32>
    tpu.vector_store %arg12[%swap3A_2418, %swap3A_2419], %swap3A_2422 {strides = array<i32>} : memref<8x128xi32, #tpu.memory_space<vmem>>, vector<1x16xi32>,
    %get3A_2423 = arith.constant 976 : index
    %get3A_2424 = tpu.vector_load %arg7[%get3A_2423] {strides = array<i32>} : memref<1024xi32, #tpu.memory_space<vmem>>, vector<16xi32>,
    %get3A_2425 = vector.shape_cast %get3A_2424 : vector<16xi32> to vector<16xi32>
    %get3A_2426 = arith.constant 976 : index
    %get3A_2427 = tpu.vector_load %arg8[%get3A_2426] {strides = array<i32>} : memref<1024xi32, #tpu.memory_space<vmem>>, vector<16xi32>,
    %get3A_2428 = vector.shape_cast %get3A_2427 : vector<16xi32> to vector<16xi32>
    %broadcast_in_dim3A_2429 = vector.shape_cast %get3A_2425 : vector<16xi32> to vector<16x1xi32>
    %gather3A_2430 = vector.shape_cast %broadcast_in_dim3A_2429 : vector<16x1xi32> to vector<16xi32>
    %gather3A_2431 = tpu.dynamic_gather %get3A_1465[%gather3A_2430] in [0] : vector<16xi32>, vector<16xi32> -> vector<16xi32>
    %add3A_2432 = arith.addi %get3A_2428, %gather3A_2431 : vector<16xi32>
    %swap3A_2433 = arith.constant 976 : index
    %swap3A_2434 = tpu.vector_load %arg10[%swap3A_2433] {strides = array<i32>} : memref<1024xi32, #tpu.memory_space<vmem>>, vector<16xi32>,
    %swap3A_2435 = vector.shape_cast %swap3A_2434 : vector<16xi32> to vector<16xi32>
    %swap3A_2436 = vector.shape_cast %add3A_2432 : vector<16xi32> to vector<16xi32>
    tpu.vector_store %arg10[%swap3A_2433], %swap3A_2436 {strides = array<i32>} : memref<1024xi32, #tpu.memory_space<vmem>>, vector<16xi32>,
    %swap3A_2437 = arith.constant 7 : i32
    %swap3A_2438 = arith.index_cast %swap3A_2437 : i32 to index
    %swap3A_2439 = arith.constant 80 : index
    %swap3A_2440 = tpu.vector_load %arg11[%swap3A_2438, %swap3A_2439] {strides = array<i32>} : memref<8x128xi32, #tpu.memory_space<vmem>>, vector<1x16xi32>,
    %swap3A_2441 = vector.shape_cast %swap3A_2440 : vector<1x16xi32> to vector<16xi32>
    %swap3A_2442 = vector.shape_cast %add3A_2432 : vector<16xi32> to vector<1x16xi32>
    tpu.vector_store %arg11[%swap3A_2438, %swap3A_2439], %swap3A_2442 {strides = array<i32>} : memref<8x128xi32, #tpu.memory_space<vmem>>, vector<1x16xi32>,
    %add3A_2443 = arith.constant 512 : i32
    %add3A_2444 = arith.addi %multiple_of3A, %add3A_2443 : i32
    %add3A_2445 = arith.constant 464 : i32
    %add3A_2446 = arith.addi %add3A_2444, %add3A_2445 : i32
    %iota3A_2447 = tpu.iota {dimensions = array<i32: 0>} : vector<16xi32>
    %add3A_2448 = vector.broadcast %add3A_2446 : i32 to vector<16xi32>
    %add3A_2449 = arith.addi %add3A_2448, %iota3A_2447 : vector<16xi32>
    %swap3A_2450 = arith.constant 7 : i32
    %swap3A_2451 = arith.index_cast %swap3A_2450 : i32 to index
    %swap3A_2452 = arith.constant 80 : index
    %swap3A_2453 = tpu.vector_load %arg12[%swap3A_2451, %swap3A_2452] {strides = array<i32>} : memref<8x128xi32, #tpu.memory_space<vmem>>, vector<1x16xi32>,
    %swap3A_2454 = vector.shape_cast %swap3A_2453 : vector<1x16xi32> to vector<16xi32>
    %swap3A_2455 = vector.shape_cast %add3A_2449 : vector<16xi32> to vector<1x16xi32>
    tpu.vector_store %arg12[%swap3A_2451, %swap3A_2452], %swap3A_2455 {strides = array<i32>} : memref<8x128xi32, #tpu.memory_space<vmem>>, vector<1x16xi32>,
    %get3A_2456 = arith.constant 992 : index
    %get3A_2457 = tpu.vector_load %arg7[%get3A_2456] {strides = array<i32>} : memref<1024xi32, #tpu.memory_space<vmem>>, vector<16xi32>,
    %get3A_2458 = vector.shape_cast %get3A_2457 : vector<16xi32> to vector<16xi32>
    %get3A_2459 = arith.constant 992 : index
    %get3A_2460 = tpu.vector_load %arg8[%get3A_2459] {strides = array<i32>} : memref<1024xi32, #tpu.memory_space<vmem>>, vector<16xi32>,
    %get3A_2461 = vector.shape_cast %get3A_2460 : vector<16xi32> to vector<16xi32>
    %broadcast_in_dim3A_2462 = vector.shape_cast %get3A_2458 : vector<16xi32> to vector<16x1xi32>
    %gather3A_2463 = vector.shape_cast %broadcast_in_dim3A_2462 : vector<16x1xi32> to vector<16xi32>
    %gather3A_2464 = tpu.dynamic_gather %get3A_1465[%gather3A_2463] in [0] : vector<16xi32>, vector<16xi32> -> vector<16xi32>
    %add3A_2465 = arith.addi %get3A_2461, %gather3A_2464 : vector<16xi32>
    %swap3A_2466 = arith.constant 992 : index
    %swap3A_2467 = tpu.vector_load %arg10[%swap3A_2466] {strides = array<i32>} : memref<1024xi32, #tpu.memory_space<vmem>>, vector<16xi32>,
    %swap3A_2468 = vector.shape_cast %swap3A_2467 : vector<16xi32> to vector<16xi32>
    %swap3A_2469 = vector.shape_cast %add3A_2465 : vector<16xi32> to vector<16xi32>
    tpu.vector_store %arg10[%swap3A_2466], %swap3A_2469 {strides = array<i32>} : memref<1024xi32, #tpu.memory_space<vmem>>, vector<16xi32>,
    %swap3A_2470 = arith.constant 7 : i32
    %swap3A_2471 = arith.index_cast %swap3A_2470 : i32 to index
    %swap3A_2472 = arith.constant 96 : index
    %swap3A_2473 = tpu.vector_load %arg11[%swap3A_2471, %swap3A_2472] {strides = array<i32>} : memref<8x128xi32, #tpu.memory_space<vmem>>, vector<1x16xi32>,
    %swap3A_2474 = vector.shape_cast %swap3A_2473 : vector<1x16xi32> to vector<16xi32>
    %swap3A_2475 = vector.shape_cast %add3A_2465 : vector<16xi32> to vector<1x16xi32>
    tpu.vector_store %arg11[%swap3A_2471, %swap3A_2472], %swap3A_2475 {strides = array<i32>} : memref<8x128xi32, #tpu.memory_space<vmem>>, vector<1x16xi32>,
    %add3A_2476 = arith.constant 512 : i32
    %add3A_2477 = arith.addi %multiple_of3A, %add3A_2476 : i32
    %add3A_2478 = arith.constant 480 : i32
    %add3A_2479 = arith.addi %add3A_2477, %add3A_2478 : i32
    %iota3A_2480 = tpu.iota {dimensions = array<i32: 0>} : vector<16xi32>
    %add3A_2481 = vector.broadcast %add3A_2479 : i32 to vector<16xi32>
    %add3A_2482 = arith.addi %add3A_2481, %iota3A_2480 : vector<16xi32>
    %swap3A_2483 = arith.constant 7 : i32
    %swap3A_2484 = arith.index_cast %swap3A_2483 : i32 to index
    %swap3A_2485 = arith.constant 96 : index
    %swap3A_2486 = tpu.vector_load %arg12[%swap3A_2484, %swap3A_2485] {strides = array<i32>} : memref<8x128xi32, #tpu.memory_space<vmem>>, vector<1x16xi32>,
    %swap3A_2487 = vector.shape_cast %swap3A_2486 : vector<1x16xi32> to vector<16xi32>
    %swap3A_2488 = vector.shape_cast %add3A_2482 : vector<16xi32> to vector<1x16xi32>
    tpu.vector_store %arg12[%swap3A_2484, %swap3A_2485], %swap3A_2488 {strides = array<i32>} : memref<8x128xi32, #tpu.memory_space<vmem>>, vector<1x16xi32>,
    %get3A_2489 = arith.constant 1008 : index
    %get3A_2490 = tpu.vector_load %arg7[%get3A_2489] {strides = array<i32>} : memref<1024xi32, #tpu.memory_space<vmem>>, vector<16xi32>,
    %get3A_2491 = vector.shape_cast %get3A_2490 : vector<16xi32> to vector<16xi32>
    %get3A_2492 = arith.constant 1008 : index
    %get3A_2493 = tpu.vector_load %arg8[%get3A_2492] {strides = array<i32>} : memref<1024xi32, #tpu.memory_space<vmem>>, vector<16xi32>,
    %get3A_2494 = vector.shape_cast %get3A_2493 : vector<16xi32> to vector<16xi32>
    %broadcast_in_dim3A_2495 = vector.shape_cast %get3A_2491 : vector<16xi32> to vector<16x1xi32>
    %gather3A_2496 = vector.shape_cast %broadcast_in_dim3A_2495 : vector<16x1xi32> to vector<16xi32>
    %gather3A_2497 = tpu.dynamic_gather %get3A_1465[%gather3A_2496] in [0] : vector<16xi32>, vector<16xi32> -> vector<16xi32>
    %add3A_2498 = arith.addi %get3A_2494, %gather3A_2497 : vector<16xi32>
    %swap3A_2499 = arith.constant 1008 : index
    %swap3A_2500 = tpu.vector_load %arg10[%swap3A_2499] {strides = array<i32>} : memref<1024xi32, #tpu.memory_space<vmem>>, vector<16xi32>,
    %swap3A_2501 = vector.shape_cast %swap3A_2500 : vector<16xi32> to vector<16xi32>
    %swap3A_2502 = vector.shape_cast %add3A_2498 : vector<16xi32> to vector<16xi32>
    tpu.vector_store %arg10[%swap3A_2499], %swap3A_2502 {strides = array<i32>} : memref<1024xi32, #tpu.memory_space<vmem>>, vector<16xi32>,
    %swap3A_2503 = arith.constant 7 : i32
    %swap3A_2504 = arith.index_cast %swap3A_2503 : i32 to index
    %swap3A_2505 = arith.constant 112 : index
    %swap3A_2506 = tpu.vector_load %arg11[%swap3A_2504, %swap3A_2505] {strides = array<i32>} : memref<8x128xi32, #tpu.memory_space<vmem>>, vector<1x16xi32>,
    %swap3A_2507 = vector.shape_cast %swap3A_2506 : vector<1x16xi32> to vector<16xi32>
    %swap3A_2508 = vector.shape_cast %add3A_2498 : vector<16xi32> to vector<1x16xi32>
    tpu.vector_store %arg11[%swap3A_2504, %swap3A_2505], %swap3A_2508 {strides = array<i32>} : memref<8x128xi32, #tpu.memory_space<vmem>>, vector<1x16xi32>,
    %add3A_2509 = arith.constant 512 : i32
    %add3A_2510 = arith.addi %multiple_of3A, %add3A_2509 : i32
    %add3A_2511 = arith.constant 496 : i32
    %add3A_2512 = arith.addi %add3A_2510, %add3A_2511 : i32
    %iota3A_2513 = tpu.iota {dimensions = array<i32: 0>} : vector<16xi32>
    %add3A_2514 = vector.broadcast %add3A_2512 : i32 to vector<16xi32>
    %add3A_2515 = arith.addi %add3A_2514, %iota3A_2513 : vector<16xi32>
    %swap3A_2516 = arith.constant 7 : i32
    %swap3A_2517 = arith.index_cast %swap3A_2516 : i32 to index
    %swap3A_2518 = arith.constant 112 : index
    %swap3A_2519 = tpu.vector_load %arg12[%swap3A_2517, %swap3A_2518] {strides = array<i32>} : memref<8x128xi32, #tpu.memory_space<vmem>>, vector<1x16xi32>,
    %swap3A_2520 = vector.shape_cast %swap3A_2519 : vector<1x16xi32> to vector<16xi32>
    %swap3A_2521 = vector.shape_cast %add3A_2515 : vector<16xi32> to vector<1x16xi32>
    tpu.vector_store %arg12[%swap3A_2517, %swap3A_2518], %swap3A_2521 {strides = array<i32>} : memref<8x128xi32, #tpu.memory_space<vmem>>, vector<1x16xi32>,
    %dma_start3A_2522 = tpu.memref_slice %arg5[%multiple_of3A] : memref<16384xi32, #tpu.memory_space<hbm>> -> memref<1024xi32, #tpu.memory_space<hbm>>
    %dma_start3A_2523 = tpu.memref_slice %arg5[%multiple_of3A] : memref<16384xi32, #tpu.memory_space<hbm>> -> memref<1024xi32, #tpu.memory_space<hbm>>
    tpu.enqueue_dma source(%arg10 : memref<1024xi32, #tpu.memory_space<vmem>>) target(%dma_start3A_2523 : memref<1024xi32, #tpu.memory_space<hbm>>) target_semaphore(%arg15 : memref<!tpu.dma_semaphore, #tpu.memory_space<semaphore_mem>>)
    %barrier3A = arith.constant 0 : index
    tpu.barrier barrier_id(%barrier3A)
    %run_scoped3A = arith.constant 0 : i32
    %run_scoped3A_2524 = arith.constant 0 : i32
    "tpu.region"() ({
      %run_scoped3A_2542 = tpu.sem_alloc : memref<!tpu.dma_semaphore, #tpu.memory_space<semaphore_mem>>
      %dma_start3A_2543 = arith.constant 0 : i32
      %dma_start3A_2544 = tpu.memref_slice %arg12[%run_scoped3A, %dma_start3A_2543] : memref<8x128xi32, #tpu.memory_space<vmem>> -> memref<1x128xi32, #tpu.memory_space<vmem>>
      %dma_start3A_2545 = tpu.memref_squeeze %dma_start3A_2544 : memref<1x128xi32, #tpu.memory_space<vmem>> -> memref<128xi32, #tpu.memory_space<vmem>>
      %dma_start3A_2546 = arith.constant 0 : i32
      %dma_start3A_2547 = tpu.memref_slice %arg11[%run_scoped3A_2524, %dma_start3A_2546] : memref<8x128xi32, #tpu.memory_space<vmem>> -> memref<1x128xi32, #tpu.memory_space<vmem>>
      %dma_start3A_2548 = tpu.memref_squeeze %dma_start3A_2547 : memref<1x128xi32, #tpu.memory_space<vmem>> -> memref<128xi32, #tpu.memory_space<vmem>>
      %dma_start3A_2549 = arith.constant 0 : i32
      %dma_start3A_2550 = tpu.memref_slice %arg13[%dma_start3A_2549] : memref<16384xi32, #tpu.memory_space<vmem_shared>> -> memref<16384xi32, #tpu.memory_space<vmem_shared>>
      tpu.enqueue_indirect_dma source(%dma_start3A_2545 : memref<128xi32, #tpu.memory_space<vmem>>) target(%dma_start3A_2550 : memref<16384xi32, #tpu.memory_space<vmem_shared>>) offsets(%dma_start3A_2548 : memref<128xi32, #tpu.memory_space<vmem>>) semaphore(%run_scoped3A_2542 : memref<!tpu.dma_semaphore, #tpu.memory_space<semaphore_mem>>)
      %dma_wait3A_2551 = arith.constant 0 : i32
      %dma_wait3A_2552 = tpu.memref_slice %arg12[%run_scoped3A, %dma_wait3A_2551] : memref<8x128xi32, #tpu.memory_space<vmem>> -> memref<1x128xi32, #tpu.memory_space<vmem>>
      %dma_wait3A_2553 = tpu.memref_squeeze %dma_wait3A_2552 : memref<1x128xi32, #tpu.memory_space<vmem>> -> memref<128xi32, #tpu.memory_space<vmem>>
      %dma_wait3A_2554 = arith.constant 0 : i32
      %dma_wait3A_2555 = tpu.memref_slice %arg11[%run_scoped3A_2524, %dma_wait3A_2554] : memref<8x128xi32, #tpu.memory_space<vmem>> -> memref<1x128xi32, #tpu.memory_space<vmem>>
      %dma_wait3A_2556 = tpu.memref_squeeze %dma_wait3A_2555 : memref<1x128xi32, #tpu.memory_space<vmem>> -> memref<128xi32, #tpu.memory_space<vmem>>
      %dma_wait3A_2557 = arith.constant 0 : i32
      %dma_wait3A_2558 = tpu.memref_slice %arg13[%dma_wait3A_2557] : memref<16384xi32, #tpu.memory_space<vmem_shared>> -> memref<16384xi32, #tpu.memory_space<vmem_shared>>
      tpu.wait_indirect_dma semaphore(%run_scoped3A_2542 : memref<!tpu.dma_semaphore, #tpu.memory_space<semaphore_mem>>) src(%dma_wait3A_2553 : memref<128xi32, #tpu.memory_space<vmem>>) dst(%dma_wait3A_2558 : memref<16384xi32, #tpu.memory_space<vmem_shared>>)
      tpu.yield
    }) : () -> ()
    %run_scoped3A_2525 = arith.constant 1 : i32
    %run_scoped3A_2526 = arith.constant 1 : i32
    "tpu.region"() ({
      %run_scoped3A_2542 = tpu.sem_alloc : memref<!tpu.dma_semaphore, #tpu.memory_space<semaphore_mem>>
      %dma_start3A_2543 = arith.constant 0 : i32
      %dma_start3A_2544 = tpu.memref_slice %arg12[%run_scoped3A_2525, %dma_start3A_2543] : memref<8x128xi32, #tpu.memory_space<vmem>> -> memref<1x128xi32, #tpu.memory_space<vmem>>
      %dma_start3A_2545 = tpu.memref_squeeze %dma_start3A_2544 : memref<1x128xi32, #tpu.memory_space<vmem>> -> memref<128xi32, #tpu.memory_space<vmem>>
      %dma_start3A_2546 = arith.constant 0 : i32
      %dma_start3A_2547 = tpu.memref_slice %arg11[%run_scoped3A_2526, %dma_start3A_2546] : memref<8x128xi32, #tpu.memory_space<vmem>> -> memref<1x128xi32, #tpu.memory_space<vmem>>
      %dma_start3A_2548 = tpu.memref_squeeze %dma_start3A_2547 : memref<1x128xi32, #tpu.memory_space<vmem>> -> memref<128xi32, #tpu.memory_space<vmem>>
      %dma_start3A_2549 = arith.constant 0 : i32
      %dma_start3A_2550 = tpu.memref_slice %arg13[%dma_start3A_2549] : memref<16384xi32, #tpu.memory_space<vmem_shared>> -> memref<16384xi32, #tpu.memory_space<vmem_shared>>
      tpu.enqueue_indirect_dma source(%dma_start3A_2545 : memref<128xi32, #tpu.memory_space<vmem>>) target(%dma_start3A_2550 : memref<16384xi32, #tpu.memory_space<vmem_shared>>) offsets(%dma_start3A_2548 : memref<128xi32, #tpu.memory_space<vmem>>) semaphore(%run_scoped3A_2542 : memref<!tpu.dma_semaphore, #tpu.memory_space<semaphore_mem>>)
      %dma_wait3A_2551 = arith.constant 0 : i32
      %dma_wait3A_2552 = tpu.memref_slice %arg12[%run_scoped3A_2525, %dma_wait3A_2551] : memref<8x128xi32, #tpu.memory_space<vmem>> -> memref<1x128xi32, #tpu.memory_space<vmem>>
      %dma_wait3A_2553 = tpu.memref_squeeze %dma_wait3A_2552 : memref<1x128xi32, #tpu.memory_space<vmem>> -> memref<128xi32, #tpu.memory_space<vmem>>
      %dma_wait3A_2554 = arith.constant 0 : i32
      %dma_wait3A_2555 = tpu.memref_slice %arg11[%run_scoped3A_2526, %dma_wait3A_2554] : memref<8x128xi32, #tpu.memory_space<vmem>> -> memref<1x128xi32, #tpu.memory_space<vmem>>
      %dma_wait3A_2556 = tpu.memref_squeeze %dma_wait3A_2555 : memref<1x128xi32, #tpu.memory_space<vmem>> -> memref<128xi32, #tpu.memory_space<vmem>>
      %dma_wait3A_2557 = arith.constant 0 : i32
      %dma_wait3A_2558 = tpu.memref_slice %arg13[%dma_wait3A_2557] : memref<16384xi32, #tpu.memory_space<vmem_shared>> -> memref<16384xi32, #tpu.memory_space<vmem_shared>>
      tpu.wait_indirect_dma semaphore(%run_scoped3A_2542 : memref<!tpu.dma_semaphore, #tpu.memory_space<semaphore_mem>>) src(%dma_wait3A_2553 : memref<128xi32, #tpu.memory_space<vmem>>) dst(%dma_wait3A_2558 : memref<16384xi32, #tpu.memory_space<vmem_shared>>)
      tpu.yield
    }) : () -> ()
    %run_scoped3A_2527 = arith.constant 2 : i32
    %run_scoped3A_2528 = arith.constant 2 : i32
    "tpu.region"() ({
      %run_scoped3A_2542 = tpu.sem_alloc : memref<!tpu.dma_semaphore, #tpu.memory_space<semaphore_mem>>
      %dma_start3A_2543 = arith.constant 0 : i32
      %dma_start3A_2544 = tpu.memref_slice %arg12[%run_scoped3A_2527, %dma_start3A_2543] : memref<8x128xi32, #tpu.memory_space<vmem>> -> memref<1x128xi32, #tpu.memory_space<vmem>>
      %dma_start3A_2545 = tpu.memref_squeeze %dma_start3A_2544 : memref<1x128xi32, #tpu.memory_space<vmem>> -> memref<128xi32, #tpu.memory_space<vmem>>
      %dma_start3A_2546 = arith.constant 0 : i32
      %dma_start3A_2547 = tpu.memref_slice %arg11[%run_scoped3A_2528, %dma_start3A_2546] : memref<8x128xi32, #tpu.memory_space<vmem>> -> memref<1x128xi32, #tpu.memory_space<vmem>>
      %dma_start3A_2548 = tpu.memref_squeeze %dma_start3A_2547 : memref<1x128xi32, #tpu.memory_space<vmem>> -> memref<128xi32, #tpu.memory_space<vmem>>
      %dma_start3A_2549 = arith.constant 0 : i32
      %dma_start3A_2550 = tpu.memref_slice %arg13[%dma_start3A_2549] : memref<16384xi32, #tpu.memory_space<vmem_shared>> -> memref<16384xi32, #tpu.memory_space<vmem_shared>>
      tpu.enqueue_indirect_dma source(%dma_start3A_2545 : memref<128xi32, #tpu.memory_space<vmem>>) target(%dma_start3A_2550 : memref<16384xi32, #tpu.memory_space<vmem_shared>>) offsets(%dma_start3A_2548 : memref<128xi32, #tpu.memory_space<vmem>>) semaphore(%run_scoped3A_2542 : memref<!tpu.dma_semaphore, #tpu.memory_space<semaphore_mem>>)
      %dma_wait3A_2551 = arith.constant 0 : i32
      %dma_wait3A_2552 = tpu.memref_slice %arg12[%run_scoped3A_2527, %dma_wait3A_2551] : memref<8x128xi32, #tpu.memory_space<vmem>> -> memref<1x128xi32, #tpu.memory_space<vmem>>
      %dma_wait3A_2553 = tpu.memref_squeeze %dma_wait3A_2552 : memref<1x128xi32, #tpu.memory_space<vmem>> -> memref<128xi32, #tpu.memory_space<vmem>>
      %dma_wait3A_2554 = arith.constant 0 : i32
      %dma_wait3A_2555 = tpu.memref_slice %arg11[%run_scoped3A_2528, %dma_wait3A_2554] : memref<8x128xi32, #tpu.memory_space<vmem>> -> memref<1x128xi32, #tpu.memory_space<vmem>>
      %dma_wait3A_2556 = tpu.memref_squeeze %dma_wait3A_2555 : memref<1x128xi32, #tpu.memory_space<vmem>> -> memref<128xi32, #tpu.memory_space<vmem>>
      %dma_wait3A_2557 = arith.constant 0 : i32
      %dma_wait3A_2558 = tpu.memref_slice %arg13[%dma_wait3A_2557] : memref<16384xi32, #tpu.memory_space<vmem_shared>> -> memref<16384xi32, #tpu.memory_space<vmem_shared>>
      tpu.wait_indirect_dma semaphore(%run_scoped3A_2542 : memref<!tpu.dma_semaphore, #tpu.memory_space<semaphore_mem>>) src(%dma_wait3A_2553 : memref<128xi32, #tpu.memory_space<vmem>>) dst(%dma_wait3A_2558 : memref<16384xi32, #tpu.memory_space<vmem_shared>>)
      tpu.yield
    }) : () -> ()
    %run_scoped3A_2529 = arith.constant 3 : i32
    %run_scoped3A_2530 = arith.constant 3 : i32
    "tpu.region"() ({
      %run_scoped3A_2542 = tpu.sem_alloc : memref<!tpu.dma_semaphore, #tpu.memory_space<semaphore_mem>>
      %dma_start3A_2543 = arith.constant 0 : i32
      %dma_start3A_2544 = tpu.memref_slice %arg12[%run_scoped3A_2529, %dma_start3A_2543] : memref<8x128xi32, #tpu.memory_space<vmem>> -> memref<1x128xi32, #tpu.memory_space<vmem>>
      %dma_start3A_2545 = tpu.memref_squeeze %dma_start3A_2544 : memref<1x128xi32, #tpu.memory_space<vmem>> -> memref<128xi32, #tpu.memory_space<vmem>>
      %dma_start3A_2546 = arith.constant 0 : i32
      %dma_start3A_2547 = tpu.memref_slice %arg11[%run_scoped3A_2530, %dma_start3A_2546] : memref<8x128xi32, #tpu.memory_space<vmem>> -> memref<1x128xi32, #tpu.memory_space<vmem>>
      %dma_start3A_2548 = tpu.memref_squeeze %dma_start3A_2547 : memref<1x128xi32, #tpu.memory_space<vmem>> -> memref<128xi32, #tpu.memory_space<vmem>>
      %dma_start3A_2549 = arith.constant 0 : i32
      %dma_start3A_2550 = tpu.memref_slice %arg13[%dma_start3A_2549] : memref<16384xi32, #tpu.memory_space<vmem_shared>> -> memref<16384xi32, #tpu.memory_space<vmem_shared>>
      tpu.enqueue_indirect_dma source(%dma_start3A_2545 : memref<128xi32, #tpu.memory_space<vmem>>) target(%dma_start3A_2550 : memref<16384xi32, #tpu.memory_space<vmem_shared>>) offsets(%dma_start3A_2548 : memref<128xi32, #tpu.memory_space<vmem>>) semaphore(%run_scoped3A_2542 : memref<!tpu.dma_semaphore, #tpu.memory_space<semaphore_mem>>)
      %dma_wait3A_2551 = arith.constant 0 : i32
      %dma_wait3A_2552 = tpu.memref_slice %arg12[%run_scoped3A_2529, %dma_wait3A_2551] : memref<8x128xi32, #tpu.memory_space<vmem>> -> memref<1x128xi32, #tpu.memory_space<vmem>>
      %dma_wait3A_2553 = tpu.memref_squeeze %dma_wait3A_2552 : memref<1x128xi32, #tpu.memory_space<vmem>> -> memref<128xi32, #tpu.memory_space<vmem>>
      %dma_wait3A_2554 = arith.constant 0 : i32
      %dma_wait3A_2555 = tpu.memref_slice %arg11[%run_scoped3A_2530, %dma_wait3A_2554] : memref<8x128xi32, #tpu.memory_space<vmem>> -> memref<1x128xi32, #tpu.memory_space<vmem>>
      %dma_wait3A_2556 = tpu.memref_squeeze %dma_wait3A_2555 : memref<1x128xi32, #tpu.memory_space<vmem>> -> memref<128xi32, #tpu.memory_space<vmem>>
      %dma_wait3A_2557 = arith.constant 0 : i32
      %dma_wait3A_2558 = tpu.memref_slice %arg13[%dma_wait3A_2557] : memref<16384xi32, #tpu.memory_space<vmem_shared>> -> memref<16384xi32, #tpu.memory_space<vmem_shared>>
      tpu.wait_indirect_dma semaphore(%run_scoped3A_2542 : memref<!tpu.dma_semaphore, #tpu.memory_space<semaphore_mem>>) src(%dma_wait3A_2553 : memref<128xi32, #tpu.memory_space<vmem>>) dst(%dma_wait3A_2558 : memref<16384xi32, #tpu.memory_space<vmem_shared>>)
      tpu.yield
    }) : () -> ()
    %run_scoped3A_2531 = arith.constant 4 : i32
    %run_scoped3A_2532 = arith.constant 4 : i32
    "tpu.region"() ({
      %run_scoped3A_2542 = tpu.sem_alloc : memref<!tpu.dma_semaphore, #tpu.memory_space<semaphore_mem>>
      %dma_start3A_2543 = arith.constant 0 : i32
      %dma_start3A_2544 = tpu.memref_slice %arg12[%run_scoped3A_2531, %dma_start3A_2543] : memref<8x128xi32, #tpu.memory_space<vmem>> -> memref<1x128xi32, #tpu.memory_space<vmem>>
      %dma_start3A_2545 = tpu.memref_squeeze %dma_start3A_2544 : memref<1x128xi32, #tpu.memory_space<vmem>> -> memref<128xi32, #tpu.memory_space<vmem>>
      %dma_start3A_2546 = arith.constant 0 : i32
      %dma_start3A_2547 = tpu.memref_slice %arg11[%run_scoped3A_2532, %dma_start3A_2546] : memref<8x128xi32, #tpu.memory_space<vmem>> -> memref<1x128xi32, #tpu.memory_space<vmem>>
      %dma_start3A_2548 = tpu.memref_squeeze %dma_start3A_2547 : memref<1x128xi32, #tpu.memory_space<vmem>> -> memref<128xi32, #tpu.memory_space<vmem>>
      %dma_start3A_2549 = arith.constant 0 : i32
      %dma_start3A_2550 = tpu.memref_slice %arg13[%dma_start3A_2549] : memref<16384xi32, #tpu.memory_space<vmem_shared>> -> memref<16384xi32, #tpu.memory_space<vmem_shared>>
      tpu.enqueue_indirect_dma source(%dma_start3A_2545 : memref<128xi32, #tpu.memory_space<vmem>>) target(%dma_start3A_2550 : memref<16384xi32, #tpu.memory_space<vmem_shared>>) offsets(%dma_start3A_2548 : memref<128xi32, #tpu.memory_space<vmem>>) semaphore(%run_scoped3A_2542 : memref<!tpu.dma_semaphore, #tpu.memory_space<semaphore_mem>>)
      %dma_wait3A_2551 = arith.constant 0 : i32
      %dma_wait3A_2552 = tpu.memref_slice %arg12[%run_scoped3A_2531, %dma_wait3A_2551] : memref<8x128xi32, #tpu.memory_space<vmem>> -> memref<1x128xi32, #tpu.memory_space<vmem>>
      %dma_wait3A_2553 = tpu.memref_squeeze %dma_wait3A_2552 : memref<1x128xi32, #tpu.memory_space<vmem>> -> memref<128xi32, #tpu.memory_space<vmem>>
      %dma_wait3A_2554 = arith.constant 0 : i32
      %dma_wait3A_2555 = tpu.memref_slice %arg11[%run_scoped3A_2532, %dma_wait3A_2554] : memref<8x128xi32, #tpu.memory_space<vmem>> -> memref<1x128xi32, #tpu.memory_space<vmem>>
      %dma_wait3A_2556 = tpu.memref_squeeze %dma_wait3A_2555 : memref<1x128xi32, #tpu.memory_space<vmem>> -> memref<128xi32, #tpu.memory_space<vmem>>
      %dma_wait3A_2557 = arith.constant 0 : i32
      %dma_wait3A_2558 = tpu.memref_slice %arg13[%dma_wait3A_2557] : memref<16384xi32, #tpu.memory_space<vmem_shared>> -> memref<16384xi32, #tpu.memory_space<vmem_shared>>
      tpu.wait_indirect_dma semaphore(%run_scoped3A_2542 : memref<!tpu.dma_semaphore, #tpu.memory_space<semaphore_mem>>) src(%dma_wait3A_2553 : memref<128xi32, #tpu.memory_space<vmem>>) dst(%dma_wait3A_2558 : memref<16384xi32, #tpu.memory_space<vmem_shared>>)
      tpu.yield
    }) : () -> ()
    %run_scoped3A_2533 = arith.constant 5 : i32
    %run_scoped3A_2534 = arith.constant 5 : i32
    "tpu.region"() ({
      %run_scoped3A_2542 = tpu.sem_alloc : memref<!tpu.dma_semaphore, #tpu.memory_space<semaphore_mem>>
      %dma_start3A_2543 = arith.constant 0 : i32
      %dma_start3A_2544 = tpu.memref_slice %arg12[%run_scoped3A_2533, %dma_start3A_2543] : memref<8x128xi32, #tpu.memory_space<vmem>> -> memref<1x128xi32, #tpu.memory_space<vmem>>
      %dma_start3A_2545 = tpu.memref_squeeze %dma_start3A_2544 : memref<1x128xi32, #tpu.memory_space<vmem>> -> memref<128xi32, #tpu.memory_space<vmem>>
      %dma_start3A_2546 = arith.constant 0 : i32
      %dma_start3A_2547 = tpu.memref_slice %arg11[%run_scoped3A_2534, %dma_start3A_2546] : memref<8x128xi32, #tpu.memory_space<vmem>> -> memref<1x128xi32, #tpu.memory_space<vmem>>
      %dma_start3A_2548 = tpu.memref_squeeze %dma_start3A_2547 : memref<1x128xi32, #tpu.memory_space<vmem>> -> memref<128xi32, #tpu.memory_space<vmem>>
      %dma_start3A_2549 = arith.constant 0 : i32
      %dma_start3A_2550 = tpu.memref_slice %arg13[%dma_start3A_2549] : memref<16384xi32, #tpu.memory_space<vmem_shared>> -> memref<16384xi32, #tpu.memory_space<vmem_shared>>
      tpu.enqueue_indirect_dma source(%dma_start3A_2545 : memref<128xi32, #tpu.memory_space<vmem>>) target(%dma_start3A_2550 : memref<16384xi32, #tpu.memory_space<vmem_shared>>) offsets(%dma_start3A_2548 : memref<128xi32, #tpu.memory_space<vmem>>) semaphore(%run_scoped3A_2542 : memref<!tpu.dma_semaphore, #tpu.memory_space<semaphore_mem>>)
      %dma_wait3A_2551 = arith.constant 0 : i32
      %dma_wait3A_2552 = tpu.memref_slice %arg12[%run_scoped3A_2533, %dma_wait3A_2551] : memref<8x128xi32, #tpu.memory_space<vmem>> -> memref<1x128xi32, #tpu.memory_space<vmem>>
      %dma_wait3A_2553 = tpu.memref_squeeze %dma_wait3A_2552 : memref<1x128xi32, #tpu.memory_space<vmem>> -> memref<128xi32, #tpu.memory_space<vmem>>
      %dma_wait3A_2554 = arith.constant 0 : i32
      %dma_wait3A_2555 = tpu.memref_slice %arg11[%run_scoped3A_2534, %dma_wait3A_2554] : memref<8x128xi32, #tpu.memory_space<vmem>> -> memref<1x128xi32, #tpu.memory_space<vmem>>
      %dma_wait3A_2556 = tpu.memref_squeeze %dma_wait3A_2555 : memref<1x128xi32, #tpu.memory_space<vmem>> -> memref<128xi32, #tpu.memory_space<vmem>>
      %dma_wait3A_2557 = arith.constant 0 : i32
      %dma_wait3A_2558 = tpu.memref_slice %arg13[%dma_wait3A_2557] : memref<16384xi32, #tpu.memory_space<vmem_shared>> -> memref<16384xi32, #tpu.memory_space<vmem_shared>>
      tpu.wait_indirect_dma semaphore(%run_scoped3A_2542 : memref<!tpu.dma_semaphore, #tpu.memory_space<semaphore_mem>>) src(%dma_wait3A_2553 : memref<128xi32, #tpu.memory_space<vmem>>) dst(%dma_wait3A_2558 : memref<16384xi32, #tpu.memory_space<vmem_shared>>)
      tpu.yield
    }) : () -> ()
    %run_scoped3A_2535 = arith.constant 6 : i32
    %run_scoped3A_2536 = arith.constant 6 : i32
    "tpu.region"() ({
      %run_scoped3A_2542 = tpu.sem_alloc : memref<!tpu.dma_semaphore, #tpu.memory_space<semaphore_mem>>
      %dma_start3A_2543 = arith.constant 0 : i32
      %dma_start3A_2544 = tpu.memref_slice %arg12[%run_scoped3A_2535, %dma_start3A_2543] : memref<8x128xi32, #tpu.memory_space<vmem>> -> memref<1x128xi32, #tpu.memory_space<vmem>>
      %dma_start3A_2545 = tpu.memref_squeeze %dma_start3A_2544 : memref<1x128xi32, #tpu.memory_space<vmem>> -> memref<128xi32, #tpu.memory_space<vmem>>
      %dma_start3A_2546 = arith.constant 0 : i32
      %dma_start3A_2547 = tpu.memref_slice %arg11[%run_scoped3A_2536, %dma_start3A_2546] : memref<8x128xi32, #tpu.memory_space<vmem>> -> memref<1x128xi32, #tpu.memory_space<vmem>>
      %dma_start3A_2548 = tpu.memref_squeeze %dma_start3A_2547 : memref<1x128xi32, #tpu.memory_space<vmem>> -> memref<128xi32, #tpu.memory_space<vmem>>
      %dma_start3A_2549 = arith.constant 0 : i32
      %dma_start3A_2550 = tpu.memref_slice %arg13[%dma_start3A_2549] : memref<16384xi32, #tpu.memory_space<vmem_shared>> -> memref<16384xi32, #tpu.memory_space<vmem_shared>>
      tpu.enqueue_indirect_dma source(%dma_start3A_2545 : memref<128xi32, #tpu.memory_space<vmem>>) target(%dma_start3A_2550 : memref<16384xi32, #tpu.memory_space<vmem_shared>>) offsets(%dma_start3A_2548 : memref<128xi32, #tpu.memory_space<vmem>>) semaphore(%run_scoped3A_2542 : memref<!tpu.dma_semaphore, #tpu.memory_space<semaphore_mem>>)
      %dma_wait3A_2551 = arith.constant 0 : i32
      %dma_wait3A_2552 = tpu.memref_slice %arg12[%run_scoped3A_2535, %dma_wait3A_2551] : memref<8x128xi32, #tpu.memory_space<vmem>> -> memref<1x128xi32, #tpu.memory_space<vmem>>
      %dma_wait3A_2553 = tpu.memref_squeeze %dma_wait3A_2552 : memref<1x128xi32, #tpu.memory_space<vmem>> -> memref<128xi32, #tpu.memory_space<vmem>>
      %dma_wait3A_2554 = arith.constant 0 : i32
      %dma_wait3A_2555 = tpu.memref_slice %arg11[%run_scoped3A_2536, %dma_wait3A_2554] : memref<8x128xi32, #tpu.memory_space<vmem>> -> memref<1x128xi32, #tpu.memory_space<vmem>>
      %dma_wait3A_2556 = tpu.memref_squeeze %dma_wait3A_2555 : memref<1x128xi32, #tpu.memory_space<vmem>> -> memref<128xi32, #tpu.memory_space<vmem>>
      %dma_wait3A_2557 = arith.constant 0 : i32
      %dma_wait3A_2558 = tpu.memref_slice %arg13[%dma_wait3A_2557] : memref<16384xi32, #tpu.memory_space<vmem_shared>> -> memref<16384xi32, #tpu.memory_space<vmem_shared>>
      tpu.wait_indirect_dma semaphore(%run_scoped3A_2542 : memref<!tpu.dma_semaphore, #tpu.memory_space<semaphore_mem>>) src(%dma_wait3A_2553 : memref<128xi32, #tpu.memory_space<vmem>>) dst(%dma_wait3A_2558 : memref<16384xi32, #tpu.memory_space<vmem_shared>>)
      tpu.yield
    }) : () -> ()
    %run_scoped3A_2537 = arith.constant 7 : i32
    %run_scoped3A_2538 = arith.constant 7 : i32
    "tpu.region"() ({
      %run_scoped3A_2542 = tpu.sem_alloc : memref<!tpu.dma_semaphore, #tpu.memory_space<semaphore_mem>>
      %dma_start3A_2543 = arith.constant 0 : i32
      %dma_start3A_2544 = tpu.memref_slice %arg12[%run_scoped3A_2537, %dma_start3A_2543] : memref<8x128xi32, #tpu.memory_space<vmem>> -> memref<1x128xi32, #tpu.memory_space<vmem>>
      %dma_start3A_2545 = tpu.memref_squeeze %dma_start3A_2544 : memref<1x128xi32, #tpu.memory_space<vmem>> -> memref<128xi32, #tpu.memory_space<vmem>>
      %dma_start3A_2546 = arith.constant 0 : i32
      %dma_start3A_2547 = tpu.memref_slice %arg11[%run_scoped3A_2538, %dma_start3A_2546] : memref<8x128xi32, #tpu.memory_space<vmem>> -> memref<1x128xi32, #tpu.memory_space<vmem>>
      %dma_start3A_2548 = tpu.memref_squeeze %dma_start3A_2547 : memref<1x128xi32, #tpu.memory_space<vmem>> -> memref<128xi32, #tpu.memory_space<vmem>>
      %dma_start3A_2549 = arith.constant 0 : i32
      %dma_start3A_2550 = tpu.memref_slice %arg13[%dma_start3A_2549] : memref<16384xi32, #tpu.memory_space<vmem_shared>> -> memref<16384xi32, #tpu.memory_space<vmem_shared>>
      tpu.enqueue_indirect_dma source(%dma_start3A_2545 : memref<128xi32, #tpu.memory_space<vmem>>) target(%dma_start3A_2550 : memref<16384xi32, #tpu.memory_space<vmem_shared>>) offsets(%dma_start3A_2548 : memref<128xi32, #tpu.memory_space<vmem>>) semaphore(%run_scoped3A_2542 : memref<!tpu.dma_semaphore, #tpu.memory_space<semaphore_mem>>)
      %dma_wait3A_2551 = arith.constant 0 : i32
      %dma_wait3A_2552 = tpu.memref_slice %arg12[%run_scoped3A_2537, %dma_wait3A_2551] : memref<8x128xi32, #tpu.memory_space<vmem>> -> memref<1x128xi32, #tpu.memory_space<vmem>>
      %dma_wait3A_2553 = tpu.memref_squeeze %dma_wait3A_2552 : memref<1x128xi32, #tpu.memory_space<vmem>> -> memref<128xi32, #tpu.memory_space<vmem>>
      %dma_wait3A_2554 = arith.constant 0 : i32
      %dma_wait3A_2555 = tpu.memref_slice %arg11[%run_scoped3A_2538, %dma_wait3A_2554] : memref<8x128xi32, #tpu.memory_space<vmem>> -> memref<1x128xi32, #tpu.memory_space<vmem>>
      %dma_wait3A_2556 = tpu.memref_squeeze %dma_wait3A_2555 : memref<1x128xi32, #tpu.memory_space<vmem>> -> memref<128xi32, #tpu.memory_space<vmem>>
      %dma_wait3A_2557 = arith.constant 0 : i32
      %dma_wait3A_2558 = tpu.memref_slice %arg13[%dma_wait3A_2557] : memref<16384xi32, #tpu.memory_space<vmem_shared>> -> memref<16384xi32, #tpu.memory_space<vmem_shared>>
      tpu.wait_indirect_dma semaphore(%run_scoped3A_2542 : memref<!tpu.dma_semaphore, #tpu.memory_space<semaphore_mem>>) src(%dma_wait3A_2553 : memref<128xi32, #tpu.memory_space<vmem>>) dst(%dma_wait3A_2558 : memref<16384xi32, #tpu.memory_space<vmem_shared>>)
      tpu.yield
    }) : () -> ()
    %barrier3A_2539 = arith.constant 0 : index
    tpu.barrier barrier_id(%barrier3A_2539)
    "tpu.region"() ({
      %run_scoped3A_2542 = tpu.sem_alloc : memref<!tpu.dma_semaphore, #tpu.memory_space<semaphore_mem>>
      %dma_start3A_2543 = tpu.memref_slice %arg6[%multiple_of3A_396] : memref<16384xi32, #tpu.memory_space<hbm>> -> memref<1024xi32, #tpu.memory_space<hbm>>
      %dma_start3A_2544 = tpu.memref_slice %arg13[%multiple_of3A_396] : memref<16384xi32, #tpu.memory_space<vmem_shared>> -> memref<1024xi32, #tpu.memory_space<vmem_shared>>
      tpu.enqueue_dma source(%dma_start3A_2544 : memref<1024xi32, #tpu.memory_space<vmem_shared>>) target(%dma_start3A_2543 : memref<1024xi32, #tpu.memory_space<hbm>>) target_semaphore(%run_scoped3A_2542 : memref<!tpu.dma_semaphore, #tpu.memory_space<semaphore_mem>>)
      %dma_wait3A_2545 = tpu.memref_slice %arg6[%multiple_of3A_396] : memref<16384xi32, #tpu.memory_space<hbm>> -> memref<1024xi32, #tpu.memory_space<hbm>>
      %dma_wait3A_2546 = tpu.memref_slice %arg13[%multiple_of3A_396] : memref<16384xi32, #tpu.memory_space<vmem_shared>> -> memref<1024xi32, #tpu.memory_space<vmem_shared>>
      tpu.wait_dma2 semaphore(%run_scoped3A_2542 : memref<!tpu.dma_semaphore, #tpu.memory_space<semaphore_mem>>) src(%dma_wait3A_2546 : memref<1024xi32, #tpu.memory_space<vmem_shared>>) dst(%dma_wait3A_2545 : memref<1024xi32, #tpu.memory_space<hbm>>)
      tpu.yield
    }) : () -> ()
    %dma_wait3A_2540 = tpu.memref_slice %arg5[%multiple_of3A] : memref<16384xi32, #tpu.memory_space<hbm>> -> memref<1024xi32, #tpu.memory_space<hbm>>
    %dma_wait3A_2541 = tpu.memref_slice %arg5[%multiple_of3A] : memref<16384xi32, #tpu.memory_space<hbm>> -> memref<1024xi32, #tpu.memory_space<hbm>>
    tpu.wait_dma2 semaphore(%arg15 : memref<!tpu.dma_semaphore, #tpu.memory_space<semaphore_mem>>) src(%arg10 : memref<1024xi32, #tpu.memory_space<vmem>>) dst(%dma_wait3A_2541 : memref<1024xi32, #tpu.memory_space<hbm>>)
    return
  }
}

module attributes {stable_mosaic.version = 14 : i64} {
  func.func @_gate_body(%arg0: i32, %arg1: memref<512x2048xf32, #tpu.memory_space<vmem>>, %arg2: memref<16x2048xf32, #tpu.memory_space<vmem>>, %arg3: memref<512x512xf32, #tpu.memory_space<vmem>>, %arg4: memref<1x1xi32, #tpu.memory_space<vmem>>, %arg5: memref<2x512xi32, #tpu.memory_space<vmem>>, %arg6: memref<2x512xf32, #tpu.memory_space<vmem>>, %arg7: memref<2x512xi32, #tpu.memory_space<vmem>>, %arg8: memref<32x16xi32, #tpu.memory_space<vmem>>, %arg9: memref<16xi32, #tpu.memory_space<vmem>>, %arg10: memref<1x1xf32, #tpu.memory_space<vmem>>, %arg11: memref<32x16xf32, #tpu.memory_space<vmem>>, %arg12: memref<16xf32, #tpu.memory_space<vmem>>) attributes {dimension_semantics = [#tpu.dimension_semantics<arbitrary>], iteration_bounds = array<i64: 16>, scalar_prefetch = 0 : i64, scratch_operands = 2 : i64, tpu.core_type = #tpu.core_type<tc>, window_params = [{transform_indices = @transform_0, window_bounds = array<i64: 512, 2048>}, {pipeline_mode = #tpu.pipeline_mode<synchronous>, transform_indices = @transform_1, window_bounds = array<i64: 16, 2048>}, {pipeline_mode = #tpu.pipeline_mode<synchronous>, transform_indices = @transform_2, window_bounds = array<i64: 512, 512>}, {pipeline_mode = #tpu.pipeline_mode<synchronous>, transform_indices = @transform_3, window_bounds = array<i64: 1, 1>}, {transform_indices = @transform_4, window_bounds = array<i64: 2, 512>}, {transform_indices = @transform_5, window_bounds = array<i64: 2, 512>}, {transform_indices = @transform_6, window_bounds = array<i64: 2, 512>}, {pipeline_mode = #tpu.pipeline_mode<synchronous>, transform_indices = @transform_7, window_bounds = array<i64: 32, 16>}, {pipeline_mode = #tpu.pipeline_mode<synchronous>, transform_indices = @transform_8, window_bounds = array<i64: 16>}, {pipeline_mode = #tpu.pipeline_mode<synchronous>, transform_indices = @transform_9, window_bounds = array<i64: 1, 1>}]} {
    %get3A = arith.constant 0 : index
    %get3A_0 = arith.constant 0 : index
    %get3A_1 = vector.load %arg1[%get3A, %get3A_0] : memref<512x2048xf32, #tpu.memory_space<vmem>>, vector<512x2048xf32>
    %get3A_2 = arith.constant 0 : index
    %get3A_3 = arith.constant 0 : index
    %get3A_4 = vector.load %arg2[%get3A_2, %get3A_3] : memref<16x2048xf32, #tpu.memory_space<vmem>>, vector<16x2048xf32>
    %dot_general3A = arith.constant dense<0.000000e+00> : vector<16x512xf32>
    %dot_general3A_5 = tpu.matmul %get3A_4, %get3A_1, %dot_general3A {dimension_numbers = #tpu.dot_dimension_numbers<[1], [1], [0], [0], [0, 0, 1, 0], [], []>, transpose_lhs_hint = false} : vector<16x2048xf32>, vector<512x2048xf32>, vector<16x512xf32> -> vector<16x512xf32>
    %reduce_max3A = arith.constant dense<0xFF800000> : vector<512xf32>
    %reduce_max3A_6 = vector.multi_reduction <maximumf>, %dot_general3A_5, %reduce_max3A [0] : vector<16x512xf32> to vector<512xf32>
    %broadcast_in_dim3A = vector.shape_cast %reduce_max3A_6 : vector<512xf32> to vector<1x512xf32>
    %sub3A = vector.broadcast %broadcast_in_dim3A : vector<1x512xf32> to vector<16x512xf32>
    %sub3A_7 = arith.subf %dot_general3A_5, %sub3A : vector<16x512xf32>
    %exp3A = math.exp %sub3A_7 : vector<16x512xf32>
    %reduce_sum3A = arith.constant dense<0.000000e+00> : vector<512xf32>
    %reduce_sum3A_8 = vector.multi_reduction <add>, %exp3A, %reduce_sum3A [0] : vector<16x512xf32> to vector<512xf32>
    %broadcast_in_dim3A_9 = vector.shape_cast %reduce_sum3A_8 : vector<512xf32> to vector<1x512xf32>
    %div3A = vector.broadcast %broadcast_in_dim3A_9 : vector<1x512xf32> to vector<16x512xf32>
    %div3A_10 = arith.divf %exp3A, %div3A : vector<16x512xf32>
    %iota3A = tpu.iota {dimensions = array<i32: 0>} : vector<16x512xi32>
    %eq3A = vector.broadcast %broadcast_in_dim3A : vector<1x512xf32> to vector<16x512xf32>
    %eq3A_11 = arith.cmpf oeq, %dot_general3A_5, %eq3A : vector<16x512xf32>
    %jit3A = arith.constant 1073741824 : i32
    %broadcast_in_dim3A_12 = vector.broadcast %jit3A : i32 to vector<16x512xi32>
    %select_n3A = arith.select %eq3A_11, %iota3A, %broadcast_in_dim3A_12 : vector<16x512xi1>, vector<16x512xi32>
    %reduce_min3A = arith.constant dense<2147483647> : vector<512xi32>
    %reduce_min3A_13 = vector.multi_reduction <minsi>, %select_n3A, %reduce_min3A [0] : vector<16x512xi32> to vector<512xi32>
    %broadcast_in_dim3A_14 = vector.shape_cast %reduce_min3A_13 : vector<512xi32> to vector<1x512xi32>
    %eq3A_15 = vector.broadcast %broadcast_in_dim3A_14 : vector<1x512xi32> to vector<16x512xi32>
    %eq3A_16 = arith.cmpi eq, %iota3A, %eq3A_15 : vector<16x512xi32>
    %jit3A_17 = arith.constant 0xFF800000 : f32
    %broadcast_in_dim3A_18 = vector.broadcast %jit3A_17 : f32 to vector<16x512xf32>
    %select_n3A_19 = arith.select %eq3A_16, %broadcast_in_dim3A_18, %dot_general3A_5 : vector<16x512xi1>, vector<16x512xf32>
    %reduce_max3A_20 = arith.constant dense<0xFF800000> : vector<512xf32>
    %reduce_max3A_21 = vector.multi_reduction <maximumf>, %select_n3A_19, %reduce_max3A_20 [0] : vector<16x512xf32> to vector<512xf32>
    %broadcast_in_dim3A_22 = vector.shape_cast %reduce_max3A_21 : vector<512xf32> to vector<1x512xf32>
    %eq3A_23 = vector.broadcast %broadcast_in_dim3A_22 : vector<1x512xf32> to vector<16x512xf32>
    %eq3A_24 = arith.cmpf oeq, %select_n3A_19, %eq3A_23 : vector<16x512xf32>
    %jit3A_25 = arith.constant 1073741824 : i32
    %broadcast_in_dim3A_26 = vector.broadcast %jit3A_25 : i32 to vector<16x512xi32>
    %select_n3A_27 = arith.select %eq3A_24, %iota3A, %broadcast_in_dim3A_26 : vector<16x512xi1>, vector<16x512xi32>
    %reduce_min3A_28 = arith.constant dense<2147483647> : vector<512xi32>
    %reduce_min3A_29 = vector.multi_reduction <minsi>, %select_n3A_27, %reduce_min3A_28 [0] : vector<16x512xi32> to vector<512xi32>
    %broadcast_in_dim3A_30 = vector.shape_cast %reduce_min3A_29 : vector<512xi32> to vector<1x512xi32>
    %eq3A_31 = vector.broadcast %broadcast_in_dim3A_30 : vector<1x512xi32> to vector<16x512xi32>
    %eq3A_32 = arith.cmpi eq, %iota3A, %eq3A_31 : vector<16x512xi32>
    %reduce_max3A_33 = arith.constant dense<0xFF800000> : vector<512xf32>
    %reduce_max3A_34 = vector.multi_reduction <maximumf>, %div3A_10, %reduce_max3A_33 [0] : vector<16x512xf32> to vector<512xf32>
    %jit3A_35 = arith.constant 0.000000e+00 : f32
    %broadcast_in_dim3A_36 = vector.broadcast %jit3A_35 : f32 to vector<16x512xf32>
    %select_n3A_37 = arith.select %eq3A_32, %div3A_10, %broadcast_in_dim3A_36 : vector<16x512xi1>, vector<16x512xf32>
    %reduce_sum3A_38 = arith.constant dense<0.000000e+00> : vector<512xf32>
    %reduce_sum3A_39 = vector.multi_reduction <add>, %select_n3A_37, %reduce_sum3A_38 [0] : vector<16x512xf32> to vector<512xf32>
    %add3A = arith.addf %reduce_max3A_34, %reduce_sum3A_39 : vector<512xf32>
    %swap3A = arith.constant 0 : index
    %swap3A_40 = arith.constant 0 : index
    %swap3A_41 = vector.load %arg5[%swap3A, %swap3A_40] : memref<2x512xi32, #tpu.memory_space<vmem>>, vector<1x512xi32>
    %swap3A_42 = vector.shape_cast %swap3A_41 : vector<1x512xi32> to vector<512xi32>
    %swap3A_43 = vector.shape_cast %reduce_min3A_13 : vector<512xi32> to vector<1x512xi32>
    tpu.vector_store %arg5[%swap3A, %swap3A_40], %swap3A_43 {strides = array<i32>} : memref<2x512xi32, #tpu.memory_space<vmem>>, vector<1x512xi32>,
    %swap3A_44 = arith.constant 1 : index
    %swap3A_45 = arith.constant 0 : index
    %swap3A_46 = vector.load %arg5[%swap3A_44, %swap3A_45] : memref<2x512xi32, #tpu.memory_space<vmem>>, vector<1x512xi32>
    %swap3A_47 = vector.shape_cast %swap3A_46 : vector<1x512xi32> to vector<512xi32>
    %swap3A_48 = vector.shape_cast %reduce_min3A_29 : vector<512xi32> to vector<1x512xi32>
    tpu.vector_store %arg5[%swap3A_44, %swap3A_45], %swap3A_48 {strides = array<i32>} : memref<2x512xi32, #tpu.memory_space<vmem>>, vector<1x512xi32>,
    %div3A_49 = arith.divf %reduce_max3A_34, %add3A : vector<512xf32>
    %swap3A_50 = arith.constant 0 : index
    %swap3A_51 = arith.constant 0 : index
    %swap3A_52 = vector.load %arg6[%swap3A_50, %swap3A_51] : memref<2x512xf32, #tpu.memory_space<vmem>>, vector<1x512xf32>
    %swap3A_53 = vector.shape_cast %swap3A_52 : vector<1x512xf32> to vector<512xf32>
    %swap3A_54 = vector.shape_cast %div3A_49 : vector<512xf32> to vector<1x512xf32>
    tpu.vector_store %arg6[%swap3A_50, %swap3A_51], %swap3A_54 {strides = array<i32>} : memref<2x512xf32, #tpu.memory_space<vmem>>, vector<1x512xf32>,
    %div3A_55 = arith.divf %reduce_sum3A_39, %add3A : vector<512xf32>
    %swap3A_56 = arith.constant 1 : index
    %swap3A_57 = arith.constant 0 : index
    %swap3A_58 = vector.load %arg6[%swap3A_56, %swap3A_57] : memref<2x512xf32, #tpu.memory_space<vmem>>, vector<1x512xf32>
    %swap3A_59 = vector.shape_cast %swap3A_58 : vector<1x512xf32> to vector<512xf32>
    %swap3A_60 = vector.shape_cast %div3A_55 : vector<512xf32> to vector<1x512xf32>
    tpu.vector_store %arg6[%swap3A_56, %swap3A_57], %swap3A_60 {strides = array<i32>} : memref<2x512xf32, #tpu.memory_space<vmem>>, vector<1x512xf32>,
    %jit3A_61 = arith.constant 1.000000e+00 : f32
    %jit3A_62 = arith.constant 0.000000e+00 : f32
    %broadcast_in_dim3A_63 = vector.broadcast %jit3A_61 : f32 to vector<16x512xf32>
    %broadcast_in_dim3A_64 = vector.broadcast %jit3A_62 : f32 to vector<16x512xf32>
    %select_n3A_65 = arith.select %eq3A_16, %broadcast_in_dim3A_63, %broadcast_in_dim3A_64 : vector<16x512xi1>, vector<16x512xf32>
    %jit3A_66 = arith.constant 1.000000e+00 : f32
    %jit3A_67 = arith.constant 0.000000e+00 : f32
    %broadcast_in_dim3A_68 = vector.broadcast %jit3A_66 : f32 to vector<16x512xf32>
    %broadcast_in_dim3A_69 = vector.broadcast %jit3A_67 : f32 to vector<16x512xf32>
    %select_n3A_70 = arith.select %eq3A_32, %broadcast_in_dim3A_68, %broadcast_in_dim3A_69 : vector<16x512xi1>, vector<16x512xf32>
    %get3A_71 = arith.constant 0 : index
    %get3A_72 = arith.constant 0 : index
    %get3A_73 = vector.load %arg3[%get3A_71, %get3A_72] : memref<512x512xf32, #tpu.memory_space<vmem>>, vector<512x512xf32>
    %dot_general3A_74 = arith.constant dense<0.000000e+00> : vector<16x512xf32>
    %dot_general3A_75 = tpu.matmul %select_n3A_65, %get3A_73, %dot_general3A_74 {dimension_numbers = #tpu.dot_dimension_numbers<[1], [0], [0], [1], [0, 0, 1, 1], [], []>, transpose_lhs_hint = false} : vector<16x512xf32>, vector<512x512xf32>, vector<16x512xf32> -> vector<16x512xf32>
    %dot_general3A_76 = arith.constant dense<0.000000e+00> : vector<16x512xf32>
    %dot_general3A_77 = tpu.matmul %select_n3A_70, %get3A_73, %dot_general3A_76 {dimension_numbers = #tpu.dot_dimension_numbers<[1], [0], [0], [1], [0, 0, 1, 1], [], []>, transpose_lhs_hint = false} : vector<16x512xf32>, vector<512x512xf32>, vector<16x512xf32> -> vector<16x512xf32>
    %jit3A_78 = arith.constant 0.000000e+00 : f32
    %broadcast_in_dim3A_79 = vector.broadcast %jit3A_78 : f32 to vector<16x512xf32>
    %select_n3A_80 = arith.select %eq3A_16, %dot_general3A_75, %broadcast_in_dim3A_79 : vector<16x512xi1>, vector<16x512xf32>
    %reduce_sum3A_81 = arith.constant dense<0.000000e+00> : vector<512xf32>
    %reduce_sum3A_82 = vector.multi_reduction <add>, %select_n3A_80, %reduce_sum3A_81 [0] : vector<16x512xf32> to vector<512xf32>
    %convert_element_type3A = arith.fptosi %reduce_sum3A_82 : vector<512xf32> to vector<512xi32>
    %swap3A_83 = arith.constant 0 : index
    %swap3A_84 = arith.constant 0 : index
    %swap3A_85 = vector.load %arg7[%swap3A_83, %swap3A_84] : memref<2x512xi32, #tpu.memory_space<vmem>>, vector<1x512xi32>
    %swap3A_86 = vector.shape_cast %swap3A_85 : vector<1x512xi32> to vector<512xi32>
    %swap3A_87 = vector.shape_cast %convert_element_type3A : vector<512xi32> to vector<1x512xi32>
    tpu.vector_store %arg7[%swap3A_83, %swap3A_84], %swap3A_87 {strides = array<i32>} : memref<2x512xi32, #tpu.memory_space<vmem>>, vector<1x512xi32>,
    %jit3A_88 = arith.constant 0.000000e+00 : f32
    %broadcast_in_dim3A_89 = vector.broadcast %jit3A_88 : f32 to vector<16x512xf32>
    %select_n3A_90 = arith.select %eq3A_32, %dot_general3A_77, %broadcast_in_dim3A_89 : vector<16x512xi1>, vector<16x512xf32>
    %reduce_sum3A_91 = arith.constant dense<0.000000e+00> : vector<512xf32>
    %reduce_sum3A_92 = vector.multi_reduction <add>, %select_n3A_90, %reduce_sum3A_91 [0] : vector<16x512xf32> to vector<512xf32>
    %convert_element_type3A_93 = arith.fptosi %reduce_sum3A_92 : vector<512xf32> to vector<512xi32>
    %swap3A_94 = arith.constant 1 : index
    %swap3A_95 = arith.constant 0 : index
    %swap3A_96 = vector.load %arg7[%swap3A_94, %swap3A_95] : memref<2x512xi32, #tpu.memory_space<vmem>>, vector<1x512xi32>
    %swap3A_97 = vector.shape_cast %swap3A_96 : vector<1x512xi32> to vector<512xi32>
    %swap3A_98 = vector.shape_cast %convert_element_type3A_93 : vector<512xi32> to vector<1x512xi32>
    tpu.vector_store %arg7[%swap3A_94, %swap3A_95], %swap3A_98 {strides = array<i32>} : memref<2x512xi32, #tpu.memory_space<vmem>>, vector<1x512xi32>,
    %reduce_sum3A_99 = arith.constant dense<0.000000e+00> : vector<16xf32>
    %reduce_sum3A_100 = vector.multi_reduction <add>, %select_n3A_65, %reduce_sum3A_99 [1] : vector<16x512xf32> to vector<16xf32>
    %reduce_sum3A_101 = arith.constant dense<0.000000e+00> : vector<16xf32>
    %reduce_sum3A_102 = vector.multi_reduction <add>, %select_n3A_70, %reduce_sum3A_101 [1] : vector<16x512xf32> to vector<16xf32>
    %reduce_sum3A_103 = arith.constant dense<0.000000e+00> : vector<16xf32>
    %reduce_sum3A_104 = vector.multi_reduction <add>, %div3A_10, %reduce_sum3A_103 [1] : vector<16x512xf32> to vector<16xf32>
    %iota3A_105 = tpu.iota {dimensions = array<i32: 0>} : vector<32x16xi32>
    %eq3A_106 = vector.broadcast %arg0 : i32 to vector<32x16xi32>
    %eq3A_107 = arith.cmpi eq, %iota3A_105, %eq3A_106 : vector<32x16xi32>
    %broadcast_in_dim3A_108 = vector.shape_cast %reduce_sum3A_100 : vector<16xf32> to vector<1x16xf32>
    %jit3A_109 = arith.constant 0.000000e+00 : f32
    %broadcast_in_dim3A_110 = vector.shape_cast %broadcast_in_dim3A_108 : vector<1x16xf32> to vector<1x16xf32>
    %broadcast_in_dim3A_111 = vector.broadcast %broadcast_in_dim3A_110 : vector<1x16xf32> to vector<32x16xf32>
    %broadcast_in_dim3A_112 = vector.broadcast %jit3A_109 : f32 to vector<32x16xf32>
    %select_n3A_113 = arith.select %eq3A_107, %broadcast_in_dim3A_111, %broadcast_in_dim3A_112 : vector<32x16xi1>, vector<32x16xf32>
    %add3A_114 = arith.constant 16 : i32
    %add3A_115 = arith.addi %arg0, %add3A_114 : i32
    %eq3A_116 = vector.broadcast %add3A_115 : i32 to vector<32x16xi32>
    %eq3A_117 = arith.cmpi eq, %iota3A_105, %eq3A_116 : vector<32x16xi32>
    %broadcast_in_dim3A_118 = vector.shape_cast %reduce_sum3A_102 : vector<16xf32> to vector<1x16xf32>
    %jit3A_119 = arith.constant 0.000000e+00 : f32
    %broadcast_in_dim3A_120 = vector.shape_cast %broadcast_in_dim3A_118 : vector<1x16xf32> to vector<1x16xf32>
    %broadcast_in_dim3A_121 = vector.broadcast %broadcast_in_dim3A_120 : vector<1x16xf32> to vector<32x16xf32>
    %broadcast_in_dim3A_122 = vector.broadcast %jit3A_119 : f32 to vector<32x16xf32>
    %select_n3A_123 = arith.select %eq3A_117, %broadcast_in_dim3A_121, %broadcast_in_dim3A_122 : vector<32x16xi1>, vector<32x16xf32>
    %add3A_124 = arith.addf %select_n3A_113, %select_n3A_123 : vector<32x16xf32>
    %eq3A_125 = arith.constant 0 : i32
    %eq3A_126 = arith.cmpi eq, %arg0, %eq3A_125 : i32
    %convert_element_type3A_127 = arith.extui %eq3A_126 : i1 to i32
    %cond3A = arith.constant 0 : i32
    %cond3A_128 = arith.cmpi ne, %convert_element_type3A_127, %cond3A : i32
    scf.if %cond3A_128 {
      %swap3A_138 = arith.constant 0 : index
      %swap3A_139 = arith.constant 0 : index
      %swap3A_140 = vector.load %arg11[%swap3A_138, %swap3A_139] : memref<32x16xf32, #tpu.memory_space<vmem>>, vector<32x16xf32>
      tpu.vector_store %arg11[%swap3A_138, %swap3A_139], %add3A_124 {strides = array<i32>} : memref<32x16xf32, #tpu.memory_space<vmem>>, vector<32x16xf32>,
      %swap3A_141 = arith.constant 0 : index
      %swap3A_142 = vector.load %arg12[%swap3A_141] : memref<16xf32, #tpu.memory_space<vmem>>, vector<16xf32>
      tpu.vector_store %arg12[%swap3A_141], %reduce_sum3A_104 {strides = array<i32>} : memref<16xf32, #tpu.memory_space<vmem>>, vector<16xf32>,
    } else {
    }
    %gt3A = arith.constant 0 : i32
    %gt3A_129 = arith.cmpi sgt, %arg0, %gt3A : i32
    %convert_element_type3A_130 = arith.extui %gt3A_129 : i1 to i32
    %cond3A_131 = arith.constant 0 : i32
    %cond3A_132 = arith.cmpi ne, %convert_element_type3A_130, %cond3A_131 : i32
    scf.if %cond3A_132 {
      %get3A_138 = arith.constant 0 : index
      %get3A_139 = arith.constant 0 : index
      %get3A_140 = vector.load %arg11[%get3A_138, %get3A_139] : memref<32x16xf32, #tpu.memory_space<vmem>>, vector<32x16xf32>
      %add3A_141 = arith.addf %get3A_140, %add3A_124 : vector<32x16xf32>
      %swap3A_142 = arith.constant 0 : index
      %swap3A_143 = arith.constant 0 : index
      %swap3A_144 = vector.load %arg11[%swap3A_142, %swap3A_143] : memref<32x16xf32, #tpu.memory_space<vmem>>, vector<32x16xf32>
      tpu.vector_store %arg11[%swap3A_142, %swap3A_143], %add3A_141 {strides = array<i32>} : memref<32x16xf32, #tpu.memory_space<vmem>>, vector<32x16xf32>,
      %get3A_145 = arith.constant 0 : index
      %get3A_146 = vector.load %arg12[%get3A_145] : memref<16xf32, #tpu.memory_space<vmem>>, vector<16xf32>
      %add3A_147 = arith.addf %get3A_146, %reduce_sum3A_104 : vector<16xf32>
      %swap3A_148 = arith.constant 0 : index
      %swap3A_149 = vector.load %arg12[%swap3A_148] : memref<16xf32, #tpu.memory_space<vmem>>, vector<16xf32>
      tpu.vector_store %arg12[%swap3A_148], %add3A_147 {strides = array<i32>} : memref<16xf32, #tpu.memory_space<vmem>>, vector<16xf32>,
    } else {
    }
    %eq3A_133 = arith.constant 15 : i32
    %eq3A_134 = arith.cmpi eq, %arg0, %eq3A_133 : i32
    %convert_element_type3A_135 = arith.extui %eq3A_134 : i1 to i32
    %cond3A_136 = arith.constant 0 : i32
    %cond3A_137 = arith.cmpi ne, %convert_element_type3A_135, %cond3A_136 : i32
    scf.if %cond3A_137 {
      %get3A_138 = arith.constant 0 : index
      %get3A_139 = arith.constant 0 : index
      %get3A_140 = vector.load %arg11[%get3A_138, %get3A_139] : memref<32x16xf32, #tpu.memory_space<vmem>>, vector<32x16xf32>
      %iota3A_141 = tpu.iota {dimensions = array<i32: 0>} : vector<32x32xi32>
      %iota3A_142 = tpu.iota {dimensions = array<i32: 1>} : vector<32x32xi32>
      %gt3A_143 = arith.cmpi sgt, %iota3A_141, %iota3A_142 : vector<32x32xi32>
      %jit3A_144 = arith.constant 1.000000e+00 : f32
      %jit3A_145 = arith.constant 0.000000e+00 : f32
      %broadcast_in_dim3A_146 = vector.broadcast %jit3A_144 : f32 to vector<32x32xf32>
      %broadcast_in_dim3A_147 = vector.broadcast %jit3A_145 : f32 to vector<32x32xf32>
      %select_n3A_148 = arith.select %gt3A_143, %broadcast_in_dim3A_146, %broadcast_in_dim3A_147 : vector<32x32xi1>, vector<32x32xf32>
      %dot_general3A_149 = arith.constant dense<0.000000e+00> : vector<32x16xf32>
      %dot_general3A_150 = tpu.matmul %select_n3A_148, %get3A_140, %dot_general3A_149 {dimension_numbers = #tpu.dot_dimension_numbers<[1], [0], [0], [1], [0, 0, 1, 1], [], []>, precision = #tpu.contract_precision<fp32>, transpose_lhs_hint = false} : vector<32x32xf32>, vector<32x16xf32>, vector<32x16xf32> -> vector<32x16xf32>
      %reduce_sum3A_151 = arith.constant dense<0.000000e+00> : vector<16xf32>
      %reduce_sum3A_152 = vector.multi_reduction <add>, %get3A_140, %reduce_sum3A_151 [0] : vector<32x16xf32> to vector<16xf32>
      %slice3A = vector.extract_strided_slice %get3A_140 {offsets = [0, 0], sizes = [16, 16], strides = [1, 1]} : vector<32x16xf32> to vector<16x16xf32>
      %reduce_sum3A_153 = arith.constant dense<0.000000e+00> : vector<16xf32>
      %reduce_sum3A_154 = vector.multi_reduction <add>, %slice3A, %reduce_sum3A_153 [0] : vector<16x16xf32> to vector<16xf32>
      %iota3A_155 = tpu.iota {dimensions = array<i32: 0>} : vector<16x16xi32>
      %iota3A_156 = tpu.iota {dimensions = array<i32: 1>} : vector<16x16xi32>
      %lt3A = arith.cmpi slt, %iota3A_155, %iota3A_156 : vector<16x16xi32>
      %jit3A_157 = arith.constant 1.000000e+00 : f32
      %jit3A_158 = arith.constant 0.000000e+00 : f32
      %broadcast_in_dim3A_159 = vector.broadcast %jit3A_157 : f32 to vector<16x16xf32>
      %broadcast_in_dim3A_160 = vector.broadcast %jit3A_158 : f32 to vector<16x16xf32>
      %select_n3A_161 = arith.select %lt3A, %broadcast_in_dim3A_159, %broadcast_in_dim3A_160 : vector<16x16xi1>, vector<16x16xf32>
      %dot_general3A_162 = arith.constant dense<0.000000e+00> : vector<32x16xf32>
      %dot_general3A_163 = tpu.matmul %get3A_140, %select_n3A_161, %dot_general3A_162 {dimension_numbers = #tpu.dot_dimension_numbers<[1], [0], [0], [1], [0, 0, 1, 1], [], []>, precision = #tpu.contract_precision<fp32>, transpose_lhs_hint = false} : vector<32x16xf32>, vector<16x16xf32>, vector<32x16xf32> -> vector<32x16xf32>
      %broadcast_in_dim3A_164 = arith.constant 1.000000e+00 : f32
      %broadcast_in_dim3A_165 = vector.broadcast %broadcast_in_dim3A_164 : f32 to vector<32x32xf32>
      %dot_general3A_166 = arith.constant dense<0.000000e+00> : vector<32x16xf32>
      %dot_general3A_167 = tpu.matmul %broadcast_in_dim3A_165, %dot_general3A_163, %dot_general3A_166 {dimension_numbers = #tpu.dot_dimension_numbers<[1], [0], [0], [1], [0, 0, 1, 1], [], []>, precision = #tpu.contract_precision<fp32>, transpose_lhs_hint = false} : vector<32x32xf32>, vector<32x16xf32>, vector<32x16xf32> -> vector<32x16xf32>
      %add3A_168 = arith.addf %dot_general3A_150, %dot_general3A_167 : vector<32x16xf32>
      %convert_element_type3A_169 = arith.fptosi %add3A_168 : vector<32x16xf32> to vector<32x16xi32>
      %get3A_170 = arith.constant 0 : index
      %get3A_171 = arith.constant 0 : index
      %get3A_172 = vector.load %arg4[%get3A_170, %get3A_171] : memref<1x1xi32, #tpu.memory_space<vmem>>, vector<1x1xi32>
      %get3A_173 = vector.extract %get3A_172[0, 0] : i32 from vector<1x1xi32>
      %add3A_174 = vector.broadcast %get3A_173 : i32 to vector<32x16xi32>
      %add3A_175 = arith.addi %convert_element_type3A_169, %add3A_174 : vector<32x16xi32>
      %swap3A_176 = arith.constant 0 : index
      %swap3A_177 = arith.constant 0 : index
      %swap3A_178 = vector.load %arg8[%swap3A_176, %swap3A_177] : memref<32x16xi32, #tpu.memory_space<vmem>>, vector<32x16xi32>
      tpu.vector_store %arg8[%swap3A_176, %swap3A_177], %add3A_175 {strides = array<i32>} : memref<32x16xi32, #tpu.memory_space<vmem>>, vector<32x16xi32>,
      %convert_element_type3A_179 = arith.fptosi %reduce_sum3A_152 : vector<16xf32> to vector<16xi32>
      %swap3A_180 = arith.constant 0 : index
      %swap3A_181 = vector.load %arg9[%swap3A_180] : memref<16xi32, #tpu.memory_space<vmem>>, vector<16xi32>
      tpu.vector_store %arg9[%swap3A_180], %convert_element_type3A_179 {strides = array<i32>} : memref<16xi32, #tpu.memory_space<vmem>>, vector<16xi32>,
      %get3A_182 = arith.constant 0 : index
      %get3A_183 = vector.load %arg12[%get3A_182] : memref<16xf32, #tpu.memory_space<vmem>>, vector<16xf32>
      %mul3A = arith.mulf %get3A_183, %reduce_sum3A_154 : vector<16xf32>
      %reduce_sum3A_184 = vector.shape_cast %mul3A : vector<16xf32> to vector<1x16xf32>
      %reduce_sum3A_185 = arith.constant dense<0.000000e+00> : vector<1xf32>
      %reduce_sum3A_186 = vector.multi_reduction <add>, %reduce_sum3A_184, %reduce_sum3A_185 [1] : vector<1x16xf32> to vector<1xf32>
      %reduce_sum3A_187 = vector.shape_cast %reduce_sum3A_186 : vector<1xf32> to vector<1x1xf32>
      %reduce_sum3A_188 = vector.extract %reduce_sum3A_187[0, 0] : f32 from vector<1x1xf32>
      %mul3A_189 = arith.constant 2.38418579E-7 : f32
      %mul3A_190 = arith.mulf %reduce_sum3A_188, %mul3A_189 : f32
      %reshape3A = vector.broadcast %mul3A_190 : f32 to vector<1x1xf32>
      %swap3A_191 = arith.constant 0 : index
      %swap3A_192 = arith.constant 0 : index
      %swap3A_193 = vector.load %arg10[%swap3A_191, %swap3A_192] : memref<1x1xf32, #tpu.memory_space<vmem>>, vector<1x1xf32>
      tpu.vector_store %arg10[%swap3A_191, %swap3A_192], %reshape3A {strides = array<i32>} : memref<1x1xf32, #tpu.memory_space<vmem>>, vector<1x1xf32>,
    } else {
    }
    return
  }
  func.func @transform_0(%arg0: i32) -> (i32, i32) {
    %c0_i32 = arith.constant 0 : i32
    %c0_i32_0 = arith.constant 0 : i32
    return %arg0, %c0_i32 : i32, i32
  }
  func.func @transform_1(%arg0: i32) -> (i32, i32) {
    %c0_i32 = arith.constant 0 : i32
    %c0_i32_0 = arith.constant 0 : i32
    %c0_i32_1 = arith.constant 0 : i32
    return %c0_i32, %c0_i32_0 : i32, i32
  }
  func.func @transform_2(%arg0: i32) -> (i32, i32) {
    %c0_i32 = arith.constant 0 : i32
    %c0_i32_0 = arith.constant 0 : i32
    %c0_i32_1 = arith.constant 0 : i32
    return %c0_i32, %c0_i32_0 : i32, i32
  }
  func.func @transform_3(%arg0: i32) -> (i32, i32) {
    %c0_i32 = arith.constant 0 : i32
    %c0_i32_0 = arith.constant 0 : i32
    %c0_i32_1 = arith.constant 0 : i32
    return %c0_i32, %c0_i32_0 : i32, i32
  }
  func.func @transform_4(%arg0: i32) -> (i32, i32) {
    %c0_i32 = arith.constant 0 : i32
    %c0_i32_0 = arith.constant 0 : i32
    return %c0_i32, %arg0 : i32, i32
  }
  func.func @transform_5(%arg0: i32) -> (i32, i32) {
    %c0_i32 = arith.constant 0 : i32
    %c0_i32_0 = arith.constant 0 : i32
    return %c0_i32, %arg0 : i32, i32
  }
  func.func @transform_6(%arg0: i32) -> (i32, i32) {
    %c0_i32 = arith.constant 0 : i32
    %c0_i32_0 = arith.constant 0 : i32
    return %c0_i32, %arg0 : i32, i32
  }
  func.func @transform_7(%arg0: i32) -> (i32, i32) {
    %c0_i32 = arith.constant 0 : i32
    %c0_i32_0 = arith.constant 0 : i32
    %c0_i32_1 = arith.constant 0 : i32
    return %c0_i32, %c0_i32_0 : i32, i32
  }
  func.func @transform_8(%arg0: i32) -> i32 {
    %c0_i32 = arith.constant 0 : i32
    %c0_i32_0 = arith.constant 0 : i32
    return %c0_i32 : i32
  }
  func.func @transform_9(%arg0: i32) -> (i32, i32) {
    %c0_i32 = arith.constant 0 : i32
    %c0_i32_0 = arith.constant 0 : i32
    %c0_i32_1 = arith.constant 0 : i32
    return %c0_i32, %c0_i32_0 : i32, i32
  }
}

</mosaic_0001>

<sc_bundles>
// kernel: kernel.4.cloned.1.call-start
scs
__scs_entry_jumppad:
0x0: {  	(pc) =	sbr.rel $0x88, $3  }
0x1: {  	(tag) =	ssettag $0x0;
	lr =	simm.s32 $0x1  }
0x2: {  	[smem:$0x3F9E] =	sst lr;
	_ =	strace $0xD0000000  }
0x3: {  	_ = 	snop  }
0x4: {  	_ = 	snop  }
0x5: {  	_ = 	snop  }
0x6: {  	_ = 	snop  }
0x7: {  	_ = 	snop  }
__scs_overlays_trampoline_lowered:
0x8: {  	[smem:$0x3FAD] =	sst s0  }
0x9: {  	[smem:$0x3FAE] =	sst s1  }
0xa: {  	[smem:$0x3FAF] =	sst s2  }
0xb: {  	[smem:$0x3FB0] =	sst s3  }
0xc: {  	[smem:$0x3FB1] =	sst s4  }
0xd: {  	[smem:$0x3FB2] =	sst s5  }
0xe: {  	[smem:$0x3FB3] =	sst s6  }
0xf: {  	[smem:$0x3FB4] =	sst s7  }
0x10: {  	[smem:$0x3FB5] =	sst s8  }
0x11: {  	[smem:$0x3FB6] =	sst s9;
	s0 =	simm.s32 @!p0 $0x0  }
0x12: {  	s1 =	sld [smem:$0x3F9C];
	s0 =	simm.s32 @p0 $0x1  }
0x13: {  	[smem:$0x3FB7] =	sst s0;
	s0 =	simm.s32 @!p1 $0x0  }
0x14: {  	s2 =	sld [smem:$0x3F9B];
	s0 =	simm.s32 @p1 $0x1  }
0x15: {  	[smem:$0x3FB8] =	sst s0;
	s0 =	simm.s32 @!p2 $0x0  }
0x16: {  	s3 =	sld [smem:$0x3FDB];
	s0 =	simm.s32 @p2 $0x1  }
0x17: {  	s4 =	simm.s32 $0x1BF5;
	[smem:$0x3FBA] =	sst s0  }
0x18: {  	s0 =	sld [smem:$0x3F9D];
	_ =	swait.ge [sflag:s4], $0x0  }
0x19: {  	s7 =	sld [smem:$0x3F9E]  }
0x1a: {  	s8 =	sadd.s32 $0xFFFFE003, lr  }
0x1b: {  	s9 =	sadd.s32 $0xFFFFFEF7, lr;
	s5 =	simm.s32 $0xFFFFFFFF;
	p2 =	slt.u32 s8, $0xFFFFF086  }
0x1c: {  	p1 =	slt.u32 s9, $0xF7A;
	s5 =	simm.s32 @!p2 $0x0  }
0x1d: {  	s5 =	simm.s32 @p1 $0x1;
	p0 =	seq.s32 s7, s2  }
0x1e: {  	s7 =	smul.u32 @!p0 $0xF7A, s2;
	p2 =	seq.s32 @!p0 s5, $0x0  }
0x1f: {  	s9 =	smul.u32 $0xF7A, s1;
	s8 =	simm.s32 @!p0 $0x1BF5;
	p2 =	por !p2, p0  }
0x20: {  	[sflag:s8] =	ssyncset.s32 @!p0 $0xFFFFF086;
	s6 =	sadd.s32 @!p0 s3, s7;
	s7 =	simm.s32 @!p0 $0x108  }
0x21: {  	s3 =	sadd.s32 s3, s9;
	s6 =	sadd.s32 @!p0 $0x88, s6;
	s7 =	simm.s32 @p2 $0x1082  }
0x22: {  	[simem:s7], [sflag:s8] =	dma.local @!p0 [hbm:s6], $0xF7A  }
0x23: {  	s9 =	sor.u32 $0xD0000000, s2;
	s6 =	simm.s32 $0x108;
	_ =	swait.ge @!p0 [sflag:s8], $0x0  }
0x24: {  	s3 =	sadd.s32 $0x88, s3;
	s6 =	simm.s32 @!p1 $0x1082;
	[sflag:s4] =	ssyncset.s32 $0xFFFFF086  }
0x25: {  	[simem:s6], [sflag:s4] =	dma.local [hbm:s3], $0xF7A  }
0x26: {  	[smem:$0x3F9E] =	sst s1;
	(tag) =	ssettag s2;
	_ =	strace s9  }
0x27: {  	s1 =	sld [smem:$0x3FAE]  }
0x28: {  	s2 =	sld [smem:$0x3FAF]  }
0x29: {  	s4 =	sld [smem:$0x3FB1]  }
0x2a: {  	p0 =	seq.s32 s5, $0x0;
	s5 =	sld [smem:$0x3FB2]  }
0x2b: {  	s6 =	sld [smem:$0x3FB3]  }
0x2c: {  	s7 =	sld [smem:$0x3FB4]  }
0x2d: {  	s3 =	simm.s32 $0x108;
	s8 =	sld [smem:$0x3FB5]  }
0x2e: {  	s3 =	simm.s32 @!p0 $0x1082;
	s9 =	sld [smem:$0x3FB6]  }
0x2f: {  	lr =	sadd.s32 s0, s3;
	s0 =	sld [smem:$0x3FAD]  }
0x30: {  	s3 =	sld [smem:$0x3FB0]  }
0x31: {  	[smem:$0x3FB9] =	sst s10  }
0x32: {  	s10 =	sld [smem:$0x3FB7];
	_ =	sdelay $0x3  }
0x33: {  	p0 =	seq.s32 s10, $0x1;
	s10 =	sld [smem:$0x3FB9];
	_ =	sdelay $0x3  }
0x34: {  	[smem:$0x3FB9] =	sst s10  }
0x35: {  	s10 =	sld [smem:$0x3FB8];
	_ =	sdelay $0x3  }
0x36: {  	p1 =	seq.s32 s10, $0x1;
	s10 =	sld [smem:$0x3FB9];
	_ =	sdelay $0x3  }
0x37: {  	[smem:$0x3FB9] =	sst s10  }
0x38: {  	s10 =	sld [smem:$0x3FBA]  }
0x39: {  	_ = 	snop;
	(pc) =	sbr.ind lr, $3  }
0x3a: {  	_ = 	snop  }
0x3b: {  	_ = 	snop  }
0x3c: {  	p2 =	seq.s32 s10, $0x1;
	s10 =	sld [smem:$0x3FB9]  }
0x3d: {  	_ =	shalt  }
0x3e: {  	_ =	shalt  }
0x3f: {  	_ =	shalt  }
0x40: {  	_ =	shalt  }
0x41: {  	_ =	shalt  }
0x42: {  	_ =	shalt  }
0x43: {  	_ =	shalt  }
0x44: {  	_ =	shalt  }
0x45: {  	_ =	shalt  }
0x46: {  	_ =	shalt  }
0x47: {  	_ =	shalt  }
0x48: {  	_ =	shalt  }
0x49: {  	_ =	shalt  }
0x4a: {  	_ =	shalt  }
0x4b: {  	_ =	shalt  }
0x4c: {  	_ =	shalt  }
0x4d: {  	_ =	shalt  }
0x4e: {  	_ =	shalt  }
0x4f: {  	_ =	shalt  }
0x50: {  	_ =	shalt  }
0x51: {  	_ =	shalt  }
0x52: {  	_ =	shalt  }
0x53: {  	_ =	shalt  }
0x54: {  	_ =	shalt  }
0x55: {  	_ =	shalt  }
0x56: {  	_ =	shalt  }
0x57: {  	_ =	shalt  }
0x58: {  	_ =	shalt  }
0x59: {  	_ =	shalt  }
0x5a: {  	_ =	shalt  }
0x5b: {  	_ =	shalt  }
0x5c: {  	_ =	shalt  }
0x5d: {  	_ =	shalt  }
0x5e: {  	_ =	shalt  }
0x5f: {  	_ =	shalt  }
0x60: {  	_ =	shalt  }
0x61: {  	_ =	shalt  }
0x62: {  	_ =	shalt  }
0x63: {  	_ =	shalt  }
0x64: {  	_ =	shalt  }
0x65: {  	_ =	shalt  }
0x66: {  	_ =	shalt  }
0x67: {  	_ =	shalt  }
0x68: {  	_ =	shalt  }
0x69: {  	_ =	shalt  }
0x6a: {  	_ =	shalt  }
0x6b: {  	_ =	shalt  }
0x6c: {  	_ =	shalt  }
0x6d: {  	_ =	shalt  }
0x6e: {  	_ =	shalt  }
0x6f: {  	_ =	shalt  }
0x70: {  	_ =	shalt  }
0x71: {  	_ =	shalt  }
0x72: {  	_ =	shalt  }
0x73: {  	_ =	shalt  }
0x74: {  	_ =	shalt  }
0x75: {  	_ =	shalt  }
0x76: {  	_ =	shalt  }
0x77: {  	_ =	shalt  }
0x78: {  	_ =	shalt  }
0x79: {  	_ =	shalt  }
0x7a: {  	_ =	shalt  }
0x7b: {  	_ =	shalt  }
0x7c: {  	_ =	shalt  }
0x7d: {  	_ =	shalt  }
0x7e: {  	_ =	shalt  }
0x7f: {  	_ =	shalt  }
0x80: {  	_ =	shalt  }
0x81: {  	_ =	shalt  }
0x82: {  	_ =	shalt  }
0x83: {  	_ =	shalt  }
0x84: {  	_ =	shalt  }
0x85: {  	_ =	shalt  }
0x86: {  	_ =	shalt  }
0x87: {  	_ =	shalt  }
.Lfunc_end0:
.L_simem_size_0:
called_computation_lowered:
.L_overlay_start_0:
0x88: {  	s0 =	sld [smem:$0x3FD9]  }
0x89: {  	s1 =	sld [smem:$0x3FFE];
	_ =	sdelay $0x3  }
0x8a: {  	s0 =	sadd.s32 s1, s0  }
0x8b: {  	[smem:$0x3FC5] =	sst s0  }
0x8c: {  	_ = 	snop  }
0x8d: {  	s0 =	sld [smem:$0x3FD0];
	_ =	sdelay $0x2  }
0x8e: {  	s13 =	simm.s32 $0xA;
	s2 =	simm.s32 $0x10  }
0x8f: {  	[smem:s2], [sflag:s13] =	dma.local [hbm:s0], $0x1  }
0x90: {  	_ =	swait.eq [sflag:s13], $0x1  }
0x91: {  	[sflag:s13] =	ssyncset.done $0x0  }
0x92: {  	s14 =	sld [smem:$0x11];
	[sflag:s13] =	ssyncadd.s32 $0xFFFFFFFF  }
0x93: {  	s15 =	sld [smem:$0x12];
	(tm) =	ssettm $0x1  }
0x94: {  	s16 =	sld [smem:$0x3FFB];
	_ =	sdelay $0x3  }
0x95: {  	_ =	strace s16  }
0x96: {  	s2 =	sld [smem:$0x3FFC];
	_ =	sdelay $0x3  }
0x97: {  	_ =	strace s2  }
0x98: {  	s2 =	sld [smem:$0x3FFD];
	_ =	sdelay $0x3  }
0x99: {  	_ =	strace s2  }
0x9a: {  	_ =	strace $0x8FFFFFFF  }
0x9b: {  	s17 =	sld [smem:$0x3FDB];
	_ =	sdelay $0x1  }
0x9c: {  	s3 =	simm.s32 $_scs_section_size  }
0x9d: {  	s4 =	simm.s32 $_size__tile_overlayer_lowered;
	s5 =	simm.s32 $_tile_overlayer_lowered  }
0x9e: {  	s20 =	simm.s32 $0x1BFF;
	s19 =	sshll.u32 s5, $0x1;
	s2 =	sadd.s32 s3, s17  }
0x9f: {  	s6 =	simm.s32 $0x0;
	s18 =	sshll.u32 s4, $0x1;
	s4 =	sadd.s32 s19, s2  }
0xa0: {  	[timem:s6], [sflag:s20] =	dma.local [hbm:s4], s18  }
0xa1: {  	_ =	swait.ge [sflag:s20], s18  }
0xa2: {  	s3 =	ssub.s32 $0x0, s18;
	[sflag:s20] =	ssyncset.done $0x0  }
0xa3: {  	[sflag:s20] =	ssyncadd.s32 s3;
	_ =	sdelay $0x1  }
0xa4: {  	s21 =	simm.s32 $0x1B8B  }
0xa5: {  	_ =	swait.ge [sflag:s21], $0x1  }
0xa6: {  	[sflag:s21] =	ssyncset.done $0x0  }
0xa7: {  	s23 =	simm.s32 $0x1B8E;
	s22 =	sld [smem:$0x3FFE];
	[sflag:s21] =	ssyncadd.s32 $0xFFFFFFFF  }
0xa8: {  	s24 =	simm.s32 $execute0_lowered;
	[smem:$0x3FD2] =	sst s23  }
0xa9: {  	s4 =	sshll.u32 s24, $0x1;
	_ =	strace $0x80000046;
	[dreg:$0x1] =	wrdreg $0xFFFFFFFF  }
0xaa: {  	s25 =	simm.s32 $_size_execute0_lowered;
	s2 =	sadd.s32 s2, s4;
	[dreg:$0x0] =	wrdreg $0x0  }
0xab: {  	s4 =	sshll.u32 s25, $0x1;
	[dreg:$0x2] =	wrdreg s2  }
0xac: {  	[dreg:$0x3] =	wrdreg s4  }
0xad: {  	[dreg:$0x4] =	wrdreg $0xC0  }
0xae: {  	_ =	task [dreg:s6], $0x5FFFF  }
0xaf: {  	[dreg:$0x1] =	wrdreg $0xFFFFFFFF  }
0xb0: {  	[dreg:$0x0] =	wrdreg $0x60  }
0xb1: {  	[dreg:$0x2] =	wrdreg s22  }
0xb2: {  	[dreg:$0x3] =	wrdreg s14  }
0xb3: {  	[dreg:$0x4] =	wrdreg s15  }
0xb4: {  	[dreg:$0x5] =	wrdreg $0x15000  }
0xb5: {  	[dreg:$0x6] =	wrdreg $0x9  }
0xb6: {  	_ =	task.clear_ibuf [dreg:s6], $0x7FFFF;
	_ =	strace $0x90000046  }
0xb7: {  	s26 =	simm.s32 $0x9;
	_ =	strace $0x80000048  }
0xb8: {  	_ =	swait.ge [sflag:s26], $0x1  }
0xb9: {  	[sflag:s26] =	ssyncadd.s32 $0xFFFFFFFF  }
0xba: {  	_ =	strace $0x90000048  }
0xbb: {  	_ =	sfence  }
0xbc: {  	s28 =	sld [smem:$0x0];
	_ =	sdelay $0x1  }
0xbd: {  	s29 =	srdreg.scid  }
0xbe: {  	s30 =	sshll.u32 s29, $0xD;
	s31 =	sshrl.u32 s29, $0x2  }
0xbf: {  	s1 =	sand.u32 $0x1, s29;
	s2 =	sand.u32 $0x4000, s30;
	s0 =	sadd.s32 s31, s28  }
0xc0: {  	s1 =	sor.u32 s2, s1;
	s0 =	sshll.u32 s0, $0x11  }
0xc1: {  	s0 =	sor.u32 s0, s1  }
0xc2: {  	s0 =	sadd.s32 $0x8F2B, s0  }
0xc3: {  	[sflag:s0] =	ssyncadd.remote.s32 $0x1  }
0xc4: {  	_ =	sfence.sel $0xFFFF  }
0xc5: {  	[dreg:$0x0] =	wrdreg $0xFFFFFFFF;
	(pc) =	sbr.abs _section_cstart, $3  }
0xc6: {  	[dreg:$0x1] =	wrdreg $0xFFFFFFFF  }
0xc7: {  	_ =	task.clear_ibuf [dreg:s6], $0x2FFFF;
	_ =	strace $0x9FFFFFFF  }
0xc8: {  	(tm) =	ssettm $0x7FFFFFFF  }
0xc9: {  	_ =	shalt  }
tec
execute0_lowered:
.L_overlay_start_1:
0x0: {  	(tag) =	ssettag $0x1  }
0x1: {  	s7 =	rddreg [dreg:$0x0]  }
0x2: {  	s5 =	rddreg [dreg:$0x1]  }
0x3: {  	s2 =	rddreg [dreg:$0x2]  }
0x4: {  	s3 =	rddreg [dreg:$0x3];
	s1 =	stileid.u32  }
0x5: {  	s0 =	rddreg [dreg:$0x4];
	s6 =	simm.s32 $0x0;
	s4 =	sshll.u32 s1, $0x7  }
0x6: {  	[smem:$0x7FF] =	sst s6;
	s8 =	sadd.s32 s4, s7  }
0x7: {  	s9 =	sshll.u32 s1, $0x5;
	_ =	strace $0x80000047;
	s10 =	sadd.s32 $0x1000, s8  }
0x8: {  	[tilespmem:s6], [sflag:$0x1] =	stream.linear.gather [hbm4b:s10+s6], $0x400, $0x38;
	[tilespmem:$0x1900] =	vst v63  }
0x9: {  	s24 =	simm.s32 $0x400;
	s7 =	sadd.s32 s9, s7;
	s8 =	sadd.s32 $0x1800, s8  }
0xa: {  	[tilespmem:s24], [sflag:$0x1] =	stream.linear.gather [hbm4b:s8+s6], $0x400, $0x38;
	[tilespmem:$0x1900] =	vst v63  }
0xb: {  	s25 =	simm.s32 $0x800;
	s7 =	sadd.s32 $0xE00, s7  }
0xc: {  	v0 =	vimm.s32 $0x0;
	[tilespmem:s25], [sflag:$0x1] =	stream.linear.gather [hbm4b:s7+s6], $0x100, $0x38;
	[tilespmem:$0x1900] =	vst v63  }
0xd: {  	[tilespmem:$0x900] =	vst v0  }
0xe: {  	[tilespmem:$0x910] =	vst v0  }
0xf: {  	[tilespmem:$0x920] =	vst v0  }
0x10: {  	[tilespmem:$0x930] =	vst v0  }
0x11: {  	[tilespmem:$0x940] =	vst v0  }
0x12: {  	[tilespmem:$0x950] =	vst v0  }
0x13: {  	[tilespmem:$0x960] =	vst v0  }
0x14: {  	[tilespmem:$0x970] =	vst v0  }
0x15: {  	[tilespmem:$0x980] =	vst v0  }
0x16: {  	[tilespmem:$0x990] =	vst v0  }
0x17: {  	[tilespmem:$0x9A0] =	vst v0  }
0x18: {  	[tilespmem:$0x9B0] =	vst v0  }
0x19: {  	[tilespmem:$0x9C0] =	vst v0  }
0x1a: {  	[tilespmem:$0x9D0] =	vst v0  }
0x1b: {  	[tilespmem:$0x9E0] =	vst v0  }
0x1c: {  	[tilespmem:$0x9F0] =	vst v0  }
0x1d: {  	[tilespmem:$0xA00] =	vst v0  }
0x1e: {  	[tilespmem:$0xA10] =	vst v0  }
0x1f: {  	[tilespmem:$0xA20] =	vst v0  }
0x20: {  	[tilespmem:$0xA30] =	vst v0  }
0x21: {  	[tilespmem:$0xA40] =	vst v0  }
0x22: {  	[tilespmem:$0xA50] =	vst v0  }
0x23: {  	[tilespmem:$0xA60] =	vst v0  }
0x24: {  	[tilespmem:$0xA70] =	vst v0  }
0x25: {  	[tilespmem:$0xA80] =	vst v0  }
0x26: {  	[tilespmem:$0xA90] =	vst v0  }
0x27: {  	[tilespmem:$0xAA0] =	vst v0  }
0x28: {  	[tilespmem:$0xAB0] =	vst v0  }
0x29: {  	[tilespmem:$0xAC0] =	vst v0  }
0x2a: {  	[tilespmem:$0xAD0] =	vst v0  }
0x2b: {  	[tilespmem:$0xAE0] =	vst v0  }
0x2c: {  	[tilespmem:$0xAF0] =	vst v0  }
0x2d: {  	[tilespmem:$0xB00] =	vst v0  }
0x2e: {  	[tilespmem:$0xB10] =	vst v0  }
0x2f: {  	[tilespmem:$0xB20] =	vst v0  }
0x30: {  	[tilespmem:$0xB30] =	vst v0  }
0x31: {  	[tilespmem:$0xB40] =	vst v0  }
0x32: {  	[tilespmem:$0xB50] =	vst v0  }
0x33: {  	[tilespmem:$0xB60] =	vst v0  }
0x34: {  	[tilespmem:$0xB70] =	vst v0  }
0x35: {  	[tilespmem:$0xB80] =	vst v0  }
0x36: {  	[tilespmem:$0xB90] =	vst v0  }
0x37: {  	[tilespmem:$0xBA0] =	vst v0  }
0x38: {  	[tilespmem:$0xBB0] =	vst v0  }
0x39: {  	[tilespmem:$0xBC0] =	vst v0  }
0x3a: {  	[tilespmem:$0xBD0] =	vst v0  }
0x3b: {  	[tilespmem:$0xBE0] =	vst v0  }
0x3c: {  	[tilespmem:$0xBF0] =	vst v0  }
0x3d: {  	[tilespmem:$0xC00] =	vst v0  }
0x3e: {  	[tilespmem:$0xC10] =	vst v0  }
0x3f: {  	[tilespmem:$0xC20] =	vst v0  }
0x40: {  	[tilespmem:$0xC30] =	vst v0  }
0x41: {  	[tilespmem:$0xC40] =	vst v0  }
0x42: {  	[tilespmem:$0xC50] =	vst v0  }
0x43: {  	[tilespmem:$0xC60] =	vst v0  }
0x44: {  	[tilespmem:$0xC70] =	vst v0  }
0x45: {  	[tilespmem:$0xC80] =	vst v0  }
0x46: {  	[tilespmem:$0xC90] =	vst v0  }
0x47: {  	[tilespmem:$0xCA0] =	vst v0  }
0x48: {  	[tilespmem:$0xCB0] =	vst v0  }
0x49: {  	[tilespmem:$0xCC0] =	vst v0  }
0x4a: {  	[tilespmem:$0xCD0] =	vst v0  }
0x4b: {  	s10 =	sshll.u32 s1, $0xA;
	[tilespmem:$0xCE0] =	vst v0  }
0x4c: {  	s9 =	simm.s32 $0x900;
	s8 =	simm.s32 $0x3;
	s7 =	sadd.s32 s10, s3;
	[tilespmem:$0xCF0] =	vst v0  }
0x4d: {  	[spmem:s7] =	stream.linear.scatter [tilespmem:s9], [sflag:$0x3], $0x400, $0x38;
	[tilespmem:$0x1900] =	vst v63  }
0x4e: {  	_ =	swait.ge [sflag:s8], $0x400  }
0x4f: {  	[sflag:s8] =	ssyncset.done $0x0  }
0x50: {  	s11 =	simm.s32 $0x1;
	[sflag:s8] =	ssyncadd.s32 $0xFFFFFC00  }
0x51: {  	_ =	swait.ge [sflag:s11], $0x400  }
0x52: {  	[sflag:s11] =	ssyncset.done $0x0  }
0x53: {  	[sflag:s11] =	ssyncadd.s32 $0xFFFFFC00  }
0x54: {  	_ =	swait.ge [sflag:s11], $0x400  }
0x55: {  	[sflag:s11] =	ssyncset.done $0x0  }
0x56: {  	[sflag:s11] =	ssyncadd.s32 $0xFFFFFC00  }
0x57: {  	_ =	swait.ge [sflag:s11], $0x100  }
0x58: {  	[sflag:s11] =	ssyncset.done $0x0  }
0x59: {  	[sflag:s11] =	ssyncadd.s32 $0xFFFFFF00  }
0x5a: {  	v2 =	vld [tilespmem:$0x800]  }
0x5b: {  	v41 =	vld [tilespmem:$0x0]  }
0x5c: {  	v1 =	vld [tilespmem:$0x400]  }
0x5d: {  	v3 =	vld [tilespmem:$0x10]  }
0x5e: {  	v4 =	vld [tilespmem:$0x410]  }
0x5f: {  	v5 =	vld [tilespmem:$0x20]  }
0x60: {  	v0 =	vperm.xlane v2, v41  }
0x61: {  	v6 =	vld [tilespmem:$0x420]  }
0x62: {  	v3 =	vperm.xlane v2, v3;
	v1 =	vadd.s32 v1, v0  }
0x63: {  	[tilespmem:$0x900] =	vst v1  }
0x64: {  	v43 =	vperm.xlane v2, v5;
	v3 =	vadd.s32 v4, v3;
	[tilespmem:$0xD00] =	vst v1  }
0x65: {  	[tilespmem:$0x910] =	vst v3  }
0x66: {  	v4 =	vadd.s32 v6, v43;
	[tilespmem:$0xD10] =	vst v3  }
0x67: {  	v0 =	vlaneseq.u32;
	[tilespmem:$0x920] =	vst v4  }
0x68: {  	s26 =	sor.u32 $0x10, s10;
	v7 =	vor.u32 s10, v0;
	[tilespmem:$0xD20] =	vst v4  }
0x69: {  	s28 =	sor.u32 $0x20, s10;
	v45 =	vor.u32 s26, v0;
	[tilespmem:$0x1100] =	vst v7  }
0x6a: {  	s29 =	sor.u32 $0x30, s10;
	v48 =	vor.u32 s28, v0;
	[tilespmem:$0x1110] =	vst v45  }
0x6b: {  	s30 =	sor.u32 $0x40, s10;
	v51 =	vor.u32 s29, v0;
	[tilespmem:$0x1120] =	vst v48  }
0x6c: {  	s31 =	sor.u32 $0x50, s10;
	v54 =	vor.u32 s30, v0;
	[tilespmem:$0x1130] =	vst v51  }
0x6d: {  	s12 =	sor.u32 $0x60, s10;
	v57 =	vor.u32 s31, v0;
	[tilespmem:$0x1140] =	vst v54  }
0x6e: {  	s13 =	sor.u32 $0x70, s10;
	v60 =	vor.u32 s12, v0;
	[tilespmem:$0x1150] =	vst v57  }
0x6f: {  	s14 =	sor.u32 $0x80, s10;
	v63 =	vor.u32 s13, v0;
	[tilespmem:$0x1160] =	vst v60  }
0x70: {  	s15 =	sor.u32 $0x90, s10;
	v11 =	vor.u32 s14, v0;
	[tilespmem:$0x1170] =	vst v63  }
0x71: {  	s16 =	sor.u32 $0xA0, s10;
	v14 =	vor.u32 s15, v0;
	[tilespmem:$0x1180] =	vst v11  }
0x72: {  	s17 =	sor.u32 $0xB0, s10;
	v17 =	vor.u32 s16, v0;
	[tilespmem:$0x1190] =	vst v14  }
0x73: {  	s18 =	sor.u32 $0xC0, s10;
	v20 =	vor.u32 s17, v0;
	[tilespmem:$0x11A0] =	vst v17  }
0x74: {  	s19 =	sor.u32 $0xD0, s10;
	v23 =	vor.u32 s18, v0;
	[tilespmem:$0x11B0] =	vst v20  }
0x75: {  	s20 =	sor.u32 $0xE0, s10;
	v26 =	vor.u32 s19, v0;
	[tilespmem:$0x11C0] =	vst v23  }
0x76: {  	s21 =	sor.u32 $0xF0, s10;
	v29 =	vor.u32 s20, v0;
	[tilespmem:$0x11D0] =	vst v26  }
0x77: {  	s22 =	sor.u32 $0x100, s10;
	v32 =	vor.u32 s21, v0;
	[tilespmem:$0x11E0] =	vst v29  }
0x78: {  	s23 =	sor.u32 $0x110, s10;
	v35 =	vor.u32 s22, v0;
	[tilespmem:$0x11F0] =	vst v32  }
0x79: {  	s24 =	sor.u32 $0x120, s10;
	v38 =	vor.u32 s23, v0;
	[tilespmem:$0x1200] =	vst v35  }
0x7a: {  	v42 =	vld [tilespmem:$0x30];
	v41 =	vor.u32 s24, v0;
	s16 =	sor.u32 $0x1D0, s10;
	[tilespmem:$0x1210] =	vst v38  }
0x7b: {  	v44 =	vld [tilespmem:$0x430];
	s19 =	sor.u32 $0x200, s10;
	[tilespmem:$0x1220] =	vst v41;
	v8 =	vor.u32 s16, v0  }
0x7c: {  	v46 =	vld [tilespmem:$0x40];
	s20 =	sor.u32 $0x210, s10;
	v29 =	vor.u32 s19, v0;
	[tilespmem:$0x12D0] =	vst v8  }
0x7d: {  	v47 =	vld [tilespmem:$0x440];
	s21 =	sor.u32 $0x220, s10;
	v32 =	vor.u32 s20, v0;
	[tilespmem:$0x1300] =	vst v29  }
0x7e: {  	v49 =	vld [tilespmem:$0x50];
	s22 =	sor.u32 $0x230, s10;
	v35 =	vor.u32 s21, v0;
	[tilespmem:$0x1310] =	vst v32  }
0x7f: {  	v1 =	vperm.xlane v2, v42;
	s23 =	sor.u32 $0x240, s10;
	v38 =	vor.u32 s22, v0;
	[tilespmem:$0x1320] =	vst v35  }
0x80: {  	v50 =	vld [tilespmem:$0x450];
	v41 =	vor.u32 s23, v0;
	[tilespmem:$0x1330] =	vst v38  }
0x81: {  	v3 =	vperm.xlane v2, v46;
	v1 =	vadd.s32 v44, v1;
	[tilespmem:$0x1340] =	vst v41  }
0x82: {  	[tilespmem:$0x930] =	vst v1  }
0x83: {  	v4 =	vperm.xlane v2, v49;
	v3 =	vadd.s32 v47, v3;
	[tilespmem:$0xD30] =	vst v1  }
0x84: {  	[tilespmem:$0x940] =	vst v3  }
0x85: {  	v4 =	vadd.s32 v50, v4;
	[tilespmem:$0xD40] =	vst v3  }
0x86: {  	s25 =	sor.u32 $0x130, s10;
	v52 =	vld [tilespmem:$0x60];
	[tilespmem:$0x950] =	vst v4  }
0x87: {  	v53 =	vld [tilespmem:$0x460];
	s26 =	sor.u32 $0x140, s10;
	v44 =	vor.u32 s25, v0;
	[tilespmem:$0xD50] =	vst v4  }
0x88: {  	v55 =	vld [tilespmem:$0x70];
	s28 =	sor.u32 $0x150, s10;
	v47 =	vor.u32 s26, v0;
	[tilespmem:$0x1230] =	vst v44  }
0x89: {  	v56 =	vld [tilespmem:$0x470];
	s24 =	sor.u32 $0x250, s10;
	v50 =	vor.u32 s28, v0;
	[tilespmem:$0x1240] =	vst v47  }
0x8a: {  	v58 =	vld [tilespmem:$0x80];
	s25 =	sor.u32 $0x260, s10;
	[tilespmem:$0x1250] =	vst v50;
	v44 =	vor.u32 s24, v0  }
0x8b: {  	s26 =	sor.u32 $0x270, s10;
	v1 =	vperm.xlane v2, v52;
	v47 =	vor.u32 s25, v0;
	[tilespmem:$0x1350] =	vst v44  }
0x8c: {  	v59 =	vld [tilespmem:$0x480];
	v50 =	vor.u32 s26, v0;
	[tilespmem:$0x1360] =	vst v47  }
0x8d: {  	v3 =	vperm.xlane v2, v55;
	[tilespmem:$0x1370] =	vst v50;
	v1 =	vadd.s32 v53, v1  }
0x8e: {  	[tilespmem:$0x960] =	vst v1  }
0x8f: {  	v4 =	vperm.xlane v2, v58;
	v3 =	vadd.s32 v56, v3;
	[tilespmem:$0xD60] =	vst v1  }
0x90: {  	[tilespmem:$0x970] =	vst v3  }
0x91: {  	v4 =	vadd.s32 v59, v4;
	[tilespmem:$0xD70] =	vst v3  }
0x92: {  	v61 =	vld [tilespmem:$0x90];
	s29 =	sor.u32 $0x160, s10;
	[tilespmem:$0x980] =	vst v4  }
0x93: {  	v62 =	vld [tilespmem:$0x490];
	s30 =	sor.u32 $0x170, s10;
	v53 =	vor.u32 s29, v0;
	[tilespmem:$0xD80] =	vst v4  }
0x94: {  	v9 =	vld [tilespmem:$0xA0];
	s31 =	sor.u32 $0x180, s10;
	v56 =	vor.u32 s30, v0;
	[tilespmem:$0x1260] =	vst v53  }
0x95: {  	v10 =	vld [tilespmem:$0x4A0];
	s28 =	sor.u32 $0x280, s10;
	v59 =	vor.u32 s31, v0;
	[tilespmem:$0x1270] =	vst v56  }
0x96: {  	v12 =	vld [tilespmem:$0xB0];
	s29 =	sor.u32 $0x290, s10;
	[tilespmem:$0x1280] =	vst v59;
	v53 =	vor.u32 s28, v0  }
0x97: {  	s30 =	sor.u32 $0x2A0, s10;
	v1 =	vperm.xlane v2, v61;
	v56 =	vor.u32 s29, v0;
	[tilespmem:$0x1380] =	vst v53  }
0x98: {  	v13 =	vld [tilespmem:$0x4B0];
	v59 =	vor.u32 s30, v0;
	[tilespmem:$0x1390] =	vst v56  }
0x99: {  	v3 =	vperm.xlane v2, v9;
	[tilespmem:$0x13A0] =	vst v59;
	v1 =	vadd.s32 v62, v1  }
0x9a: {  	[tilespmem:$0x990] =	vst v1  }
0x9b: {  	v4 =	vperm.xlane v2, v12;
	v3 =	vadd.s32 v10, v3;
	[tilespmem:$0xD90] =	vst v1  }
0x9c: {  	[tilespmem:$0x9A0] =	vst v3  }
0x9d: {  	v4 =	vadd.s32 v13, v4;
	[tilespmem:$0xDA0] =	vst v3  }
0x9e: {  	v15 =	vld [tilespmem:$0xC0];
	s12 =	sor.u32 $0x190, s10;
	[tilespmem:$0x9B0] =	vst v4  }
0x9f: {  	v16 =	vld [tilespmem:$0x4C0];
	s13 =	sor.u32 $0x1A0, s10;
	v62 =	vor.u32 s12, v0;
	[tilespmem:$0xDB0] =	vst v4  }
0xa0: {  	v18 =	vld [tilespmem:$0xD0];
	s14 =	sor.u32 $0x1B0, s10;
	v10 =	vor.u32 s13, v0;
	[tilespmem:$0x1290] =	vst v62  }
0xa1: {  	v19 =	vld [tilespmem:$0x4D0];
	s31 =	sor.u32 $0x2B0, s10;
	v13 =	vor.u32 s14, v0;
	[tilespmem:$0x12A0] =	vst v10  }
0xa2: {  	v21 =	vld [tilespmem:$0xE0];
	s12 =	sor.u32 $0x2C0, s10;
	[tilespmem:$0x12B0] =	vst v13;
	v62 =	vor.u32 s31, v0  }
0xa3: {  	s13 =	sor.u32 $0x2D0, s10;
	v1 =	vperm.xlane v2, v15;
	v10 =	vor.u32 s12, v0;
	[tilespmem:$0x13B0] =	vst v62  }
0xa4: {  	v22 =	vld [tilespmem:$0x4E0];
	v13 =	vor.u32 s13, v0;
	[tilespmem:$0x13C0] =	vst v10  }
0xa5: {  	v3 =	vperm.xlane v2, v18;
	[tilespmem:$0x13D0] =	vst v13;
	v1 =	vadd.s32 v16, v1  }
0xa6: {  	[tilespmem:$0x9C0] =	vst v1  }
0xa7: {  	v4 =	vperm.xlane v2, v21;
	v3 =	vadd.s32 v19, v3;
	[tilespmem:$0xDC0] =	vst v1  }
0xa8: {  	v24 =	vld [tilespmem:$0xF0];
	[tilespmem:$0x9D0] =	vst v3  }
0xa9: {  	v25 =	vld [tilespmem:$0x4F0];
	v4 =	vadd.s32 v22, v4;
	[tilespmem:$0xDD0] =	vst v3  }
0xaa: {  	v27 =	vld [tilespmem:$0x100];
	s15 =	sor.u32 $0x1C0, s10;
	[tilespmem:$0x9E0] =	vst v4  }
0xab: {  	v28 =	vld [tilespmem:$0x500];
	s17 =	sor.u32 $0x1E0, s10;
	v16 =	vor.u32 s15, v0;
	[tilespmem:$0xDE0] =	vst v4  }
0xac: {  	v30 =	vld [tilespmem:$0x110];
	s14 =	sor.u32 $0x2E0, s10;
	v22 =	vor.u32 s17, v0;
	[tilespmem:$0x12C0] =	vst v16  }
0xad: {  	v31 =	vld [tilespmem:$0x510];
	s16 =	sor.u32 $0x300, s10;
	v1 =	vperm.xlane v2, v24;
	[tilespmem:$0x12E0] =	vst v22;
	v16 =	vor.u32 s14, v0  }
0xae: {  	v14 =	vld [tilespmem:$0x1E0];
	v22 =	vor.u32 s16, v0;
	[tilespmem:$0x13E0] =	vst v16  }
0xaf: {  	v3 =	vperm.xlane v2, v27;
	[tilespmem:$0x1400] =	vst v22;
	v1 =	vadd.s32 v25, v1  }
0xb0: {  	v15 =	vld [tilespmem:$0x5E0];
	[tilespmem:$0x9F0] =	vst v1  }
0xb1: {  	v4 =	vperm.xlane v2, v30;
	v3 =	vadd.s32 v28, v3;
	[tilespmem:$0xDF0] =	vst v1  }
0xb2: {  	v33 =	vld [tilespmem:$0x120];
	[tilespmem:$0xA00] =	vst v3  }
0xb3: {  	v34 =	vld [tilespmem:$0x520];
	v19 =	vperm.xlane v2, v14;
	v4 =	vadd.s32 v31, v4;
	[tilespmem:$0xE00] =	vst v3  }
0xb4: {  	v36 =	vld [tilespmem:$0x130];
	[tilespmem:$0xA10] =	vst v4  }
0xb5: {  	v37 =	vld [tilespmem:$0x530];
	v6 =	vadd.s32 v15, v19;
	[tilespmem:$0xE10] =	vst v4  }
0xb6: {  	v39 =	vld [tilespmem:$0x140];
	s18 =	sor.u32 $0x1F0, s10;
	[tilespmem:$0xAE0] =	vst v6  }
0xb7: {  	v40 =	vld [tilespmem:$0x540];
	s15 =	sor.u32 $0x2F0, s10;
	v25 =	vor.u32 s18, v0;
	[tilespmem:$0xEE0] =	vst v6  }
0xb8: {  	v43 =	vld [tilespmem:$0x550];
	s17 =	sor.u32 $0x310, s10;
	v19 =	vor.u32 s15, v0;
	v1 =	vperm.xlane v2, v33;
	[tilespmem:$0x12F0] =	vst v25  }
0xb9: {  	v42 =	vld [tilespmem:$0x150];
	[tilespmem:$0x13F0] =	vst v19;
	v25 =	vor.u32 s17, v0  }
0xba: {  	v46 =	vld [tilespmem:$0x560];
	v3 =	vperm.xlane v2, v36;
	[tilespmem:$0x1410] =	vst v25;
	v1 =	vadd.s32 v34, v1  }
0xbb: {  	v45 =	vld [tilespmem:$0x160];
	[tilespmem:$0xA20] =	vst v1  }
0xbc: {  	v49 =	vld [tilespmem:$0x570];
	v4 =	vperm.xlane v2, v39;
	v3 =	vadd.s32 v37, v3;
	[tilespmem:$0xE20] =	vst v1  }
0xbd: {  	v48 =	vld [tilespmem:$0x170];
	[tilespmem:$0xA30] =	vst v3  }
0xbe: {  	v51 =	vld [tilespmem:$0x180];
	v4 =	vadd.s32 v40, v4;
	[tilespmem:$0xE30] =	vst v3;
	v1 =	vperm.xlane v2, v42  }
0xbf: {  	v54 =	vld [tilespmem:$0x190];
	[tilespmem:$0xA40] =	vst v4  }
0xc0: {  	v57 =	vld [tilespmem:$0x1A0];
	[tilespmem:$0xE40] =	vst v4;
	v3 =	vperm.xlane v2, v45;
	v1 =	vadd.s32 v43, v1  }
0xc1: {  	v52 =	vld [tilespmem:$0x580];
	[tilespmem:$0xA50] =	vst v1  }
0xc2: {  	v60 =	vld [tilespmem:$0x1B0];
	v4 =	vperm.xlane v2, v48;
	v3 =	vadd.s32 v46, v3;
	[tilespmem:$0xE50] =	vst v1  }
0xc3: {  	v55 =	vld [tilespmem:$0x590];
	[tilespmem:$0xA60] =	vst v3  }
0xc4: {  	v63 =	vld [tilespmem:$0x1C0];
	v4 =	vadd.s32 v49, v4;
	[tilespmem:$0xE60] =	vst v3;
	v1 =	vperm.xlane v2, v51  }
0xc5: {  	v58 =	vld [tilespmem:$0x5A0];
	[tilespmem:$0xA70] =	vst v4  }
0xc6: {  	v61 =	vld [tilespmem:$0x5B0];
	[tilespmem:$0xE70] =	vst v4;
	v3 =	vperm.xlane v2, v54;
	v1 =	vadd.s32 v52, v1  }
0xc7: {  	v11 =	vld [tilespmem:$0x1D0];
	[tilespmem:$0xA80] =	vst v1  }
0xc8: {  	v17 =	vld [tilespmem:$0x1F0];
	v4 =	vperm.xlane v2, v57;
	v3 =	vadd.s32 v55, v3;
	[tilespmem:$0xE80] =	vst v1  }
0xc9: {  	v9 =	vld [tilespmem:$0x5C0];
	[tilespmem:$0xA90] =	vst v3;
	v1 =	vperm.xlane v2, v60  }
0xca: {  	v20 =	vld [tilespmem:$0x200];
	v4 =	vadd.s32 v58, v4;
	[tilespmem:$0xE90] =	vst v3  }
0xcb: {  	v12 =	vld [tilespmem:$0x5D0];
	[tilespmem:$0xAA0] =	vst v4;
	v1 =	vadd.s32 v61, v1  }
0xcc: {  	v18 =	vld [tilespmem:$0x5F0];
	v3 =	vperm.xlane v2, v63;
	[tilespmem:$0xAB0] =	vst v1  }
0xcd: {  	[tilespmem:$0xEB0] =	vst v1;
	v1 =	vld [tilespmem:$0x880]  }
0xce: {  	v23 =	vld [tilespmem:$0x210];
	[tilespmem:$0xEA0] =	vst v4;
	v4 =	vperm.xlane v2, v11;
	v3 =	vadd.s32 v9, v3  }
0xcf: {  	v21 =	vld [tilespmem:$0x600];
	[tilespmem:$0xAC0] =	vst v3  }
0xd0: {  	v26 =	vld [tilespmem:$0x220];
	v2 =	vperm.xlane v2, v17;
	v4 =	vadd.s32 v12, v4;
	[tilespmem:$0xEC0] =	vst v3  }
0xd1: {  	v24 =	vld [tilespmem:$0x610];
	[tilespmem:$0xAD0] =	vst v4  }
0xd2: {  	v2 =	vadd.s32 v18, v2;
	[tilespmem:$0xED0] =	vst v4;
	v4 =	vperm.xlane v1, v20  }
0xd3: {  	v28 =	vld [tilespmem:$0x620];
	[tilespmem:$0xAF0] =	vst v2  }
0xd4: {  	v30 =	vld [tilespmem:$0x230];
	[tilespmem:$0xEF0] =	vst v2;
	v27 =	vperm.xlane v1, v23;
	v3 =	vadd.s32 v21, v4  }
0xd5: {  	v31 =	vld [tilespmem:$0x630];
	[tilespmem:$0xB00] =	vst v3  }
0xd6: {  	v33 =	vld [tilespmem:$0x240];
	v2 =	vperm.xlane v1, v26;
	v4 =	vadd.s32 v24, v27;
	[tilespmem:$0xF00] =	vst v3  }
0xd7: {  	v36 =	vld [tilespmem:$0x250];
	[tilespmem:$0xB10] =	vst v4  }
0xd8: {  	v34 =	vld [tilespmem:$0x640];
	v2 =	vadd.s32 v28, v2;
	[tilespmem:$0xF10] =	vst v4  }
0xd9: {  	s18 =	sor.u32 $0x320, s10;
	[tilespmem:$0xB20] =	vst v2;
	v3 =	vperm.xlane v1, v30  }
0xda: {  	v37 =	vld [tilespmem:$0x650];
	v28 =	vor.u32 s18, v0;
	[tilespmem:$0xF20] =	vst v2  }
0xdb: {  	v4 =	vperm.xlane v1, v33;
	[tilespmem:$0x1420] =	vst v28;
	v3 =	vadd.s32 v31, v3  }
0xdc: {  	[tilespmem:$0xB30] =	vst v3  }
0xdd: {  	v39 =	vld [tilespmem:$0x260];
	v2 =	vperm.xlane v1, v36;
	v4 =	vadd.s32 v34, v4;
	[tilespmem:$0xF30] =	vst v3  }
0xde: {  	v40 =	vld [tilespmem:$0x660];
	[tilespmem:$0xB40] =	vst v4  }
0xdf: {  	v42 =	vld [tilespmem:$0x270];
	v2 =	vadd.s32 v37, v2;
	[tilespmem:$0xF40] =	vst v4  }
0xe0: {  	s19 =	sor.u32 $0x330, s10;
	v45 =	vld [tilespmem:$0x280];
	[tilespmem:$0xB50] =	vst v2  }
0xe1: {  	s20 =	sor.u32 $0x340, s10;
	v43 =	vld [tilespmem:$0x670];
	v31 =	vor.u32 s19, v0;
	[tilespmem:$0xF50] =	vst v2  }
0xe2: {  	s21 =	sor.u32 $0x350, s10;
	v34 =	vor.u32 s20, v0;
	v3 =	vperm.xlane v1, v39;
	[tilespmem:$0x1430] =	vst v31  }
0xe3: {  	v46 =	vld [tilespmem:$0x680];
	v37 =	vor.u32 s21, v0;
	[tilespmem:$0x1440] =	vst v34  }
0xe4: {  	v4 =	vperm.xlane v1, v42;
	[tilespmem:$0x1450] =	vst v37;
	v3 =	vadd.s32 v40, v3  }
0xe5: {  	[tilespmem:$0xB60] =	vst v3  }
0xe6: {  	v48 =	vld [tilespmem:$0x290];
	v2 =	vperm.xlane v1, v45;
	v4 =	vadd.s32 v43, v4;
	[tilespmem:$0xF60] =	vst v3  }
0xe7: {  	v49 =	vld [tilespmem:$0x690];
	[tilespmem:$0xB70] =	vst v4  }
0xe8: {  	v51 =	vld [tilespmem:$0x2A0];
	v2 =	vadd.s32 v46, v2;
	[tilespmem:$0xF70] =	vst v4  }
0xe9: {  	s22 =	sor.u32 $0x360, s10;
	v54 =	vld [tilespmem:$0x2B0];
	[tilespmem:$0xB80] =	vst v2  }
0xea: {  	s23 =	sor.u32 $0x370, s10;
	v52 =	vld [tilespmem:$0x6A0];
	v40 =	vor.u32 s22, v0;
	[tilespmem:$0xF80] =	vst v2  }
0xeb: {  	s24 =	sor.u32 $0x380, s10;
	v43 =	vor.u32 s23, v0;
	v3 =	vperm.xlane v1, v48;
	[tilespmem:$0x1460] =	vst v40  }
0xec: {  	v55 =	vld [tilespmem:$0x6B0];
	v46 =	vor.u32 s24, v0;
	[tilespmem:$0x1470] =	vst v43  }
0xed: {  	v4 =	vperm.xlane v1, v51;
	[tilespmem:$0x1480] =	vst v46;
	v3 =	vadd.s32 v49, v3  }
0xee: {  	[tilespmem:$0xB90] =	vst v3  }
0xef: {  	v57 =	vld [tilespmem:$0x2C0];
	v2 =	vperm.xlane v1, v54;
	v4 =	vadd.s32 v52, v4;
	[tilespmem:$0xF90] =	vst v3  }
0xf0: {  	v58 =	vld [tilespmem:$0x6C0];
	[tilespmem:$0xBA0] =	vst v4  }
0xf1: {  	v63 =	vld [tilespmem:$0x2E0];
	v2 =	vadd.s32 v55, v2;
	[tilespmem:$0xFA0] =	vst v4  }
0xf2: {  	s25 =	sor.u32 $0x390, s10;
	v60 =	vld [tilespmem:$0x2D0];
	[tilespmem:$0xBB0] =	vst v2  }
0xf3: {  	s26 =	sor.u32 $0x3A0, s10;
	v49 =	vor.u32 s25, v0;
	[tilespmem:$0xFB0] =	vst v2  }
0xf4: {  	s28 =	sor.u32 $0x3B0, s10;
	v61 =	vld [tilespmem:$0x6D0];
	v52 =	vor.u32 s26, v0;
	[tilespmem:$0x1490] =	vst v49  }
0xf5: {  	s31 =	sor.u32 $0x3E0, s10;
	v55 =	vor.u32 s28, v0;
	v3 =	vperm.xlane v1, v57;
	[tilespmem:$0x14A0] =	vst v52  }
0xf6: {  	v9 =	vld [tilespmem:$0x6E0];
	v2 =	vperm.xlane v1, v63;
	[tilespmem:$0x14B0] =	vst v55;
	v63 =	vor.u32 s31, v0  }
0xf7: {  	v4 =	vperm.xlane v1, v60;
	[tilespmem:$0x14E0] =	vst v63;
	v3 =	vadd.s32 v58, v3  }
0xf8: {  	[tilespmem:$0xBC0] =	vst v3  }
0xf9: {  	v11 =	vld [tilespmem:$0x2F0];
	v4 =	vadd.s32 v61, v4;
	[tilespmem:$0xFC0] =	vst v3  }
0xfa: {  	v14 =	vld [tilespmem:$0x300];
	[tilespmem:$0xBD0] =	vst v4  }
0xfb: {  	v12 =	vld [tilespmem:$0x6F0];
	v2 =	vadd.s32 v9, v2;
	[tilespmem:$0xFD0] =	vst v4  }
0xfc: {  	s29 =	sor.u32 $0x3C0, s10;
	v15 =	vld [tilespmem:$0x700];
	[tilespmem:$0xBE0] =	vst v2  }
0xfd: {  	s30 =	sor.u32 $0x3D0, s10;
	v17 =	vld [tilespmem:$0x310];
	v58 =	vor.u32 s29, v0;
	[tilespmem:$0xFE0] =	vst v2  }
0xfe: {  	s10 =	sor.u32 $0x3F0, s10;
	v18 =	vld [tilespmem:$0x710];
	v61 =	vor.u32 s30, v0;
	v3 =	vperm.xlane v1, v11;
	[tilespmem:$0x14C0] =	vst v58  }
0xff: {  	v20 =	vld [tilespmem:$0x320];
	v0 =	vor.u32 s10, v0;
	[tilespmem:$0x14D0] =	vst v61  }
0x100: {  	v23 =	vld [tilespmem:$0x330];
	v4 =	vperm.xlane v1, v14;
	[tilespmem:$0x14F0] =	vst v0;
	v3 =	vadd.s32 v12, v3  }
0x101: {  	v21 =	vld [tilespmem:$0x720];
	[tilespmem:$0xBF0] =	vst v3  }
0x102: {  	v26 =	vld [tilespmem:$0x340];
	v2 =	vperm.xlane v1, v17;
	v4 =	vadd.s32 v15, v4;
	[tilespmem:$0xFF0] =	vst v3  }
0x103: {  	v24 =	vld [tilespmem:$0x730];
	[tilespmem:$0xC00] =	vst v4  }
0x104: {  	v29 =	vld [tilespmem:$0x350];
	v2 =	vadd.s32 v18, v2;
	[tilespmem:$0x1000] =	vst v4;
	v3 =	vperm.xlane v1, v20  }
0x105: {  	v27 =	vld [tilespmem:$0x740];
	[tilespmem:$0xC10] =	vst v2  }
0x106: {  	v32 =	vld [tilespmem:$0x360];
	[tilespmem:$0x1010] =	vst v2;
	v4 =	vperm.xlane v1, v23;
	v3 =	vadd.s32 v21, v3  }
0x107: {  	v30 =	vld [tilespmem:$0x750];
	[tilespmem:$0xC20] =	vst v3  }
0x108: {  	v35 =	vld [tilespmem:$0x370];
	v2 =	vperm.xlane v1, v26;
	v4 =	vadd.s32 v24, v4;
	[tilespmem:$0x1020] =	vst v3  }
0x109: {  	v33 =	vld [tilespmem:$0x760];
	[tilespmem:$0xC30] =	vst v4  }
0x10a: {  	v38 =	vld [tilespmem:$0x380];
	v2 =	vadd.s32 v27, v2;
	[tilespmem:$0x1030] =	vst v4;
	v3 =	vperm.xlane v1, v29  }
0x10b: {  	v36 =	vld [tilespmem:$0x770];
	[tilespmem:$0xC40] =	vst v2  }
0x10c: {  	v41 =	vld [tilespmem:$0x390];
	[tilespmem:$0x1040] =	vst v2;
	v4 =	vperm.xlane v1, v32;
	v3 =	vadd.s32 v30, v3  }
0x10d: {  	v39 =	vld [tilespmem:$0x780];
	[tilespmem:$0xC50] =	vst v3  }
0x10e: {  	v44 =	vld [tilespmem:$0x3A0];
	v2 =	vperm.xlane v1, v35;
	v4 =	vadd.s32 v33, v4;
	[tilespmem:$0x1050] =	vst v3  }
0x10f: {  	v42 =	vld [tilespmem:$0x790];
	[tilespmem:$0xC60] =	vst v4  }
0x110: {  	v47 =	vld [tilespmem:$0x3B0];
	v2 =	vadd.s32 v36, v2;
	[tilespmem:$0x1060] =	vst v4;
	v3 =	vperm.xlane v1, v38  }
0x111: {  	v45 =	vld [tilespmem:$0x7A0];
	[tilespmem:$0xC70] =	vst v2  }
0x112: {  	v50 =	vld [tilespmem:$0x3C0];
	[tilespmem:$0x1070] =	vst v2;
	v4 =	vperm.xlane v1, v41;
	v3 =	vadd.s32 v39, v3  }
0x113: {  	v48 =	vld [tilespmem:$0x7B0];
	[tilespmem:$0xC80] =	vst v3  }
0x114: {  	v53 =	vld [tilespmem:$0x3D0];
	v2 =	vperm.xlane v1, v44;
	v4 =	vadd.s32 v42, v4;
	[tilespmem:$0x1080] =	vst v3  }
0x115: {  	v51 =	vld [tilespmem:$0x7C0];
	[tilespmem:$0xC90] =	vst v4  }
0x116: {  	v56 =	vld [tilespmem:$0x3E0];
	v2 =	vadd.s32 v45, v2;
	[tilespmem:$0x1090] =	vst v4;
	v3 =	vperm.xlane v1, v47  }
0x117: {  	v54 =	vld [tilespmem:$0x7D0];
	[tilespmem:$0xCA0] =	vst v2  }
0x118: {  	v59 =	vld [tilespmem:$0x3F0];
	[tilespmem:$0x10A0] =	vst v2;
	v4 =	vperm.xlane v1, v50;
	v3 =	vadd.s32 v48, v3  }
0x119: {  	v57 =	vld [tilespmem:$0x7E0];
	[tilespmem:$0xCB0] =	vst v3  }
0x11a: {  	v2 =	vperm.xlane v1, v53;
	v4 =	vadd.s32 v51, v4;
	[tilespmem:$0x10B0] =	vst v3  }
0x11b: {  	v60 =	vld [tilespmem:$0x7F0];
	[tilespmem:$0xCC0] =	vst v4  }
0x11c: {  	v2 =	vadd.s32 v54, v2;
	[tilespmem:$0x10C0] =	vst v4;
	v3 =	vperm.xlane v1, v56  }
0x11d: {  	[tilespmem:$0xCD0] =	vst v2  }
0x11e: {  	[tilespmem:$0x10D0] =	vst v2;
	v1 =	vperm.xlane v1, v59;
	v62 =	vadd.s32 v57, v3  }
0x11f: {  	[tilespmem:$0xCE0] =	vst v62  }
0x120: {  	v1 =	vadd.s32 v60, v1;
	[tilespmem:$0x10E0] =	vst v62  }
0x121: {  	[tilespmem:$0xCF0] =	vst v1  }
0x122: {  	s5 =	sadd.s32 s5, s4;
	s11 =	simm.s32 $0x80;
	[tilespmem:$0x10F0] =	vst v1  }
0x123: {  	[hbm4b:s5+s6] =	stream.linear.scatter [tilespmem:s9], [sflag:$0x2], $0x400, $0x38;
	[tilespmem:$0x1900] =	vst v63  }
0x124: {  	s12 =	simm.s32 $0xD00;
	s13 =	simm.s32 $0x1100;
	[bflag:$0x0] =	sbarrier.arrive $0xFFFF  }
0x125: {  	[spmem:s3] =	stream.indirect.scatter [tilespmem:s13], [sflag:$0x3], $0x1, s12, s11, $0xb8;
	[tilespmem:$0x1900] =	vst v63  }
0x126: {  	_ =	swait.ge [sflag:s8], $0x80  }
0x127: {  	[sflag:s8] =	ssyncset.done $0x0  }
0x128: {  	s14 =	simm.s32 $0xD80;
	s15 =	simm.s32 $0x1180;
	[sflag:s8] =	ssyncadd.s32 $0xFFFFFF80  }
0x129: {  	[spmem:s3] =	stream.indirect.scatter [tilespmem:s15], [sflag:$0x3], $0x1, s14, s11, $0xb8;
	[tilespmem:$0x1900] =	vst v63  }
0x12a: {  	_ =	swait.ge [sflag:s8], $0x80  }
0x12b: {  	[sflag:s8] =	ssyncset.done $0x0  }
0x12c: {  	s16 =	simm.s32 $0xE00;
	s17 =	simm.s32 $0x1200;
	[sflag:s8] =	ssyncadd.s32 $0xFFFFFF80  }
0x12d: {  	[spmem:s3] =	stream.indirect.scatter [tilespmem:s17], [sflag:$0x3], $0x1, s16, s11, $0xb8;
	[tilespmem:$0x1900] =	vst v63  }
0x12e: {  	_ =	swait.ge [sflag:s8], $0x80  }
0x12f: {  	[sflag:s8] =	ssyncset.done $0x0  }
0x130: {  	s18 =	simm.s32 $0xE80;
	s19 =	simm.s32 $0x1280;
	[sflag:s8] =	ssyncadd.s32 $0xFFFFFF80  }
0x131: {  	[spmem:s3] =	stream.indirect.scatter [tilespmem:s19], [sflag:$0x3], $0x1, s18, s11, $0xb8;
	[tilespmem:$0x1900] =	vst v63  }
0x132: {  	_ =	swait.ge [sflag:s8], $0x80  }
0x133: {  	[sflag:s8] =	ssyncset.done $0x0  }
0x134: {  	s20 =	simm.s32 $0xF00;
	s21 =	simm.s32 $0x1300;
	[sflag:s8] =	ssyncadd.s32 $0xFFFFFF80  }
0x135: {  	[spmem:s3] =	stream.indirect.scatter [tilespmem:s21], [sflag:$0x3], $0x1, s20, s11, $0xb8;
	[tilespmem:$0x1900] =	vst v63  }
0x136: {  	_ =	swait.ge [sflag:s8], $0x80  }
0x137: {  	[sflag:s8] =	ssyncset.done $0x0  }
0x138: {  	s22 =	simm.s32 $0xF80;
	s23 =	simm.s32 $0x1380;
	[sflag:s8] =	ssyncadd.s32 $0xFFFFFF80  }
0x139: {  	[spmem:s3] =	stream.indirect.scatter [tilespmem:s23], [sflag:$0x3], $0x1, s22, s11, $0xb8;
	[tilespmem:$0x1900] =	vst v63  }
0x13a: {  	_ =	swait.ge [sflag:s8], $0x80  }
0x13b: {  	[sflag:s8] =	ssyncset.done $0x0  }
0x13c: {  	s24 =	simm.s32 $0x1000;
	s25 =	simm.s32 $0x1400;
	[sflag:s8] =	ssyncadd.s32 $0xFFFFFF80  }
0x13d: {  	[spmem:s3] =	stream.indirect.scatter [tilespmem:s25], [sflag:$0x3], $0x1, s24, s11, $0xb8;
	[tilespmem:$0x1900] =	vst v63  }
0x13e: {  	_ =	swait.ge [sflag:s8], $0x80  }
0x13f: {  	[sflag:s8] =	ssyncset.done $0x0  }
0x140: {  	s26 =	simm.s32 $0x1080;
	s28 =	simm.s32 $0x1480;
	[sflag:s8] =	ssyncadd.s32 $0xFFFFFF80  }
0x141: {  	[spmem:s3] =	stream.indirect.scatter [tilespmem:s28], [sflag:$0x3], $0x1, s26, s11, $0xb8;
	[tilespmem:$0x1900] =	vst v63  }
0x142: {  	_ =	swait.ge [sflag:s8], $0x80  }
0x143: {  	[sflag:s8] =	ssyncset.done $0x0  }
0x144: {  	s2 =	sadd.s32 s2, s4;
	s29 =	sshll.u32 s1, $0x6;
	[sflag:s8] =	ssyncadd.s32 $0xFFFFFF80  }
0x145: {  	s30 =	sshrl.u32 s7, $0x3;
	s3 =	sor.u32 $0x1C03, s29;
	[bflag:$0x0] =	sbarrier.arrive $0xFFFF  }
0x146: {  	[hbm:s2], [sflag:s3] =	dma.local [spmem:s30], $0x80  }
0x147: {  	_ =	swait.ge [sflag:s8], $0x80  }
0x148: {  	[sflag:s8] =	ssyncset.done $0x0  }
0x149: {  	s31 =	simm.s32 $0x2;
	[sflag:s8] =	ssyncadd.s32 $0xFFFFFF80  }
0x14a: {  	_ =	swait.ge [sflag:s31], $0x400  }
0x14b: {  	[sflag:s31] =	ssyncset.done $0x0  }
0x14c: {  	[sflag:s31] =	ssyncadd.s32 $0xFFFFFC00  }
0x14d: {  	_ =	sfence.sel $0x180000  }
0x14e: {  	[bflag:$0x0] =	sbarrier.arrive $0xFFFF  }
0x14f: {  	p0 =	sne.s32 s1, $0x0;
	_ =	strace $0x90000047  }
0x150: {  	s0 =	sadd.s32 @!p0 $0x100000, s0;
	[bflag:$0x2] =	sbarrier.arrive $0xFFFF  }
0x151: {  	[sflag:s0] =	ssyncadd.tile.s32 @!p0 $0x1;
	_ =	shalt  }
.Lfunc_end2:
_tile_overlayer_lowered:
.L_overlay_start_2:
0x152: {  	(tag) =	ssettag $0x2  }
0x153: {  	s0 =	rddreg [dreg:$0x0];
	s2 =	stileid.u32  }
0x154: {  	s1 =	rddreg [dreg:$0x1];
	p0 =	sne.s32 s2, $0x0  }
0x155: {  	s3 =	rddreg [dreg:$0x2];
	[bflag:$0x3] =	sbarrier.arrive $0xFFFF;
	s2 =	simm.s32 @!p0 $0x1C03  }
0x156: {  	[timem:s3], [sflag:s2] =	dma.local @!p0 [hbm:s0], s1  }
0x157: {  	s0 =	simm.s32 @!p0 $0x3  }
0x158: {  	_ =	swait.ge @!p0 [sflag:s0], s1  }
0x159: {  	s1 =	ssub.s32 @!p0 $0x0, s1;
	[sflag:s0] =	ssyncset.done @!p0 $0x0  }
0x15a: {  	[sflag:s0] =	ssyncadd.s32 @!p0 s1  }
0x15b: {  	[bflag:$0x3] =	sbarrier.arrive $0xFFFF  }
0x15c: {  	_ =	shalt  }

</sc_bundles>
